<compile_context>
chip_gen: v7x
topology: tpu7x:2x2x1
jax: 0.10.2.dev20260603
libtpu: 0.0.44.dev20260713+nightly
codegen_flags: <defaults>
</compile_context>

<pallas_src>
import functools

import jax
import jax.numpy as jnp
from jax import lax
from jax.experimental import pallas as pl
from jax.experimental.pallas import tpu as pltpu
from jax.experimental.pallas import tpu_sc as plsc

N = 50000
E = 800000
D_IN = 1433
H1 = 64
H2 = 32

NC = 2
NS = 16
LANES = 16

CH = 128
EPAD = 802816
ECH = EPAD // CH
KB1 = 4
KB2 = 8
KD = 4
NBATCH_D = ECH // NC // NS // KD
NPAD = 50176
ROWS_PER_TILE = NPAD // NS
ZR = 196

_mesh = plsc.VectorSubcoreMesh(
    core_axis_name="c", subcore_axis_name="s", num_cores=NC, num_subcores=NS
)


def _zero_rows(ref, nrows, width):
    def body(i, _):
        for t in range(width // LANES):
            ref[i, pl.ds(t * LANES, LANES)] = jnp.zeros((LANES,), jnp.float32)
        return 0
    lax.fori_loop(0, nrows, body, 0, unroll=4)


def _deg_body(dst_hbm, out0_hbm, out1_hbm, deg_sh, idx_d2, ones_v, stage_v, sem):
    c = lax.axis_index("c")
    s = lax.axis_index("s")

    def fill_ones(i, _):
        ones_v[i, :] = jnp.ones((LANES,), jnp.float32)
        return 0
    lax.fori_loop(0, CH, fill_ones, 0, unroll=4)
    _zero_rows(stage_v, ZR, LANES)

    r0 = s * ROWS_PER_TILE

    def zero_acc(j, _):
        pltpu.sync_copy(stage_v, deg_sh.at[pl.ds(r0 + j * ZR, ZR)])
        return 0
    lax.fori_loop(0, ROWS_PER_TILE // ZR, zero_acc, 0)
    plsc.subcore_barrier()

    base = (c * NS + s) * (ECH // NC // NS)

    def edge_loop(b, _):
        r = base + b * KD
        pltpu.async_copy(dst_hbm.at[pl.ds(r, KD)], idx_d2, sem).wait()
        descs = [
            pltpu.async_copy(ones_v, deg_sh.at[idx_d2.at[j]], sem, add=True)
            for j in range(KD)
        ]
        for d in descs:
            d.wait()
        return 0
    lax.fori_loop(0, NBATCH_D, edge_loop, 0)
    plsc.subcore_barrier()

    def out_loop(j, _):
        rr = r0 + j * ZR
        pltpu.sync_copy(deg_sh.at[pl.ds(rr, ZR)], stage_v)

        @pl.when(c == 0)
        def _():
            pltpu.sync_copy(stage_v, out0_hbm.at[pl.ds(rr, ZR)])

        @pl.when(c == 1)
        def _():
            pltpu.sync_copy(stage_v, out1_hbm.at[pl.ds(rr, ZR)])
        return 0
    lax.fori_loop(0, ROWS_PER_TILE // ZR, out_loop, 0)


_deg_kernel = functools.partial(
    pl.kernel,
    out_type=[
        jax.ShapeDtypeStruct((NPAD, LANES), jnp.float32),
        jax.ShapeDtypeStruct((NPAD, LANES), jnp.float32),
    ],
    mesh=_mesh,
    compiler_params=pltpu.CompilerParams(use_tc_tiling_on_sc=False),
    scratch_types=[
        pltpu.VMEM_SHARED((NPAD, LANES), jnp.float32),
        pltpu.VMEM((KD, CH), jnp.int32),
        pltpu.VMEM((CH, LANES), jnp.float32),
        pltpu.VMEM((ZR, LANES), jnp.float32),
        pltpu.SemaphoreType.DMA,
    ],
)(_deg_body)


def _agg_body(dh, kb, tsz, table_hbm, src_hbm, dst_hbm, deg0_hbm, deg1_hbm,
              outA_hbm, outB_hbm, acc_sh, idx_s2, idx_d2, rows2, d0v, d1v,
              sem_i, sem_s, *sem_g):
    c = lax.axis_index("c")
    s = lax.axis_index("s")
    tbl = table_hbm.at[pl.ds(c, tsz)]

    _zero_rows(rows2, ZR, dh)
    r0 = s * ROWS_PER_TILE

    def zero_acc(j, _):
        pltpu.sync_copy(rows2.at[pl.ds(0, ZR)], acc_sh.at[pl.ds(r0 + j * ZR, ZR)])
        return 0
    lax.fori_loop(0, ROWS_PER_TILE // ZR, zero_acc, 0)
    plsc.subcore_barrier()

    base = s * (ECH // NS)
    nbatch = ECH // NS // kb

    pltpu.async_copy(src_hbm.at[pl.ds(base, kb)], idx_s2.at[0], sem_i)
    pltpu.async_copy(dst_hbm.at[pl.ds(base, kb)], idx_d2.at[0], sem_i)

    def do_batch(P, r, rnext):
        pltpu.make_async_copy(
            src_hbm.at[pl.ds(base, kb)], idx_s2.at[P], sem_i).wait()
        pltpu.make_async_copy(
            dst_hbm.at[pl.ds(base, kb)], idx_d2.at[P], sem_i).wait()
        gd = [
            pltpu.async_copy(
                tbl.at[idx_s2.at[P, j]],
                rows2.at[pl.ds(j * CH, CH)], sem_g[j])
            for j in range(kb)
        ]
        pltpu.async_copy(src_hbm.at[pl.ds(rnext, kb)], idx_s2.at[1 - P], sem_i)
        pltpu.async_copy(dst_hbm.at[pl.ds(rnext, kb)], idx_d2.at[1 - P], sem_i)
        sc = []
        for j in range(kb):
            gd[j].wait()
            sc.append(pltpu.async_copy(
                rows2.at[pl.ds(j * CH, CH)],
                acc_sh.at[idx_d2.at[P, j]], sem_s, add=True))
        for d in sc:
            d.wait()

    def edge_loop(i, _):
        b0 = 2 * i
        do_batch(0, base + b0 * kb, base + (b0 + 1) * kb)
        do_batch(1, base + (b0 + 1) * kb,
                 base + ((b0 + 2) % nbatch) * kb)
        return 0
    lax.fori_loop(0, nbatch // 2, edge_loop, 0)
    if nbatch % 2:
        do_batch(0, base + (nbatch - 1) * kb, base)
    pf = nbatch % 2
    pltpu.make_async_copy(
        src_hbm.at[pl.ds(base, kb)], idx_s2.at[pf], sem_i).wait()
    pltpu.make_async_copy(
        dst_hbm.at[pl.ds(base, kb)], idx_d2.at[pf], sem_i).wait()
    plsc.subcore_barrier()

    def out_loop(j, _):
        rr = r0 + j * ZR
        da = pltpu.async_copy(acc_sh.at[pl.ds(rr, ZR)], rows2.at[pl.ds(0, ZR)], sem_g[0])
        d0 = pltpu.async_copy(deg0_hbm.at[pl.ds(rr, ZR)], d0v, sem_g[1])
        d1 = pltpu.async_copy(deg1_hbm.at[pl.ds(rr, ZR)], d1v, sem_g[2])
        da.wait()
        d0.wait()
        d1.wait()

        def scale_row(i, _):
            r = 1.0 / jnp.maximum(d0v[i, :] + d1v[i, :], 1.0)
            for t in range(dh // LANES):
                sl = pl.ds(t * LANES, LANES)
                rows2[i, sl] = rows2[i, sl] * r
            return 0
        lax.fori_loop(0, ZR, scale_row, 0, unroll=4)

        @pl.when(c == 0)
        def _():
            pltpu.sync_copy(rows2.at[pl.ds(0, ZR)], outA_hbm.at[pl.ds(rr, ZR)])

        @pl.when(c == 1)
        def _():
            pltpu.sync_copy(rows2.at[pl.ds(0, ZR)], outB_hbm.at[pl.ds(rr, ZR)])
        return 0
    lax.fori_loop(0, ROWS_PER_TILE // ZR, out_loop, 0)


def _make_agg(dh, kb, tsz):
    return functools.partial(
        pl.kernel,
        out_type=[
            jax.ShapeDtypeStruct((NPAD, dh), jnp.float32),
            jax.ShapeDtypeStruct((NPAD, dh), jnp.float32),
        ],
        mesh=_mesh,
        compiler_params=pltpu.CompilerParams(use_tc_tiling_on_sc=False),
        scratch_types=[
            pltpu.VMEM_SHARED((NPAD, dh), jnp.float32),
            pltpu.VMEM((2, kb, CH), jnp.int32),
            pltpu.VMEM((2, kb, CH), jnp.int32),
            pltpu.VMEM((kb * CH, dh), jnp.float32),
            pltpu.VMEM((ZR, LANES), jnp.float32),
            pltpu.VMEM((ZR, LANES), jnp.float32),
            pltpu.SemaphoreType.DMA,
            pltpu.SemaphoreType.DMA,
        ] + [pltpu.SemaphoreType.DMA] * kb,
    )(functools.partial(_agg_body, dh, kb, tsz))


_agg1 = _make_agg(H1 // 2, KB1, 4 * NPAD - 8)
_agg2 = _make_agg(H2 // 2, KB2, 8 * NPAD - 8)


BN_MM = 1024
BN_EP = 2048


def _mm1_body(xt_ref, w_ref, g1_ref):
    g1_ref[...] = lax.dot_general(
        xt_ref[...], w_ref[...], (((0,), (0,)), ((), ())),
        preferred_element_type=jnp.float32)


def _mm1(xt, w1cat):
    return pl.pallas_call(
        _mm1_body,
        grid=(pl.cdiv(N, BN_MM),),
        in_specs=[
            pl.BlockSpec((D_IN, BN_MM), lambda i: (0, i)),
            pl.BlockSpec((D_IN, 2 * H1), lambda i: (0, 0)),
        ],
        out_specs=pl.BlockSpec((BN_MM, 2 * H1), lambda i: (i, 0)),
        out_shape=jax.ShapeDtypeStruct((NPAD, 2 * H1), jnp.float32),
    )(xt, w1cat)


def _ep1_body(accA_ref, accB_ref, g1_ref, w2_ref, b1_ref, g2_ref):
    summed = jnp.concatenate([accA_ref[...], accB_ref[...]], axis=1)
    h1 = summed + b1_ref[...] + g1_ref[...][:, H1:]
    g = jnp.dot(h1, w2_ref[...], preferred_element_type=jnp.float32)
    g2_ref[...] = jnp.concatenate(
        [g, jnp.zeros((g.shape[0], 2 * H1 - 2 * H2), jnp.float32)], axis=1)


def _ep1(accA, accB, g1, w2cat, b1r):
    return pl.pallas_call(
        _ep1_body,
        grid=(pl.cdiv(N, BN_EP),),
        in_specs=[
            pl.BlockSpec((BN_EP, H1 // 2), lambda i: (i, 0)),
            pl.BlockSpec((BN_EP, H1 // 2), lambda i: (i, 0)),
            pl.BlockSpec((BN_EP, 2 * H1), lambda i: (i, 0)),
            pl.BlockSpec((H1, H1), lambda i: (0, 0)),
            pl.BlockSpec((1, H1), lambda i: (0, 0)),
        ],
        out_specs=pl.BlockSpec((BN_EP, 2 * H1), lambda i: (i, 0)),
        out_shape=jax.ShapeDtypeStruct((NPAD, 2 * H1), jnp.float32),
    )(accA, accB, g1, w2cat, b1r)


def _ep2_body(accA_ref, accB_ref, g2_ref, b2_ref, out_ref):
    summed = jnp.concatenate([accA_ref[...], accB_ref[...]], axis=1)
    h2 = summed + b2_ref[...] + g2_ref[...][:, H2:2 * H2]
    y = jnp.maximum(h2, 0.0)
    m = jnp.max(y, axis=1, keepdims=True)
    lse = jnp.log(jnp.sum(jnp.exp(y - m), axis=1, keepdims=True)) + m
    out_ref[...] = y - lse


def _ep2(accA, accB, g2, b2r):
    return pl.pallas_call(
        _ep2_body,
        grid=(pl.cdiv(N, BN_EP),),
        in_specs=[
            pl.BlockSpec((BN_EP, H2 // 2), lambda i: (i, 0)),
            pl.BlockSpec((BN_EP, H2 // 2), lambda i: (i, 0)),
            pl.BlockSpec((BN_EP, 2 * H1), lambda i: (i, 0)),
            pl.BlockSpec((1, H2), lambda i: (0, 0)),
        ],
        out_specs=pl.BlockSpec((BN_EP, H2), lambda i: (i, 0)),
        out_shape=jax.ShapeDtypeStruct((N, H2), jnp.float32),
    )(accA, accB, g2, b2r)


def kernel(x, edge_index, Wl1, Wr1, b1, Wl2, Wr2, b2):
    extra = EPAD - E
    src = jnp.concatenate(
        [edge_index[0], jnp.zeros((extra,), jnp.int32)]).reshape(ECH, CH)
    dst = jnp.concatenate(
        [edge_index[1], jnp.full((extra,), N, jnp.int32)]).reshape(ECH, CH)
    w1cat = jnp.concatenate([Wl1, Wr1], axis=1)
    w2cat = jnp.concatenate([Wl2, Wr2], axis=1)
    b1r = b1.reshape(1, H1)
    b2r = b2.reshape(1, H2)

    src4 = src * 4
    src8 = src * 8

    g1 = _mm1(x.T, w1cat)
    deg0, deg1 = _deg_kernel(dst)
    accA, accB = _agg1(g1.reshape(4 * NPAD, H1 // 2), src4, dst, deg0, deg1)
    g2 = _ep1(accA, accB, g1, w2cat, b1r)
    acc2A, acc2B = _agg2(g2.reshape(8 * NPAD, H2 // 2), src8, dst, deg0, deg1)
    return _ep2(acc2A, acc2B, g2, b2r)

# --- scband reference (transcript-rebuilt; emitter-appended) ---
"""Pipeline reference for scband-graph-sage-42296837931009 (READ-ONLY COPY).

The authoritative reference and input builder live on the scoring server;
editing this copy changes nothing except your own understanding.
"""

import jax, jax.numpy as jnp
import numpy as np

N = 50000
E = 800000
D_IN = 1433
H1 = 64
H2 = 32


def setup_inputs(seed: int = 0) -> dict:
    key = jax.random.key(seed)
    ks = jax.random.split(key, 8)
    x = jax.random.normal(ks[0], (N, D_IN), dtype=jnp.float32)
    edge_index = jax.random.randint(ks[1], (2, E), 0, N, dtype=jnp.int32)
    # SAGEConv params: out = lin_l(mean_aggr(x_j)) + lin_r(x); bias only on lin_l
    s1 = 1.0 / np.sqrt(D_IN)
    s2 = 1.0 / np.sqrt(H1)
    Wl1 = jax.random.normal(ks[2], (D_IN, H1), dtype=jnp.float32) * s1
    Wr1 = jax.random.normal(ks[3], (D_IN, H1), dtype=jnp.float32) * s1
    b1 = jnp.zeros((H1,), dtype=jnp.float32)
    Wl2 = jax.random.normal(ks[4], (H1, H2), dtype=jnp.float32) * s2
    Wr2 = jax.random.normal(ks[5], (H1, H2), dtype=jnp.float32) * s2
    b2 = jnp.zeros((H2,), dtype=jnp.float32)
    return {"x": x, "edge_index": edge_index, "Wl1": Wl1, "Wr1": Wr1, "b1": b1, "Wl2": Wl2, "Wr2": Wr2, "b2": b2}


def _sage_conv(x, src, dst, Wl, Wr, b):
    # mean aggregation commutes with the linear map: lin_l(mean_j x_j) == mean_j lin_l(x_j)
    h = x @ Wl
    summed = jax.ops.segment_sum(jnp.take(h, src, axis=0), dst, num_segments=N)
    deg = jax.ops.segment_sum(jnp.ones((src.shape[0],), dtype=h.dtype), dst, num_segments=N)
    agg = summed / jnp.clip(deg, 1.0, None)[:, None]
    return agg + b + x @ Wr


def reference(x, edge_index, Wl1, Wr1, b1, Wl2, Wr2, b2):
    src = edge_index[0]
    dst = edge_index[1]
    h1 = _sage_conv(x, src, dst, Wl1, Wr1, b1)
    h2 = _sage_conv(h1, src, dst, Wl2, Wr2, b2)
    # qunt/dequnt in the original only feed a print() and never affect the output -> dead code
    out = jax.nn.relu(h2)
    # dropout is identity in eval mode
    return jax.nn.log_softmax(out, axis=1)

if __name__ == "__main__":
    import jax
    _d = setup_inputs()
    print(jax.jit(kernel)(*tuple(_d.values())))

</pallas_src>

<mosaic_0001>
#map = affine_map<(d0, d1) -> (0, 0)>
module attributes {stable_mosaic.version = 14 : i64} {
  func.func @_agg_body(%arg0: i32, %arg1: i32, %arg2: memref<401408x16xf32, #tpu.memory_space<hbm>>, %arg3: memref<6272x128xi32, #tpu.memory_space<hbm>>, %arg4: memref<6272x128xi32, #tpu.memory_space<hbm>>, %arg5: memref<50176x16xf32, #tpu.memory_space<hbm>>, %arg6: memref<50176x16xf32, #tpu.memory_space<hbm>>, %arg7: memref<50176x16xf32, #tpu.memory_space<hbm>>, %arg8: memref<50176x16xf32, #tpu.memory_space<hbm>>, %arg9: memref<50176x16xf32, #tpu.memory_space<vmem_shared>>, %arg10: memref<2x8x128xi32, #tpu.memory_space<vmem>>, %arg11: memref<2x8x128xi32, #tpu.memory_space<vmem>>, %arg12: memref<1024x16xf32, #tpu.memory_space<vmem>>, %arg13: memref<196x16xf32, #tpu.memory_space<vmem>>, %arg14: memref<196x16xf32, #tpu.memory_space<vmem>>, %arg15: memref<!tpu.dma_semaphore, #tpu.memory_space<semaphore_mem>>, %arg16: memref<!tpu.dma_semaphore, #tpu.memory_space<semaphore_mem>>, %arg17: memref<!tpu.dma_semaphore, #tpu.memory_space<semaphore_mem>>, %arg18: memref<!tpu.dma_semaphore, #tpu.memory_space<semaphore_mem>>, %arg19: memref<!tpu.dma_semaphore, #tpu.memory_space<semaphore_mem>>, %arg20: memref<!tpu.dma_semaphore, #tpu.memory_space<semaphore_mem>>, %arg21: memref<!tpu.dma_semaphore, #tpu.memory_space<semaphore_mem>>, %arg22: memref<!tpu.dma_semaphore, #tpu.memory_space<semaphore_mem>>, %arg23: memref<!tpu.dma_semaphore, #tpu.memory_space<semaphore_mem>>, %arg24: memref<!tpu.dma_semaphore, #tpu.memory_space<semaphore_mem>>) attributes {dimension_semantics = [#tpu.dimension_semantics<core_parallel>, #tpu.dimension_semantics<subcore_parallel>], iteration_bounds = array<i64: 2, 16>, scalar_prefetch = 0 : i64, scratch_operands = 16 : i64, tpu.core_type = #tpu.core_type<sc_vector_subcore>, window_params = [{transform_indices = #map}, {transform_indices = #map}, {transform_indices = #map}, {transform_indices = #map}, {transform_indices = #map}, {transform_indices = #map}, {transform_indices = #map}]} {
    %scan3A = arith.constant 0 : i32
    %scan3A_0 = arith.constant 0 : i32
    %scan3A_1 = arith.constant 196 : i32
    %scan3A_2 = arith.addi %scan3A_0, %scan3A_1 : i32
    %scan3A_3 = arith.constant 4 : i32
    %scan3A_4 = scf.for %scan3A_518 = %scan3A_0 to %scan3A_2 step %scan3A_3 iter_args(%scan3A_519 = %scan3A) -> (i32)  : i32 {
      %broadcast_in_dim3A = arith.constant 0.000000e+00 : f32
      %broadcast_in_dim3A_520 = vector.broadcast %broadcast_in_dim3A : f32 to vector<16xf32>
      %swap3A = arith.index_cast %scan3A_518 : i32 to index
      %swap3A_521 = arith.constant 0 : index
      %swap3A_522 = tpu.vector_load %arg12[%swap3A, %swap3A_521] {strides = array<i32>} : memref<1024x16xf32, #tpu.memory_space<vmem>>, vector<1x16xf32>,
      %swap3A_523 = vector.shape_cast %swap3A_522 : vector<1x16xf32> to vector<16xf32>
      %swap3A_524 = vector.shape_cast %broadcast_in_dim3A_520 : vector<16xf32> to vector<1x16xf32>
      tpu.vector_store %arg12[%swap3A, %swap3A_521], %swap3A_524 {strides = array<i32>} : memref<1024x16xf32, #tpu.memory_space<vmem>>, vector<1x16xf32>,
      %scan3A_525 = arith.constant 0 : i32
      %scan3A_526 = arith.constant 1 : i32
      %scan3A_527 = arith.addi %scan3A_518, %scan3A_526 : i32
      %broadcast_in_dim3A_528 = arith.constant 0.000000e+00 : f32
      %broadcast_in_dim3A_529 = vector.broadcast %broadcast_in_dim3A_528 : f32 to vector<16xf32>
      %swap3A_530 = arith.index_cast %scan3A_527 : i32 to index
      %swap3A_531 = arith.constant 0 : index
      %swap3A_532 = tpu.vector_load %arg12[%swap3A_530, %swap3A_531] {strides = array<i32>} : memref<1024x16xf32, #tpu.memory_space<vmem>>, vector<1x16xf32>,
      %swap3A_533 = vector.shape_cast %swap3A_532 : vector<1x16xf32> to vector<16xf32>
      %swap3A_534 = vector.shape_cast %broadcast_in_dim3A_529 : vector<16xf32> to vector<1x16xf32>
      tpu.vector_store %arg12[%swap3A_530, %swap3A_531], %swap3A_534 {strides = array<i32>} : memref<1024x16xf32, #tpu.memory_space<vmem>>, vector<1x16xf32>,
      %scan3A_535 = arith.constant 0 : i32
      %scan3A_536 = arith.constant 2 : i32
      %scan3A_537 = arith.addi %scan3A_518, %scan3A_536 : i32
      %broadcast_in_dim3A_538 = arith.constant 0.000000e+00 : f32
      %broadcast_in_dim3A_539 = vector.broadcast %broadcast_in_dim3A_538 : f32 to vector<16xf32>
      %swap3A_540 = arith.index_cast %scan3A_537 : i32 to index
      %swap3A_541 = arith.constant 0 : index
      %swap3A_542 = tpu.vector_load %arg12[%swap3A_540, %swap3A_541] {strides = array<i32>} : memref<1024x16xf32, #tpu.memory_space<vmem>>, vector<1x16xf32>,
      %swap3A_543 = vector.shape_cast %swap3A_542 : vector<1x16xf32> to vector<16xf32>
      %swap3A_544 = vector.shape_cast %broadcast_in_dim3A_539 : vector<16xf32> to vector<1x16xf32>
      tpu.vector_store %arg12[%swap3A_540, %swap3A_541], %swap3A_544 {strides = array<i32>} : memref<1024x16xf32, #tpu.memory_space<vmem>>, vector<1x16xf32>,
      %scan3A_545 = arith.constant 0 : i32
      %scan3A_546 = arith.constant 3 : i32
      %scan3A_547 = arith.addi %scan3A_518, %scan3A_546 : i32
      %broadcast_in_dim3A_548 = arith.constant 0.000000e+00 : f32
      %broadcast_in_dim3A_549 = vector.broadcast %broadcast_in_dim3A_548 : f32 to vector<16xf32>
      %swap3A_550 = arith.index_cast %scan3A_547 : i32 to index
      %swap3A_551 = arith.constant 0 : index
      %swap3A_552 = tpu.vector_load %arg12[%swap3A_550, %swap3A_551] {strides = array<i32>} : memref<1024x16xf32, #tpu.memory_space<vmem>>, vector<1x16xf32>,
      %swap3A_553 = vector.shape_cast %swap3A_552 : vector<1x16xf32> to vector<16xf32>
      %swap3A_554 = vector.shape_cast %broadcast_in_dim3A_549 : vector<16xf32> to vector<1x16xf32>
      tpu.vector_store %arg12[%swap3A_550, %swap3A_551], %swap3A_554 {strides = array<i32>} : memref<1024x16xf32, #tpu.memory_space<vmem>>, vector<1x16xf32>,
      %scan3A_555 = arith.constant 0 : i32
      scf.yield %scan3A_555 : i32
    }
    %scan3A_5 = arith.constant 196 : i32
    %mul3A = arith.constant 3136 : i32
    %mul3A_6 = arith.muli %arg1, %mul3A : i32
    %scan3A_7 = arith.constant 0 : i32
    %scan3A_8 = arith.constant 0 : i32
    %scan3A_9 = arith.constant 16 : i32
    %scan3A_10 = arith.addi %scan3A_8, %scan3A_9 : i32
    %scan3A_11 = arith.constant 1 : i32
    %scan3A_12 = scf.for %scan3A_518 = %scan3A_8 to %scan3A_10 step %scan3A_11 iter_args(%scan3A_519 = %scan3A_7) -> (i32)  : i32 {
      %mul3A_520 = arith.constant 196 : i32
      %mul3A_521 = arith.muli %scan3A_518, %mul3A_520 : i32
      %add3A_522 = arith.addi %mul3A_6, %mul3A_521 : i32
      "tpu.region"() ({
        %run_scoped3A = tpu.sem_alloc : memref<!tpu.dma_semaphore, #tpu.memory_space<semaphore_mem>>
        %dma_start3A_524 = arith.constant 0 : i32
        %dma_start3A_525 = arith.constant 0 : i32
        %dma_start3A_526 = tpu.memref_slice %arg12[%dma_start3A_524, %dma_start3A_525] : memref<1024x16xf32, #tpu.memory_space<vmem>> -> memref<196x16xf32, #tpu.memory_space<vmem>>
        %dma_start3A_527 = arith.constant 0 : i32
        %dma_start3A_528 = tpu.memref_slice %arg9[%add3A_522, %dma_start3A_527] : memref<50176x16xf32, #tpu.memory_space<vmem_shared>> -> memref<196x16xf32, #tpu.memory_space<vmem_shared>>
        %dma_start3A_529 = arith.constant 0 : i32
        %dma_start3A_530 = tpu.memref_slice %arg9[%add3A_522, %dma_start3A_529] : memref<50176x16xf32, #tpu.memory_space<vmem_shared>> -> memref<196x16xf32, #tpu.memory_space<vmem_shared>>
        %dma_start3A_531 = arith.constant 0 : i32
        %dma_start3A_532 = arith.constant 0 : i32
        %dma_start3A_533 = tpu.memref_slice %arg12[%dma_start3A_531, %dma_start3A_532] : memref<1024x16xf32, #tpu.memory_space<vmem>> -> memref<196x16xf32, #tpu.memory_space<vmem>>
        tpu.enqueue_dma source(%dma_start3A_533 : memref<196x16xf32, #tpu.memory_space<vmem>>) target(%dma_start3A_530 : memref<196x16xf32, #tpu.memory_space<vmem_shared>>) target_semaphore(%run_scoped3A : memref<!tpu.dma_semaphore, #tpu.memory_space<semaphore_mem>>)
        %dma_wait3A_534 = arith.constant 0 : i32
        %dma_wait3A_535 = arith.constant 0 : i32
        %dma_wait3A_536 = tpu.memref_slice %arg12[%dma_wait3A_534, %dma_wait3A_535] : memref<1024x16xf32, #tpu.memory_space<vmem>> -> memref<196x16xf32, #tpu.memory_space<vmem>>
        %dma_wait3A_537 = arith.constant 0 : i32
        %dma_wait3A_538 = tpu.memref_slice %arg9[%add3A_522, %dma_wait3A_537] : memref<50176x16xf32, #tpu.memory_space<vmem_shared>> -> memref<196x16xf32, #tpu.memory_space<vmem_shared>>
        %dma_wait3A_539 = arith.constant 0 : i32
        %dma_wait3A_540 = tpu.memref_slice %arg9[%add3A_522, %dma_wait3A_539] : memref<50176x16xf32, #tpu.memory_space<vmem_shared>> -> memref<196x16xf32, #tpu.memory_space<vmem_shared>>
        %dma_wait3A_541 = arith.constant 0 : i32
        %dma_wait3A_542 = arith.constant 0 : i32
        %dma_wait3A_543 = tpu.memref_slice %arg12[%dma_wait3A_541, %dma_wait3A_542] : memref<1024x16xf32, #tpu.memory_space<vmem>> -> memref<196x16xf32, #tpu.memory_space<vmem>>
        tpu.wait_dma2 semaphore(%run_scoped3A : memref<!tpu.dma_semaphore, #tpu.memory_space<semaphore_mem>>) src(%dma_wait3A_543 : memref<196x16xf32, #tpu.memory_space<vmem>>) dst(%dma_wait3A_540 : memref<196x16xf32, #tpu.memory_space<vmem_shared>>)
        tpu.yield
      }) : () -> ()
      %scan3A_523 = arith.constant 0 : i32
      scf.yield %scan3A_523 : i32
    }
    %scan3A_13 = arith.constant 16 : i32
    %barrier3A = arith.constant 0 : index
    tpu.barrier barrier_id(%barrier3A)
    %mul3A_14 = arith.constant 392 : i32
    %mul3A_15 = arith.muli %arg1, %mul3A_14 : i32
    %dma_start3A = arith.constant 0 : i32
    %dma_start3A_16 = arith.constant 0 : i32
    %dma_start3A_17 = arith.constant 0 : i32
    %dma_start3A_18 = tpu.memref_slice %arg10[%dma_start3A, %dma_start3A_16, %dma_start3A_17] : memref<2x8x128xi32, #tpu.memory_space<vmem>> -> memref<1x8x128xi32, #tpu.memory_space<vmem>>
    %dma_start3A_19 = tpu.memref_squeeze %dma_start3A_18 : memref<1x8x128xi32, #tpu.memory_space<vmem>> -> memref<8x128xi32, #tpu.memory_space<vmem>>
    %dma_start3A_20 = arith.constant 0 : i32
    %dma_start3A_21 = tpu.memref_slice %arg3[%mul3A_15, %dma_start3A_20] : memref<6272x128xi32, #tpu.memory_space<hbm>> -> memref<8x128xi32, #tpu.memory_space<hbm>>
    %dma_start3A_22 = arith.constant 0 : i32
    %dma_start3A_23 = arith.constant 0 : i32
    %dma_start3A_24 = tpu.memref_slice %arg10[%dma_start3A, %dma_start3A_22, %dma_start3A_23] : memref<2x8x128xi32, #tpu.memory_space<vmem>> -> memref<1x8x128xi32, #tpu.memory_space<vmem>>
    %dma_start3A_25 = tpu.memref_squeeze %dma_start3A_24 : memref<1x8x128xi32, #tpu.memory_space<vmem>> -> memref<8x128xi32, #tpu.memory_space<vmem>>
    %dma_start3A_26 = arith.constant 0 : i32
    %dma_start3A_27 = tpu.memref_slice %arg3[%mul3A_15, %dma_start3A_26] : memref<6272x128xi32, #tpu.memory_space<hbm>> -> memref<8x128xi32, #tpu.memory_space<hbm>>
    tpu.enqueue_dma source(%dma_start3A_27 : memref<8x128xi32, #tpu.memory_space<hbm>>) target(%dma_start3A_25 : memref<8x128xi32, #tpu.memory_space<vmem>>) target_semaphore(%arg15 : memref<!tpu.dma_semaphore, #tpu.memory_space<semaphore_mem>>)
    %dma_start3A_28 = arith.constant 0 : i32
    %dma_start3A_29 = arith.constant 0 : i32
    %dma_start3A_30 = arith.constant 0 : i32
    %dma_start3A_31 = tpu.memref_slice %arg11[%dma_start3A_28, %dma_start3A_29, %dma_start3A_30] : memref<2x8x128xi32, #tpu.memory_space<vmem>> -> memref<1x8x128xi32, #tpu.memory_space<vmem>>
    %dma_start3A_32 = tpu.memref_squeeze %dma_start3A_31 : memref<1x8x128xi32, #tpu.memory_space<vmem>> -> memref<8x128xi32, #tpu.memory_space<vmem>>
    %dma_start3A_33 = arith.constant 0 : i32
    %dma_start3A_34 = tpu.memref_slice %arg4[%mul3A_15, %dma_start3A_33] : memref<6272x128xi32, #tpu.memory_space<hbm>> -> memref<8x128xi32, #tpu.memory_space<hbm>>
    %dma_start3A_35 = arith.constant 0 : i32
    %dma_start3A_36 = arith.constant 0 : i32
    %dma_start3A_37 = tpu.memref_slice %arg11[%dma_start3A_28, %dma_start3A_35, %dma_start3A_36] : memref<2x8x128xi32, #tpu.memory_space<vmem>> -> memref<1x8x128xi32, #tpu.memory_space<vmem>>
    %dma_start3A_38 = tpu.memref_squeeze %dma_start3A_37 : memref<1x8x128xi32, #tpu.memory_space<vmem>> -> memref<8x128xi32, #tpu.memory_space<vmem>>
    %dma_start3A_39 = arith.constant 0 : i32
    %dma_start3A_40 = tpu.memref_slice %arg4[%mul3A_15, %dma_start3A_39] : memref<6272x128xi32, #tpu.memory_space<hbm>> -> memref<8x128xi32, #tpu.memory_space<hbm>>
    tpu.enqueue_dma source(%dma_start3A_40 : memref<8x128xi32, #tpu.memory_space<hbm>>) target(%dma_start3A_38 : memref<8x128xi32, #tpu.memory_space<vmem>>) target_semaphore(%arg15 : memref<!tpu.dma_semaphore, #tpu.memory_space<semaphore_mem>>)
    %scan3A_41 = arith.constant 0 : i32
    %scan3A_42 = arith.constant 0 : i32
    %scan3A_43 = arith.constant 24 : i32
    %scan3A_44 = arith.addi %scan3A_42, %scan3A_43 : i32
    %scan3A_45 = arith.constant 1 : i32
    %scan3A_46 = scf.for %scan3A_518 = %scan3A_42 to %scan3A_44 step %scan3A_45 iter_args(%scan3A_519 = %scan3A_41) -> (i32)  : i32 {
      %mul3A_520 = arith.constant 2 : i32
      %mul3A_521 = arith.muli %mul3A_520, %scan3A_518 : i32
      %mul3A_522 = arith.constant 8 : i32
      %mul3A_523 = arith.muli %mul3A_521, %mul3A_522 : i32
      %add3A_524 = arith.addi %mul3A_15, %mul3A_523 : i32
      %add3A_525 = arith.constant 1 : i32
      %add3A_526 = arith.addi %mul3A_521, %add3A_525 : i32
      %mul3A_527 = arith.constant 8 : i32
      %mul3A_528 = arith.muli %add3A_526, %mul3A_527 : i32
      %add3A_529 = arith.addi %mul3A_15, %mul3A_528 : i32
      %dma_wait3A_530 = arith.constant 0 : i32
      %dma_wait3A_531 = arith.constant 0 : i32
      %dma_wait3A_532 = arith.constant 0 : i32
      %dma_wait3A_533 = tpu.memref_slice %arg10[%dma_wait3A_530, %dma_wait3A_531, %dma_wait3A_532] : memref<2x8x128xi32, #tpu.memory_space<vmem>> -> memref<1x8x128xi32, #tpu.memory_space<vmem>>
      %dma_wait3A_534 = tpu.memref_squeeze %dma_wait3A_533 : memref<1x8x128xi32, #tpu.memory_space<vmem>> -> memref<8x128xi32, #tpu.memory_space<vmem>>
      %dma_wait3A_535 = arith.constant 0 : i32
      %dma_wait3A_536 = tpu.memref_slice %arg3[%mul3A_15, %dma_wait3A_535] : memref<6272x128xi32, #tpu.memory_space<hbm>> -> memref<8x128xi32, #tpu.memory_space<hbm>>
      %dma_wait3A_537 = arith.constant 0 : i32
      %dma_wait3A_538 = arith.constant 0 : i32
      %dma_wait3A_539 = tpu.memref_slice %arg10[%dma_wait3A_530, %dma_wait3A_537, %dma_wait3A_538] : memref<2x8x128xi32, #tpu.memory_space<vmem>> -> memref<1x8x128xi32, #tpu.memory_space<vmem>>
      %dma_wait3A_540 = tpu.memref_squeeze %dma_wait3A_539 : memref<1x8x128xi32, #tpu.memory_space<vmem>> -> memref<8x128xi32, #tpu.memory_space<vmem>>
      %dma_wait3A_541 = arith.constant 0 : i32
      %dma_wait3A_542 = tpu.memref_slice %arg3[%mul3A_15, %dma_wait3A_541] : memref<6272x128xi32, #tpu.memory_space<hbm>> -> memref<8x128xi32, #tpu.memory_space<hbm>>
      tpu.wait_dma2 semaphore(%arg15 : memref<!tpu.dma_semaphore, #tpu.memory_space<semaphore_mem>>) src(%dma_wait3A_542 : memref<8x128xi32, #tpu.memory_space<hbm>>) dst(%dma_wait3A_540 : memref<8x128xi32, #tpu.memory_space<vmem>>)
      %dma_wait3A_543 = arith.constant 0 : i32
      %dma_wait3A_544 = arith.constant 0 : i32
      %dma_wait3A_545 = arith.constant 0 : i32
      %dma_wait3A_546 = tpu.memref_slice %arg11[%dma_wait3A_543, %dma_wait3A_544, %dma_wait3A_545] : memref<2x8x128xi32, #tpu.memory_space<vmem>> -> memref<1x8x128xi32, #tpu.memory_space<vmem>>
      %dma_wait3A_547 = tpu.memref_squeeze %dma_wait3A_546 : memref<1x8x128xi32, #tpu.memory_space<vmem>> -> memref<8x128xi32, #tpu.memory_space<vmem>>
      %dma_wait3A_548 = arith.constant 0 : i32
      %dma_wait3A_549 = tpu.memref_slice %arg4[%mul3A_15, %dma_wait3A_548] : memref<6272x128xi32, #tpu.memory_space<hbm>> -> memref<8x128xi32, #tpu.memory_space<hbm>>
      %dma_wait3A_550 = arith.constant 0 : i32
      %dma_wait3A_551 = arith.constant 0 : i32
      %dma_wait3A_552 = tpu.memref_slice %arg11[%dma_wait3A_543, %dma_wait3A_550, %dma_wait3A_551] : memref<2x8x128xi32, #tpu.memory_space<vmem>> -> memref<1x8x128xi32, #tpu.memory_space<vmem>>
      %dma_wait3A_553 = tpu.memref_squeeze %dma_wait3A_552 : memref<1x8x128xi32, #tpu.memory_space<vmem>> -> memref<8x128xi32, #tpu.memory_space<vmem>>
      %dma_wait3A_554 = arith.constant 0 : i32
      %dma_wait3A_555 = tpu.memref_slice %arg4[%mul3A_15, %dma_wait3A_554] : memref<6272x128xi32, #tpu.memory_space<hbm>> -> memref<8x128xi32, #tpu.memory_space<hbm>>
      tpu.wait_dma2 semaphore(%arg15 : memref<!tpu.dma_semaphore, #tpu.memory_space<semaphore_mem>>) src(%dma_wait3A_555 : memref<8x128xi32, #tpu.memory_space<hbm>>) dst(%dma_wait3A_553 : memref<8x128xi32, #tpu.memory_space<vmem>>)
      %dma_start3A_556 = arith.constant 0 : i32
      %dma_start3A_557 = arith.constant 0 : i32
      %dma_start3A_558 = arith.constant 0 : i32
      %dma_start3A_559 = arith.constant 0 : i32
      %dma_start3A_560 = tpu.memref_slice %arg12[%dma_start3A_558, %dma_start3A_559] : memref<1024x16xf32, #tpu.memory_space<vmem>> -> memref<128x16xf32, #tpu.memory_space<vmem>>
      %dma_start3A_561 = arith.constant 0 : i32
      %dma_start3A_562 = tpu.memref_slice %arg10[%dma_start3A_556, %dma_start3A_557, %dma_start3A_561] : memref<2x8x128xi32, #tpu.memory_space<vmem>> -> memref<1x1x128xi32, #tpu.memory_space<vmem>>
      %dma_start3A_563 = tpu.memref_squeeze %dma_start3A_562 : memref<1x1x128xi32, #tpu.memory_space<vmem>> -> memref<128xi32, #tpu.memory_space<vmem>>
      %dma_start3A_564 = arith.constant 0 : i32
      %dma_start3A_565 = tpu.memref_slice %arg2[%arg0, %dma_start3A_564] : memref<401408x16xf32, #tpu.memory_space<hbm>> -> memref<401400x16xf32, #tpu.memory_space<hbm>>
      %dma_start3A_566 = arith.constant 0 : i32
      %dma_start3A_567 = arith.constant 0 : i32
      %dma_start3A_568 = tpu.memref_slice %dma_start3A_565[%dma_start3A_566, %dma_start3A_567] : memref<401400x16xf32, #tpu.memory_space<hbm>> -> memref<401400x16xf32, #tpu.memory_space<hbm>>
      tpu.enqueue_indirect_dma source(%dma_start3A_568 : memref<401400x16xf32, #tpu.memory_space<hbm>>) target(%dma_start3A_560 : memref<128x16xf32, #tpu.memory_space<vmem>>) offsets(%dma_start3A_563 : memref<128xi32, #tpu.memory_space<vmem>>) semaphore(%arg17 : memref<!tpu.dma_semaphore, #tpu.memory_space<semaphore_mem>>)
      %dma_start3A_569 = arith.constant 0 : i32
      %dma_start3A_570 = arith.constant 1 : i32
      %dma_start3A_571 = arith.constant 128 : i32
      %dma_start3A_572 = arith.constant 0 : i32
      %dma_start3A_573 = tpu.memref_slice %arg12[%dma_start3A_571, %dma_start3A_572] : memref<1024x16xf32, #tpu.memory_space<vmem>> -> memref<128x16xf32, #tpu.memory_space<vmem>>
      %dma_start3A_574 = arith.constant 0 : i32
      %dma_start3A_575 = tpu.memref_slice %arg10[%dma_start3A_569, %dma_start3A_570, %dma_start3A_574] : memref<2x8x128xi32, #tpu.memory_space<vmem>> -> memref<1x1x128xi32, #tpu.memory_space<vmem>>
      %dma_start3A_576 = tpu.memref_squeeze %dma_start3A_575 : memref<1x1x128xi32, #tpu.memory_space<vmem>> -> memref<128xi32, #tpu.memory_space<vmem>>
      %dma_start3A_577 = arith.constant 0 : i32
      %dma_start3A_578 = tpu.memref_slice %arg2[%arg0, %dma_start3A_577] : memref<401408x16xf32, #tpu.memory_space<hbm>> -> memref<401400x16xf32, #tpu.memory_space<hbm>>
      %dma_start3A_579 = arith.constant 0 : i32
      %dma_start3A_580 = arith.constant 0 : i32
      %dma_start3A_581 = tpu.memref_slice %dma_start3A_578[%dma_start3A_579, %dma_start3A_580] : memref<401400x16xf32, #tpu.memory_space<hbm>> -> memref<401400x16xf32, #tpu.memory_space<hbm>>
      tpu.enqueue_indirect_dma source(%dma_start3A_581 : memref<401400x16xf32, #tpu.memory_space<hbm>>) target(%dma_start3A_573 : memref<128x16xf32, #tpu.memory_space<vmem>>) offsets(%dma_start3A_576 : memref<128xi32, #tpu.memory_space<vmem>>) semaphore(%arg18 : memref<!tpu.dma_semaphore, #tpu.memory_space<semaphore_mem>>)
      %dma_start3A_582 = arith.constant 0 : i32
      %dma_start3A_583 = arith.constant 2 : i32
      %dma_start3A_584 = arith.constant 256 : i32
      %dma_start3A_585 = arith.constant 0 : i32
      %dma_start3A_586 = tpu.memref_slice %arg12[%dma_start3A_584, %dma_start3A_585] : memref<1024x16xf32, #tpu.memory_space<vmem>> -> memref<128x16xf32, #tpu.memory_space<vmem>>
      %dma_start3A_587 = arith.constant 0 : i32
      %dma_start3A_588 = tpu.memref_slice %arg10[%dma_start3A_582, %dma_start3A_583, %dma_start3A_587] : memref<2x8x128xi32, #tpu.memory_space<vmem>> -> memref<1x1x128xi32, #tpu.memory_space<vmem>>
      %dma_start3A_589 = tpu.memref_squeeze %dma_start3A_588 : memref<1x1x128xi32, #tpu.memory_space<vmem>> -> memref<128xi32, #tpu.memory_space<vmem>>
      %dma_start3A_590 = arith.constant 0 : i32
      %dma_start3A_591 = tpu.memref_slice %arg2[%arg0, %dma_start3A_590] : memref<401408x16xf32, #tpu.memory_space<hbm>> -> memref<401400x16xf32, #tpu.memory_space<hbm>>
      %dma_start3A_592 = arith.constant 0 : i32
      %dma_start3A_593 = arith.constant 0 : i32
      %dma_start3A_594 = tpu.memref_slice %dma_start3A_591[%dma_start3A_592, %dma_start3A_593] : memref<401400x16xf32, #tpu.memory_space<hbm>> -> memref<401400x16xf32, #tpu.memory_space<hbm>>
      tpu.enqueue_indirect_dma source(%dma_start3A_594 : memref<401400x16xf32, #tpu.memory_space<hbm>>) target(%dma_start3A_586 : memref<128x16xf32, #tpu.memory_space<vmem>>) offsets(%dma_start3A_589 : memref<128xi32, #tpu.memory_space<vmem>>) semaphore(%arg19 : memref<!tpu.dma_semaphore, #tpu.memory_space<semaphore_mem>>)
      %dma_start3A_595 = arith.constant 0 : i32
      %dma_start3A_596 = arith.constant 3 : i32
      %dma_start3A_597 = arith.constant 384 : i32
      %dma_start3A_598 = arith.constant 0 : i32
      %dma_start3A_599 = tpu.memref_slice %arg12[%dma_start3A_597, %dma_start3A_598] : memref<1024x16xf32, #tpu.memory_space<vmem>> -> memref<128x16xf32, #tpu.memory_space<vmem>>
      %dma_start3A_600 = arith.constant 0 : i32
      %dma_start3A_601 = tpu.memref_slice %arg10[%dma_start3A_595, %dma_start3A_596, %dma_start3A_600] : memref<2x8x128xi32, #tpu.memory_space<vmem>> -> memref<1x1x128xi32, #tpu.memory_space<vmem>>
      %dma_start3A_602 = tpu.memref_squeeze %dma_start3A_601 : memref<1x1x128xi32, #tpu.memory_space<vmem>> -> memref<128xi32, #tpu.memory_space<vmem>>
      %dma_start3A_603 = arith.constant 0 : i32
      %dma_start3A_604 = tpu.memref_slice %arg2[%arg0, %dma_start3A_603] : memref<401408x16xf32, #tpu.memory_space<hbm>> -> memref<401400x16xf32, #tpu.memory_space<hbm>>
      %dma_start3A_605 = arith.constant 0 : i32
      %dma_start3A_606 = arith.constant 0 : i32
      %dma_start3A_607 = tpu.memref_slice %dma_start3A_604[%dma_start3A_605, %dma_start3A_606] : memref<401400x16xf32, #tpu.memory_space<hbm>> -> memref<401400x16xf32, #tpu.memory_space<hbm>>
      tpu.enqueue_indirect_dma source(%dma_start3A_607 : memref<401400x16xf32, #tpu.memory_space<hbm>>) target(%dma_start3A_599 : memref<128x16xf32, #tpu.memory_space<vmem>>) offsets(%dma_start3A_602 : memref<128xi32, #tpu.memory_space<vmem>>) semaphore(%arg20 : memref<!tpu.dma_semaphore, #tpu.memory_space<semaphore_mem>>)
      %dma_start3A_608 = arith.constant 0 : i32
      %dma_start3A_609 = arith.constant 4 : i32
      %dma_start3A_610 = arith.constant 512 : i32
      %dma_start3A_611 = arith.constant 0 : i32
      %dma_start3A_612 = tpu.memref_slice %arg12[%dma_start3A_610, %dma_start3A_611] : memref<1024x16xf32, #tpu.memory_space<vmem>> -> memref<128x16xf32, #tpu.memory_space<vmem>>
      %dma_start3A_613 = arith.constant 0 : i32
      %dma_start3A_614 = tpu.memref_slice %arg10[%dma_start3A_608, %dma_start3A_609, %dma_start3A_613] : memref<2x8x128xi32, #tpu.memory_space<vmem>> -> memref<1x1x128xi32, #tpu.memory_space<vmem>>
      %dma_start3A_615 = tpu.memref_squeeze %dma_start3A_614 : memref<1x1x128xi32, #tpu.memory_space<vmem>> -> memref<128xi32, #tpu.memory_space<vmem>>
      %dma_start3A_616 = arith.constant 0 : i32
      %dma_start3A_617 = tpu.memref_slice %arg2[%arg0, %dma_start3A_616] : memref<401408x16xf32, #tpu.memory_space<hbm>> -> memref<401400x16xf32, #tpu.memory_space<hbm>>
      %dma_start3A_618 = arith.constant 0 : i32
      %dma_start3A_619 = arith.constant 0 : i32
      %dma_start3A_620 = tpu.memref_slice %dma_start3A_617[%dma_start3A_618, %dma_start3A_619] : memref<401400x16xf32, #tpu.memory_space<hbm>> -> memref<401400x16xf32, #tpu.memory_space<hbm>>
      tpu.enqueue_indirect_dma source(%dma_start3A_620 : memref<401400x16xf32, #tpu.memory_space<hbm>>) target(%dma_start3A_612 : memref<128x16xf32, #tpu.memory_space<vmem>>) offsets(%dma_start3A_615 : memref<128xi32, #tpu.memory_space<vmem>>) semaphore(%arg21 : memref<!tpu.dma_semaphore, #tpu.memory_space<semaphore_mem>>)
      %dma_start3A_621 = arith.constant 0 : i32
      %dma_start3A_622 = arith.constant 5 : i32
      %dma_start3A_623 = arith.constant 640 : i32
      %dma_start3A_624 = arith.constant 0 : i32
      %dma_start3A_625 = tpu.memref_slice %arg12[%dma_start3A_623, %dma_start3A_624] : memref<1024x16xf32, #tpu.memory_space<vmem>> -> memref<128x16xf32, #tpu.memory_space<vmem>>
      %dma_start3A_626 = arith.constant 0 : i32
      %dma_start3A_627 = tpu.memref_slice %arg10[%dma_start3A_621, %dma_start3A_622, %dma_start3A_626] : memref<2x8x128xi32, #tpu.memory_space<vmem>> -> memref<1x1x128xi32, #tpu.memory_space<vmem>>
      %dma_start3A_628 = tpu.memref_squeeze %dma_start3A_627 : memref<1x1x128xi32, #tpu.memory_space<vmem>> -> memref<128xi32, #tpu.memory_space<vmem>>
      %dma_start3A_629 = arith.constant 0 : i32
      %dma_start3A_630 = tpu.memref_slice %arg2[%arg0, %dma_start3A_629] : memref<401408x16xf32, #tpu.memory_space<hbm>> -> memref<401400x16xf32, #tpu.memory_space<hbm>>
      %dma_start3A_631 = arith.constant 0 : i32
      %dma_start3A_632 = arith.constant 0 : i32
      %dma_start3A_633 = tpu.memref_slice %dma_start3A_630[%dma_start3A_631, %dma_start3A_632] : memref<401400x16xf32, #tpu.memory_space<hbm>> -> memref<401400x16xf32, #tpu.memory_space<hbm>>
      tpu.enqueue_indirect_dma source(%dma_start3A_633 : memref<401400x16xf32, #tpu.memory_space<hbm>>) target(%dma_start3A_625 : memref<128x16xf32, #tpu.memory_space<vmem>>) offsets(%dma_start3A_628 : memref<128xi32, #tpu.memory_space<vmem>>) semaphore(%arg22 : memref<!tpu.dma_semaphore, #tpu.memory_space<semaphore_mem>>)
      %dma_start3A_634 = arith.constant 0 : i32
      %dma_start3A_635 = arith.constant 6 : i32
      %dma_start3A_636 = arith.constant 768 : i32
      %dma_start3A_637 = arith.constant 0 : i32
      %dma_start3A_638 = tpu.memref_slice %arg12[%dma_start3A_636, %dma_start3A_637] : memref<1024x16xf32, #tpu.memory_space<vmem>> -> memref<128x16xf32, #tpu.memory_space<vmem>>
      %dma_start3A_639 = arith.constant 0 : i32
      %dma_start3A_640 = tpu.memref_slice %arg10[%dma_start3A_634, %dma_start3A_635, %dma_start3A_639] : memref<2x8x128xi32, #tpu.memory_space<vmem>> -> memref<1x1x128xi32, #tpu.memory_space<vmem>>
      %dma_start3A_641 = tpu.memref_squeeze %dma_start3A_640 : memref<1x1x128xi32, #tpu.memory_space<vmem>> -> memref<128xi32, #tpu.memory_space<vmem>>
      %dma_start3A_642 = arith.constant 0 : i32
      %dma_start3A_643 = tpu.memref_slice %arg2[%arg0, %dma_start3A_642] : memref<401408x16xf32, #tpu.memory_space<hbm>> -> memref<401400x16xf32, #tpu.memory_space<hbm>>
      %dma_start3A_644 = arith.constant 0 : i32
      %dma_start3A_645 = arith.constant 0 : i32
      %dma_start3A_646 = tpu.memref_slice %dma_start3A_643[%dma_start3A_644, %dma_start3A_645] : memref<401400x16xf32, #tpu.memory_space<hbm>> -> memref<401400x16xf32, #tpu.memory_space<hbm>>
      tpu.enqueue_indirect_dma source(%dma_start3A_646 : memref<401400x16xf32, #tpu.memory_space<hbm>>) target(%dma_start3A_638 : memref<128x16xf32, #tpu.memory_space<vmem>>) offsets(%dma_start3A_641 : memref<128xi32, #tpu.memory_space<vmem>>) semaphore(%arg23 : memref<!tpu.dma_semaphore, #tpu.memory_space<semaphore_mem>>)
      %dma_start3A_647 = arith.constant 0 : i32
      %dma_start3A_648 = arith.constant 7 : i32
      %dma_start3A_649 = arith.constant 896 : i32
      %dma_start3A_650 = arith.constant 0 : i32
      %dma_start3A_651 = tpu.memref_slice %arg12[%dma_start3A_649, %dma_start3A_650] : memref<1024x16xf32, #tpu.memory_space<vmem>> -> memref<128x16xf32, #tpu.memory_space<vmem>>
      %dma_start3A_652 = arith.constant 0 : i32
      %dma_start3A_653 = tpu.memref_slice %arg10[%dma_start3A_647, %dma_start3A_648, %dma_start3A_652] : memref<2x8x128xi32, #tpu.memory_space<vmem>> -> memref<1x1x128xi32, #tpu.memory_space<vmem>>
      %dma_start3A_654 = tpu.memref_squeeze %dma_start3A_653 : memref<1x1x128xi32, #tpu.memory_space<vmem>> -> memref<128xi32, #tpu.memory_space<vmem>>
      %dma_start3A_655 = arith.constant 0 : i32
      %dma_start3A_656 = tpu.memref_slice %arg2[%arg0, %dma_start3A_655] : memref<401408x16xf32, #tpu.memory_space<hbm>> -> memref<401400x16xf32, #tpu.memory_space<hbm>>
      %dma_start3A_657 = arith.constant 0 : i32
      %dma_start3A_658 = arith.constant 0 : i32
      %dma_start3A_659 = tpu.memref_slice %dma_start3A_656[%dma_start3A_657, %dma_start3A_658] : memref<401400x16xf32, #tpu.memory_space<hbm>> -> memref<401400x16xf32, #tpu.memory_space<hbm>>
      tpu.enqueue_indirect_dma source(%dma_start3A_659 : memref<401400x16xf32, #tpu.memory_space<hbm>>) target(%dma_start3A_651 : memref<128x16xf32, #tpu.memory_space<vmem>>) offsets(%dma_start3A_654 : memref<128xi32, #tpu.memory_space<vmem>>) semaphore(%arg24 : memref<!tpu.dma_semaphore, #tpu.memory_space<semaphore_mem>>)
      %dma_start3A_660 = arith.constant 1 : i32
      %dma_start3A_661 = arith.constant 0 : i32
      %dma_start3A_662 = arith.constant 0 : i32
      %dma_start3A_663 = tpu.memref_slice %arg10[%dma_start3A_660, %dma_start3A_661, %dma_start3A_662] : memref<2x8x128xi32, #tpu.memory_space<vmem>> -> memref<1x8x128xi32, #tpu.memory_space<vmem>>
      %dma_start3A_664 = tpu.memref_squeeze %dma_start3A_663 : memref<1x8x128xi32, #tpu.memory_space<vmem>> -> memref<8x128xi32, #tpu.memory_space<vmem>>
      %dma_start3A_665 = arith.constant 0 : i32
      %dma_start3A_666 = tpu.memref_slice %arg3[%add3A_529, %dma_start3A_665] : memref<6272x128xi32, #tpu.memory_space<hbm>> -> memref<8x128xi32, #tpu.memory_space<hbm>>
      %dma_start3A_667 = arith.constant 0 : i32
      %dma_start3A_668 = arith.constant 0 : i32
      %dma_start3A_669 = tpu.memref_slice %arg10[%dma_start3A_660, %dma_start3A_667, %dma_start3A_668] : memref<2x8x128xi32, #tpu.memory_space<vmem>> -> memref<1x8x128xi32, #tpu.memory_space<vmem>>
      %dma_start3A_670 = tpu.memref_squeeze %dma_start3A_669 : memref<1x8x128xi32, #tpu.memory_space<vmem>> -> memref<8x128xi32, #tpu.memory_space<vmem>>
      %dma_start3A_671 = arith.constant 0 : i32
      %dma_start3A_672 = tpu.memref_slice %arg3[%add3A_529, %dma_start3A_671] : memref<6272x128xi32, #tpu.memory_space<hbm>> -> memref<8x128xi32, #tpu.memory_space<hbm>>
      tpu.enqueue_dma source(%dma_start3A_672 : memref<8x128xi32, #tpu.memory_space<hbm>>) target(%dma_start3A_670 : memref<8x128xi32, #tpu.memory_space<vmem>>) target_semaphore(%arg15 : memref<!tpu.dma_semaphore, #tpu.memory_space<semaphore_mem>>)
      %dma_start3A_673 = arith.constant 1 : i32
      %dma_start3A_674 = arith.constant 0 : i32
      %dma_start3A_675 = arith.constant 0 : i32
      %dma_start3A_676 = tpu.memref_slice %arg11[%dma_start3A_673, %dma_start3A_674, %dma_start3A_675] : memref<2x8x128xi32, #tpu.memory_space<vmem>> -> memref<1x8x128xi32, #tpu.memory_space<vmem>>
      %dma_start3A_677 = tpu.memref_squeeze %dma_start3A_676 : memref<1x8x128xi32, #tpu.memory_space<vmem>> -> memref<8x128xi32, #tpu.memory_space<vmem>>
      %dma_start3A_678 = arith.constant 0 : i32
      %dma_start3A_679 = tpu.memref_slice %arg4[%add3A_529, %dma_start3A_678] : memref<6272x128xi32, #tpu.memory_space<hbm>> -> memref<8x128xi32, #tpu.memory_space<hbm>>
      %dma_start3A_680 = arith.constant 0 : i32
      %dma_start3A_681 = arith.constant 0 : i32
      %dma_start3A_682 = tpu.memref_slice %arg11[%dma_start3A_673, %dma_start3A_680, %dma_start3A_681] : memref<2x8x128xi32, #tpu.memory_space<vmem>> -> memref<1x8x128xi32, #tpu.memory_space<vmem>>
      %dma_start3A_683 = tpu.memref_squeeze %dma_start3A_682 : memref<1x8x128xi32, #tpu.memory_space<vmem>> -> memref<8x128xi32, #tpu.memory_space<vmem>>
      %dma_start3A_684 = arith.constant 0 : i32
      %dma_start3A_685 = tpu.memref_slice %arg4[%add3A_529, %dma_start3A_684] : memref<6272x128xi32, #tpu.memory_space<hbm>> -> memref<8x128xi32, #tpu.memory_space<hbm>>
      tpu.enqueue_dma source(%dma_start3A_685 : memref<8x128xi32, #tpu.memory_space<hbm>>) target(%dma_start3A_683 : memref<8x128xi32, #tpu.memory_space<vmem>>) target_semaphore(%arg15 : memref<!tpu.dma_semaphore, #tpu.memory_space<semaphore_mem>>)
      %dma_wait3A_686 = arith.constant 0 : i32
      %dma_wait3A_687 = arith.constant 0 : i32
      %dma_wait3A_688 = arith.constant 0 : i32
      %dma_wait3A_689 = arith.constant 0 : i32
      %dma_wait3A_690 = tpu.memref_slice %arg12[%dma_wait3A_688, %dma_wait3A_689] : memref<1024x16xf32, #tpu.memory_space<vmem>> -> memref<128x16xf32, #tpu.memory_space<vmem>>
      %dma_wait3A_691 = arith.constant 0 : i32
      %dma_wait3A_692 = tpu.memref_slice %arg10[%dma_wait3A_686, %dma_wait3A_687, %dma_wait3A_691] : memref<2x8x128xi32, #tpu.memory_space<vmem>> -> memref<1x1x128xi32, #tpu.memory_space<vmem>>
      %dma_wait3A_693 = tpu.memref_squeeze %dma_wait3A_692 : memref<1x1x128xi32, #tpu.memory_space<vmem>> -> memref<128xi32, #tpu.memory_space<vmem>>
      %dma_wait3A_694 = arith.constant 0 : i32
      %dma_wait3A_695 = tpu.memref_slice %arg2[%arg0, %dma_wait3A_694] : memref<401408x16xf32, #tpu.memory_space<hbm>> -> memref<401400x16xf32, #tpu.memory_space<hbm>>
      %dma_wait3A_696 = arith.constant 0 : i32
      %dma_wait3A_697 = arith.constant 0 : i32
      %dma_wait3A_698 = tpu.memref_slice %dma_wait3A_695[%dma_wait3A_696, %dma_wait3A_697] : memref<401400x16xf32, #tpu.memory_space<hbm>> -> memref<401400x16xf32, #tpu.memory_space<hbm>>
      tpu.wait_indirect_dma semaphore(%arg17 : memref<!tpu.dma_semaphore, #tpu.memory_space<semaphore_mem>>) src(%dma_wait3A_698 : memref<401400x16xf32, #tpu.memory_space<hbm>>) dst(%dma_wait3A_690 : memref<128x16xf32, #tpu.memory_space<vmem>>)
      %dma_start3A_699 = arith.constant 0 : i32
      %dma_start3A_700 = arith.constant 0 : i32
      %dma_start3A_701 = arith.constant 0 : i32
      %dma_start3A_702 = arith.constant 0 : i32
      %dma_start3A_703 = tpu.memref_slice %arg12[%dma_start3A_701, %dma_start3A_702] : memref<1024x16xf32, #tpu.memory_space<vmem>> -> memref<128x16xf32, #tpu.memory_space<vmem>>
      %dma_start3A_704 = arith.constant 0 : i32
      %dma_start3A_705 = tpu.memref_slice %arg11[%dma_start3A_699, %dma_start3A_700, %dma_start3A_704] : memref<2x8x128xi32, #tpu.memory_space<vmem>> -> memref<1x1x128xi32, #tpu.memory_space<vmem>>
      %dma_start3A_706 = tpu.memref_squeeze %dma_start3A_705 : memref<1x1x128xi32, #tpu.memory_space<vmem>> -> memref<128xi32, #tpu.memory_space<vmem>>
      %dma_start3A_707 = arith.constant 0 : i32
      %dma_start3A_708 = arith.constant 0 : i32
      %dma_start3A_709 = tpu.memref_slice %arg9[%dma_start3A_707, %dma_start3A_708] : memref<50176x16xf32, #tpu.memory_space<vmem_shared>> -> memref<50176x16xf32, #tpu.memory_space<vmem_shared>>
      tpu.enqueue_indirect_dma source(%dma_start3A_703 : memref<128x16xf32, #tpu.memory_space<vmem>>) target(%dma_start3A_709 : memref<50176x16xf32, #tpu.memory_space<vmem_shared>>) offsets(%dma_start3A_706 : memref<128xi32, #tpu.memory_space<vmem>>) semaphore(%arg16 : memref<!tpu.dma_semaphore, #tpu.memory_space<semaphore_mem>>) {add = true}
      %dma_wait3A_710 = arith.constant 0 : i32
      %dma_wait3A_711 = arith.constant 1 : i32
      %dma_wait3A_712 = arith.constant 128 : i32
      %dma_wait3A_713 = arith.constant 0 : i32
      %dma_wait3A_714 = tpu.memref_slice %arg12[%dma_wait3A_712, %dma_wait3A_713] : memref<1024x16xf32, #tpu.memory_space<vmem>> -> memref<128x16xf32, #tpu.memory_space<vmem>>
      %dma_wait3A_715 = arith.constant 0 : i32
      %dma_wait3A_716 = tpu.memref_slice %arg10[%dma_wait3A_710, %dma_wait3A_711, %dma_wait3A_715] : memref<2x8x128xi32, #tpu.memory_space<vmem>> -> memref<1x1x128xi32, #tpu.memory_space<vmem>>
      %dma_wait3A_717 = tpu.memref_squeeze %dma_wait3A_716 : memref<1x1x128xi32, #tpu.memory_space<vmem>> -> memref<128xi32, #tpu.memory_space<vmem>>
      %dma_wait3A_718 = arith.constant 0 : i32
      %dma_wait3A_719 = tpu.memref_slice %arg2[%arg0, %dma_wait3A_718] : memref<401408x16xf32, #tpu.memory_space<hbm>> -> memref<401400x16xf32, #tpu.memory_space<hbm>>
      %dma_wait3A_720 = arith.constant 0 : i32
      %dma_wait3A_721 = arith.constant 0 : i32
      %dma_wait3A_722 = tpu.memref_slice %dma_wait3A_719[%dma_wait3A_720, %dma_wait3A_721] : memref<401400x16xf32, #tpu.memory_space<hbm>> -> memref<401400x16xf32, #tpu.memory_space<hbm>>
      tpu.wait_indirect_dma semaphore(%arg18 : memref<!tpu.dma_semaphore, #tpu.memory_space<semaphore_mem>>) src(%dma_wait3A_722 : memref<401400x16xf32, #tpu.memory_space<hbm>>) dst(%dma_wait3A_714 : memref<128x16xf32, #tpu.memory_space<vmem>>)
      %dma_start3A_723 = arith.constant 0 : i32
      %dma_start3A_724 = arith.constant 1 : i32
      %dma_start3A_725 = arith.constant 128 : i32
      %dma_start3A_726 = arith.constant 0 : i32
      %dma_start3A_727 = tpu.memref_slice %arg12[%dma_start3A_725, %dma_start3A_726] : memref<1024x16xf32, #tpu.memory_space<vmem>> -> memref<128x16xf32, #tpu.memory_space<vmem>>
      %dma_start3A_728 = arith.constant 0 : i32
      %dma_start3A_729 = tpu.memref_slice %arg11[%dma_start3A_723, %dma_start3A_724, %dma_start3A_728] : memref<2x8x128xi32, #tpu.memory_space<vmem>> -> memref<1x1x128xi32, #tpu.memory_space<vmem>>
      %dma_start3A_730 = tpu.memref_squeeze %dma_start3A_729 : memref<1x1x128xi32, #tpu.memory_space<vmem>> -> memref<128xi32, #tpu.memory_space<vmem>>
      %dma_start3A_731 = arith.constant 0 : i32
      %dma_start3A_732 = arith.constant 0 : i32
      %dma_start3A_733 = tpu.memref_slice %arg9[%dma_start3A_731, %dma_start3A_732] : memref<50176x16xf32, #tpu.memory_space<vmem_shared>> -> memref<50176x16xf32, #tpu.memory_space<vmem_shared>>
      tpu.enqueue_indirect_dma source(%dma_start3A_727 : memref<128x16xf32, #tpu.memory_space<vmem>>) target(%dma_start3A_733 : memref<50176x16xf32, #tpu.memory_space<vmem_shared>>) offsets(%dma_start3A_730 : memref<128xi32, #tpu.memory_space<vmem>>) semaphore(%arg16 : memref<!tpu.dma_semaphore, #tpu.memory_space<semaphore_mem>>) {add = true}
      %dma_wait3A_734 = arith.constant 0 : i32
      %dma_wait3A_735 = arith.constant 2 : i32
      %dma_wait3A_736 = arith.constant 256 : i32
      %dma_wait3A_737 = arith.constant 0 : i32
      %dma_wait3A_738 = tpu.memref_slice %arg12[%dma_wait3A_736, %dma_wait3A_737] : memref<1024x16xf32, #tpu.memory_space<vmem>> -> memref<128x16xf32, #tpu.memory_space<vmem>>
      %dma_wait3A_739 = arith.constant 0 : i32
      %dma_wait3A_740 = tpu.memref_slice %arg10[%dma_wait3A_734, %dma_wait3A_735, %dma_wait3A_739] : memref<2x8x128xi32, #tpu.memory_space<vmem>> -> memref<1x1x128xi32, #tpu.memory_space<vmem>>
      %dma_wait3A_741 = tpu.memref_squeeze %dma_wait3A_740 : memref<1x1x128xi32, #tpu.memory_space<vmem>> -> memref<128xi32, #tpu.memory_space<vmem>>
      %dma_wait3A_742 = arith.constant 0 : i32
      %dma_wait3A_743 = tpu.memref_slice %arg2[%arg0, %dma_wait3A_742] : memref<401408x16xf32, #tpu.memory_space<hbm>> -> memref<401400x16xf32, #tpu.memory_space<hbm>>
      %dma_wait3A_744 = arith.constant 0 : i32
      %dma_wait3A_745 = arith.constant 0 : i32
      %dma_wait3A_746 = tpu.memref_slice %dma_wait3A_743[%dma_wait3A_744, %dma_wait3A_745] : memref<401400x16xf32, #tpu.memory_space<hbm>> -> memref<401400x16xf32, #tpu.memory_space<hbm>>
      tpu.wait_indirect_dma semaphore(%arg19 : memref<!tpu.dma_semaphore, #tpu.memory_space<semaphore_mem>>) src(%dma_wait3A_746 : memref<401400x16xf32, #tpu.memory_space<hbm>>) dst(%dma_wait3A_738 : memref<128x16xf32, #tpu.memory_space<vmem>>)
      %dma_start3A_747 = arith.constant 0 : i32
      %dma_start3A_748 = arith.constant 2 : i32
      %dma_start3A_749 = arith.constant 256 : i32
      %dma_start3A_750 = arith.constant 0 : i32
      %dma_start3A_751 = tpu.memref_slice %arg12[%dma_start3A_749, %dma_start3A_750] : memref<1024x16xf32, #tpu.memory_space<vmem>> -> memref<128x16xf32, #tpu.memory_space<vmem>>
      %dma_start3A_752 = arith.constant 0 : i32
      %dma_start3A_753 = tpu.memref_slice %arg11[%dma_start3A_747, %dma_start3A_748, %dma_start3A_752] : memref<2x8x128xi32, #tpu.memory_space<vmem>> -> memref<1x1x128xi32, #tpu.memory_space<vmem>>
      %dma_start3A_754 = tpu.memref_squeeze %dma_start3A_753 : memref<1x1x128xi32, #tpu.memory_space<vmem>> -> memref<128xi32, #tpu.memory_space<vmem>>
      %dma_start3A_755 = arith.constant 0 : i32
      %dma_start3A_756 = arith.constant 0 : i32
      %dma_start3A_757 = tpu.memref_slice %arg9[%dma_start3A_755, %dma_start3A_756] : memref<50176x16xf32, #tpu.memory_space<vmem_shared>> -> memref<50176x16xf32, #tpu.memory_space<vmem_shared>>
      tpu.enqueue_indirect_dma source(%dma_start3A_751 : memref<128x16xf32, #tpu.memory_space<vmem>>) target(%dma_start3A_757 : memref<50176x16xf32, #tpu.memory_space<vmem_shared>>) offsets(%dma_start3A_754 : memref<128xi32, #tpu.memory_space<vmem>>) semaphore(%arg16 : memref<!tpu.dma_semaphore, #tpu.memory_space<semaphore_mem>>) {add = true}
      %dma_wait3A_758 = arith.constant 0 : i32
      %dma_wait3A_759 = arith.constant 3 : i32
      %dma_wait3A_760 = arith.constant 384 : i32
      %dma_wait3A_761 = arith.constant 0 : i32
      %dma_wait3A_762 = tpu.memref_slice %arg12[%dma_wait3A_760, %dma_wait3A_761] : memref<1024x16xf32, #tpu.memory_space<vmem>> -> memref<128x16xf32, #tpu.memory_space<vmem>>
      %dma_wait3A_763 = arith.constant 0 : i32
      %dma_wait3A_764 = tpu.memref_slice %arg10[%dma_wait3A_758, %dma_wait3A_759, %dma_wait3A_763] : memref<2x8x128xi32, #tpu.memory_space<vmem>> -> memref<1x1x128xi32, #tpu.memory_space<vmem>>
      %dma_wait3A_765 = tpu.memref_squeeze %dma_wait3A_764 : memref<1x1x128xi32, #tpu.memory_space<vmem>> -> memref<128xi32, #tpu.memory_space<vmem>>
      %dma_wait3A_766 = arith.constant 0 : i32
      %dma_wait3A_767 = tpu.memref_slice %arg2[%arg0, %dma_wait3A_766] : memref<401408x16xf32, #tpu.memory_space<hbm>> -> memref<401400x16xf32, #tpu.memory_space<hbm>>
      %dma_wait3A_768 = arith.constant 0 : i32
      %dma_wait3A_769 = arith.constant 0 : i32
      %dma_wait3A_770 = tpu.memref_slice %dma_wait3A_767[%dma_wait3A_768, %dma_wait3A_769] : memref<401400x16xf32, #tpu.memory_space<hbm>> -> memref<401400x16xf32, #tpu.memory_space<hbm>>
      tpu.wait_indirect_dma semaphore(%arg20 : memref<!tpu.dma_semaphore, #tpu.memory_space<semaphore_mem>>) src(%dma_wait3A_770 : memref<401400x16xf32, #tpu.memory_space<hbm>>) dst(%dma_wait3A_762 : memref<128x16xf32, #tpu.memory_space<vmem>>)
      %dma_start3A_771 = arith.constant 0 : i32
      %dma_start3A_772 = arith.constant 3 : i32
      %dma_start3A_773 = arith.constant 384 : i32
      %dma_start3A_774 = arith.constant 0 : i32
      %dma_start3A_775 = tpu.memref_slice %arg12[%dma_start3A_773, %dma_start3A_774] : memref<1024x16xf32, #tpu.memory_space<vmem>> -> memref<128x16xf32, #tpu.memory_space<vmem>>
      %dma_start3A_776 = arith.constant 0 : i32
      %dma_start3A_777 = tpu.memref_slice %arg11[%dma_start3A_771, %dma_start3A_772, %dma_start3A_776] : memref<2x8x128xi32, #tpu.memory_space<vmem>> -> memref<1x1x128xi32, #tpu.memory_space<vmem>>
      %dma_start3A_778 = tpu.memref_squeeze %dma_start3A_777 : memref<1x1x128xi32, #tpu.memory_space<vmem>> -> memref<128xi32, #tpu.memory_space<vmem>>
      %dma_start3A_779 = arith.constant 0 : i32
      %dma_start3A_780 = arith.constant 0 : i32
      %dma_start3A_781 = tpu.memref_slice %arg9[%dma_start3A_779, %dma_start3A_780] : memref<50176x16xf32, #tpu.memory_space<vmem_shared>> -> memref<50176x16xf32, #tpu.memory_space<vmem_shared>>
      tpu.enqueue_indirect_dma source(%dma_start3A_775 : memref<128x16xf32, #tpu.memory_space<vmem>>) target(%dma_start3A_781 : memref<50176x16xf32, #tpu.memory_space<vmem_shared>>) offsets(%dma_start3A_778 : memref<128xi32, #tpu.memory_space<vmem>>) semaphore(%arg16 : memref<!tpu.dma_semaphore, #tpu.memory_space<semaphore_mem>>) {add = true}
      %dma_wait3A_782 = arith.constant 0 : i32
      %dma_wait3A_783 = arith.constant 4 : i32
      %dma_wait3A_784 = arith.constant 512 : i32
      %dma_wait3A_785 = arith.constant 0 : i32
      %dma_wait3A_786 = tpu.memref_slice %arg12[%dma_wait3A_784, %dma_wait3A_785] : memref<1024x16xf32, #tpu.memory_space<vmem>> -> memref<128x16xf32, #tpu.memory_space<vmem>>
      %dma_wait3A_787 = arith.constant 0 : i32
      %dma_wait3A_788 = tpu.memref_slice %arg10[%dma_wait3A_782, %dma_wait3A_783, %dma_wait3A_787] : memref<2x8x128xi32, #tpu.memory_space<vmem>> -> memref<1x1x128xi32, #tpu.memory_space<vmem>>
      %dma_wait3A_789 = tpu.memref_squeeze %dma_wait3A_788 : memref<1x1x128xi32, #tpu.memory_space<vmem>> -> memref<128xi32, #tpu.memory_space<vmem>>
      %dma_wait3A_790 = arith.constant 0 : i32
      %dma_wait3A_791 = tpu.memref_slice %arg2[%arg0, %dma_wait3A_790] : memref<401408x16xf32, #tpu.memory_space<hbm>> -> memref<401400x16xf32, #tpu.memory_space<hbm>>
      %dma_wait3A_792 = arith.constant 0 : i32
      %dma_wait3A_793 = arith.constant 0 : i32
      %dma_wait3A_794 = tpu.memref_slice %dma_wait3A_791[%dma_wait3A_792, %dma_wait3A_793] : memref<401400x16xf32, #tpu.memory_space<hbm>> -> memref<401400x16xf32, #tpu.memory_space<hbm>>
      tpu.wait_indirect_dma semaphore(%arg21 : memref<!tpu.dma_semaphore, #tpu.memory_space<semaphore_mem>>) src(%dma_wait3A_794 : memref<401400x16xf32, #tpu.memory_space<hbm>>) dst(%dma_wait3A_786 : memref<128x16xf32, #tpu.memory_space<vmem>>)
      %dma_start3A_795 = arith.constant 0 : i32
      %dma_start3A_796 = arith.constant 4 : i32
      %dma_start3A_797 = arith.constant 512 : i32
      %dma_start3A_798 = arith.constant 0 : i32
      %dma_start3A_799 = tpu.memref_slice %arg12[%dma_start3A_797, %dma_start3A_798] : memref<1024x16xf32, #tpu.memory_space<vmem>> -> memref<128x16xf32, #tpu.memory_space<vmem>>
      %dma_start3A_800 = arith.constant 0 : i32
      %dma_start3A_801 = tpu.memref_slice %arg11[%dma_start3A_795, %dma_start3A_796, %dma_start3A_800] : memref<2x8x128xi32, #tpu.memory_space<vmem>> -> memref<1x1x128xi32, #tpu.memory_space<vmem>>
      %dma_start3A_802 = tpu.memref_squeeze %dma_start3A_801 : memref<1x1x128xi32, #tpu.memory_space<vmem>> -> memref<128xi32, #tpu.memory_space<vmem>>
      %dma_start3A_803 = arith.constant 0 : i32
      %dma_start3A_804 = arith.constant 0 : i32
      %dma_start3A_805 = tpu.memref_slice %arg9[%dma_start3A_803, %dma_start3A_804] : memref<50176x16xf32, #tpu.memory_space<vmem_shared>> -> memref<50176x16xf32, #tpu.memory_space<vmem_shared>>
      tpu.enqueue_indirect_dma source(%dma_start3A_799 : memref<128x16xf32, #tpu.memory_space<vmem>>) target(%dma_start3A_805 : memref<50176x16xf32, #tpu.memory_space<vmem_shared>>) offsets(%dma_start3A_802 : memref<128xi32, #tpu.memory_space<vmem>>) semaphore(%arg16 : memref<!tpu.dma_semaphore, #tpu.memory_space<semaphore_mem>>) {add = true}
      %dma_wait3A_806 = arith.constant 0 : i32
      %dma_wait3A_807 = arith.constant 5 : i32
      %dma_wait3A_808 = arith.constant 640 : i32
      %dma_wait3A_809 = arith.constant 0 : i32
      %dma_wait3A_810 = tpu.memref_slice %arg12[%dma_wait3A_808, %dma_wait3A_809] : memref<1024x16xf32, #tpu.memory_space<vmem>> -> memref<128x16xf32, #tpu.memory_space<vmem>>
      %dma_wait3A_811 = arith.constant 0 : i32
      %dma_wait3A_812 = tpu.memref_slice %arg10[%dma_wait3A_806, %dma_wait3A_807, %dma_wait3A_811] : memref<2x8x128xi32, #tpu.memory_space<vmem>> -> memref<1x1x128xi32, #tpu.memory_space<vmem>>
      %dma_wait3A_813 = tpu.memref_squeeze %dma_wait3A_812 : memref<1x1x128xi32, #tpu.memory_space<vmem>> -> memref<128xi32, #tpu.memory_space<vmem>>
      %dma_wait3A_814 = arith.constant 0 : i32
      %dma_wait3A_815 = tpu.memref_slice %arg2[%arg0, %dma_wait3A_814] : memref<401408x16xf32, #tpu.memory_space<hbm>> -> memref<401400x16xf32, #tpu.memory_space<hbm>>
      %dma_wait3A_816 = arith.constant 0 : i32
      %dma_wait3A_817 = arith.constant 0 : i32
      %dma_wait3A_818 = tpu.memref_slice %dma_wait3A_815[%dma_wait3A_816, %dma_wait3A_817] : memref<401400x16xf32, #tpu.memory_space<hbm>> -> memref<401400x16xf32, #tpu.memory_space<hbm>>
      tpu.wait_indirect_dma semaphore(%arg22 : memref<!tpu.dma_semaphore, #tpu.memory_space<semaphore_mem>>) src(%dma_wait3A_818 : memref<401400x16xf32, #tpu.memory_space<hbm>>) dst(%dma_wait3A_810 : memref<128x16xf32, #tpu.memory_space<vmem>>)
      %dma_start3A_819 = arith.constant 0 : i32
      %dma_start3A_820 = arith.constant 5 : i32
      %dma_start3A_821 = arith.constant 640 : i32
      %dma_start3A_822 = arith.constant 0 : i32
      %dma_start3A_823 = tpu.memref_slice %arg12[%dma_start3A_821, %dma_start3A_822] : memref<1024x16xf32, #tpu.memory_space<vmem>> -> memref<128x16xf32, #tpu.memory_space<vmem>>
      %dma_start3A_824 = arith.constant 0 : i32
      %dma_start3A_825 = tpu.memref_slice %arg11[%dma_start3A_819, %dma_start3A_820, %dma_start3A_824] : memref<2x8x128xi32, #tpu.memory_space<vmem>> -> memref<1x1x128xi32, #tpu.memory_space<vmem>>
      %dma_start3A_826 = tpu.memref_squeeze %dma_start3A_825 : memref<1x1x128xi32, #tpu.memory_space<vmem>> -> memref<128xi32, #tpu.memory_space<vmem>>
      %dma_start3A_827 = arith.constant 0 : i32
      %dma_start3A_828 = arith.constant 0 : i32
      %dma_start3A_829 = tpu.memref_slice %arg9[%dma_start3A_827, %dma_start3A_828] : memref<50176x16xf32, #tpu.memory_space<vmem_shared>> -> memref<50176x16xf32, #tpu.memory_space<vmem_shared>>
      tpu.enqueue_indirect_dma source(%dma_start3A_823 : memref<128x16xf32, #tpu.memory_space<vmem>>) target(%dma_start3A_829 : memref<50176x16xf32, #tpu.memory_space<vmem_shared>>) offsets(%dma_start3A_826 : memref<128xi32, #tpu.memory_space<vmem>>) semaphore(%arg16 : memref<!tpu.dma_semaphore, #tpu.memory_space<semaphore_mem>>) {add = true}
      %dma_wait3A_830 = arith.constant 0 : i32
      %dma_wait3A_831 = arith.constant 6 : i32
      %dma_wait3A_832 = arith.constant 768 : i32
      %dma_wait3A_833 = arith.constant 0 : i32
      %dma_wait3A_834 = tpu.memref_slice %arg12[%dma_wait3A_832, %dma_wait3A_833] : memref<1024x16xf32, #tpu.memory_space<vmem>> -> memref<128x16xf32, #tpu.memory_space<vmem>>
      %dma_wait3A_835 = arith.constant 0 : i32
      %dma_wait3A_836 = tpu.memref_slice %arg10[%dma_wait3A_830, %dma_wait3A_831, %dma_wait3A_835] : memref<2x8x128xi32, #tpu.memory_space<vmem>> -> memref<1x1x128xi32, #tpu.memory_space<vmem>>
      %dma_wait3A_837 = tpu.memref_squeeze %dma_wait3A_836 : memref<1x1x128xi32, #tpu.memory_space<vmem>> -> memref<128xi32, #tpu.memory_space<vmem>>
      %dma_wait3A_838 = arith.constant 0 : i32
      %dma_wait3A_839 = tpu.memref_slice %arg2[%arg0, %dma_wait3A_838] : memref<401408x16xf32, #tpu.memory_space<hbm>> -> memref<401400x16xf32, #tpu.memory_space<hbm>>
      %dma_wait3A_840 = arith.constant 0 : i32
      %dma_wait3A_841 = arith.constant 0 : i32
      %dma_wait3A_842 = tpu.memref_slice %dma_wait3A_839[%dma_wait3A_840, %dma_wait3A_841] : memref<401400x16xf32, #tpu.memory_space<hbm>> -> memref<401400x16xf32, #tpu.memory_space<hbm>>
      tpu.wait_indirect_dma semaphore(%arg23 : memref<!tpu.dma_semaphore, #tpu.memory_space<semaphore_mem>>) src(%dma_wait3A_842 : memref<401400x16xf32, #tpu.memory_space<hbm>>) dst(%dma_wait3A_834 : memref<128x16xf32, #tpu.memory_space<vmem>>)
      %dma_start3A_843 = arith.constant 0 : i32
      %dma_start3A_844 = arith.constant 6 : i32
      %dma_start3A_845 = arith.constant 768 : i32
      %dma_start3A_846 = arith.constant 0 : i32
      %dma_start3A_847 = tpu.memref_slice %arg12[%dma_start3A_845, %dma_start3A_846] : memref<1024x16xf32, #tpu.memory_space<vmem>> -> memref<128x16xf32, #tpu.memory_space<vmem>>
      %dma_start3A_848 = arith.constant 0 : i32
      %dma_start3A_849 = tpu.memref_slice %arg11[%dma_start3A_843, %dma_start3A_844, %dma_start3A_848] : memref<2x8x128xi32, #tpu.memory_space<vmem>> -> memref<1x1x128xi32, #tpu.memory_space<vmem>>
      %dma_start3A_850 = tpu.memref_squeeze %dma_start3A_849 : memref<1x1x128xi32, #tpu.memory_space<vmem>> -> memref<128xi32, #tpu.memory_space<vmem>>
      %dma_start3A_851 = arith.constant 0 : i32
      %dma_start3A_852 = arith.constant 0 : i32
      %dma_start3A_853 = tpu.memref_slice %arg9[%dma_start3A_851, %dma_start3A_852] : memref<50176x16xf32, #tpu.memory_space<vmem_shared>> -> memref<50176x16xf32, #tpu.memory_space<vmem_shared>>
      tpu.enqueue_indirect_dma source(%dma_start3A_847 : memref<128x16xf32, #tpu.memory_space<vmem>>) target(%dma_start3A_853 : memref<50176x16xf32, #tpu.memory_space<vmem_shared>>) offsets(%dma_start3A_850 : memref<128xi32, #tpu.memory_space<vmem>>) semaphore(%arg16 : memref<!tpu.dma_semaphore, #tpu.memory_space<semaphore_mem>>) {add = true}
      %dma_wait3A_854 = arith.constant 0 : i32
      %dma_wait3A_855 = arith.constant 7 : i32
      %dma_wait3A_856 = arith.constant 896 : i32
      %dma_wait3A_857 = arith.constant 0 : i32
      %dma_wait3A_858 = tpu.memref_slice %arg12[%dma_wait3A_856, %dma_wait3A_857] : memref<1024x16xf32, #tpu.memory_space<vmem>> -> memref<128x16xf32, #tpu.memory_space<vmem>>
      %dma_wait3A_859 = arith.constant 0 : i32
      %dma_wait3A_860 = tpu.memref_slice %arg10[%dma_wait3A_854, %dma_wait3A_855, %dma_wait3A_859] : memref<2x8x128xi32, #tpu.memory_space<vmem>> -> memref<1x1x128xi32, #tpu.memory_space<vmem>>
      %dma_wait3A_861 = tpu.memref_squeeze %dma_wait3A_860 : memref<1x1x128xi32, #tpu.memory_space<vmem>> -> memref<128xi32, #tpu.memory_space<vmem>>
      %dma_wait3A_862 = arith.constant 0 : i32
      %dma_wait3A_863 = tpu.memref_slice %arg2[%arg0, %dma_wait3A_862] : memref<401408x16xf32, #tpu.memory_space<hbm>> -> memref<401400x16xf32, #tpu.memory_space<hbm>>
      %dma_wait3A_864 = arith.constant 0 : i32
      %dma_wait3A_865 = arith.constant 0 : i32
      %dma_wait3A_866 = tpu.memref_slice %dma_wait3A_863[%dma_wait3A_864, %dma_wait3A_865] : memref<401400x16xf32, #tpu.memory_space<hbm>> -> memref<401400x16xf32, #tpu.memory_space<hbm>>
      tpu.wait_indirect_dma semaphore(%arg24 : memref<!tpu.dma_semaphore, #tpu.memory_space<semaphore_mem>>) src(%dma_wait3A_866 : memref<401400x16xf32, #tpu.memory_space<hbm>>) dst(%dma_wait3A_858 : memref<128x16xf32, #tpu.memory_space<vmem>>)
      %dma_start3A_867 = arith.constant 0 : i32
      %dma_start3A_868 = arith.constant 7 : i32
      %dma_start3A_869 = arith.constant 896 : i32
      %dma_start3A_870 = arith.constant 0 : i32
      %dma_start3A_871 = tpu.memref_slice %arg12[%dma_start3A_869, %dma_start3A_870] : memref<1024x16xf32, #tpu.memory_space<vmem>> -> memref<128x16xf32, #tpu.memory_space<vmem>>
      %dma_start3A_872 = arith.constant 0 : i32
      %dma_start3A_873 = tpu.memref_slice %arg11[%dma_start3A_867, %dma_start3A_868, %dma_start3A_872] : memref<2x8x128xi32, #tpu.memory_space<vmem>> -> memref<1x1x128xi32, #tpu.memory_space<vmem>>
      %dma_start3A_874 = tpu.memref_squeeze %dma_start3A_873 : memref<1x1x128xi32, #tpu.memory_space<vmem>> -> memref<128xi32, #tpu.memory_space<vmem>>
      %dma_start3A_875 = arith.constant 0 : i32
      %dma_start3A_876 = arith.constant 0 : i32
      %dma_start3A_877 = tpu.memref_slice %arg9[%dma_start3A_875, %dma_start3A_876] : memref<50176x16xf32, #tpu.memory_space<vmem_shared>> -> memref<50176x16xf32, #tpu.memory_space<vmem_shared>>
      tpu.enqueue_indirect_dma source(%dma_start3A_871 : memref<128x16xf32, #tpu.memory_space<vmem>>) target(%dma_start3A_877 : memref<50176x16xf32, #tpu.memory_space<vmem_shared>>) offsets(%dma_start3A_874 : memref<128xi32, #tpu.memory_space<vmem>>) semaphore(%arg16 : memref<!tpu.dma_semaphore, #tpu.memory_space<semaphore_mem>>) {add = true}
      %dma_wait3A_878 = arith.constant 0 : i32
      %dma_wait3A_879 = arith.constant 0 : i32
      %dma_wait3A_880 = arith.constant 0 : i32
      %dma_wait3A_881 = arith.constant 0 : i32
      %dma_wait3A_882 = tpu.memref_slice %arg12[%dma_wait3A_880, %dma_wait3A_881] : memref<1024x16xf32, #tpu.memory_space<vmem>> -> memref<128x16xf32, #tpu.memory_space<vmem>>
      %dma_wait3A_883 = arith.constant 0 : i32
      %dma_wait3A_884 = tpu.memref_slice %arg11[%dma_wait3A_878, %dma_wait3A_879, %dma_wait3A_883] : memref<2x8x128xi32, #tpu.memory_space<vmem>> -> memref<1x1x128xi32, #tpu.memory_space<vmem>>
      %dma_wait3A_885 = tpu.memref_squeeze %dma_wait3A_884 : memref<1x1x128xi32, #tpu.memory_space<vmem>> -> memref<128xi32, #tpu.memory_space<vmem>>
      %dma_wait3A_886 = arith.constant 0 : i32
      %dma_wait3A_887 = arith.constant 0 : i32
      %dma_wait3A_888 = tpu.memref_slice %arg9[%dma_wait3A_886, %dma_wait3A_887] : memref<50176x16xf32, #tpu.memory_space<vmem_shared>> -> memref<50176x16xf32, #tpu.memory_space<vmem_shared>>
      tpu.wait_indirect_dma semaphore(%arg16 : memref<!tpu.dma_semaphore, #tpu.memory_space<semaphore_mem>>) src(%dma_wait3A_882 : memref<128x16xf32, #tpu.memory_space<vmem>>) dst(%dma_wait3A_888 : memref<50176x16xf32, #tpu.memory_space<vmem_shared>>)
      %dma_wait3A_889 = arith.constant 0 : i32
      %dma_wait3A_890 = arith.constant 1 : i32
      %dma_wait3A_891 = arith.constant 128 : i32
      %dma_wait3A_892 = arith.constant 0 : i32
      %dma_wait3A_893 = tpu.memref_slice %arg12[%dma_wait3A_891, %dma_wait3A_892] : memref<1024x16xf32, #tpu.memory_space<vmem>> -> memref<128x16xf32, #tpu.memory_space<vmem>>
      %dma_wait3A_894 = arith.constant 0 : i32
      %dma_wait3A_895 = tpu.memref_slice %arg11[%dma_wait3A_889, %dma_wait3A_890, %dma_wait3A_894] : memref<2x8x128xi32, #tpu.memory_space<vmem>> -> memref<1x1x128xi32, #tpu.memory_space<vmem>>
      %dma_wait3A_896 = tpu.memref_squeeze %dma_wait3A_895 : memref<1x1x128xi32, #tpu.memory_space<vmem>> -> memref<128xi32, #tpu.memory_space<vmem>>
      %dma_wait3A_897 = arith.constant 0 : i32
      %dma_wait3A_898 = arith.constant 0 : i32
      %dma_wait3A_899 = tpu.memref_slice %arg9[%dma_wait3A_897, %dma_wait3A_898] : memref<50176x16xf32, #tpu.memory_space<vmem_shared>> -> memref<50176x16xf32, #tpu.memory_space<vmem_shared>>
      tpu.wait_indirect_dma semaphore(%arg16 : memref<!tpu.dma_semaphore, #tpu.memory_space<semaphore_mem>>) src(%dma_wait3A_893 : memref<128x16xf32, #tpu.memory_space<vmem>>) dst(%dma_wait3A_899 : memref<50176x16xf32, #tpu.memory_space<vmem_shared>>)
      %dma_wait3A_900 = arith.constant 0 : i32
      %dma_wait3A_901 = arith.constant 2 : i32
      %dma_wait3A_902 = arith.constant 256 : i32
      %dma_wait3A_903 = arith.constant 0 : i32
      %dma_wait3A_904 = tpu.memref_slice %arg12[%dma_wait3A_902, %dma_wait3A_903] : memref<1024x16xf32, #tpu.memory_space<vmem>> -> memref<128x16xf32, #tpu.memory_space<vmem>>
      %dma_wait3A_905 = arith.constant 0 : i32
      %dma_wait3A_906 = tpu.memref_slice %arg11[%dma_wait3A_900, %dma_wait3A_901, %dma_wait3A_905] : memref<2x8x128xi32, #tpu.memory_space<vmem>> -> memref<1x1x128xi32, #tpu.memory_space<vmem>>
      %dma_wait3A_907 = tpu.memref_squeeze %dma_wait3A_906 : memref<1x1x128xi32, #tpu.memory_space<vmem>> -> memref<128xi32, #tpu.memory_space<vmem>>
      %dma_wait3A_908 = arith.constant 0 : i32
      %dma_wait3A_909 = arith.constant 0 : i32
      %dma_wait3A_910 = tpu.memref_slice %arg9[%dma_wait3A_908, %dma_wait3A_909] : memref<50176x16xf32, #tpu.memory_space<vmem_shared>> -> memref<50176x16xf32, #tpu.memory_space<vmem_shared>>
      tpu.wait_indirect_dma semaphore(%arg16 : memref<!tpu.dma_semaphore, #tpu.memory_space<semaphore_mem>>) src(%dma_wait3A_904 : memref<128x16xf32, #tpu.memory_space<vmem>>) dst(%dma_wait3A_910 : memref<50176x16xf32, #tpu.memory_space<vmem_shared>>)
      %dma_wait3A_911 = arith.constant 0 : i32
      %dma_wait3A_912 = arith.constant 3 : i32
      %dma_wait3A_913 = arith.constant 384 : i32
      %dma_wait3A_914 = arith.constant 0 : i32
      %dma_wait3A_915 = tpu.memref_slice %arg12[%dma_wait3A_913, %dma_wait3A_914] : memref<1024x16xf32, #tpu.memory_space<vmem>> -> memref<128x16xf32, #tpu.memory_space<vmem>>
      %dma_wait3A_916 = arith.constant 0 : i32
      %dma_wait3A_917 = tpu.memref_slice %arg11[%dma_wait3A_911, %dma_wait3A_912, %dma_wait3A_916] : memref<2x8x128xi32, #tpu.memory_space<vmem>> -> memref<1x1x128xi32, #tpu.memory_space<vmem>>
      %dma_wait3A_918 = tpu.memref_squeeze %dma_wait3A_917 : memref<1x1x128xi32, #tpu.memory_space<vmem>> -> memref<128xi32, #tpu.memory_space<vmem>>
      %dma_wait3A_919 = arith.constant 0 : i32
      %dma_wait3A_920 = arith.constant 0 : i32
      %dma_wait3A_921 = tpu.memref_slice %arg9[%dma_wait3A_919, %dma_wait3A_920] : memref<50176x16xf32, #tpu.memory_space<vmem_shared>> -> memref<50176x16xf32, #tpu.memory_space<vmem_shared>>
      tpu.wait_indirect_dma semaphore(%arg16 : memref<!tpu.dma_semaphore, #tpu.memory_space<semaphore_mem>>) src(%dma_wait3A_915 : memref<128x16xf32, #tpu.memory_space<vmem>>) dst(%dma_wait3A_921 : memref<50176x16xf32, #tpu.memory_space<vmem_shared>>)
      %dma_wait3A_922 = arith.constant 0 : i32
      %dma_wait3A_923 = arith.constant 4 : i32
      %dma_wait3A_924 = arith.constant 512 : i32
      %dma_wait3A_925 = arith.constant 0 : i32
      %dma_wait3A_926 = tpu.memref_slice %arg12[%dma_wait3A_924, %dma_wait3A_925] : memref<1024x16xf32, #tpu.memory_space<vmem>> -> memref<128x16xf32, #tpu.memory_space<vmem>>
      %dma_wait3A_927 = arith.constant 0 : i32
      %dma_wait3A_928 = tpu.memref_slice %arg11[%dma_wait3A_922, %dma_wait3A_923, %dma_wait3A_927] : memref<2x8x128xi32, #tpu.memory_space<vmem>> -> memref<1x1x128xi32, #tpu.memory_space<vmem>>
      %dma_wait3A_929 = tpu.memref_squeeze %dma_wait3A_928 : memref<1x1x128xi32, #tpu.memory_space<vmem>> -> memref<128xi32, #tpu.memory_space<vmem>>
      %dma_wait3A_930 = arith.constant 0 : i32
      %dma_wait3A_931 = arith.constant 0 : i32
      %dma_wait3A_932 = tpu.memref_slice %arg9[%dma_wait3A_930, %dma_wait3A_931] : memref<50176x16xf32, #tpu.memory_space<vmem_shared>> -> memref<50176x16xf32, #tpu.memory_space<vmem_shared>>
      tpu.wait_indirect_dma semaphore(%arg16 : memref<!tpu.dma_semaphore, #tpu.memory_space<semaphore_mem>>) src(%dma_wait3A_926 : memref<128x16xf32, #tpu.memory_space<vmem>>) dst(%dma_wait3A_932 : memref<50176x16xf32, #tpu.memory_space<vmem_shared>>)
      %dma_wait3A_933 = arith.constant 0 : i32
      %dma_wait3A_934 = arith.constant 5 : i32
      %dma_wait3A_935 = arith.constant 640 : i32
      %dma_wait3A_936 = arith.constant 0 : i32
      %dma_wait3A_937 = tpu.memref_slice %arg12[%dma_wait3A_935, %dma_wait3A_936] : memref<1024x16xf32, #tpu.memory_space<vmem>> -> memref<128x16xf32, #tpu.memory_space<vmem>>
      %dma_wait3A_938 = arith.constant 0 : i32
      %dma_wait3A_939 = tpu.memref_slice %arg11[%dma_wait3A_933, %dma_wait3A_934, %dma_wait3A_938] : memref<2x8x128xi32, #tpu.memory_space<vmem>> -> memref<1x1x128xi32, #tpu.memory_space<vmem>>
      %dma_wait3A_940 = tpu.memref_squeeze %dma_wait3A_939 : memref<1x1x128xi32, #tpu.memory_space<vmem>> -> memref<128xi32, #tpu.memory_space<vmem>>
      %dma_wait3A_941 = arith.constant 0 : i32
      %dma_wait3A_942 = arith.constant 0 : i32
      %dma_wait3A_943 = tpu.memref_slice %arg9[%dma_wait3A_941, %dma_wait3A_942] : memref<50176x16xf32, #tpu.memory_space<vmem_shared>> -> memref<50176x16xf32, #tpu.memory_space<vmem_shared>>
      tpu.wait_indirect_dma semaphore(%arg16 : memref<!tpu.dma_semaphore, #tpu.memory_space<semaphore_mem>>) src(%dma_wait3A_937 : memref<128x16xf32, #tpu.memory_space<vmem>>) dst(%dma_wait3A_943 : memref<50176x16xf32, #tpu.memory_space<vmem_shared>>)
      %dma_wait3A_944 = arith.constant 0 : i32
      %dma_wait3A_945 = arith.constant 6 : i32
      %dma_wait3A_946 = arith.constant 768 : i32
      %dma_wait3A_947 = arith.constant 0 : i32
      %dma_wait3A_948 = tpu.memref_slice %arg12[%dma_wait3A_946, %dma_wait3A_947] : memref<1024x16xf32, #tpu.memory_space<vmem>> -> memref<128x16xf32, #tpu.memory_space<vmem>>
      %dma_wait3A_949 = arith.constant 0 : i32
      %dma_wait3A_950 = tpu.memref_slice %arg11[%dma_wait3A_944, %dma_wait3A_945, %dma_wait3A_949] : memref<2x8x128xi32, #tpu.memory_space<vmem>> -> memref<1x1x128xi32, #tpu.memory_space<vmem>>
      %dma_wait3A_951 = tpu.memref_squeeze %dma_wait3A_950 : memref<1x1x128xi32, #tpu.memory_space<vmem>> -> memref<128xi32, #tpu.memory_space<vmem>>
      %dma_wait3A_952 = arith.constant 0 : i32
      %dma_wait3A_953 = arith.constant 0 : i32
      %dma_wait3A_954 = tpu.memref_slice %arg9[%dma_wait3A_952, %dma_wait3A_953] : memref<50176x16xf32, #tpu.memory_space<vmem_shared>> -> memref<50176x16xf32, #tpu.memory_space<vmem_shared>>
      tpu.wait_indirect_dma semaphore(%arg16 : memref<!tpu.dma_semaphore, #tpu.memory_space<semaphore_mem>>) src(%dma_wait3A_948 : memref<128x16xf32, #tpu.memory_space<vmem>>) dst(%dma_wait3A_954 : memref<50176x16xf32, #tpu.memory_space<vmem_shared>>)
      %dma_wait3A_955 = arith.constant 0 : i32
      %dma_wait3A_956 = arith.constant 7 : i32
      %dma_wait3A_957 = arith.constant 896 : i32
      %dma_wait3A_958 = arith.constant 0 : i32
      %dma_wait3A_959 = tpu.memref_slice %arg12[%dma_wait3A_957, %dma_wait3A_958] : memref<1024x16xf32, #tpu.memory_space<vmem>> -> memref<128x16xf32, #tpu.memory_space<vmem>>
      %dma_wait3A_960 = arith.constant 0 : i32
      %dma_wait3A_961 = tpu.memref_slice %arg11[%dma_wait3A_955, %dma_wait3A_956, %dma_wait3A_960] : memref<2x8x128xi32, #tpu.memory_space<vmem>> -> memref<1x1x128xi32, #tpu.memory_space<vmem>>
      %dma_wait3A_962 = tpu.memref_squeeze %dma_wait3A_961 : memref<1x1x128xi32, #tpu.memory_space<vmem>> -> memref<128xi32, #tpu.memory_space<vmem>>
      %dma_wait3A_963 = arith.constant 0 : i32
      %dma_wait3A_964 = arith.constant 0 : i32
      %dma_wait3A_965 = tpu.memref_slice %arg9[%dma_wait3A_963, %dma_wait3A_964] : memref<50176x16xf32, #tpu.memory_space<vmem_shared>> -> memref<50176x16xf32, #tpu.memory_space<vmem_shared>>
      tpu.wait_indirect_dma semaphore(%arg16 : memref<!tpu.dma_semaphore, #tpu.memory_space<semaphore_mem>>) src(%dma_wait3A_959 : memref<128x16xf32, #tpu.memory_space<vmem>>) dst(%dma_wait3A_965 : memref<50176x16xf32, #tpu.memory_space<vmem_shared>>)
      %add3A_966 = arith.constant 1 : i32
      %add3A_967 = arith.addi %mul3A_521, %add3A_966 : i32
      %mul3A_968 = arith.constant 8 : i32
      %mul3A_969 = arith.muli %add3A_967, %mul3A_968 : i32
      %add3A_970 = arith.addi %mul3A_15, %mul3A_969 : i32
      %add3A_971 = arith.constant 2 : i32
      %add3A_972 = arith.addi %mul3A_521, %add3A_971 : i32
      %jit3A = arith.constant 49 : i32
      %eq3A = arith.constant 0 : i32
      %eq3A_973 = arith.cmpi eq, %jit3A, %eq3A : i32
      %jit3A_974 = arith.constant 1 : i32
      %select_n3A = arith.select %eq3A_973, %jit3A_974, %jit3A : i32
      %rem3A = arith.remsi %add3A_972, %select_n3A : i32
      %ne3A = arith.constant 0 : i32
      %ne3A_975 = arith.cmpi ne, %rem3A, %ne3A : i32
      %lt3A = arith.constant 0 : i32
      %lt3A_976 = arith.cmpi slt, %rem3A, %lt3A : i32
      %lt3A_977 = arith.constant 0 : i32
      %lt3A_978 = arith.cmpi slt, %select_n3A, %lt3A_977 : i32
      %ne3A_979 = arith.xori %lt3A_976, %lt3A_978 : i1
      %and3A = arith.andi %ne3A_979, %ne3A_975 : i1
      %add3A_980 = arith.addi %rem3A, %select_n3A : i32
      %select_n3A_981 = arith.select %and3A, %add3A_980, %rem3A : i32
      %mul3A_982 = arith.constant 8 : i32
      %mul3A_983 = arith.muli %select_n3A_981, %mul3A_982 : i32
      %add3A_984 = arith.addi %mul3A_15, %mul3A_983 : i32
      %dma_wait3A_985 = arith.constant 1 : i32
      %dma_wait3A_986 = arith.constant 0 : i32
      %dma_wait3A_987 = arith.constant 0 : i32
      %dma_wait3A_988 = tpu.memref_slice %arg10[%dma_wait3A_985, %dma_wait3A_986, %dma_wait3A_987] : memref<2x8x128xi32, #tpu.memory_space<vmem>> -> memref<1x8x128xi32, #tpu.memory_space<vmem>>
      %dma_wait3A_989 = tpu.memref_squeeze %dma_wait3A_988 : memref<1x8x128xi32, #tpu.memory_space<vmem>> -> memref<8x128xi32, #tpu.memory_space<vmem>>
      %dma_wait3A_990 = arith.constant 0 : i32
      %dma_wait3A_991 = tpu.memref_slice %arg3[%mul3A_15, %dma_wait3A_990] : memref<6272x128xi32, #tpu.memory_space<hbm>> -> memref<8x128xi32, #tpu.memory_space<hbm>>
      %dma_wait3A_992 = arith.constant 0 : i32
      %dma_wait3A_993 = arith.constant 0 : i32
      %dma_wait3A_994 = tpu.memref_slice %arg10[%dma_wait3A_985, %dma_wait3A_992, %dma_wait3A_993] : memref<2x8x128xi32, #tpu.memory_space<vmem>> -> memref<1x8x128xi32, #tpu.memory_space<vmem>>
      %dma_wait3A_995 = tpu.memref_squeeze %dma_wait3A_994 : memref<1x8x128xi32, #tpu.memory_space<vmem>> -> memref<8x128xi32, #tpu.memory_space<vmem>>
      %dma_wait3A_996 = arith.constant 0 : i32
      %dma_wait3A_997 = tpu.memref_slice %arg3[%mul3A_15, %dma_wait3A_996] : memref<6272x128xi32, #tpu.memory_space<hbm>> -> memref<8x128xi32, #tpu.memory_space<hbm>>
      tpu.wait_dma2 semaphore(%arg15 : memref<!tpu.dma_semaphore, #tpu.memory_space<semaphore_mem>>) src(%dma_wait3A_997 : memref<8x128xi32, #tpu.memory_space<hbm>>) dst(%dma_wait3A_995 : memref<8x128xi32, #tpu.memory_space<vmem>>)
      %dma_wait3A_998 = arith.constant 1 : i32
      %dma_wait3A_999 = arith.constant 0 : i32
      %dma_wait3A_1000 = arith.constant 0 : i32
      %dma_wait3A_1001 = tpu.memref_slice %arg11[%dma_wait3A_998, %dma_wait3A_999, %dma_wait3A_1000] : memref<2x8x128xi32, #tpu.memory_space<vmem>> -> memref<1x8x128xi32, #tpu.memory_space<vmem>>
      %dma_wait3A_1002 = tpu.memref_squeeze %dma_wait3A_1001 : memref<1x8x128xi32, #tpu.memory_space<vmem>> -> memref<8x128xi32, #tpu.memory_space<vmem>>
      %dma_wait3A_1003 = arith.constant 0 : i32
      %dma_wait3A_1004 = tpu.memref_slice %arg4[%mul3A_15, %dma_wait3A_1003] : memref<6272x128xi32, #tpu.memory_space<hbm>> -> memref<8x128xi32, #tpu.memory_space<hbm>>
      %dma_wait3A_1005 = arith.constant 0 : i32
      %dma_wait3A_1006 = arith.constant 0 : i32
      %dma_wait3A_1007 = tpu.memref_slice %arg11[%dma_wait3A_998, %dma_wait3A_1005, %dma_wait3A_1006] : memref<2x8x128xi32, #tpu.memory_space<vmem>> -> memref<1x8x128xi32, #tpu.memory_space<vmem>>
      %dma_wait3A_1008 = tpu.memref_squeeze %dma_wait3A_1007 : memref<1x8x128xi32, #tpu.memory_space<vmem>> -> memref<8x128xi32, #tpu.memory_space<vmem>>
      %dma_wait3A_1009 = arith.constant 0 : i32
      %dma_wait3A_1010 = tpu.memref_slice %arg4[%mul3A_15, %dma_wait3A_1009] : memref<6272x128xi32, #tpu.memory_space<hbm>> -> memref<8x128xi32, #tpu.memory_space<hbm>>
      tpu.wait_dma2 semaphore(%arg15 : memref<!tpu.dma_semaphore, #tpu.memory_space<semaphore_mem>>) src(%dma_wait3A_1010 : memref<8x128xi32, #tpu.memory_space<hbm>>) dst(%dma_wait3A_1008 : memref<8x128xi32, #tpu.memory_space<vmem>>)
      %dma_start3A_1011 = arith.constant 1 : i32
      %dma_start3A_1012 = arith.constant 0 : i32
      %dma_start3A_1013 = arith.constant 0 : i32
      %dma_start3A_1014 = arith.constant 0 : i32
      %dma_start3A_1015 = tpu.memref_slice %arg12[%dma_start3A_1013, %dma_start3A_1014] : memref<1024x16xf32, #tpu.memory_space<vmem>> -> memref<128x16xf32, #tpu.memory_space<vmem>>
      %dma_start3A_1016 = arith.constant 0 : i32
      %dma_start3A_1017 = tpu.memref_slice %arg10[%dma_start3A_1011, %dma_start3A_1012, %dma_start3A_1016] : memref<2x8x128xi32, #tpu.memory_space<vmem>> -> memref<1x1x128xi32, #tpu.memory_space<vmem>>
      %dma_start3A_1018 = tpu.memref_squeeze %dma_start3A_1017 : memref<1x1x128xi32, #tpu.memory_space<vmem>> -> memref<128xi32, #tpu.memory_space<vmem>>
      %dma_start3A_1019 = arith.constant 0 : i32
      %dma_start3A_1020 = tpu.memref_slice %arg2[%arg0, %dma_start3A_1019] : memref<401408x16xf32, #tpu.memory_space<hbm>> -> memref<401400x16xf32, #tpu.memory_space<hbm>>
      %dma_start3A_1021 = arith.constant 0 : i32
      %dma_start3A_1022 = arith.constant 0 : i32
      %dma_start3A_1023 = tpu.memref_slice %dma_start3A_1020[%dma_start3A_1021, %dma_start3A_1022] : memref<401400x16xf32, #tpu.memory_space<hbm>> -> memref<401400x16xf32, #tpu.memory_space<hbm>>
      tpu.enqueue_indirect_dma source(%dma_start3A_1023 : memref<401400x16xf32, #tpu.memory_space<hbm>>) target(%dma_start3A_1015 : memref<128x16xf32, #tpu.memory_space<vmem>>) offsets(%dma_start3A_1018 : memref<128xi32, #tpu.memory_space<vmem>>) semaphore(%arg17 : memref<!tpu.dma_semaphore, #tpu.memory_space<semaphore_mem>>)
      %dma_start3A_1024 = arith.constant 1 : i32
      %dma_start3A_1025 = arith.constant 1 : i32
      %dma_start3A_1026 = arith.constant 128 : i32
      %dma_start3A_1027 = arith.constant 0 : i32
      %dma_start3A_1028 = tpu.memref_slice %arg12[%dma_start3A_1026, %dma_start3A_1027] : memref<1024x16xf32, #tpu.memory_space<vmem>> -> memref<128x16xf32, #tpu.memory_space<vmem>>
      %dma_start3A_1029 = arith.constant 0 : i32
      %dma_start3A_1030 = tpu.memref_slice %arg10[%dma_start3A_1024, %dma_start3A_1025, %dma_start3A_1029] : memref<2x8x128xi32, #tpu.memory_space<vmem>> -> memref<1x1x128xi32, #tpu.memory_space<vmem>>
      %dma_start3A_1031 = tpu.memref_squeeze %dma_start3A_1030 : memref<1x1x128xi32, #tpu.memory_space<vmem>> -> memref<128xi32, #tpu.memory_space<vmem>>
      %dma_start3A_1032 = arith.constant 0 : i32
      %dma_start3A_1033 = tpu.memref_slice %arg2[%arg0, %dma_start3A_1032] : memref<401408x16xf32, #tpu.memory_space<hbm>> -> memref<401400x16xf32, #tpu.memory_space<hbm>>
      %dma_start3A_1034 = arith.constant 0 : i32
      %dma_start3A_1035 = arith.constant 0 : i32
      %dma_start3A_1036 = tpu.memref_slice %dma_start3A_1033[%dma_start3A_1034, %dma_start3A_1035] : memref<401400x16xf32, #tpu.memory_space<hbm>> -> memref<401400x16xf32, #tpu.memory_space<hbm>>
      tpu.enqueue_indirect_dma source(%dma_start3A_1036 : memref<401400x16xf32, #tpu.memory_space<hbm>>) target(%dma_start3A_1028 : memref<128x16xf32, #tpu.memory_space<vmem>>) offsets(%dma_start3A_1031 : memref<128xi32, #tpu.memory_space<vmem>>) semaphore(%arg18 : memref<!tpu.dma_semaphore, #tpu.memory_space<semaphore_mem>>)
      %dma_start3A_1037 = arith.constant 1 : i32
      %dma_start3A_1038 = arith.constant 2 : i32
      %dma_start3A_1039 = arith.constant 256 : i32
      %dma_start3A_1040 = arith.constant 0 : i32
      %dma_start3A_1041 = tpu.memref_slice %arg12[%dma_start3A_1039, %dma_start3A_1040] : memref<1024x16xf32, #tpu.memory_space<vmem>> -> memref<128x16xf32, #tpu.memory_space<vmem>>
      %dma_start3A_1042 = arith.constant 0 : i32
      %dma_start3A_1043 = tpu.memref_slice %arg10[%dma_start3A_1037, %dma_start3A_1038, %dma_start3A_1042] : memref<2x8x128xi32, #tpu.memory_space<vmem>> -> memref<1x1x128xi32, #tpu.memory_space<vmem>>
      %dma_start3A_1044 = tpu.memref_squeeze %dma_start3A_1043 : memref<1x1x128xi32, #tpu.memory_space<vmem>> -> memref<128xi32, #tpu.memory_space<vmem>>
      %dma_start3A_1045 = arith.constant 0 : i32
      %dma_start3A_1046 = tpu.memref_slice %arg2[%arg0, %dma_start3A_1045] : memref<401408x16xf32, #tpu.memory_space<hbm>> -> memref<401400x16xf32, #tpu.memory_space<hbm>>
      %dma_start3A_1047 = arith.constant 0 : i32
      %dma_start3A_1048 = arith.constant 0 : i32
      %dma_start3A_1049 = tpu.memref_slice %dma_start3A_1046[%dma_start3A_1047, %dma_start3A_1048] : memref<401400x16xf32, #tpu.memory_space<hbm>> -> memref<401400x16xf32, #tpu.memory_space<hbm>>
      tpu.enqueue_indirect_dma source(%dma_start3A_1049 : memref<401400x16xf32, #tpu.memory_space<hbm>>) target(%dma_start3A_1041 : memref<128x16xf32, #tpu.memory_space<vmem>>) offsets(%dma_start3A_1044 : memref<128xi32, #tpu.memory_space<vmem>>) semaphore(%arg19 : memref<!tpu.dma_semaphore, #tpu.memory_space<semaphore_mem>>)
      %dma_start3A_1050 = arith.constant 1 : i32
      %dma_start3A_1051 = arith.constant 3 : i32
      %dma_start3A_1052 = arith.constant 384 : i32
      %dma_start3A_1053 = arith.constant 0 : i32
      %dma_start3A_1054 = tpu.memref_slice %arg12[%dma_start3A_1052, %dma_start3A_1053] : memref<1024x16xf32, #tpu.memory_space<vmem>> -> memref<128x16xf32, #tpu.memory_space<vmem>>
      %dma_start3A_1055 = arith.constant 0 : i32
      %dma_start3A_1056 = tpu.memref_slice %arg10[%dma_start3A_1050, %dma_start3A_1051, %dma_start3A_1055] : memref<2x8x128xi32, #tpu.memory_space<vmem>> -> memref<1x1x128xi32, #tpu.memory_space<vmem>>
      %dma_start3A_1057 = tpu.memref_squeeze %dma_start3A_1056 : memref<1x1x128xi32, #tpu.memory_space<vmem>> -> memref<128xi32, #tpu.memory_space<vmem>>
      %dma_start3A_1058 = arith.constant 0 : i32
      %dma_start3A_1059 = tpu.memref_slice %arg2[%arg0, %dma_start3A_1058] : memref<401408x16xf32, #tpu.memory_space<hbm>> -> memref<401400x16xf32, #tpu.memory_space<hbm>>
      %dma_start3A_1060 = arith.constant 0 : i32
      %dma_start3A_1061 = arith.constant 0 : i32
      %dma_start3A_1062 = tpu.memref_slice %dma_start3A_1059[%dma_start3A_1060, %dma_start3A_1061] : memref<401400x16xf32, #tpu.memory_space<hbm>> -> memref<401400x16xf32, #tpu.memory_space<hbm>>
      tpu.enqueue_indirect_dma source(%dma_start3A_1062 : memref<401400x16xf32, #tpu.memory_space<hbm>>) target(%dma_start3A_1054 : memref<128x16xf32, #tpu.memory_space<vmem>>) offsets(%dma_start3A_1057 : memref<128xi32, #tpu.memory_space<vmem>>) semaphore(%arg20 : memref<!tpu.dma_semaphore, #tpu.memory_space<semaphore_mem>>)
      %dma_start3A_1063 = arith.constant 1 : i32
      %dma_start3A_1064 = arith.constant 4 : i32
      %dma_start3A_1065 = arith.constant 512 : i32
      %dma_start3A_1066 = arith.constant 0 : i32
      %dma_start3A_1067 = tpu.memref_slice %arg12[%dma_start3A_1065, %dma_start3A_1066] : memref<1024x16xf32, #tpu.memory_space<vmem>> -> memref<128x16xf32, #tpu.memory_space<vmem>>
      %dma_start3A_1068 = arith.constant 0 : i32
      %dma_start3A_1069 = tpu.memref_slice %arg10[%dma_start3A_1063, %dma_start3A_1064, %dma_start3A_1068] : memref<2x8x128xi32, #tpu.memory_space<vmem>> -> memref<1x1x128xi32, #tpu.memory_space<vmem>>
      %dma_start3A_1070 = tpu.memref_squeeze %dma_start3A_1069 : memref<1x1x128xi32, #tpu.memory_space<vmem>> -> memref<128xi32, #tpu.memory_space<vmem>>
      %dma_start3A_1071 = arith.constant 0 : i32
      %dma_start3A_1072 = tpu.memref_slice %arg2[%arg0, %dma_start3A_1071] : memref<401408x16xf32, #tpu.memory_space<hbm>> -> memref<401400x16xf32, #tpu.memory_space<hbm>>
      %dma_start3A_1073 = arith.constant 0 : i32
      %dma_start3A_1074 = arith.constant 0 : i32
      %dma_start3A_1075 = tpu.memref_slice %dma_start3A_1072[%dma_start3A_1073, %dma_start3A_1074] : memref<401400x16xf32, #tpu.memory_space<hbm>> -> memref<401400x16xf32, #tpu.memory_space<hbm>>
      tpu.enqueue_indirect_dma source(%dma_start3A_1075 : memref<401400x16xf32, #tpu.memory_space<hbm>>) target(%dma_start3A_1067 : memref<128x16xf32, #tpu.memory_space<vmem>>) offsets(%dma_start3A_1070 : memref<128xi32, #tpu.memory_space<vmem>>) semaphore(%arg21 : memref<!tpu.dma_semaphore, #tpu.memory_space<semaphore_mem>>)
      %dma_start3A_1076 = arith.constant 1 : i32
      %dma_start3A_1077 = arith.constant 5 : i32
      %dma_start3A_1078 = arith.constant 640 : i32
      %dma_start3A_1079 = arith.constant 0 : i32
      %dma_start3A_1080 = tpu.memref_slice %arg12[%dma_start3A_1078, %dma_start3A_1079] : memref<1024x16xf32, #tpu.memory_space<vmem>> -> memref<128x16xf32, #tpu.memory_space<vmem>>
      %dma_start3A_1081 = arith.constant 0 : i32
      %dma_start3A_1082 = tpu.memref_slice %arg10[%dma_start3A_1076, %dma_start3A_1077, %dma_start3A_1081] : memref<2x8x128xi32, #tpu.memory_space<vmem>> -> memref<1x1x128xi32, #tpu.memory_space<vmem>>
      %dma_start3A_1083 = tpu.memref_squeeze %dma_start3A_1082 : memref<1x1x128xi32, #tpu.memory_space<vmem>> -> memref<128xi32, #tpu.memory_space<vmem>>
      %dma_start3A_1084 = arith.constant 0 : i32
      %dma_start3A_1085 = tpu.memref_slice %arg2[%arg0, %dma_start3A_1084] : memref<401408x16xf32, #tpu.memory_space<hbm>> -> memref<401400x16xf32, #tpu.memory_space<hbm>>
      %dma_start3A_1086 = arith.constant 0 : i32
      %dma_start3A_1087 = arith.constant 0 : i32
      %dma_start3A_1088 = tpu.memref_slice %dma_start3A_1085[%dma_start3A_1086, %dma_start3A_1087] : memref<401400x16xf32, #tpu.memory_space<hbm>> -> memref<401400x16xf32, #tpu.memory_space<hbm>>
      tpu.enqueue_indirect_dma source(%dma_start3A_1088 : memref<401400x16xf32, #tpu.memory_space<hbm>>) target(%dma_start3A_1080 : memref<128x16xf32, #tpu.memory_space<vmem>>) offsets(%dma_start3A_1083 : memref<128xi32, #tpu.memory_space<vmem>>) semaphore(%arg22 : memref<!tpu.dma_semaphore, #tpu.memory_space<semaphore_mem>>)
      %dma_start3A_1089 = arith.constant 1 : i32
      %dma_start3A_1090 = arith.constant 6 : i32
      %dma_start3A_1091 = arith.constant 768 : i32
      %dma_start3A_1092 = arith.constant 0 : i32
      %dma_start3A_1093 = tpu.memref_slice %arg12[%dma_start3A_1091, %dma_start3A_1092] : memref<1024x16xf32, #tpu.memory_space<vmem>> -> memref<128x16xf32, #tpu.memory_space<vmem>>
      %dma_start3A_1094 = arith.constant 0 : i32
      %dma_start3A_1095 = tpu.memref_slice %arg10[%dma_start3A_1089, %dma_start3A_1090, %dma_start3A_1094] : memref<2x8x128xi32, #tpu.memory_space<vmem>> -> memref<1x1x128xi32, #tpu.memory_space<vmem>>
      %dma_start3A_1096 = tpu.memref_squeeze %dma_start3A_1095 : memref<1x1x128xi32, #tpu.memory_space<vmem>> -> memref<128xi32, #tpu.memory_space<vmem>>
      %dma_start3A_1097 = arith.constant 0 : i32
      %dma_start3A_1098 = tpu.memref_slice %arg2[%arg0, %dma_start3A_1097] : memref<401408x16xf32, #tpu.memory_space<hbm>> -> memref<401400x16xf32, #tpu.memory_space<hbm>>
      %dma_start3A_1099 = arith.constant 0 : i32
      %dma_start3A_1100 = arith.constant 0 : i32
      %dma_start3A_1101 = tpu.memref_slice %dma_start3A_1098[%dma_start3A_1099, %dma_start3A_1100] : memref<401400x16xf32, #tpu.memory_space<hbm>> -> memref<401400x16xf32, #tpu.memory_space<hbm>>
      tpu.enqueue_indirect_dma source(%dma_start3A_1101 : memref<401400x16xf32, #tpu.memory_space<hbm>>) target(%dma_start3A_1093 : memref<128x16xf32, #tpu.memory_space<vmem>>) offsets(%dma_start3A_1096 : memref<128xi32, #tpu.memory_space<vmem>>) semaphore(%arg23 : memref<!tpu.dma_semaphore, #tpu.memory_space<semaphore_mem>>)
      %dma_start3A_1102 = arith.constant 1 : i32
      %dma_start3A_1103 = arith.constant 7 : i32
      %dma_start3A_1104 = arith.constant 896 : i32
      %dma_start3A_1105 = arith.constant 0 : i32
      %dma_start3A_1106 = tpu.memref_slice %arg12[%dma_start3A_1104, %dma_start3A_1105] : memref<1024x16xf32, #tpu.memory_space<vmem>> -> memref<128x16xf32, #tpu.memory_space<vmem>>
      %dma_start3A_1107 = arith.constant 0 : i32
      %dma_start3A_1108 = tpu.memref_slice %arg10[%dma_start3A_1102, %dma_start3A_1103, %dma_start3A_1107] : memref<2x8x128xi32, #tpu.memory_space<vmem>> -> memref<1x1x128xi32, #tpu.memory_space<vmem>>
      %dma_start3A_1109 = tpu.memref_squeeze %dma_start3A_1108 : memref<1x1x128xi32, #tpu.memory_space<vmem>> -> memref<128xi32, #tpu.memory_space<vmem>>
      %dma_start3A_1110 = arith.constant 0 : i32
      %dma_start3A_1111 = tpu.memref_slice %arg2[%arg0, %dma_start3A_1110] : memref<401408x16xf32, #tpu.memory_space<hbm>> -> memref<401400x16xf32, #tpu.memory_space<hbm>>
      %dma_start3A_1112 = arith.constant 0 : i32
      %dma_start3A_1113 = arith.constant 0 : i32
      %dma_start3A_1114 = tpu.memref_slice %dma_start3A_1111[%dma_start3A_1112, %dma_start3A_1113] : memref<401400x16xf32, #tpu.memory_space<hbm>> -> memref<401400x16xf32, #tpu.memory_space<hbm>>
      tpu.enqueue_indirect_dma source(%dma_start3A_1114 : memref<401400x16xf32, #tpu.memory_space<hbm>>) target(%dma_start3A_1106 : memref<128x16xf32, #tpu.memory_space<vmem>>) offsets(%dma_start3A_1109 : memref<128xi32, #tpu.memory_space<vmem>>) semaphore(%arg24 : memref<!tpu.dma_semaphore, #tpu.memory_space<semaphore_mem>>)
      %dma_start3A_1115 = arith.constant 0 : i32
      %dma_start3A_1116 = arith.constant 0 : i32
      %dma_start3A_1117 = arith.constant 0 : i32
      %dma_start3A_1118 = tpu.memref_slice %arg10[%dma_start3A_1115, %dma_start3A_1116, %dma_start3A_1117] : memref<2x8x128xi32, #tpu.memory_space<vmem>> -> memref<1x8x128xi32, #tpu.memory_space<vmem>>
      %dma_start3A_1119 = tpu.memref_squeeze %dma_start3A_1118 : memref<1x8x128xi32, #tpu.memory_space<vmem>> -> memref<8x128xi32, #tpu.memory_space<vmem>>
      %dma_start3A_1120 = arith.constant 0 : i32
      %dma_start3A_1121 = tpu.memref_slice %arg3[%add3A_984, %dma_start3A_1120] : memref<6272x128xi32, #tpu.memory_space<hbm>> -> memref<8x128xi32, #tpu.memory_space<hbm>>
      %dma_start3A_1122 = arith.constant 0 : i32
      %dma_start3A_1123 = arith.constant 0 : i32
      %dma_start3A_1124 = tpu.memref_slice %arg10[%dma_start3A_1115, %dma_start3A_1122, %dma_start3A_1123] : memref<2x8x128xi32, #tpu.memory_space<vmem>> -> memref<1x8x128xi32, #tpu.memory_space<vmem>>
      %dma_start3A_1125 = tpu.memref_squeeze %dma_start3A_1124 : memref<1x8x128xi32, #tpu.memory_space<vmem>> -> memref<8x128xi32, #tpu.memory_space<vmem>>
      %dma_start3A_1126 = arith.constant 0 : i32
      %dma_start3A_1127 = tpu.memref_slice %arg3[%add3A_984, %dma_start3A_1126] : memref<6272x128xi32, #tpu.memory_space<hbm>> -> memref<8x128xi32, #tpu.memory_space<hbm>>
      tpu.enqueue_dma source(%dma_start3A_1127 : memref<8x128xi32, #tpu.memory_space<hbm>>) target(%dma_start3A_1125 : memref<8x128xi32, #tpu.memory_space<vmem>>) target_semaphore(%arg15 : memref<!tpu.dma_semaphore, #tpu.memory_space<semaphore_mem>>)
      %dma_start3A_1128 = arith.constant 0 : i32
      %dma_start3A_1129 = arith.constant 0 : i32
      %dma_start3A_1130 = arith.constant 0 : i32
      %dma_start3A_1131 = tpu.memref_slice %arg11[%dma_start3A_1128, %dma_start3A_1129, %dma_start3A_1130] : memref<2x8x128xi32, #tpu.memory_space<vmem>> -> memref<1x8x128xi32, #tpu.memory_space<vmem>>
      %dma_start3A_1132 = tpu.memref_squeeze %dma_start3A_1131 : memref<1x8x128xi32, #tpu.memory_space<vmem>> -> memref<8x128xi32, #tpu.memory_space<vmem>>
      %dma_start3A_1133 = arith.constant 0 : i32
      %dma_start3A_1134 = tpu.memref_slice %arg4[%add3A_984, %dma_start3A_1133] : memref<6272x128xi32, #tpu.memory_space<hbm>> -> memref<8x128xi32, #tpu.memory_space<hbm>>
      %dma_start3A_1135 = arith.constant 0 : i32
      %dma_start3A_1136 = arith.constant 0 : i32
      %dma_start3A_1137 = tpu.memref_slice %arg11[%dma_start3A_1128, %dma_start3A_1135, %dma_start3A_1136] : memref<2x8x128xi32, #tpu.memory_space<vmem>> -> memref<1x8x128xi32, #tpu.memory_space<vmem>>
      %dma_start3A_1138 = tpu.memref_squeeze %dma_start3A_1137 : memref<1x8x128xi32, #tpu.memory_space<vmem>> -> memref<8x128xi32, #tpu.memory_space<vmem>>
      %dma_start3A_1139 = arith.constant 0 : i32
      %dma_start3A_1140 = tpu.memref_slice %arg4[%add3A_984, %dma_start3A_1139] : memref<6272x128xi32, #tpu.memory_space<hbm>> -> memref<8x128xi32, #tpu.memory_space<hbm>>
      tpu.enqueue_dma source(%dma_start3A_1140 : memref<8x128xi32, #tpu.memory_space<hbm>>) target(%dma_start3A_1138 : memref<8x128xi32, #tpu.memory_space<vmem>>) target_semaphore(%arg15 : memref<!tpu.dma_semaphore, #tpu.memory_space<semaphore_mem>>)
      %dma_wait3A_1141 = arith.constant 1 : i32
      %dma_wait3A_1142 = arith.constant 0 : i32
      %dma_wait3A_1143 = arith.constant 0 : i32
      %dma_wait3A_1144 = arith.constant 0 : i32
      %dma_wait3A_1145 = tpu.memref_slice %arg12[%dma_wait3A_1143, %dma_wait3A_1144] : memref<1024x16xf32, #tpu.memory_space<vmem>> -> memref<128x16xf32, #tpu.memory_space<vmem>>
      %dma_wait3A_1146 = arith.constant 0 : i32
      %dma_wait3A_1147 = tpu.memref_slice %arg10[%dma_wait3A_1141, %dma_wait3A_1142, %dma_wait3A_1146] : memref<2x8x128xi32, #tpu.memory_space<vmem>> -> memref<1x1x128xi32, #tpu.memory_space<vmem>>
      %dma_wait3A_1148 = tpu.memref_squeeze %dma_wait3A_1147 : memref<1x1x128xi32, #tpu.memory_space<vmem>> -> memref<128xi32, #tpu.memory_space<vmem>>
      %dma_wait3A_1149 = arith.constant 0 : i32
      %dma_wait3A_1150 = tpu.memref_slice %arg2[%arg0, %dma_wait3A_1149] : memref<401408x16xf32, #tpu.memory_space<hbm>> -> memref<401400x16xf32, #tpu.memory_space<hbm>>
      %dma_wait3A_1151 = arith.constant 0 : i32
      %dma_wait3A_1152 = arith.constant 0 : i32
      %dma_wait3A_1153 = tpu.memref_slice %dma_wait3A_1150[%dma_wait3A_1151, %dma_wait3A_1152] : memref<401400x16xf32, #tpu.memory_space<hbm>> -> memref<401400x16xf32, #tpu.memory_space<hbm>>
      tpu.wait_indirect_dma semaphore(%arg17 : memref<!tpu.dma_semaphore, #tpu.memory_space<semaphore_mem>>) src(%dma_wait3A_1153 : memref<401400x16xf32, #tpu.memory_space<hbm>>) dst(%dma_wait3A_1145 : memref<128x16xf32, #tpu.memory_space<vmem>>)
      %dma_start3A_1154 = arith.constant 1 : i32
      %dma_start3A_1155 = arith.constant 0 : i32
      %dma_start3A_1156 = arith.constant 0 : i32
      %dma_start3A_1157 = arith.constant 0 : i32
      %dma_start3A_1158 = tpu.memref_slice %arg12[%dma_start3A_1156, %dma_start3A_1157] : memref<1024x16xf32, #tpu.memory_space<vmem>> -> memref<128x16xf32, #tpu.memory_space<vmem>>
      %dma_start3A_1159 = arith.constant 0 : i32
      %dma_start3A_1160 = tpu.memref_slice %arg11[%dma_start3A_1154, %dma_start3A_1155, %dma_start3A_1159] : memref<2x8x128xi32, #tpu.memory_space<vmem>> -> memref<1x1x128xi32, #tpu.memory_space<vmem>>
      %dma_start3A_1161 = tpu.memref_squeeze %dma_start3A_1160 : memref<1x1x128xi32, #tpu.memory_space<vmem>> -> memref<128xi32, #tpu.memory_space<vmem>>
      %dma_start3A_1162 = arith.constant 0 : i32
      %dma_start3A_1163 = arith.constant 0 : i32
      %dma_start3A_1164 = tpu.memref_slice %arg9[%dma_start3A_1162, %dma_start3A_1163] : memref<50176x16xf32, #tpu.memory_space<vmem_shared>> -> memref<50176x16xf32, #tpu.memory_space<vmem_shared>>
      tpu.enqueue_indirect_dma source(%dma_start3A_1158 : memref<128x16xf32, #tpu.memory_space<vmem>>) target(%dma_start3A_1164 : memref<50176x16xf32, #tpu.memory_space<vmem_shared>>) offsets(%dma_start3A_1161 : memref<128xi32, #tpu.memory_space<vmem>>) semaphore(%arg16 : memref<!tpu.dma_semaphore, #tpu.memory_space<semaphore_mem>>) {add = true}
      %dma_wait3A_1165 = arith.constant 1 : i32
      %dma_wait3A_1166 = arith.constant 1 : i32
      %dma_wait3A_1167 = arith.constant 128 : i32
      %dma_wait3A_1168 = arith.constant 0 : i32
      %dma_wait3A_1169 = tpu.memref_slice %arg12[%dma_wait3A_1167, %dma_wait3A_1168] : memref<1024x16xf32, #tpu.memory_space<vmem>> -> memref<128x16xf32, #tpu.memory_space<vmem>>
      %dma_wait3A_1170 = arith.constant 0 : i32
      %dma_wait3A_1171 = tpu.memref_slice %arg10[%dma_wait3A_1165, %dma_wait3A_1166, %dma_wait3A_1170] : memref<2x8x128xi32, #tpu.memory_space<vmem>> -> memref<1x1x128xi32, #tpu.memory_space<vmem>>
      %dma_wait3A_1172 = tpu.memref_squeeze %dma_wait3A_1171 : memref<1x1x128xi32, #tpu.memory_space<vmem>> -> memref<128xi32, #tpu.memory_space<vmem>>
      %dma_wait3A_1173 = arith.constant 0 : i32
      %dma_wait3A_1174 = tpu.memref_slice %arg2[%arg0, %dma_wait3A_1173] : memref<401408x16xf32, #tpu.memory_space<hbm>> -> memref<401400x16xf32, #tpu.memory_space<hbm>>
      %dma_wait3A_1175 = arith.constant 0 : i32
      %dma_wait3A_1176 = arith.constant 0 : i32
      %dma_wait3A_1177 = tpu.memref_slice %dma_wait3A_1174[%dma_wait3A_1175, %dma_wait3A_1176] : memref<401400x16xf32, #tpu.memory_space<hbm>> -> memref<401400x16xf32, #tpu.memory_space<hbm>>
      tpu.wait_indirect_dma semaphore(%arg18 : memref<!tpu.dma_semaphore, #tpu.memory_space<semaphore_mem>>) src(%dma_wait3A_1177 : memref<401400x16xf32, #tpu.memory_space<hbm>>) dst(%dma_wait3A_1169 : memref<128x16xf32, #tpu.memory_space<vmem>>)
      %dma_start3A_1178 = arith.constant 1 : i32
      %dma_start3A_1179 = arith.constant 1 : i32
      %dma_start3A_1180 = arith.constant 128 : i32
      %dma_start3A_1181 = arith.constant 0 : i32
      %dma_start3A_1182 = tpu.memref_slice %arg12[%dma_start3A_1180, %dma_start3A_1181] : memref<1024x16xf32, #tpu.memory_space<vmem>> -> memref<128x16xf32, #tpu.memory_space<vmem>>
      %dma_start3A_1183 = arith.constant 0 : i32
      %dma_start3A_1184 = tpu.memref_slice %arg11[%dma_start3A_1178, %dma_start3A_1179, %dma_start3A_1183] : memref<2x8x128xi32, #tpu.memory_space<vmem>> -> memref<1x1x128xi32, #tpu.memory_space<vmem>>
      %dma_start3A_1185 = tpu.memref_squeeze %dma_start3A_1184 : memref<1x1x128xi32, #tpu.memory_space<vmem>> -> memref<128xi32, #tpu.memory_space<vmem>>
      %dma_start3A_1186 = arith.constant 0 : i32
      %dma_start3A_1187 = arith.constant 0 : i32
      %dma_start3A_1188 = tpu.memref_slice %arg9[%dma_start3A_1186, %dma_start3A_1187] : memref<50176x16xf32, #tpu.memory_space<vmem_shared>> -> memref<50176x16xf32, #tpu.memory_space<vmem_shared>>
      tpu.enqueue_indirect_dma source(%dma_start3A_1182 : memref<128x16xf32, #tpu.memory_space<vmem>>) target(%dma_start3A_1188 : memref<50176x16xf32, #tpu.memory_space<vmem_shared>>) offsets(%dma_start3A_1185 : memref<128xi32, #tpu.memory_space<vmem>>) semaphore(%arg16 : memref<!tpu.dma_semaphore, #tpu.memory_space<semaphore_mem>>) {add = true}
      %dma_wait3A_1189 = arith.constant 1 : i32
      %dma_wait3A_1190 = arith.constant 2 : i32
      %dma_wait3A_1191 = arith.constant 256 : i32
      %dma_wait3A_1192 = arith.constant 0 : i32
      %dma_wait3A_1193 = tpu.memref_slice %arg12[%dma_wait3A_1191, %dma_wait3A_1192] : memref<1024x16xf32, #tpu.memory_space<vmem>> -> memref<128x16xf32, #tpu.memory_space<vmem>>
      %dma_wait3A_1194 = arith.constant 0 : i32
      %dma_wait3A_1195 = tpu.memref_slice %arg10[%dma_wait3A_1189, %dma_wait3A_1190, %dma_wait3A_1194] : memref<2x8x128xi32, #tpu.memory_space<vmem>> -> memref<1x1x128xi32, #tpu.memory_space<vmem>>
      %dma_wait3A_1196 = tpu.memref_squeeze %dma_wait3A_1195 : memref<1x1x128xi32, #tpu.memory_space<vmem>> -> memref<128xi32, #tpu.memory_space<vmem>>
      %dma_wait3A_1197 = arith.constant 0 : i32
      %dma_wait3A_1198 = tpu.memref_slice %arg2[%arg0, %dma_wait3A_1197] : memref<401408x16xf32, #tpu.memory_space<hbm>> -> memref<401400x16xf32, #tpu.memory_space<hbm>>
      %dma_wait3A_1199 = arith.constant 0 : i32
      %dma_wait3A_1200 = arith.constant 0 : i32
      %dma_wait3A_1201 = tpu.memref_slice %dma_wait3A_1198[%dma_wait3A_1199, %dma_wait3A_1200] : memref<401400x16xf32, #tpu.memory_space<hbm>> -> memref<401400x16xf32, #tpu.memory_space<hbm>>
      tpu.wait_indirect_dma semaphore(%arg19 : memref<!tpu.dma_semaphore, #tpu.memory_space<semaphore_mem>>) src(%dma_wait3A_1201 : memref<401400x16xf32, #tpu.memory_space<hbm>>) dst(%dma_wait3A_1193 : memref<128x16xf32, #tpu.memory_space<vmem>>)
      %dma_start3A_1202 = arith.constant 1 : i32
      %dma_start3A_1203 = arith.constant 2 : i32
      %dma_start3A_1204 = arith.constant 256 : i32
      %dma_start3A_1205 = arith.constant 0 : i32
      %dma_start3A_1206 = tpu.memref_slice %arg12[%dma_start3A_1204, %dma_start3A_1205] : memref<1024x16xf32, #tpu.memory_space<vmem>> -> memref<128x16xf32, #tpu.memory_space<vmem>>
      %dma_start3A_1207 = arith.constant 0 : i32
      %dma_start3A_1208 = tpu.memref_slice %arg11[%dma_start3A_1202, %dma_start3A_1203, %dma_start3A_1207] : memref<2x8x128xi32, #tpu.memory_space<vmem>> -> memref<1x1x128xi32, #tpu.memory_space<vmem>>
      %dma_start3A_1209 = tpu.memref_squeeze %dma_start3A_1208 : memref<1x1x128xi32, #tpu.memory_space<vmem>> -> memref<128xi32, #tpu.memory_space<vmem>>
      %dma_start3A_1210 = arith.constant 0 : i32
      %dma_start3A_1211 = arith.constant 0 : i32
      %dma_start3A_1212 = tpu.memref_slice %arg9[%dma_start3A_1210, %dma_start3A_1211] : memref<50176x16xf32, #tpu.memory_space<vmem_shared>> -> memref<50176x16xf32, #tpu.memory_space<vmem_shared>>
      tpu.enqueue_indirect_dma source(%dma_start3A_1206 : memref<128x16xf32, #tpu.memory_space<vmem>>) target(%dma_start3A_1212 : memref<50176x16xf32, #tpu.memory_space<vmem_shared>>) offsets(%dma_start3A_1209 : memref<128xi32, #tpu.memory_space<vmem>>) semaphore(%arg16 : memref<!tpu.dma_semaphore, #tpu.memory_space<semaphore_mem>>) {add = true}
      %dma_wait3A_1213 = arith.constant 1 : i32
      %dma_wait3A_1214 = arith.constant 3 : i32
      %dma_wait3A_1215 = arith.constant 384 : i32
      %dma_wait3A_1216 = arith.constant 0 : i32
      %dma_wait3A_1217 = tpu.memref_slice %arg12[%dma_wait3A_1215, %dma_wait3A_1216] : memref<1024x16xf32, #tpu.memory_space<vmem>> -> memref<128x16xf32, #tpu.memory_space<vmem>>
      %dma_wait3A_1218 = arith.constant 0 : i32
      %dma_wait3A_1219 = tpu.memref_slice %arg10[%dma_wait3A_1213, %dma_wait3A_1214, %dma_wait3A_1218] : memref<2x8x128xi32, #tpu.memory_space<vmem>> -> memref<1x1x128xi32, #tpu.memory_space<vmem>>
      %dma_wait3A_1220 = tpu.memref_squeeze %dma_wait3A_1219 : memref<1x1x128xi32, #tpu.memory_space<vmem>> -> memref<128xi32, #tpu.memory_space<vmem>>
      %dma_wait3A_1221 = arith.constant 0 : i32
      %dma_wait3A_1222 = tpu.memref_slice %arg2[%arg0, %dma_wait3A_1221] : memref<401408x16xf32, #tpu.memory_space<hbm>> -> memref<401400x16xf32, #tpu.memory_space<hbm>>
      %dma_wait3A_1223 = arith.constant 0 : i32
      %dma_wait3A_1224 = arith.constant 0 : i32
      %dma_wait3A_1225 = tpu.memref_slice %dma_wait3A_1222[%dma_wait3A_1223, %dma_wait3A_1224] : memref<401400x16xf32, #tpu.memory_space<hbm>> -> memref<401400x16xf32, #tpu.memory_space<hbm>>
      tpu.wait_indirect_dma semaphore(%arg20 : memref<!tpu.dma_semaphore, #tpu.memory_space<semaphore_mem>>) src(%dma_wait3A_1225 : memref<401400x16xf32, #tpu.memory_space<hbm>>) dst(%dma_wait3A_1217 : memref<128x16xf32, #tpu.memory_space<vmem>>)
      %dma_start3A_1226 = arith.constant 1 : i32
      %dma_start3A_1227 = arith.constant 3 : i32
      %dma_start3A_1228 = arith.constant 384 : i32
      %dma_start3A_1229 = arith.constant 0 : i32
      %dma_start3A_1230 = tpu.memref_slice %arg12[%dma_start3A_1228, %dma_start3A_1229] : memref<1024x16xf32, #tpu.memory_space<vmem>> -> memref<128x16xf32, #tpu.memory_space<vmem>>
      %dma_start3A_1231 = arith.constant 0 : i32
      %dma_start3A_1232 = tpu.memref_slice %arg11[%dma_start3A_1226, %dma_start3A_1227, %dma_start3A_1231] : memref<2x8x128xi32, #tpu.memory_space<vmem>> -> memref<1x1x128xi32, #tpu.memory_space<vmem>>
      %dma_start3A_1233 = tpu.memref_squeeze %dma_start3A_1232 : memref<1x1x128xi32, #tpu.memory_space<vmem>> -> memref<128xi32, #tpu.memory_space<vmem>>
      %dma_start3A_1234 = arith.constant 0 : i32
      %dma_start3A_1235 = arith.constant 0 : i32
      %dma_start3A_1236 = tpu.memref_slice %arg9[%dma_start3A_1234, %dma_start3A_1235] : memref<50176x16xf32, #tpu.memory_space<vmem_shared>> -> memref<50176x16xf32, #tpu.memory_space<vmem_shared>>
      tpu.enqueue_indirect_dma source(%dma_start3A_1230 : memref<128x16xf32, #tpu.memory_space<vmem>>) target(%dma_start3A_1236 : memref<50176x16xf32, #tpu.memory_space<vmem_shared>>) offsets(%dma_start3A_1233 : memref<128xi32, #tpu.memory_space<vmem>>) semaphore(%arg16 : memref<!tpu.dma_semaphore, #tpu.memory_space<semaphore_mem>>) {add = true}
      %dma_wait3A_1237 = arith.constant 1 : i32
      %dma_wait3A_1238 = arith.constant 4 : i32
      %dma_wait3A_1239 = arith.constant 512 : i32
      %dma_wait3A_1240 = arith.constant 0 : i32
      %dma_wait3A_1241 = tpu.memref_slice %arg12[%dma_wait3A_1239, %dma_wait3A_1240] : memref<1024x16xf32, #tpu.memory_space<vmem>> -> memref<128x16xf32, #tpu.memory_space<vmem>>
      %dma_wait3A_1242 = arith.constant 0 : i32
      %dma_wait3A_1243 = tpu.memref_slice %arg10[%dma_wait3A_1237, %dma_wait3A_1238, %dma_wait3A_1242] : memref<2x8x128xi32, #tpu.memory_space<vmem>> -> memref<1x1x128xi32, #tpu.memory_space<vmem>>
      %dma_wait3A_1244 = tpu.memref_squeeze %dma_wait3A_1243 : memref<1x1x128xi32, #tpu.memory_space<vmem>> -> memref<128xi32, #tpu.memory_space<vmem>>
      %dma_wait3A_1245 = arith.constant 0 : i32
      %dma_wait3A_1246 = tpu.memref_slice %arg2[%arg0, %dma_wait3A_1245] : memref<401408x16xf32, #tpu.memory_space<hbm>> -> memref<401400x16xf32, #tpu.memory_space<hbm>>
      %dma_wait3A_1247 = arith.constant 0 : i32
      %dma_wait3A_1248 = arith.constant 0 : i32
      %dma_wait3A_1249 = tpu.memref_slice %dma_wait3A_1246[%dma_wait3A_1247, %dma_wait3A_1248] : memref<401400x16xf32, #tpu.memory_space<hbm>> -> memref<401400x16xf32, #tpu.memory_space<hbm>>
      tpu.wait_indirect_dma semaphore(%arg21 : memref<!tpu.dma_semaphore, #tpu.memory_space<semaphore_mem>>) src(%dma_wait3A_1249 : memref<401400x16xf32, #tpu.memory_space<hbm>>) dst(%dma_wait3A_1241 : memref<128x16xf32, #tpu.memory_space<vmem>>)
      %dma_start3A_1250 = arith.constant 1 : i32
      %dma_start3A_1251 = arith.constant 4 : i32
      %dma_start3A_1252 = arith.constant 512 : i32
      %dma_start3A_1253 = arith.constant 0 : i32
      %dma_start3A_1254 = tpu.memref_slice %arg12[%dma_start3A_1252, %dma_start3A_1253] : memref<1024x16xf32, #tpu.memory_space<vmem>> -> memref<128x16xf32, #tpu.memory_space<vmem>>
      %dma_start3A_1255 = arith.constant 0 : i32
      %dma_start3A_1256 = tpu.memref_slice %arg11[%dma_start3A_1250, %dma_start3A_1251, %dma_start3A_1255] : memref<2x8x128xi32, #tpu.memory_space<vmem>> -> memref<1x1x128xi32, #tpu.memory_space<vmem>>
      %dma_start3A_1257 = tpu.memref_squeeze %dma_start3A_1256 : memref<1x1x128xi32, #tpu.memory_space<vmem>> -> memref<128xi32, #tpu.memory_space<vmem>>
      %dma_start3A_1258 = arith.constant 0 : i32
      %dma_start3A_1259 = arith.constant 0 : i32
      %dma_start3A_1260 = tpu.memref_slice %arg9[%dma_start3A_1258, %dma_start3A_1259] : memref<50176x16xf32, #tpu.memory_space<vmem_shared>> -> memref<50176x16xf32, #tpu.memory_space<vmem_shared>>
      tpu.enqueue_indirect_dma source(%dma_start3A_1254 : memref<128x16xf32, #tpu.memory_space<vmem>>) target(%dma_start3A_1260 : memref<50176x16xf32, #tpu.memory_space<vmem_shared>>) offsets(%dma_start3A_1257 : memref<128xi32, #tpu.memory_space<vmem>>) semaphore(%arg16 : memref<!tpu.dma_semaphore, #tpu.memory_space<semaphore_mem>>) {add = true}
      %dma_wait3A_1261 = arith.constant 1 : i32
      %dma_wait3A_1262 = arith.constant 5 : i32
      %dma_wait3A_1263 = arith.constant 640 : i32
      %dma_wait3A_1264 = arith.constant 0 : i32
      %dma_wait3A_1265 = tpu.memref_slice %arg12[%dma_wait3A_1263, %dma_wait3A_1264] : memref<1024x16xf32, #tpu.memory_space<vmem>> -> memref<128x16xf32, #tpu.memory_space<vmem>>
      %dma_wait3A_1266 = arith.constant 0 : i32
      %dma_wait3A_1267 = tpu.memref_slice %arg10[%dma_wait3A_1261, %dma_wait3A_1262, %dma_wait3A_1266] : memref<2x8x128xi32, #tpu.memory_space<vmem>> -> memref<1x1x128xi32, #tpu.memory_space<vmem>>
      %dma_wait3A_1268 = tpu.memref_squeeze %dma_wait3A_1267 : memref<1x1x128xi32, #tpu.memory_space<vmem>> -> memref<128xi32, #tpu.memory_space<vmem>>
      %dma_wait3A_1269 = arith.constant 0 : i32
      %dma_wait3A_1270 = tpu.memref_slice %arg2[%arg0, %dma_wait3A_1269] : memref<401408x16xf32, #tpu.memory_space<hbm>> -> memref<401400x16xf32, #tpu.memory_space<hbm>>
      %dma_wait3A_1271 = arith.constant 0 : i32
      %dma_wait3A_1272 = arith.constant 0 : i32
      %dma_wait3A_1273 = tpu.memref_slice %dma_wait3A_1270[%dma_wait3A_1271, %dma_wait3A_1272] : memref<401400x16xf32, #tpu.memory_space<hbm>> -> memref<401400x16xf32, #tpu.memory_space<hbm>>
      tpu.wait_indirect_dma semaphore(%arg22 : memref<!tpu.dma_semaphore, #tpu.memory_space<semaphore_mem>>) src(%dma_wait3A_1273 : memref<401400x16xf32, #tpu.memory_space<hbm>>) dst(%dma_wait3A_1265 : memref<128x16xf32, #tpu.memory_space<vmem>>)
      %dma_start3A_1274 = arith.constant 1 : i32
      %dma_start3A_1275 = arith.constant 5 : i32
      %dma_start3A_1276 = arith.constant 640 : i32
      %dma_start3A_1277 = arith.constant 0 : i32
      %dma_start3A_1278 = tpu.memref_slice %arg12[%dma_start3A_1276, %dma_start3A_1277] : memref<1024x16xf32, #tpu.memory_space<vmem>> -> memref<128x16xf32, #tpu.memory_space<vmem>>
      %dma_start3A_1279 = arith.constant 0 : i32
      %dma_start3A_1280 = tpu.memref_slice %arg11[%dma_start3A_1274, %dma_start3A_1275, %dma_start3A_1279] : memref<2x8x128xi32, #tpu.memory_space<vmem>> -> memref<1x1x128xi32, #tpu.memory_space<vmem>>
      %dma_start3A_1281 = tpu.memref_squeeze %dma_start3A_1280 : memref<1x1x128xi32, #tpu.memory_space<vmem>> -> memref<128xi32, #tpu.memory_space<vmem>>
      %dma_start3A_1282 = arith.constant 0 : i32
      %dma_start3A_1283 = arith.constant 0 : i32
      %dma_start3A_1284 = tpu.memref_slice %arg9[%dma_start3A_1282, %dma_start3A_1283] : memref<50176x16xf32, #tpu.memory_space<vmem_shared>> -> memref<50176x16xf32, #tpu.memory_space<vmem_shared>>
      tpu.enqueue_indirect_dma source(%dma_start3A_1278 : memref<128x16xf32, #tpu.memory_space<vmem>>) target(%dma_start3A_1284 : memref<50176x16xf32, #tpu.memory_space<vmem_shared>>) offsets(%dma_start3A_1281 : memref<128xi32, #tpu.memory_space<vmem>>) semaphore(%arg16 : memref<!tpu.dma_semaphore, #tpu.memory_space<semaphore_mem>>) {add = true}
      %dma_wait3A_1285 = arith.constant 1 : i32
      %dma_wait3A_1286 = arith.constant 6 : i32
      %dma_wait3A_1287 = arith.constant 768 : i32
      %dma_wait3A_1288 = arith.constant 0 : i32
      %dma_wait3A_1289 = tpu.memref_slice %arg12[%dma_wait3A_1287, %dma_wait3A_1288] : memref<1024x16xf32, #tpu.memory_space<vmem>> -> memref<128x16xf32, #tpu.memory_space<vmem>>
      %dma_wait3A_1290 = arith.constant 0 : i32
      %dma_wait3A_1291 = tpu.memref_slice %arg10[%dma_wait3A_1285, %dma_wait3A_1286, %dma_wait3A_1290] : memref<2x8x128xi32, #tpu.memory_space<vmem>> -> memref<1x1x128xi32, #tpu.memory_space<vmem>>
      %dma_wait3A_1292 = tpu.memref_squeeze %dma_wait3A_1291 : memref<1x1x128xi32, #tpu.memory_space<vmem>> -> memref<128xi32, #tpu.memory_space<vmem>>
      %dma_wait3A_1293 = arith.constant 0 : i32
      %dma_wait3A_1294 = tpu.memref_slice %arg2[%arg0, %dma_wait3A_1293] : memref<401408x16xf32, #tpu.memory_space<hbm>> -> memref<401400x16xf32, #tpu.memory_space<hbm>>
      %dma_wait3A_1295 = arith.constant 0 : i32
      %dma_wait3A_1296 = arith.constant 0 : i32
      %dma_wait3A_1297 = tpu.memref_slice %dma_wait3A_1294[%dma_wait3A_1295, %dma_wait3A_1296] : memref<401400x16xf32, #tpu.memory_space<hbm>> -> memref<401400x16xf32, #tpu.memory_space<hbm>>
      tpu.wait_indirect_dma semaphore(%arg23 : memref<!tpu.dma_semaphore, #tpu.memory_space<semaphore_mem>>) src(%dma_wait3A_1297 : memref<401400x16xf32, #tpu.memory_space<hbm>>) dst(%dma_wait3A_1289 : memref<128x16xf32, #tpu.memory_space<vmem>>)
      %dma_start3A_1298 = arith.constant 1 : i32
      %dma_start3A_1299 = arith.constant 6 : i32
      %dma_start3A_1300 = arith.constant 768 : i32
      %dma_start3A_1301 = arith.constant 0 : i32
      %dma_start3A_1302 = tpu.memref_slice %arg12[%dma_start3A_1300, %dma_start3A_1301] : memref<1024x16xf32, #tpu.memory_space<vmem>> -> memref<128x16xf32, #tpu.memory_space<vmem>>
      %dma_start3A_1303 = arith.constant 0 : i32
      %dma_start3A_1304 = tpu.memref_slice %arg11[%dma_start3A_1298, %dma_start3A_1299, %dma_start3A_1303] : memref<2x8x128xi32, #tpu.memory_space<vmem>> -> memref<1x1x128xi32, #tpu.memory_space<vmem>>
      %dma_start3A_1305 = tpu.memref_squeeze %dma_start3A_1304 : memref<1x1x128xi32, #tpu.memory_space<vmem>> -> memref<128xi32, #tpu.memory_space<vmem>>
      %dma_start3A_1306 = arith.constant 0 : i32
      %dma_start3A_1307 = arith.constant 0 : i32
      %dma_start3A_1308 = tpu.memref_slice %arg9[%dma_start3A_1306, %dma_start3A_1307] : memref<50176x16xf32, #tpu.memory_space<vmem_shared>> -> memref<50176x16xf32, #tpu.memory_space<vmem_shared>>
      tpu.enqueue_indirect_dma source(%dma_start3A_1302 : memref<128x16xf32, #tpu.memory_space<vmem>>) target(%dma_start3A_1308 : memref<50176x16xf32, #tpu.memory_space<vmem_shared>>) offsets(%dma_start3A_1305 : memref<128xi32, #tpu.memory_space<vmem>>) semaphore(%arg16 : memref<!tpu.dma_semaphore, #tpu.memory_space<semaphore_mem>>) {add = true}
      %dma_wait3A_1309 = arith.constant 1 : i32
      %dma_wait3A_1310 = arith.constant 7 : i32
      %dma_wait3A_1311 = arith.constant 896 : i32
      %dma_wait3A_1312 = arith.constant 0 : i32
      %dma_wait3A_1313 = tpu.memref_slice %arg12[%dma_wait3A_1311, %dma_wait3A_1312] : memref<1024x16xf32, #tpu.memory_space<vmem>> -> memref<128x16xf32, #tpu.memory_space<vmem>>
      %dma_wait3A_1314 = arith.constant 0 : i32
      %dma_wait3A_1315 = tpu.memref_slice %arg10[%dma_wait3A_1309, %dma_wait3A_1310, %dma_wait3A_1314] : memref<2x8x128xi32, #tpu.memory_space<vmem>> -> memref<1x1x128xi32, #tpu.memory_space<vmem>>
      %dma_wait3A_1316 = tpu.memref_squeeze %dma_wait3A_1315 : memref<1x1x128xi32, #tpu.memory_space<vmem>> -> memref<128xi32, #tpu.memory_space<vmem>>
      %dma_wait3A_1317 = arith.constant 0 : i32
      %dma_wait3A_1318 = tpu.memref_slice %arg2[%arg0, %dma_wait3A_1317] : memref<401408x16xf32, #tpu.memory_space<hbm>> -> memref<401400x16xf32, #tpu.memory_space<hbm>>
      %dma_wait3A_1319 = arith.constant 0 : i32
      %dma_wait3A_1320 = arith.constant 0 : i32
      %dma_wait3A_1321 = tpu.memref_slice %dma_wait3A_1318[%dma_wait3A_1319, %dma_wait3A_1320] : memref<401400x16xf32, #tpu.memory_space<hbm>> -> memref<401400x16xf32, #tpu.memory_space<hbm>>
      tpu.wait_indirect_dma semaphore(%arg24 : memref<!tpu.dma_semaphore, #tpu.memory_space<semaphore_mem>>) src(%dma_wait3A_1321 : memref<401400x16xf32, #tpu.memory_space<hbm>>) dst(%dma_wait3A_1313 : memref<128x16xf32, #tpu.memory_space<vmem>>)
      %dma_start3A_1322 = arith.constant 1 : i32
      %dma_start3A_1323 = arith.constant 7 : i32
      %dma_start3A_1324 = arith.constant 896 : i32
      %dma_start3A_1325 = arith.constant 0 : i32
      %dma_start3A_1326 = tpu.memref_slice %arg12[%dma_start3A_1324, %dma_start3A_1325] : memref<1024x16xf32, #tpu.memory_space<vmem>> -> memref<128x16xf32, #tpu.memory_space<vmem>>
      %dma_start3A_1327 = arith.constant 0 : i32
      %dma_start3A_1328 = tpu.memref_slice %arg11[%dma_start3A_1322, %dma_start3A_1323, %dma_start3A_1327] : memref<2x8x128xi32, #tpu.memory_space<vmem>> -> memref<1x1x128xi32, #tpu.memory_space<vmem>>
      %dma_start3A_1329 = tpu.memref_squeeze %dma_start3A_1328 : memref<1x1x128xi32, #tpu.memory_space<vmem>> -> memref<128xi32, #tpu.memory_space<vmem>>
      %dma_start3A_1330 = arith.constant 0 : i32
      %dma_start3A_1331 = arith.constant 0 : i32
      %dma_start3A_1332 = tpu.memref_slice %arg9[%dma_start3A_1330, %dma_start3A_1331] : memref<50176x16xf32, #tpu.memory_space<vmem_shared>> -> memref<50176x16xf32, #tpu.memory_space<vmem_shared>>
      tpu.enqueue_indirect_dma source(%dma_start3A_1326 : memref<128x16xf32, #tpu.memory_space<vmem>>) target(%dma_start3A_1332 : memref<50176x16xf32, #tpu.memory_space<vmem_shared>>) offsets(%dma_start3A_1329 : memref<128xi32, #tpu.memory_space<vmem>>) semaphore(%arg16 : memref<!tpu.dma_semaphore, #tpu.memory_space<semaphore_mem>>) {add = true}
      %dma_wait3A_1333 = arith.constant 1 : i32
      %dma_wait3A_1334 = arith.constant 0 : i32
      %dma_wait3A_1335 = arith.constant 0 : i32
      %dma_wait3A_1336 = arith.constant 0 : i32
      %dma_wait3A_1337 = tpu.memref_slice %arg12[%dma_wait3A_1335, %dma_wait3A_1336] : memref<1024x16xf32, #tpu.memory_space<vmem>> -> memref<128x16xf32, #tpu.memory_space<vmem>>
      %dma_wait3A_1338 = arith.constant 0 : i32
      %dma_wait3A_1339 = tpu.memref_slice %arg11[%dma_wait3A_1333, %dma_wait3A_1334, %dma_wait3A_1338] : memref<2x8x128xi32, #tpu.memory_space<vmem>> -> memref<1x1x128xi32, #tpu.memory_space<vmem>>
      %dma_wait3A_1340 = tpu.memref_squeeze %dma_wait3A_1339 : memref<1x1x128xi32, #tpu.memory_space<vmem>> -> memref<128xi32, #tpu.memory_space<vmem>>
      %dma_wait3A_1341 = arith.constant 0 : i32
      %dma_wait3A_1342 = arith.constant 0 : i32
      %dma_wait3A_1343 = tpu.memref_slice %arg9[%dma_wait3A_1341, %dma_wait3A_1342] : memref<50176x16xf32, #tpu.memory_space<vmem_shared>> -> memref<50176x16xf32, #tpu.memory_space<vmem_shared>>
      tpu.wait_indirect_dma semaphore(%arg16 : memref<!tpu.dma_semaphore, #tpu.memory_space<semaphore_mem>>) src(%dma_wait3A_1337 : memref<128x16xf32, #tpu.memory_space<vmem>>) dst(%dma_wait3A_1343 : memref<50176x16xf32, #tpu.memory_space<vmem_shared>>)
      %dma_wait3A_1344 = arith.constant 1 : i32
      %dma_wait3A_1345 = arith.constant 1 : i32
      %dma_wait3A_1346 = arith.constant 128 : i32
      %dma_wait3A_1347 = arith.constant 0 : i32
      %dma_wait3A_1348 = tpu.memref_slice %arg12[%dma_wait3A_1346, %dma_wait3A_1347] : memref<1024x16xf32, #tpu.memory_space<vmem>> -> memref<128x16xf32, #tpu.memory_space<vmem>>
      %dma_wait3A_1349 = arith.constant 0 : i32
      %dma_wait3A_1350 = tpu.memref_slice %arg11[%dma_wait3A_1344, %dma_wait3A_1345, %dma_wait3A_1349] : memref<2x8x128xi32, #tpu.memory_space<vmem>> -> memref<1x1x128xi32, #tpu.memory_space<vmem>>
      %dma_wait3A_1351 = tpu.memref_squeeze %dma_wait3A_1350 : memref<1x1x128xi32, #tpu.memory_space<vmem>> -> memref<128xi32, #tpu.memory_space<vmem>>
      %dma_wait3A_1352 = arith.constant 0 : i32
      %dma_wait3A_1353 = arith.constant 0 : i32
      %dma_wait3A_1354 = tpu.memref_slice %arg9[%dma_wait3A_1352, %dma_wait3A_1353] : memref<50176x16xf32, #tpu.memory_space<vmem_shared>> -> memref<50176x16xf32, #tpu.memory_space<vmem_shared>>
      tpu.wait_indirect_dma semaphore(%arg16 : memref<!tpu.dma_semaphore, #tpu.memory_space<semaphore_mem>>) src(%dma_wait3A_1348 : memref<128x16xf32, #tpu.memory_space<vmem>>) dst(%dma_wait3A_1354 : memref<50176x16xf32, #tpu.memory_space<vmem_shared>>)
      %dma_wait3A_1355 = arith.constant 1 : i32
      %dma_wait3A_1356 = arith.constant 2 : i32
      %dma_wait3A_1357 = arith.constant 256 : i32
      %dma_wait3A_1358 = arith.constant 0 : i32
      %dma_wait3A_1359 = tpu.memref_slice %arg12[%dma_wait3A_1357, %dma_wait3A_1358] : memref<1024x16xf32, #tpu.memory_space<vmem>> -> memref<128x16xf32, #tpu.memory_space<vmem>>
      %dma_wait3A_1360 = arith.constant 0 : i32
      %dma_wait3A_1361 = tpu.memref_slice %arg11[%dma_wait3A_1355, %dma_wait3A_1356, %dma_wait3A_1360] : memref<2x8x128xi32, #tpu.memory_space<vmem>> -> memref<1x1x128xi32, #tpu.memory_space<vmem>>
      %dma_wait3A_1362 = tpu.memref_squeeze %dma_wait3A_1361 : memref<1x1x128xi32, #tpu.memory_space<vmem>> -> memref<128xi32, #tpu.memory_space<vmem>>
      %dma_wait3A_1363 = arith.constant 0 : i32
      %dma_wait3A_1364 = arith.constant 0 : i32
      %dma_wait3A_1365 = tpu.memref_slice %arg9[%dma_wait3A_1363, %dma_wait3A_1364] : memref<50176x16xf32, #tpu.memory_space<vmem_shared>> -> memref<50176x16xf32, #tpu.memory_space<vmem_shared>>
      tpu.wait_indirect_dma semaphore(%arg16 : memref<!tpu.dma_semaphore, #tpu.memory_space<semaphore_mem>>) src(%dma_wait3A_1359 : memref<128x16xf32, #tpu.memory_space<vmem>>) dst(%dma_wait3A_1365 : memref<50176x16xf32, #tpu.memory_space<vmem_shared>>)
      %dma_wait3A_1366 = arith.constant 1 : i32
      %dma_wait3A_1367 = arith.constant 3 : i32
      %dma_wait3A_1368 = arith.constant 384 : i32
      %dma_wait3A_1369 = arith.constant 0 : i32
      %dma_wait3A_1370 = tpu.memref_slice %arg12[%dma_wait3A_1368, %dma_wait3A_1369] : memref<1024x16xf32, #tpu.memory_space<vmem>> -> memref<128x16xf32, #tpu.memory_space<vmem>>
      %dma_wait3A_1371 = arith.constant 0 : i32
      %dma_wait3A_1372 = tpu.memref_slice %arg11[%dma_wait3A_1366, %dma_wait3A_1367, %dma_wait3A_1371] : memref<2x8x128xi32, #tpu.memory_space<vmem>> -> memref<1x1x128xi32, #tpu.memory_space<vmem>>
      %dma_wait3A_1373 = tpu.memref_squeeze %dma_wait3A_1372 : memref<1x1x128xi32, #tpu.memory_space<vmem>> -> memref<128xi32, #tpu.memory_space<vmem>>
      %dma_wait3A_1374 = arith.constant 0 : i32
      %dma_wait3A_1375 = arith.constant 0 : i32
      %dma_wait3A_1376 = tpu.memref_slice %arg9[%dma_wait3A_1374, %dma_wait3A_1375] : memref<50176x16xf32, #tpu.memory_space<vmem_shared>> -> memref<50176x16xf32, #tpu.memory_space<vmem_shared>>
      tpu.wait_indirect_dma semaphore(%arg16 : memref<!tpu.dma_semaphore, #tpu.memory_space<semaphore_mem>>) src(%dma_wait3A_1370 : memref<128x16xf32, #tpu.memory_space<vmem>>) dst(%dma_wait3A_1376 : memref<50176x16xf32, #tpu.memory_space<vmem_shared>>)
      %dma_wait3A_1377 = arith.constant 1 : i32
      %dma_wait3A_1378 = arith.constant 4 : i32
      %dma_wait3A_1379 = arith.constant 512 : i32
      %dma_wait3A_1380 = arith.constant 0 : i32
      %dma_wait3A_1381 = tpu.memref_slice %arg12[%dma_wait3A_1379, %dma_wait3A_1380] : memref<1024x16xf32, #tpu.memory_space<vmem>> -> memref<128x16xf32, #tpu.memory_space<vmem>>
      %dma_wait3A_1382 = arith.constant 0 : i32
      %dma_wait3A_1383 = tpu.memref_slice %arg11[%dma_wait3A_1377, %dma_wait3A_1378, %dma_wait3A_1382] : memref<2x8x128xi32, #tpu.memory_space<vmem>> -> memref<1x1x128xi32, #tpu.memory_space<vmem>>
      %dma_wait3A_1384 = tpu.memref_squeeze %dma_wait3A_1383 : memref<1x1x128xi32, #tpu.memory_space<vmem>> -> memref<128xi32, #tpu.memory_space<vmem>>
      %dma_wait3A_1385 = arith.constant 0 : i32
      %dma_wait3A_1386 = arith.constant 0 : i32
      %dma_wait3A_1387 = tpu.memref_slice %arg9[%dma_wait3A_1385, %dma_wait3A_1386] : memref<50176x16xf32, #tpu.memory_space<vmem_shared>> -> memref<50176x16xf32, #tpu.memory_space<vmem_shared>>
      tpu.wait_indirect_dma semaphore(%arg16 : memref<!tpu.dma_semaphore, #tpu.memory_space<semaphore_mem>>) src(%dma_wait3A_1381 : memref<128x16xf32, #tpu.memory_space<vmem>>) dst(%dma_wait3A_1387 : memref<50176x16xf32, #tpu.memory_space<vmem_shared>>)
      %dma_wait3A_1388 = arith.constant 1 : i32
      %dma_wait3A_1389 = arith.constant 5 : i32
      %dma_wait3A_1390 = arith.constant 640 : i32
      %dma_wait3A_1391 = arith.constant 0 : i32
      %dma_wait3A_1392 = tpu.memref_slice %arg12[%dma_wait3A_1390, %dma_wait3A_1391] : memref<1024x16xf32, #tpu.memory_space<vmem>> -> memref<128x16xf32, #tpu.memory_space<vmem>>
      %dma_wait3A_1393 = arith.constant 0 : i32
      %dma_wait3A_1394 = tpu.memref_slice %arg11[%dma_wait3A_1388, %dma_wait3A_1389, %dma_wait3A_1393] : memref<2x8x128xi32, #tpu.memory_space<vmem>> -> memref<1x1x128xi32, #tpu.memory_space<vmem>>
      %dma_wait3A_1395 = tpu.memref_squeeze %dma_wait3A_1394 : memref<1x1x128xi32, #tpu.memory_space<vmem>> -> memref<128xi32, #tpu.memory_space<vmem>>
      %dma_wait3A_1396 = arith.constant 0 : i32
      %dma_wait3A_1397 = arith.constant 0 : i32
      %dma_wait3A_1398 = tpu.memref_slice %arg9[%dma_wait3A_1396, %dma_wait3A_1397] : memref<50176x16xf32, #tpu.memory_space<vmem_shared>> -> memref<50176x16xf32, #tpu.memory_space<vmem_shared>>
      tpu.wait_indirect_dma semaphore(%arg16 : memref<!tpu.dma_semaphore, #tpu.memory_space<semaphore_mem>>) src(%dma_wait3A_1392 : memref<128x16xf32, #tpu.memory_space<vmem>>) dst(%dma_wait3A_1398 : memref<50176x16xf32, #tpu.memory_space<vmem_shared>>)
      %dma_wait3A_1399 = arith.constant 1 : i32
      %dma_wait3A_1400 = arith.constant 6 : i32
      %dma_wait3A_1401 = arith.constant 768 : i32
      %dma_wait3A_1402 = arith.constant 0 : i32
      %dma_wait3A_1403 = tpu.memref_slice %arg12[%dma_wait3A_1401, %dma_wait3A_1402] : memref<1024x16xf32, #tpu.memory_space<vmem>> -> memref<128x16xf32, #tpu.memory_space<vmem>>
      %dma_wait3A_1404 = arith.constant 0 : i32
      %dma_wait3A_1405 = tpu.memref_slice %arg11[%dma_wait3A_1399, %dma_wait3A_1400, %dma_wait3A_1404] : memref<2x8x128xi32, #tpu.memory_space<vmem>> -> memref<1x1x128xi32, #tpu.memory_space<vmem>>
      %dma_wait3A_1406 = tpu.memref_squeeze %dma_wait3A_1405 : memref<1x1x128xi32, #tpu.memory_space<vmem>> -> memref<128xi32, #tpu.memory_space<vmem>>
      %dma_wait3A_1407 = arith.constant 0 : i32
      %dma_wait3A_1408 = arith.constant 0 : i32
      %dma_wait3A_1409 = tpu.memref_slice %arg9[%dma_wait3A_1407, %dma_wait3A_1408] : memref<50176x16xf32, #tpu.memory_space<vmem_shared>> -> memref<50176x16xf32, #tpu.memory_space<vmem_shared>>
      tpu.wait_indirect_dma semaphore(%arg16 : memref<!tpu.dma_semaphore, #tpu.memory_space<semaphore_mem>>) src(%dma_wait3A_1403 : memref<128x16xf32, #tpu.memory_space<vmem>>) dst(%dma_wait3A_1409 : memref<50176x16xf32, #tpu.memory_space<vmem_shared>>)
      %dma_wait3A_1410 = arith.constant 1 : i32
      %dma_wait3A_1411 = arith.constant 7 : i32
      %dma_wait3A_1412 = arith.constant 896 : i32
      %dma_wait3A_1413 = arith.constant 0 : i32
      %dma_wait3A_1414 = tpu.memref_slice %arg12[%dma_wait3A_1412, %dma_wait3A_1413] : memref<1024x16xf32, #tpu.memory_space<vmem>> -> memref<128x16xf32, #tpu.memory_space<vmem>>
      %dma_wait3A_1415 = arith.constant 0 : i32
      %dma_wait3A_1416 = tpu.memref_slice %arg11[%dma_wait3A_1410, %dma_wait3A_1411, %dma_wait3A_1415] : memref<2x8x128xi32, #tpu.memory_space<vmem>> -> memref<1x1x128xi32, #tpu.memory_space<vmem>>
      %dma_wait3A_1417 = tpu.memref_squeeze %dma_wait3A_1416 : memref<1x1x128xi32, #tpu.memory_space<vmem>> -> memref<128xi32, #tpu.memory_space<vmem>>
      %dma_wait3A_1418 = arith.constant 0 : i32
      %dma_wait3A_1419 = arith.constant 0 : i32
      %dma_wait3A_1420 = tpu.memref_slice %arg9[%dma_wait3A_1418, %dma_wait3A_1419] : memref<50176x16xf32, #tpu.memory_space<vmem_shared>> -> memref<50176x16xf32, #tpu.memory_space<vmem_shared>>
      tpu.wait_indirect_dma semaphore(%arg16 : memref<!tpu.dma_semaphore, #tpu.memory_space<semaphore_mem>>) src(%dma_wait3A_1414 : memref<128x16xf32, #tpu.memory_space<vmem>>) dst(%dma_wait3A_1420 : memref<50176x16xf32, #tpu.memory_space<vmem_shared>>)
      %scan3A_1421 = arith.constant 0 : i32
      scf.yield %scan3A_1421 : i32
    }
    %scan3A_47 = arith.constant 24 : i32
    %add3A = arith.constant 384 : i32
    %add3A_48 = arith.addi %mul3A_15, %add3A : i32
    %dma_wait3A = arith.constant 0 : i32
    %dma_wait3A_49 = arith.constant 0 : i32
    %dma_wait3A_50 = arith.constant 0 : i32
    %dma_wait3A_51 = tpu.memref_slice %arg10[%dma_wait3A, %dma_wait3A_49, %dma_wait3A_50] : memref<2x8x128xi32, #tpu.memory_space<vmem>> -> memref<1x8x128xi32, #tpu.memory_space<vmem>>
    %dma_wait3A_52 = tpu.memref_squeeze %dma_wait3A_51 : memref<1x8x128xi32, #tpu.memory_space<vmem>> -> memref<8x128xi32, #tpu.memory_space<vmem>>
    %dma_wait3A_53 = arith.constant 0 : i32
    %dma_wait3A_54 = tpu.memref_slice %arg3[%mul3A_15, %dma_wait3A_53] : memref<6272x128xi32, #tpu.memory_space<hbm>> -> memref<8x128xi32, #tpu.memory_space<hbm>>
    %dma_wait3A_55 = arith.constant 0 : i32
    %dma_wait3A_56 = arith.constant 0 : i32
    %dma_wait3A_57 = tpu.memref_slice %arg10[%dma_wait3A, %dma_wait3A_55, %dma_wait3A_56] : memref<2x8x128xi32, #tpu.memory_space<vmem>> -> memref<1x8x128xi32, #tpu.memory_space<vmem>>
    %dma_wait3A_58 = tpu.memref_squeeze %dma_wait3A_57 : memref<1x8x128xi32, #tpu.memory_space<vmem>> -> memref<8x128xi32, #tpu.memory_space<vmem>>
    %dma_wait3A_59 = arith.constant 0 : i32
    %dma_wait3A_60 = tpu.memref_slice %arg3[%mul3A_15, %dma_wait3A_59] : memref<6272x128xi32, #tpu.memory_space<hbm>> -> memref<8x128xi32, #tpu.memory_space<hbm>>
    tpu.wait_dma2 semaphore(%arg15 : memref<!tpu.dma_semaphore, #tpu.memory_space<semaphore_mem>>) src(%dma_wait3A_60 : memref<8x128xi32, #tpu.memory_space<hbm>>) dst(%dma_wait3A_58 : memref<8x128xi32, #tpu.memory_space<vmem>>)
    %dma_wait3A_61 = arith.constant 0 : i32
    %dma_wait3A_62 = arith.constant 0 : i32
    %dma_wait3A_63 = arith.constant 0 : i32
    %dma_wait3A_64 = tpu.memref_slice %arg11[%dma_wait3A_61, %dma_wait3A_62, %dma_wait3A_63] : memref<2x8x128xi32, #tpu.memory_space<vmem>> -> memref<1x8x128xi32, #tpu.memory_space<vmem>>
    %dma_wait3A_65 = tpu.memref_squeeze %dma_wait3A_64 : memref<1x8x128xi32, #tpu.memory_space<vmem>> -> memref<8x128xi32, #tpu.memory_space<vmem>>
    %dma_wait3A_66 = arith.constant 0 : i32
    %dma_wait3A_67 = tpu.memref_slice %arg4[%mul3A_15, %dma_wait3A_66] : memref<6272x128xi32, #tpu.memory_space<hbm>> -> memref<8x128xi32, #tpu.memory_space<hbm>>
    %dma_wait3A_68 = arith.constant 0 : i32
    %dma_wait3A_69 = arith.constant 0 : i32
    %dma_wait3A_70 = tpu.memref_slice %arg11[%dma_wait3A_61, %dma_wait3A_68, %dma_wait3A_69] : memref<2x8x128xi32, #tpu.memory_space<vmem>> -> memref<1x8x128xi32, #tpu.memory_space<vmem>>
    %dma_wait3A_71 = tpu.memref_squeeze %dma_wait3A_70 : memref<1x8x128xi32, #tpu.memory_space<vmem>> -> memref<8x128xi32, #tpu.memory_space<vmem>>
    %dma_wait3A_72 = arith.constant 0 : i32
    %dma_wait3A_73 = tpu.memref_slice %arg4[%mul3A_15, %dma_wait3A_72] : memref<6272x128xi32, #tpu.memory_space<hbm>> -> memref<8x128xi32, #tpu.memory_space<hbm>>
    tpu.wait_dma2 semaphore(%arg15 : memref<!tpu.dma_semaphore, #tpu.memory_space<semaphore_mem>>) src(%dma_wait3A_73 : memref<8x128xi32, #tpu.memory_space<hbm>>) dst(%dma_wait3A_71 : memref<8x128xi32, #tpu.memory_space<vmem>>)
    %dma_start3A_74 = arith.constant 0 : i32
    %dma_start3A_75 = arith.constant 0 : i32
    %dma_start3A_76 = arith.constant 0 : i32
    %dma_start3A_77 = arith.constant 0 : i32
    %dma_start3A_78 = tpu.memref_slice %arg12[%dma_start3A_76, %dma_start3A_77] : memref<1024x16xf32, #tpu.memory_space<vmem>> -> memref<128x16xf32, #tpu.memory_space<vmem>>
    %dma_start3A_79 = arith.constant 0 : i32
    %dma_start3A_80 = tpu.memref_slice %arg10[%dma_start3A_74, %dma_start3A_75, %dma_start3A_79] : memref<2x8x128xi32, #tpu.memory_space<vmem>> -> memref<1x1x128xi32, #tpu.memory_space<vmem>>
    %dma_start3A_81 = tpu.memref_squeeze %dma_start3A_80 : memref<1x1x128xi32, #tpu.memory_space<vmem>> -> memref<128xi32, #tpu.memory_space<vmem>>
    %dma_start3A_82 = arith.constant 0 : i32
    %dma_start3A_83 = tpu.memref_slice %arg2[%arg0, %dma_start3A_82] : memref<401408x16xf32, #tpu.memory_space<hbm>> -> memref<401400x16xf32, #tpu.memory_space<hbm>>
    %dma_start3A_84 = arith.constant 0 : i32
    %dma_start3A_85 = arith.constant 0 : i32
    %dma_start3A_86 = tpu.memref_slice %dma_start3A_83[%dma_start3A_84, %dma_start3A_85] : memref<401400x16xf32, #tpu.memory_space<hbm>> -> memref<401400x16xf32, #tpu.memory_space<hbm>>
    tpu.enqueue_indirect_dma source(%dma_start3A_86 : memref<401400x16xf32, #tpu.memory_space<hbm>>) target(%dma_start3A_78 : memref<128x16xf32, #tpu.memory_space<vmem>>) offsets(%dma_start3A_81 : memref<128xi32, #tpu.memory_space<vmem>>) semaphore(%arg17 : memref<!tpu.dma_semaphore, #tpu.memory_space<semaphore_mem>>)
    %dma_start3A_87 = arith.constant 0 : i32
    %dma_start3A_88 = arith.constant 1 : i32
    %dma_start3A_89 = arith.constant 128 : i32
    %dma_start3A_90 = arith.constant 0 : i32
    %dma_start3A_91 = tpu.memref_slice %arg12[%dma_start3A_89, %dma_start3A_90] : memref<1024x16xf32, #tpu.memory_space<vmem>> -> memref<128x16xf32, #tpu.memory_space<vmem>>
    %dma_start3A_92 = arith.constant 0 : i32
    %dma_start3A_93 = tpu.memref_slice %arg10[%dma_start3A_87, %dma_start3A_88, %dma_start3A_92] : memref<2x8x128xi32, #tpu.memory_space<vmem>> -> memref<1x1x128xi32, #tpu.memory_space<vmem>>
    %dma_start3A_94 = tpu.memref_squeeze %dma_start3A_93 : memref<1x1x128xi32, #tpu.memory_space<vmem>> -> memref<128xi32, #tpu.memory_space<vmem>>
    %dma_start3A_95 = arith.constant 0 : i32
    %dma_start3A_96 = tpu.memref_slice %arg2[%arg0, %dma_start3A_95] : memref<401408x16xf32, #tpu.memory_space<hbm>> -> memref<401400x16xf32, #tpu.memory_space<hbm>>
    %dma_start3A_97 = arith.constant 0 : i32
    %dma_start3A_98 = arith.constant 0 : i32
    %dma_start3A_99 = tpu.memref_slice %dma_start3A_96[%dma_start3A_97, %dma_start3A_98] : memref<401400x16xf32, #tpu.memory_space<hbm>> -> memref<401400x16xf32, #tpu.memory_space<hbm>>
    tpu.enqueue_indirect_dma source(%dma_start3A_99 : memref<401400x16xf32, #tpu.memory_space<hbm>>) target(%dma_start3A_91 : memref<128x16xf32, #tpu.memory_space<vmem>>) offsets(%dma_start3A_94 : memref<128xi32, #tpu.memory_space<vmem>>) semaphore(%arg18 : memref<!tpu.dma_semaphore, #tpu.memory_space<semaphore_mem>>)
    %dma_start3A_100 = arith.constant 0 : i32
    %dma_start3A_101 = arith.constant 2 : i32
    %dma_start3A_102 = arith.constant 256 : i32
    %dma_start3A_103 = arith.constant 0 : i32
    %dma_start3A_104 = tpu.memref_slice %arg12[%dma_start3A_102, %dma_start3A_103] : memref<1024x16xf32, #tpu.memory_space<vmem>> -> memref<128x16xf32, #tpu.memory_space<vmem>>
    %dma_start3A_105 = arith.constant 0 : i32
    %dma_start3A_106 = tpu.memref_slice %arg10[%dma_start3A_100, %dma_start3A_101, %dma_start3A_105] : memref<2x8x128xi32, #tpu.memory_space<vmem>> -> memref<1x1x128xi32, #tpu.memory_space<vmem>>
    %dma_start3A_107 = tpu.memref_squeeze %dma_start3A_106 : memref<1x1x128xi32, #tpu.memory_space<vmem>> -> memref<128xi32, #tpu.memory_space<vmem>>
    %dma_start3A_108 = arith.constant 0 : i32
    %dma_start3A_109 = tpu.memref_slice %arg2[%arg0, %dma_start3A_108] : memref<401408x16xf32, #tpu.memory_space<hbm>> -> memref<401400x16xf32, #tpu.memory_space<hbm>>
    %dma_start3A_110 = arith.constant 0 : i32
    %dma_start3A_111 = arith.constant 0 : i32
    %dma_start3A_112 = tpu.memref_slice %dma_start3A_109[%dma_start3A_110, %dma_start3A_111] : memref<401400x16xf32, #tpu.memory_space<hbm>> -> memref<401400x16xf32, #tpu.memory_space<hbm>>
    tpu.enqueue_indirect_dma source(%dma_start3A_112 : memref<401400x16xf32, #tpu.memory_space<hbm>>) target(%dma_start3A_104 : memref<128x16xf32, #tpu.memory_space<vmem>>) offsets(%dma_start3A_107 : memref<128xi32, #tpu.memory_space<vmem>>) semaphore(%arg19 : memref<!tpu.dma_semaphore, #tpu.memory_space<semaphore_mem>>)
    %dma_start3A_113 = arith.constant 0 : i32
    %dma_start3A_114 = arith.constant 3 : i32
    %dma_start3A_115 = arith.constant 384 : i32
    %dma_start3A_116 = arith.constant 0 : i32
    %dma_start3A_117 = tpu.memref_slice %arg12[%dma_start3A_115, %dma_start3A_116] : memref<1024x16xf32, #tpu.memory_space<vmem>> -> memref<128x16xf32, #tpu.memory_space<vmem>>
    %dma_start3A_118 = arith.constant 0 : i32
    %dma_start3A_119 = tpu.memref_slice %arg10[%dma_start3A_113, %dma_start3A_114, %dma_start3A_118] : memref<2x8x128xi32, #tpu.memory_space<vmem>> -> memref<1x1x128xi32, #tpu.memory_space<vmem>>
    %dma_start3A_120 = tpu.memref_squeeze %dma_start3A_119 : memref<1x1x128xi32, #tpu.memory_space<vmem>> -> memref<128xi32, #tpu.memory_space<vmem>>
    %dma_start3A_121 = arith.constant 0 : i32
    %dma_start3A_122 = tpu.memref_slice %arg2[%arg0, %dma_start3A_121] : memref<401408x16xf32, #tpu.memory_space<hbm>> -> memref<401400x16xf32, #tpu.memory_space<hbm>>
    %dma_start3A_123 = arith.constant 0 : i32
    %dma_start3A_124 = arith.constant 0 : i32
    %dma_start3A_125 = tpu.memref_slice %dma_start3A_122[%dma_start3A_123, %dma_start3A_124] : memref<401400x16xf32, #tpu.memory_space<hbm>> -> memref<401400x16xf32, #tpu.memory_space<hbm>>
    tpu.enqueue_indirect_dma source(%dma_start3A_125 : memref<401400x16xf32, #tpu.memory_space<hbm>>) target(%dma_start3A_117 : memref<128x16xf32, #tpu.memory_space<vmem>>) offsets(%dma_start3A_120 : memref<128xi32, #tpu.memory_space<vmem>>) semaphore(%arg20 : memref<!tpu.dma_semaphore, #tpu.memory_space<semaphore_mem>>)
    %dma_start3A_126 = arith.constant 0 : i32
    %dma_start3A_127 = arith.constant 4 : i32
    %dma_start3A_128 = arith.constant 512 : i32
    %dma_start3A_129 = arith.constant 0 : i32
    %dma_start3A_130 = tpu.memref_slice %arg12[%dma_start3A_128, %dma_start3A_129] : memref<1024x16xf32, #tpu.memory_space<vmem>> -> memref<128x16xf32, #tpu.memory_space<vmem>>
    %dma_start3A_131 = arith.constant 0 : i32
    %dma_start3A_132 = tpu.memref_slice %arg10[%dma_start3A_126, %dma_start3A_127, %dma_start3A_131] : memref<2x8x128xi32, #tpu.memory_space<vmem>> -> memref<1x1x128xi32, #tpu.memory_space<vmem>>
    %dma_start3A_133 = tpu.memref_squeeze %dma_start3A_132 : memref<1x1x128xi32, #tpu.memory_space<vmem>> -> memref<128xi32, #tpu.memory_space<vmem>>
    %dma_start3A_134 = arith.constant 0 : i32
    %dma_start3A_135 = tpu.memref_slice %arg2[%arg0, %dma_start3A_134] : memref<401408x16xf32, #tpu.memory_space<hbm>> -> memref<401400x16xf32, #tpu.memory_space<hbm>>
    %dma_start3A_136 = arith.constant 0 : i32
    %dma_start3A_137 = arith.constant 0 : i32
    %dma_start3A_138 = tpu.memref_slice %dma_start3A_135[%dma_start3A_136, %dma_start3A_137] : memref<401400x16xf32, #tpu.memory_space<hbm>> -> memref<401400x16xf32, #tpu.memory_space<hbm>>
    tpu.enqueue_indirect_dma source(%dma_start3A_138 : memref<401400x16xf32, #tpu.memory_space<hbm>>) target(%dma_start3A_130 : memref<128x16xf32, #tpu.memory_space<vmem>>) offsets(%dma_start3A_133 : memref<128xi32, #tpu.memory_space<vmem>>) semaphore(%arg21 : memref<!tpu.dma_semaphore, #tpu.memory_space<semaphore_mem>>)
    %dma_start3A_139 = arith.constant 0 : i32
    %dma_start3A_140 = arith.constant 5 : i32
    %dma_start3A_141 = arith.constant 640 : i32
    %dma_start3A_142 = arith.constant 0 : i32
    %dma_start3A_143 = tpu.memref_slice %arg12[%dma_start3A_141, %dma_start3A_142] : memref<1024x16xf32, #tpu.memory_space<vmem>> -> memref<128x16xf32, #tpu.memory_space<vmem>>
    %dma_start3A_144 = arith.constant 0 : i32
    %dma_start3A_145 = tpu.memref_slice %arg10[%dma_start3A_139, %dma_start3A_140, %dma_start3A_144] : memref<2x8x128xi32, #tpu.memory_space<vmem>> -> memref<1x1x128xi32, #tpu.memory_space<vmem>>
    %dma_start3A_146 = tpu.memref_squeeze %dma_start3A_145 : memref<1x1x128xi32, #tpu.memory_space<vmem>> -> memref<128xi32, #tpu.memory_space<vmem>>
    %dma_start3A_147 = arith.constant 0 : i32
    %dma_start3A_148 = tpu.memref_slice %arg2[%arg0, %dma_start3A_147] : memref<401408x16xf32, #tpu.memory_space<hbm>> -> memref<401400x16xf32, #tpu.memory_space<hbm>>
    %dma_start3A_149 = arith.constant 0 : i32
    %dma_start3A_150 = arith.constant 0 : i32
    %dma_start3A_151 = tpu.memref_slice %dma_start3A_148[%dma_start3A_149, %dma_start3A_150] : memref<401400x16xf32, #tpu.memory_space<hbm>> -> memref<401400x16xf32, #tpu.memory_space<hbm>>
    tpu.enqueue_indirect_dma source(%dma_start3A_151 : memref<401400x16xf32, #tpu.memory_space<hbm>>) target(%dma_start3A_143 : memref<128x16xf32, #tpu.memory_space<vmem>>) offsets(%dma_start3A_146 : memref<128xi32, #tpu.memory_space<vmem>>) semaphore(%arg22 : memref<!tpu.dma_semaphore, #tpu.memory_space<semaphore_mem>>)
    %dma_start3A_152 = arith.constant 0 : i32
    %dma_start3A_153 = arith.constant 6 : i32
    %dma_start3A_154 = arith.constant 768 : i32
    %dma_start3A_155 = arith.constant 0 : i32
    %dma_start3A_156 = tpu.memref_slice %arg12[%dma_start3A_154, %dma_start3A_155] : memref<1024x16xf32, #tpu.memory_space<vmem>> -> memref<128x16xf32, #tpu.memory_space<vmem>>
    %dma_start3A_157 = arith.constant 0 : i32
    %dma_start3A_158 = tpu.memref_slice %arg10[%dma_start3A_152, %dma_start3A_153, %dma_start3A_157] : memref<2x8x128xi32, #tpu.memory_space<vmem>> -> memref<1x1x128xi32, #tpu.memory_space<vmem>>
    %dma_start3A_159 = tpu.memref_squeeze %dma_start3A_158 : memref<1x1x128xi32, #tpu.memory_space<vmem>> -> memref<128xi32, #tpu.memory_space<vmem>>
    %dma_start3A_160 = arith.constant 0 : i32
    %dma_start3A_161 = tpu.memref_slice %arg2[%arg0, %dma_start3A_160] : memref<401408x16xf32, #tpu.memory_space<hbm>> -> memref<401400x16xf32, #tpu.memory_space<hbm>>
    %dma_start3A_162 = arith.constant 0 : i32
    %dma_start3A_163 = arith.constant 0 : i32
    %dma_start3A_164 = tpu.memref_slice %dma_start3A_161[%dma_start3A_162, %dma_start3A_163] : memref<401400x16xf32, #tpu.memory_space<hbm>> -> memref<401400x16xf32, #tpu.memory_space<hbm>>
    tpu.enqueue_indirect_dma source(%dma_start3A_164 : memref<401400x16xf32, #tpu.memory_space<hbm>>) target(%dma_start3A_156 : memref<128x16xf32, #tpu.memory_space<vmem>>) offsets(%dma_start3A_159 : memref<128xi32, #tpu.memory_space<vmem>>) semaphore(%arg23 : memref<!tpu.dma_semaphore, #tpu.memory_space<semaphore_mem>>)
    %dma_start3A_165 = arith.constant 0 : i32
    %dma_start3A_166 = arith.constant 7 : i32
    %dma_start3A_167 = arith.constant 896 : i32
    %dma_start3A_168 = arith.constant 0 : i32
    %dma_start3A_169 = tpu.memref_slice %arg12[%dma_start3A_167, %dma_start3A_168] : memref<1024x16xf32, #tpu.memory_space<vmem>> -> memref<128x16xf32, #tpu.memory_space<vmem>>
    %dma_start3A_170 = arith.constant 0 : i32
    %dma_start3A_171 = tpu.memref_slice %arg10[%dma_start3A_165, %dma_start3A_166, %dma_start3A_170] : memref<2x8x128xi32, #tpu.memory_space<vmem>> -> memref<1x1x128xi32, #tpu.memory_space<vmem>>
    %dma_start3A_172 = tpu.memref_squeeze %dma_start3A_171 : memref<1x1x128xi32, #tpu.memory_space<vmem>> -> memref<128xi32, #tpu.memory_space<vmem>>
    %dma_start3A_173 = arith.constant 0 : i32
    %dma_start3A_174 = tpu.memref_slice %arg2[%arg0, %dma_start3A_173] : memref<401408x16xf32, #tpu.memory_space<hbm>> -> memref<401400x16xf32, #tpu.memory_space<hbm>>
    %dma_start3A_175 = arith.constant 0 : i32
    %dma_start3A_176 = arith.constant 0 : i32
    %dma_start3A_177 = tpu.memref_slice %dma_start3A_174[%dma_start3A_175, %dma_start3A_176] : memref<401400x16xf32, #tpu.memory_space<hbm>> -> memref<401400x16xf32, #tpu.memory_space<hbm>>
    tpu.enqueue_indirect_dma source(%dma_start3A_177 : memref<401400x16xf32, #tpu.memory_space<hbm>>) target(%dma_start3A_169 : memref<128x16xf32, #tpu.memory_space<vmem>>) offsets(%dma_start3A_172 : memref<128xi32, #tpu.memory_space<vmem>>) semaphore(%arg24 : memref<!tpu.dma_semaphore, #tpu.memory_space<semaphore_mem>>)
    %dma_start3A_178 = arith.constant 1 : i32
    %dma_start3A_179 = arith.constant 0 : i32
    %dma_start3A_180 = arith.constant 0 : i32
    %dma_start3A_181 = tpu.memref_slice %arg10[%dma_start3A_178, %dma_start3A_179, %dma_start3A_180] : memref<2x8x128xi32, #tpu.memory_space<vmem>> -> memref<1x8x128xi32, #tpu.memory_space<vmem>>
    %dma_start3A_182 = tpu.memref_squeeze %dma_start3A_181 : memref<1x8x128xi32, #tpu.memory_space<vmem>> -> memref<8x128xi32, #tpu.memory_space<vmem>>
    %dma_start3A_183 = arith.constant 0 : i32
    %dma_start3A_184 = tpu.memref_slice %arg3[%mul3A_15, %dma_start3A_183] : memref<6272x128xi32, #tpu.memory_space<hbm>> -> memref<8x128xi32, #tpu.memory_space<hbm>>
    %dma_start3A_185 = arith.constant 0 : i32
    %dma_start3A_186 = arith.constant 0 : i32
    %dma_start3A_187 = tpu.memref_slice %arg10[%dma_start3A_178, %dma_start3A_185, %dma_start3A_186] : memref<2x8x128xi32, #tpu.memory_space<vmem>> -> memref<1x8x128xi32, #tpu.memory_space<vmem>>
    %dma_start3A_188 = tpu.memref_squeeze %dma_start3A_187 : memref<1x8x128xi32, #tpu.memory_space<vmem>> -> memref<8x128xi32, #tpu.memory_space<vmem>>
    %dma_start3A_189 = arith.constant 0 : i32
    %dma_start3A_190 = tpu.memref_slice %arg3[%mul3A_15, %dma_start3A_189] : memref<6272x128xi32, #tpu.memory_space<hbm>> -> memref<8x128xi32, #tpu.memory_space<hbm>>
    tpu.enqueue_dma source(%dma_start3A_190 : memref<8x128xi32, #tpu.memory_space<hbm>>) target(%dma_start3A_188 : memref<8x128xi32, #tpu.memory_space<vmem>>) target_semaphore(%arg15 : memref<!tpu.dma_semaphore, #tpu.memory_space<semaphore_mem>>)
    %dma_start3A_191 = arith.constant 1 : i32
    %dma_start3A_192 = arith.constant 0 : i32
    %dma_start3A_193 = arith.constant 0 : i32
    %dma_start3A_194 = tpu.memref_slice %arg11[%dma_start3A_191, %dma_start3A_192, %dma_start3A_193] : memref<2x8x128xi32, #tpu.memory_space<vmem>> -> memref<1x8x128xi32, #tpu.memory_space<vmem>>
    %dma_start3A_195 = tpu.memref_squeeze %dma_start3A_194 : memref<1x8x128xi32, #tpu.memory_space<vmem>> -> memref<8x128xi32, #tpu.memory_space<vmem>>
    %dma_start3A_196 = arith.constant 0 : i32
    %dma_start3A_197 = tpu.memref_slice %arg4[%mul3A_15, %dma_start3A_196] : memref<6272x128xi32, #tpu.memory_space<hbm>> -> memref<8x128xi32, #tpu.memory_space<hbm>>
    %dma_start3A_198 = arith.constant 0 : i32
    %dma_start3A_199 = arith.constant 0 : i32
    %dma_start3A_200 = tpu.memref_slice %arg11[%dma_start3A_191, %dma_start3A_198, %dma_start3A_199] : memref<2x8x128xi32, #tpu.memory_space<vmem>> -> memref<1x8x128xi32, #tpu.memory_space<vmem>>
    %dma_start3A_201 = tpu.memref_squeeze %dma_start3A_200 : memref<1x8x128xi32, #tpu.memory_space<vmem>> -> memref<8x128xi32, #tpu.memory_space<vmem>>
    %dma_start3A_202 = arith.constant 0 : i32
    %dma_start3A_203 = tpu.memref_slice %arg4[%mul3A_15, %dma_start3A_202] : memref<6272x128xi32, #tpu.memory_space<hbm>> -> memref<8x128xi32, #tpu.memory_space<hbm>>
    tpu.enqueue_dma source(%dma_start3A_203 : memref<8x128xi32, #tpu.memory_space<hbm>>) target(%dma_start3A_201 : memref<8x128xi32, #tpu.memory_space<vmem>>) target_semaphore(%arg15 : memref<!tpu.dma_semaphore, #tpu.memory_space<semaphore_mem>>)
    %dma_wait3A_204 = arith.constant 0 : i32
    %dma_wait3A_205 = arith.constant 0 : i32
    %dma_wait3A_206 = arith.constant 0 : i32
    %dma_wait3A_207 = arith.constant 0 : i32
    %dma_wait3A_208 = tpu.memref_slice %arg12[%dma_wait3A_206, %dma_wait3A_207] : memref<1024x16xf32, #tpu.memory_space<vmem>> -> memref<128x16xf32, #tpu.memory_space<vmem>>
    %dma_wait3A_209 = arith.constant 0 : i32
    %dma_wait3A_210 = tpu.memref_slice %arg10[%dma_wait3A_204, %dma_wait3A_205, %dma_wait3A_209] : memref<2x8x128xi32, #tpu.memory_space<vmem>> -> memref<1x1x128xi32, #tpu.memory_space<vmem>>
    %dma_wait3A_211 = tpu.memref_squeeze %dma_wait3A_210 : memref<1x1x128xi32, #tpu.memory_space<vmem>> -> memref<128xi32, #tpu.memory_space<vmem>>
    %dma_wait3A_212 = arith.constant 0 : i32
    %dma_wait3A_213 = tpu.memref_slice %arg2[%arg0, %dma_wait3A_212] : memref<401408x16xf32, #tpu.memory_space<hbm>> -> memref<401400x16xf32, #tpu.memory_space<hbm>>
    %dma_wait3A_214 = arith.constant 0 : i32
    %dma_wait3A_215 = arith.constant 0 : i32
    %dma_wait3A_216 = tpu.memref_slice %dma_wait3A_213[%dma_wait3A_214, %dma_wait3A_215] : memref<401400x16xf32, #tpu.memory_space<hbm>> -> memref<401400x16xf32, #tpu.memory_space<hbm>>
    tpu.wait_indirect_dma semaphore(%arg17 : memref<!tpu.dma_semaphore, #tpu.memory_space<semaphore_mem>>) src(%dma_wait3A_216 : memref<401400x16xf32, #tpu.memory_space<hbm>>) dst(%dma_wait3A_208 : memref<128x16xf32, #tpu.memory_space<vmem>>)
    %dma_start3A_217 = arith.constant 0 : i32
    %dma_start3A_218 = arith.constant 0 : i32
    %dma_start3A_219 = arith.constant 0 : i32
    %dma_start3A_220 = arith.constant 0 : i32
    %dma_start3A_221 = tpu.memref_slice %arg12[%dma_start3A_219, %dma_start3A_220] : memref<1024x16xf32, #tpu.memory_space<vmem>> -> memref<128x16xf32, #tpu.memory_space<vmem>>
    %dma_start3A_222 = arith.constant 0 : i32
    %dma_start3A_223 = tpu.memref_slice %arg11[%dma_start3A_217, %dma_start3A_218, %dma_start3A_222] : memref<2x8x128xi32, #tpu.memory_space<vmem>> -> memref<1x1x128xi32, #tpu.memory_space<vmem>>
    %dma_start3A_224 = tpu.memref_squeeze %dma_start3A_223 : memref<1x1x128xi32, #tpu.memory_space<vmem>> -> memref<128xi32, #tpu.memory_space<vmem>>
    %dma_start3A_225 = arith.constant 0 : i32
    %dma_start3A_226 = arith.constant 0 : i32
    %dma_start3A_227 = tpu.memref_slice %arg9[%dma_start3A_225, %dma_start3A_226] : memref<50176x16xf32, #tpu.memory_space<vmem_shared>> -> memref<50176x16xf32, #tpu.memory_space<vmem_shared>>
    tpu.enqueue_indirect_dma source(%dma_start3A_221 : memref<128x16xf32, #tpu.memory_space<vmem>>) target(%dma_start3A_227 : memref<50176x16xf32, #tpu.memory_space<vmem_shared>>) offsets(%dma_start3A_224 : memref<128xi32, #tpu.memory_space<vmem>>) semaphore(%arg16 : memref<!tpu.dma_semaphore, #tpu.memory_space<semaphore_mem>>) {add = true}
    %dma_wait3A_228 = arith.constant 0 : i32
    %dma_wait3A_229 = arith.constant 1 : i32
    %dma_wait3A_230 = arith.constant 128 : i32
    %dma_wait3A_231 = arith.constant 0 : i32
    %dma_wait3A_232 = tpu.memref_slice %arg12[%dma_wait3A_230, %dma_wait3A_231] : memref<1024x16xf32, #tpu.memory_space<vmem>> -> memref<128x16xf32, #tpu.memory_space<vmem>>
    %dma_wait3A_233 = arith.constant 0 : i32
    %dma_wait3A_234 = tpu.memref_slice %arg10[%dma_wait3A_228, %dma_wait3A_229, %dma_wait3A_233] : memref<2x8x128xi32, #tpu.memory_space<vmem>> -> memref<1x1x128xi32, #tpu.memory_space<vmem>>
    %dma_wait3A_235 = tpu.memref_squeeze %dma_wait3A_234 : memref<1x1x128xi32, #tpu.memory_space<vmem>> -> memref<128xi32, #tpu.memory_space<vmem>>
    %dma_wait3A_236 = arith.constant 0 : i32
    %dma_wait3A_237 = tpu.memref_slice %arg2[%arg0, %dma_wait3A_236] : memref<401408x16xf32, #tpu.memory_space<hbm>> -> memref<401400x16xf32, #tpu.memory_space<hbm>>
    %dma_wait3A_238 = arith.constant 0 : i32
    %dma_wait3A_239 = arith.constant 0 : i32
    %dma_wait3A_240 = tpu.memref_slice %dma_wait3A_237[%dma_wait3A_238, %dma_wait3A_239] : memref<401400x16xf32, #tpu.memory_space<hbm>> -> memref<401400x16xf32, #tpu.memory_space<hbm>>
    tpu.wait_indirect_dma semaphore(%arg18 : memref<!tpu.dma_semaphore, #tpu.memory_space<semaphore_mem>>) src(%dma_wait3A_240 : memref<401400x16xf32, #tpu.memory_space<hbm>>) dst(%dma_wait3A_232 : memref<128x16xf32, #tpu.memory_space<vmem>>)
    %dma_start3A_241 = arith.constant 0 : i32
    %dma_start3A_242 = arith.constant 1 : i32
    %dma_start3A_243 = arith.constant 128 : i32
    %dma_start3A_244 = arith.constant 0 : i32
    %dma_start3A_245 = tpu.memref_slice %arg12[%dma_start3A_243, %dma_start3A_244] : memref<1024x16xf32, #tpu.memory_space<vmem>> -> memref<128x16xf32, #tpu.memory_space<vmem>>
    %dma_start3A_246 = arith.constant 0 : i32
    %dma_start3A_247 = tpu.memref_slice %arg11[%dma_start3A_241, %dma_start3A_242, %dma_start3A_246] : memref<2x8x128xi32, #tpu.memory_space<vmem>> -> memref<1x1x128xi32, #tpu.memory_space<vmem>>
    %dma_start3A_248 = tpu.memref_squeeze %dma_start3A_247 : memref<1x1x128xi32, #tpu.memory_space<vmem>> -> memref<128xi32, #tpu.memory_space<vmem>>
    %dma_start3A_249 = arith.constant 0 : i32
    %dma_start3A_250 = arith.constant 0 : i32
    %dma_start3A_251 = tpu.memref_slice %arg9[%dma_start3A_249, %dma_start3A_250] : memref<50176x16xf32, #tpu.memory_space<vmem_shared>> -> memref<50176x16xf32, #tpu.memory_space<vmem_shared>>
    tpu.enqueue_indirect_dma source(%dma_start3A_245 : memref<128x16xf32, #tpu.memory_space<vmem>>) target(%dma_start3A_251 : memref<50176x16xf32, #tpu.memory_space<vmem_shared>>) offsets(%dma_start3A_248 : memref<128xi32, #tpu.memory_space<vmem>>) semaphore(%arg16 : memref<!tpu.dma_semaphore, #tpu.memory_space<semaphore_mem>>) {add = true}
    %dma_wait3A_252 = arith.constant 0 : i32
    %dma_wait3A_253 = arith.constant 2 : i32
    %dma_wait3A_254 = arith.constant 256 : i32
    %dma_wait3A_255 = arith.constant 0 : i32
    %dma_wait3A_256 = tpu.memref_slice %arg12[%dma_wait3A_254, %dma_wait3A_255] : memref<1024x16xf32, #tpu.memory_space<vmem>> -> memref<128x16xf32, #tpu.memory_space<vmem>>
    %dma_wait3A_257 = arith.constant 0 : i32
    %dma_wait3A_258 = tpu.memref_slice %arg10[%dma_wait3A_252, %dma_wait3A_253, %dma_wait3A_257] : memref<2x8x128xi32, #tpu.memory_space<vmem>> -> memref<1x1x128xi32, #tpu.memory_space<vmem>>
    %dma_wait3A_259 = tpu.memref_squeeze %dma_wait3A_258 : memref<1x1x128xi32, #tpu.memory_space<vmem>> -> memref<128xi32, #tpu.memory_space<vmem>>
    %dma_wait3A_260 = arith.constant 0 : i32
    %dma_wait3A_261 = tpu.memref_slice %arg2[%arg0, %dma_wait3A_260] : memref<401408x16xf32, #tpu.memory_space<hbm>> -> memref<401400x16xf32, #tpu.memory_space<hbm>>
    %dma_wait3A_262 = arith.constant 0 : i32
    %dma_wait3A_263 = arith.constant 0 : i32
    %dma_wait3A_264 = tpu.memref_slice %dma_wait3A_261[%dma_wait3A_262, %dma_wait3A_263] : memref<401400x16xf32, #tpu.memory_space<hbm>> -> memref<401400x16xf32, #tpu.memory_space<hbm>>
    tpu.wait_indirect_dma semaphore(%arg19 : memref<!tpu.dma_semaphore, #tpu.memory_space<semaphore_mem>>) src(%dma_wait3A_264 : memref<401400x16xf32, #tpu.memory_space<hbm>>) dst(%dma_wait3A_256 : memref<128x16xf32, #tpu.memory_space<vmem>>)
    %dma_start3A_265 = arith.constant 0 : i32
    %dma_start3A_266 = arith.constant 2 : i32
    %dma_start3A_267 = arith.constant 256 : i32
    %dma_start3A_268 = arith.constant 0 : i32
    %dma_start3A_269 = tpu.memref_slice %arg12[%dma_start3A_267, %dma_start3A_268] : memref<1024x16xf32, #tpu.memory_space<vmem>> -> memref<128x16xf32, #tpu.memory_space<vmem>>
    %dma_start3A_270 = arith.constant 0 : i32
    %dma_start3A_271 = tpu.memref_slice %arg11[%dma_start3A_265, %dma_start3A_266, %dma_start3A_270] : memref<2x8x128xi32, #tpu.memory_space<vmem>> -> memref<1x1x128xi32, #tpu.memory_space<vmem>>
    %dma_start3A_272 = tpu.memref_squeeze %dma_start3A_271 : memref<1x1x128xi32, #tpu.memory_space<vmem>> -> memref<128xi32, #tpu.memory_space<vmem>>
    %dma_start3A_273 = arith.constant 0 : i32
    %dma_start3A_274 = arith.constant 0 : i32
    %dma_start3A_275 = tpu.memref_slice %arg9[%dma_start3A_273, %dma_start3A_274] : memref<50176x16xf32, #tpu.memory_space<vmem_shared>> -> memref<50176x16xf32, #tpu.memory_space<vmem_shared>>
    tpu.enqueue_indirect_dma source(%dma_start3A_269 : memref<128x16xf32, #tpu.memory_space<vmem>>) target(%dma_start3A_275 : memref<50176x16xf32, #tpu.memory_space<vmem_shared>>) offsets(%dma_start3A_272 : memref<128xi32, #tpu.memory_space<vmem>>) semaphore(%arg16 : memref<!tpu.dma_semaphore, #tpu.memory_space<semaphore_mem>>) {add = true}
    %dma_wait3A_276 = arith.constant 0 : i32
    %dma_wait3A_277 = arith.constant 3 : i32
    %dma_wait3A_278 = arith.constant 384 : i32
    %dma_wait3A_279 = arith.constant 0 : i32
    %dma_wait3A_280 = tpu.memref_slice %arg12[%dma_wait3A_278, %dma_wait3A_279] : memref<1024x16xf32, #tpu.memory_space<vmem>> -> memref<128x16xf32, #tpu.memory_space<vmem>>
    %dma_wait3A_281 = arith.constant 0 : i32
    %dma_wait3A_282 = tpu.memref_slice %arg10[%dma_wait3A_276, %dma_wait3A_277, %dma_wait3A_281] : memref<2x8x128xi32, #tpu.memory_space<vmem>> -> memref<1x1x128xi32, #tpu.memory_space<vmem>>
    %dma_wait3A_283 = tpu.memref_squeeze %dma_wait3A_282 : memref<1x1x128xi32, #tpu.memory_space<vmem>> -> memref<128xi32, #tpu.memory_space<vmem>>
    %dma_wait3A_284 = arith.constant 0 : i32
    %dma_wait3A_285 = tpu.memref_slice %arg2[%arg0, %dma_wait3A_284] : memref<401408x16xf32, #tpu.memory_space<hbm>> -> memref<401400x16xf32, #tpu.memory_space<hbm>>
    %dma_wait3A_286 = arith.constant 0 : i32
    %dma_wait3A_287 = arith.constant 0 : i32
    %dma_wait3A_288 = tpu.memref_slice %dma_wait3A_285[%dma_wait3A_286, %dma_wait3A_287] : memref<401400x16xf32, #tpu.memory_space<hbm>> -> memref<401400x16xf32, #tpu.memory_space<hbm>>
    tpu.wait_indirect_dma semaphore(%arg20 : memref<!tpu.dma_semaphore, #tpu.memory_space<semaphore_mem>>) src(%dma_wait3A_288 : memref<401400x16xf32, #tpu.memory_space<hbm>>) dst(%dma_wait3A_280 : memref<128x16xf32, #tpu.memory_space<vmem>>)
    %dma_start3A_289 = arith.constant 0 : i32
    %dma_start3A_290 = arith.constant 3 : i32
    %dma_start3A_291 = arith.constant 384 : i32
    %dma_start3A_292 = arith.constant 0 : i32
    %dma_start3A_293 = tpu.memref_slice %arg12[%dma_start3A_291, %dma_start3A_292] : memref<1024x16xf32, #tpu.memory_space<vmem>> -> memref<128x16xf32, #tpu.memory_space<vmem>>
    %dma_start3A_294 = arith.constant 0 : i32
    %dma_start3A_295 = tpu.memref_slice %arg11[%dma_start3A_289, %dma_start3A_290, %dma_start3A_294] : memref<2x8x128xi32, #tpu.memory_space<vmem>> -> memref<1x1x128xi32, #tpu.memory_space<vmem>>
    %dma_start3A_296 = tpu.memref_squeeze %dma_start3A_295 : memref<1x1x128xi32, #tpu.memory_space<vmem>> -> memref<128xi32, #tpu.memory_space<vmem>>
    %dma_start3A_297 = arith.constant 0 : i32
    %dma_start3A_298 = arith.constant 0 : i32
    %dma_start3A_299 = tpu.memref_slice %arg9[%dma_start3A_297, %dma_start3A_298] : memref<50176x16xf32, #tpu.memory_space<vmem_shared>> -> memref<50176x16xf32, #tpu.memory_space<vmem_shared>>
    tpu.enqueue_indirect_dma source(%dma_start3A_293 : memref<128x16xf32, #tpu.memory_space<vmem>>) target(%dma_start3A_299 : memref<50176x16xf32, #tpu.memory_space<vmem_shared>>) offsets(%dma_start3A_296 : memref<128xi32, #tpu.memory_space<vmem>>) semaphore(%arg16 : memref<!tpu.dma_semaphore, #tpu.memory_space<semaphore_mem>>) {add = true}
    %dma_wait3A_300 = arith.constant 0 : i32
    %dma_wait3A_301 = arith.constant 4 : i32
    %dma_wait3A_302 = arith.constant 512 : i32
    %dma_wait3A_303 = arith.constant 0 : i32
    %dma_wait3A_304 = tpu.memref_slice %arg12[%dma_wait3A_302, %dma_wait3A_303] : memref<1024x16xf32, #tpu.memory_space<vmem>> -> memref<128x16xf32, #tpu.memory_space<vmem>>
    %dma_wait3A_305 = arith.constant 0 : i32
    %dma_wait3A_306 = tpu.memref_slice %arg10[%dma_wait3A_300, %dma_wait3A_301, %dma_wait3A_305] : memref<2x8x128xi32, #tpu.memory_space<vmem>> -> memref<1x1x128xi32, #tpu.memory_space<vmem>>
    %dma_wait3A_307 = tpu.memref_squeeze %dma_wait3A_306 : memref<1x1x128xi32, #tpu.memory_space<vmem>> -> memref<128xi32, #tpu.memory_space<vmem>>
    %dma_wait3A_308 = arith.constant 0 : i32
    %dma_wait3A_309 = tpu.memref_slice %arg2[%arg0, %dma_wait3A_308] : memref<401408x16xf32, #tpu.memory_space<hbm>> -> memref<401400x16xf32, #tpu.memory_space<hbm>>
    %dma_wait3A_310 = arith.constant 0 : i32
    %dma_wait3A_311 = arith.constant 0 : i32
    %dma_wait3A_312 = tpu.memref_slice %dma_wait3A_309[%dma_wait3A_310, %dma_wait3A_311] : memref<401400x16xf32, #tpu.memory_space<hbm>> -> memref<401400x16xf32, #tpu.memory_space<hbm>>
    tpu.wait_indirect_dma semaphore(%arg21 : memref<!tpu.dma_semaphore, #tpu.memory_space<semaphore_mem>>) src(%dma_wait3A_312 : memref<401400x16xf32, #tpu.memory_space<hbm>>) dst(%dma_wait3A_304 : memref<128x16xf32, #tpu.memory_space<vmem>>)
    %dma_start3A_313 = arith.constant 0 : i32
    %dma_start3A_314 = arith.constant 4 : i32
    %dma_start3A_315 = arith.constant 512 : i32
    %dma_start3A_316 = arith.constant 0 : i32
    %dma_start3A_317 = tpu.memref_slice %arg12[%dma_start3A_315, %dma_start3A_316] : memref<1024x16xf32, #tpu.memory_space<vmem>> -> memref<128x16xf32, #tpu.memory_space<vmem>>
    %dma_start3A_318 = arith.constant 0 : i32
    %dma_start3A_319 = tpu.memref_slice %arg11[%dma_start3A_313, %dma_start3A_314, %dma_start3A_318] : memref<2x8x128xi32, #tpu.memory_space<vmem>> -> memref<1x1x128xi32, #tpu.memory_space<vmem>>
    %dma_start3A_320 = tpu.memref_squeeze %dma_start3A_319 : memref<1x1x128xi32, #tpu.memory_space<vmem>> -> memref<128xi32, #tpu.memory_space<vmem>>
    %dma_start3A_321 = arith.constant 0 : i32
    %dma_start3A_322 = arith.constant 0 : i32
    %dma_start3A_323 = tpu.memref_slice %arg9[%dma_start3A_321, %dma_start3A_322] : memref<50176x16xf32, #tpu.memory_space<vmem_shared>> -> memref<50176x16xf32, #tpu.memory_space<vmem_shared>>
    tpu.enqueue_indirect_dma source(%dma_start3A_317 : memref<128x16xf32, #tpu.memory_space<vmem>>) target(%dma_start3A_323 : memref<50176x16xf32, #tpu.memory_space<vmem_shared>>) offsets(%dma_start3A_320 : memref<128xi32, #tpu.memory_space<vmem>>) semaphore(%arg16 : memref<!tpu.dma_semaphore, #tpu.memory_space<semaphore_mem>>) {add = true}
    %dma_wait3A_324 = arith.constant 0 : i32
    %dma_wait3A_325 = arith.constant 5 : i32
    %dma_wait3A_326 = arith.constant 640 : i32
    %dma_wait3A_327 = arith.constant 0 : i32
    %dma_wait3A_328 = tpu.memref_slice %arg12[%dma_wait3A_326, %dma_wait3A_327] : memref<1024x16xf32, #tpu.memory_space<vmem>> -> memref<128x16xf32, #tpu.memory_space<vmem>>
    %dma_wait3A_329 = arith.constant 0 : i32
    %dma_wait3A_330 = tpu.memref_slice %arg10[%dma_wait3A_324, %dma_wait3A_325, %dma_wait3A_329] : memref<2x8x128xi32, #tpu.memory_space<vmem>> -> memref<1x1x128xi32, #tpu.memory_space<vmem>>
    %dma_wait3A_331 = tpu.memref_squeeze %dma_wait3A_330 : memref<1x1x128xi32, #tpu.memory_space<vmem>> -> memref<128xi32, #tpu.memory_space<vmem>>
    %dma_wait3A_332 = arith.constant 0 : i32
    %dma_wait3A_333 = tpu.memref_slice %arg2[%arg0, %dma_wait3A_332] : memref<401408x16xf32, #tpu.memory_space<hbm>> -> memref<401400x16xf32, #tpu.memory_space<hbm>>
    %dma_wait3A_334 = arith.constant 0 : i32
    %dma_wait3A_335 = arith.constant 0 : i32
    %dma_wait3A_336 = tpu.memref_slice %dma_wait3A_333[%dma_wait3A_334, %dma_wait3A_335] : memref<401400x16xf32, #tpu.memory_space<hbm>> -> memref<401400x16xf32, #tpu.memory_space<hbm>>
    tpu.wait_indirect_dma semaphore(%arg22 : memref<!tpu.dma_semaphore, #tpu.memory_space<semaphore_mem>>) src(%dma_wait3A_336 : memref<401400x16xf32, #tpu.memory_space<hbm>>) dst(%dma_wait3A_328 : memref<128x16xf32, #tpu.memory_space<vmem>>)
    %dma_start3A_337 = arith.constant 0 : i32
    %dma_start3A_338 = arith.constant 5 : i32
    %dma_start3A_339 = arith.constant 640 : i32
    %dma_start3A_340 = arith.constant 0 : i32
    %dma_start3A_341 = tpu.memref_slice %arg12[%dma_start3A_339, %dma_start3A_340] : memref<1024x16xf32, #tpu.memory_space<vmem>> -> memref<128x16xf32, #tpu.memory_space<vmem>>
    %dma_start3A_342 = arith.constant 0 : i32
    %dma_start3A_343 = tpu.memref_slice %arg11[%dma_start3A_337, %dma_start3A_338, %dma_start3A_342] : memref<2x8x128xi32, #tpu.memory_space<vmem>> -> memref<1x1x128xi32, #tpu.memory_space<vmem>>
    %dma_start3A_344 = tpu.memref_squeeze %dma_start3A_343 : memref<1x1x128xi32, #tpu.memory_space<vmem>> -> memref<128xi32, #tpu.memory_space<vmem>>
    %dma_start3A_345 = arith.constant 0 : i32
    %dma_start3A_346 = arith.constant 0 : i32
    %dma_start3A_347 = tpu.memref_slice %arg9[%dma_start3A_345, %dma_start3A_346] : memref<50176x16xf32, #tpu.memory_space<vmem_shared>> -> memref<50176x16xf32, #tpu.memory_space<vmem_shared>>
    tpu.enqueue_indirect_dma source(%dma_start3A_341 : memref<128x16xf32, #tpu.memory_space<vmem>>) target(%dma_start3A_347 : memref<50176x16xf32, #tpu.memory_space<vmem_shared>>) offsets(%dma_start3A_344 : memref<128xi32, #tpu.memory_space<vmem>>) semaphore(%arg16 : memref<!tpu.dma_semaphore, #tpu.memory_space<semaphore_mem>>) {add = true}
    %dma_wait3A_348 = arith.constant 0 : i32
    %dma_wait3A_349 = arith.constant 6 : i32
    %dma_wait3A_350 = arith.constant 768 : i32
    %dma_wait3A_351 = arith.constant 0 : i32
    %dma_wait3A_352 = tpu.memref_slice %arg12[%dma_wait3A_350, %dma_wait3A_351] : memref<1024x16xf32, #tpu.memory_space<vmem>> -> memref<128x16xf32, #tpu.memory_space<vmem>>
    %dma_wait3A_353 = arith.constant 0 : i32
    %dma_wait3A_354 = tpu.memref_slice %arg10[%dma_wait3A_348, %dma_wait3A_349, %dma_wait3A_353] : memref<2x8x128xi32, #tpu.memory_space<vmem>> -> memref<1x1x128xi32, #tpu.memory_space<vmem>>
    %dma_wait3A_355 = tpu.memref_squeeze %dma_wait3A_354 : memref<1x1x128xi32, #tpu.memory_space<vmem>> -> memref<128xi32, #tpu.memory_space<vmem>>
    %dma_wait3A_356 = arith.constant 0 : i32
    %dma_wait3A_357 = tpu.memref_slice %arg2[%arg0, %dma_wait3A_356] : memref<401408x16xf32, #tpu.memory_space<hbm>> -> memref<401400x16xf32, #tpu.memory_space<hbm>>
    %dma_wait3A_358 = arith.constant 0 : i32
    %dma_wait3A_359 = arith.constant 0 : i32
    %dma_wait3A_360 = tpu.memref_slice %dma_wait3A_357[%dma_wait3A_358, %dma_wait3A_359] : memref<401400x16xf32, #tpu.memory_space<hbm>> -> memref<401400x16xf32, #tpu.memory_space<hbm>>
    tpu.wait_indirect_dma semaphore(%arg23 : memref<!tpu.dma_semaphore, #tpu.memory_space<semaphore_mem>>) src(%dma_wait3A_360 : memref<401400x16xf32, #tpu.memory_space<hbm>>) dst(%dma_wait3A_352 : memref<128x16xf32, #tpu.memory_space<vmem>>)
    %dma_start3A_361 = arith.constant 0 : i32
    %dma_start3A_362 = arith.constant 6 : i32
    %dma_start3A_363 = arith.constant 768 : i32
    %dma_start3A_364 = arith.constant 0 : i32
    %dma_start3A_365 = tpu.memref_slice %arg12[%dma_start3A_363, %dma_start3A_364] : memref<1024x16xf32, #tpu.memory_space<vmem>> -> memref<128x16xf32, #tpu.memory_space<vmem>>
    %dma_start3A_366 = arith.constant 0 : i32
    %dma_start3A_367 = tpu.memref_slice %arg11[%dma_start3A_361, %dma_start3A_362, %dma_start3A_366] : memref<2x8x128xi32, #tpu.memory_space<vmem>> -> memref<1x1x128xi32, #tpu.memory_space<vmem>>
    %dma_start3A_368 = tpu.memref_squeeze %dma_start3A_367 : memref<1x1x128xi32, #tpu.memory_space<vmem>> -> memref<128xi32, #tpu.memory_space<vmem>>
    %dma_start3A_369 = arith.constant 0 : i32
    %dma_start3A_370 = arith.constant 0 : i32
    %dma_start3A_371 = tpu.memref_slice %arg9[%dma_start3A_369, %dma_start3A_370] : memref<50176x16xf32, #tpu.memory_space<vmem_shared>> -> memref<50176x16xf32, #tpu.memory_space<vmem_shared>>
    tpu.enqueue_indirect_dma source(%dma_start3A_365 : memref<128x16xf32, #tpu.memory_space<vmem>>) target(%dma_start3A_371 : memref<50176x16xf32, #tpu.memory_space<vmem_shared>>) offsets(%dma_start3A_368 : memref<128xi32, #tpu.memory_space<vmem>>) semaphore(%arg16 : memref<!tpu.dma_semaphore, #tpu.memory_space<semaphore_mem>>) {add = true}
    %dma_wait3A_372 = arith.constant 0 : i32
    %dma_wait3A_373 = arith.constant 7 : i32
    %dma_wait3A_374 = arith.constant 896 : i32
    %dma_wait3A_375 = arith.constant 0 : i32
    %dma_wait3A_376 = tpu.memref_slice %arg12[%dma_wait3A_374, %dma_wait3A_375] : memref<1024x16xf32, #tpu.memory_space<vmem>> -> memref<128x16xf32, #tpu.memory_space<vmem>>
    %dma_wait3A_377 = arith.constant 0 : i32
    %dma_wait3A_378 = tpu.memref_slice %arg10[%dma_wait3A_372, %dma_wait3A_373, %dma_wait3A_377] : memref<2x8x128xi32, #tpu.memory_space<vmem>> -> memref<1x1x128xi32, #tpu.memory_space<vmem>>
    %dma_wait3A_379 = tpu.memref_squeeze %dma_wait3A_378 : memref<1x1x128xi32, #tpu.memory_space<vmem>> -> memref<128xi32, #tpu.memory_space<vmem>>
    %dma_wait3A_380 = arith.constant 0 : i32
    %dma_wait3A_381 = tpu.memref_slice %arg2[%arg0, %dma_wait3A_380] : memref<401408x16xf32, #tpu.memory_space<hbm>> -> memref<401400x16xf32, #tpu.memory_space<hbm>>
    %dma_wait3A_382 = arith.constant 0 : i32
    %dma_wait3A_383 = arith.constant 0 : i32
    %dma_wait3A_384 = tpu.memref_slice %dma_wait3A_381[%dma_wait3A_382, %dma_wait3A_383] : memref<401400x16xf32, #tpu.memory_space<hbm>> -> memref<401400x16xf32, #tpu.memory_space<hbm>>
    tpu.wait_indirect_dma semaphore(%arg24 : memref<!tpu.dma_semaphore, #tpu.memory_space<semaphore_mem>>) src(%dma_wait3A_384 : memref<401400x16xf32, #tpu.memory_space<hbm>>) dst(%dma_wait3A_376 : memref<128x16xf32, #tpu.memory_space<vmem>>)
    %dma_start3A_385 = arith.constant 0 : i32
    %dma_start3A_386 = arith.constant 7 : i32
    %dma_start3A_387 = arith.constant 896 : i32
    %dma_start3A_388 = arith.constant 0 : i32
    %dma_start3A_389 = tpu.memref_slice %arg12[%dma_start3A_387, %dma_start3A_388] : memref<1024x16xf32, #tpu.memory_space<vmem>> -> memref<128x16xf32, #tpu.memory_space<vmem>>
    %dma_start3A_390 = arith.constant 0 : i32
    %dma_start3A_391 = tpu.memref_slice %arg11[%dma_start3A_385, %dma_start3A_386, %dma_start3A_390] : memref<2x8x128xi32, #tpu.memory_space<vmem>> -> memref<1x1x128xi32, #tpu.memory_space<vmem>>
    %dma_start3A_392 = tpu.memref_squeeze %dma_start3A_391 : memref<1x1x128xi32, #tpu.memory_space<vmem>> -> memref<128xi32, #tpu.memory_space<vmem>>
    %dma_start3A_393 = arith.constant 0 : i32
    %dma_start3A_394 = arith.constant 0 : i32
    %dma_start3A_395 = tpu.memref_slice %arg9[%dma_start3A_393, %dma_start3A_394] : memref<50176x16xf32, #tpu.memory_space<vmem_shared>> -> memref<50176x16xf32, #tpu.memory_space<vmem_shared>>
    tpu.enqueue_indirect_dma source(%dma_start3A_389 : memref<128x16xf32, #tpu.memory_space<vmem>>) target(%dma_start3A_395 : memref<50176x16xf32, #tpu.memory_space<vmem_shared>>) offsets(%dma_start3A_392 : memref<128xi32, #tpu.memory_space<vmem>>) semaphore(%arg16 : memref<!tpu.dma_semaphore, #tpu.memory_space<semaphore_mem>>) {add = true}
    %dma_wait3A_396 = arith.constant 0 : i32
    %dma_wait3A_397 = arith.constant 0 : i32
    %dma_wait3A_398 = arith.constant 0 : i32
    %dma_wait3A_399 = arith.constant 0 : i32
    %dma_wait3A_400 = tpu.memref_slice %arg12[%dma_wait3A_398, %dma_wait3A_399] : memref<1024x16xf32, #tpu.memory_space<vmem>> -> memref<128x16xf32, #tpu.memory_space<vmem>>
    %dma_wait3A_401 = arith.constant 0 : i32
    %dma_wait3A_402 = tpu.memref_slice %arg11[%dma_wait3A_396, %dma_wait3A_397, %dma_wait3A_401] : memref<2x8x128xi32, #tpu.memory_space<vmem>> -> memref<1x1x128xi32, #tpu.memory_space<vmem>>
    %dma_wait3A_403 = tpu.memref_squeeze %dma_wait3A_402 : memref<1x1x128xi32, #tpu.memory_space<vmem>> -> memref<128xi32, #tpu.memory_space<vmem>>
    %dma_wait3A_404 = arith.constant 0 : i32
    %dma_wait3A_405 = arith.constant 0 : i32
    %dma_wait3A_406 = tpu.memref_slice %arg9[%dma_wait3A_404, %dma_wait3A_405] : memref<50176x16xf32, #tpu.memory_space<vmem_shared>> -> memref<50176x16xf32, #tpu.memory_space<vmem_shared>>
    tpu.wait_indirect_dma semaphore(%arg16 : memref<!tpu.dma_semaphore, #tpu.memory_space<semaphore_mem>>) src(%dma_wait3A_400 : memref<128x16xf32, #tpu.memory_space<vmem>>) dst(%dma_wait3A_406 : memref<50176x16xf32, #tpu.memory_space<vmem_shared>>)
    %dma_wait3A_407 = arith.constant 0 : i32
    %dma_wait3A_408 = arith.constant 1 : i32
    %dma_wait3A_409 = arith.constant 128 : i32
    %dma_wait3A_410 = arith.constant 0 : i32
    %dma_wait3A_411 = tpu.memref_slice %arg12[%dma_wait3A_409, %dma_wait3A_410] : memref<1024x16xf32, #tpu.memory_space<vmem>> -> memref<128x16xf32, #tpu.memory_space<vmem>>
    %dma_wait3A_412 = arith.constant 0 : i32
    %dma_wait3A_413 = tpu.memref_slice %arg11[%dma_wait3A_407, %dma_wait3A_408, %dma_wait3A_412] : memref<2x8x128xi32, #tpu.memory_space<vmem>> -> memref<1x1x128xi32, #tpu.memory_space<vmem>>
    %dma_wait3A_414 = tpu.memref_squeeze %dma_wait3A_413 : memref<1x1x128xi32, #tpu.memory_space<vmem>> -> memref<128xi32, #tpu.memory_space<vmem>>
    %dma_wait3A_415 = arith.constant 0 : i32
    %dma_wait3A_416 = arith.constant 0 : i32
    %dma_wait3A_417 = tpu.memref_slice %arg9[%dma_wait3A_415, %dma_wait3A_416] : memref<50176x16xf32, #tpu.memory_space<vmem_shared>> -> memref<50176x16xf32, #tpu.memory_space<vmem_shared>>
    tpu.wait_indirect_dma semaphore(%arg16 : memref<!tpu.dma_semaphore, #tpu.memory_space<semaphore_mem>>) src(%dma_wait3A_411 : memref<128x16xf32, #tpu.memory_space<vmem>>) dst(%dma_wait3A_417 : memref<50176x16xf32, #tpu.memory_space<vmem_shared>>)
    %dma_wait3A_418 = arith.constant 0 : i32
    %dma_wait3A_419 = arith.constant 2 : i32
    %dma_wait3A_420 = arith.constant 256 : i32
    %dma_wait3A_421 = arith.constant 0 : i32
    %dma_wait3A_422 = tpu.memref_slice %arg12[%dma_wait3A_420, %dma_wait3A_421] : memref<1024x16xf32, #tpu.memory_space<vmem>> -> memref<128x16xf32, #tpu.memory_space<vmem>>
    %dma_wait3A_423 = arith.constant 0 : i32
    %dma_wait3A_424 = tpu.memref_slice %arg11[%dma_wait3A_418, %dma_wait3A_419, %dma_wait3A_423] : memref<2x8x128xi32, #tpu.memory_space<vmem>> -> memref<1x1x128xi32, #tpu.memory_space<vmem>>
    %dma_wait3A_425 = tpu.memref_squeeze %dma_wait3A_424 : memref<1x1x128xi32, #tpu.memory_space<vmem>> -> memref<128xi32, #tpu.memory_space<vmem>>
    %dma_wait3A_426 = arith.constant 0 : i32
    %dma_wait3A_427 = arith.constant 0 : i32
    %dma_wait3A_428 = tpu.memref_slice %arg9[%dma_wait3A_426, %dma_wait3A_427] : memref<50176x16xf32, #tpu.memory_space<vmem_shared>> -> memref<50176x16xf32, #tpu.memory_space<vmem_shared>>
    tpu.wait_indirect_dma semaphore(%arg16 : memref<!tpu.dma_semaphore, #tpu.memory_space<semaphore_mem>>) src(%dma_wait3A_422 : memref<128x16xf32, #tpu.memory_space<vmem>>) dst(%dma_wait3A_428 : memref<50176x16xf32, #tpu.memory_space<vmem_shared>>)
    %dma_wait3A_429 = arith.constant 0 : i32
    %dma_wait3A_430 = arith.constant 3 : i32
    %dma_wait3A_431 = arith.constant 384 : i32
    %dma_wait3A_432 = arith.constant 0 : i32
    %dma_wait3A_433 = tpu.memref_slice %arg12[%dma_wait3A_431, %dma_wait3A_432] : memref<1024x16xf32, #tpu.memory_space<vmem>> -> memref<128x16xf32, #tpu.memory_space<vmem>>
    %dma_wait3A_434 = arith.constant 0 : i32
    %dma_wait3A_435 = tpu.memref_slice %arg11[%dma_wait3A_429, %dma_wait3A_430, %dma_wait3A_434] : memref<2x8x128xi32, #tpu.memory_space<vmem>> -> memref<1x1x128xi32, #tpu.memory_space<vmem>>
    %dma_wait3A_436 = tpu.memref_squeeze %dma_wait3A_435 : memref<1x1x128xi32, #tpu.memory_space<vmem>> -> memref<128xi32, #tpu.memory_space<vmem>>
    %dma_wait3A_437 = arith.constant 0 : i32
    %dma_wait3A_438 = arith.constant 0 : i32
    %dma_wait3A_439 = tpu.memref_slice %arg9[%dma_wait3A_437, %dma_wait3A_438] : memref<50176x16xf32, #tpu.memory_space<vmem_shared>> -> memref<50176x16xf32, #tpu.memory_space<vmem_shared>>
    tpu.wait_indirect_dma semaphore(%arg16 : memref<!tpu.dma_semaphore, #tpu.memory_space<semaphore_mem>>) src(%dma_wait3A_433 : memref<128x16xf32, #tpu.memory_space<vmem>>) dst(%dma_wait3A_439 : memref<50176x16xf32, #tpu.memory_space<vmem_shared>>)
    %dma_wait3A_440 = arith.constant 0 : i32
    %dma_wait3A_441 = arith.constant 4 : i32
    %dma_wait3A_442 = arith.constant 512 : i32
    %dma_wait3A_443 = arith.constant 0 : i32
    %dma_wait3A_444 = tpu.memref_slice %arg12[%dma_wait3A_442, %dma_wait3A_443] : memref<1024x16xf32, #tpu.memory_space<vmem>> -> memref<128x16xf32, #tpu.memory_space<vmem>>
    %dma_wait3A_445 = arith.constant 0 : i32
    %dma_wait3A_446 = tpu.memref_slice %arg11[%dma_wait3A_440, %dma_wait3A_441, %dma_wait3A_445] : memref<2x8x128xi32, #tpu.memory_space<vmem>> -> memref<1x1x128xi32, #tpu.memory_space<vmem>>
    %dma_wait3A_447 = tpu.memref_squeeze %dma_wait3A_446 : memref<1x1x128xi32, #tpu.memory_space<vmem>> -> memref<128xi32, #tpu.memory_space<vmem>>
    %dma_wait3A_448 = arith.constant 0 : i32
    %dma_wait3A_449 = arith.constant 0 : i32
    %dma_wait3A_450 = tpu.memref_slice %arg9[%dma_wait3A_448, %dma_wait3A_449] : memref<50176x16xf32, #tpu.memory_space<vmem_shared>> -> memref<50176x16xf32, #tpu.memory_space<vmem_shared>>
    tpu.wait_indirect_dma semaphore(%arg16 : memref<!tpu.dma_semaphore, #tpu.memory_space<semaphore_mem>>) src(%dma_wait3A_444 : memref<128x16xf32, #tpu.memory_space<vmem>>) dst(%dma_wait3A_450 : memref<50176x16xf32, #tpu.memory_space<vmem_shared>>)
    %dma_wait3A_451 = arith.constant 0 : i32
    %dma_wait3A_452 = arith.constant 5 : i32
    %dma_wait3A_453 = arith.constant 640 : i32
    %dma_wait3A_454 = arith.constant 0 : i32
    %dma_wait3A_455 = tpu.memref_slice %arg12[%dma_wait3A_453, %dma_wait3A_454] : memref<1024x16xf32, #tpu.memory_space<vmem>> -> memref<128x16xf32, #tpu.memory_space<vmem>>
    %dma_wait3A_456 = arith.constant 0 : i32
    %dma_wait3A_457 = tpu.memref_slice %arg11[%dma_wait3A_451, %dma_wait3A_452, %dma_wait3A_456] : memref<2x8x128xi32, #tpu.memory_space<vmem>> -> memref<1x1x128xi32, #tpu.memory_space<vmem>>
    %dma_wait3A_458 = tpu.memref_squeeze %dma_wait3A_457 : memref<1x1x128xi32, #tpu.memory_space<vmem>> -> memref<128xi32, #tpu.memory_space<vmem>>
    %dma_wait3A_459 = arith.constant 0 : i32
    %dma_wait3A_460 = arith.constant 0 : i32
    %dma_wait3A_461 = tpu.memref_slice %arg9[%dma_wait3A_459, %dma_wait3A_460] : memref<50176x16xf32, #tpu.memory_space<vmem_shared>> -> memref<50176x16xf32, #tpu.memory_space<vmem_shared>>
    tpu.wait_indirect_dma semaphore(%arg16 : memref<!tpu.dma_semaphore, #tpu.memory_space<semaphore_mem>>) src(%dma_wait3A_455 : memref<128x16xf32, #tpu.memory_space<vmem>>) dst(%dma_wait3A_461 : memref<50176x16xf32, #tpu.memory_space<vmem_shared>>)
    %dma_wait3A_462 = arith.constant 0 : i32
    %dma_wait3A_463 = arith.constant 6 : i32
    %dma_wait3A_464 = arith.constant 768 : i32
    %dma_wait3A_465 = arith.constant 0 : i32
    %dma_wait3A_466 = tpu.memref_slice %arg12[%dma_wait3A_464, %dma_wait3A_465] : memref<1024x16xf32, #tpu.memory_space<vmem>> -> memref<128x16xf32, #tpu.memory_space<vmem>>
    %dma_wait3A_467 = arith.constant 0 : i32
    %dma_wait3A_468 = tpu.memref_slice %arg11[%dma_wait3A_462, %dma_wait3A_463, %dma_wait3A_467] : memref<2x8x128xi32, #tpu.memory_space<vmem>> -> memref<1x1x128xi32, #tpu.memory_space<vmem>>
    %dma_wait3A_469 = tpu.memref_squeeze %dma_wait3A_468 : memref<1x1x128xi32, #tpu.memory_space<vmem>> -> memref<128xi32, #tpu.memory_space<vmem>>
    %dma_wait3A_470 = arith.constant 0 : i32
    %dma_wait3A_471 = arith.constant 0 : i32
    %dma_wait3A_472 = tpu.memref_slice %arg9[%dma_wait3A_470, %dma_wait3A_471] : memref<50176x16xf32, #tpu.memory_space<vmem_shared>> -> memref<50176x16xf32, #tpu.memory_space<vmem_shared>>
    tpu.wait_indirect_dma semaphore(%arg16 : memref<!tpu.dma_semaphore, #tpu.memory_space<semaphore_mem>>) src(%dma_wait3A_466 : memref<128x16xf32, #tpu.memory_space<vmem>>) dst(%dma_wait3A_472 : memref<50176x16xf32, #tpu.memory_space<vmem_shared>>)
    %dma_wait3A_473 = arith.constant 0 : i32
    %dma_wait3A_474 = arith.constant 7 : i32
    %dma_wait3A_475 = arith.constant 896 : i32
    %dma_wait3A_476 = arith.constant 0 : i32
    %dma_wait3A_477 = tpu.memref_slice %arg12[%dma_wait3A_475, %dma_wait3A_476] : memref<1024x16xf32, #tpu.memory_space<vmem>> -> memref<128x16xf32, #tpu.memory_space<vmem>>
    %dma_wait3A_478 = arith.constant 0 : i32
    %dma_wait3A_479 = tpu.memref_slice %arg11[%dma_wait3A_473, %dma_wait3A_474, %dma_wait3A_478] : memref<2x8x128xi32, #tpu.memory_space<vmem>> -> memref<1x1x128xi32, #tpu.memory_space<vmem>>
    %dma_wait3A_480 = tpu.memref_squeeze %dma_wait3A_479 : memref<1x1x128xi32, #tpu.memory_space<vmem>> -> memref<128xi32, #tpu.memory_space<vmem>>
    %dma_wait3A_481 = arith.constant 0 : i32
    %dma_wait3A_482 = arith.constant 0 : i32
    %dma_wait3A_483 = tpu.memref_slice %arg9[%dma_wait3A_481, %dma_wait3A_482] : memref<50176x16xf32, #tpu.memory_space<vmem_shared>> -> memref<50176x16xf32, #tpu.memory_space<vmem_shared>>
    tpu.wait_indirect_dma semaphore(%arg16 : memref<!tpu.dma_semaphore, #tpu.memory_space<semaphore_mem>>) src(%dma_wait3A_477 : memref<128x16xf32, #tpu.memory_space<vmem>>) dst(%dma_wait3A_483 : memref<50176x16xf32, #tpu.memory_space<vmem_shared>>)
    %dma_wait3A_484 = arith.constant 1 : i32
    %dma_wait3A_485 = arith.constant 0 : i32
    %dma_wait3A_486 = arith.constant 0 : i32
    %dma_wait3A_487 = tpu.memref_slice %arg10[%dma_wait3A_484, %dma_wait3A_485, %dma_wait3A_486] : memref<2x8x128xi32, #tpu.memory_space<vmem>> -> memref<1x8x128xi32, #tpu.memory_space<vmem>>
    %dma_wait3A_488 = tpu.memref_squeeze %dma_wait3A_487 : memref<1x8x128xi32, #tpu.memory_space<vmem>> -> memref<8x128xi32, #tpu.memory_space<vmem>>
    %dma_wait3A_489 = arith.constant 0 : i32
    %dma_wait3A_490 = tpu.memref_slice %arg3[%mul3A_15, %dma_wait3A_489] : memref<6272x128xi32, #tpu.memory_space<hbm>> -> memref<8x128xi32, #tpu.memory_space<hbm>>
    %dma_wait3A_491 = arith.constant 0 : i32
    %dma_wait3A_492 = arith.constant 0 : i32
    %dma_wait3A_493 = tpu.memref_slice %arg10[%dma_wait3A_484, %dma_wait3A_491, %dma_wait3A_492] : memref<2x8x128xi32, #tpu.memory_space<vmem>> -> memref<1x8x128xi32, #tpu.memory_space<vmem>>
    %dma_wait3A_494 = tpu.memref_squeeze %dma_wait3A_493 : memref<1x8x128xi32, #tpu.memory_space<vmem>> -> memref<8x128xi32, #tpu.memory_space<vmem>>
    %dma_wait3A_495 = arith.constant 0 : i32
    %dma_wait3A_496 = tpu.memref_slice %arg3[%mul3A_15, %dma_wait3A_495] : memref<6272x128xi32, #tpu.memory_space<hbm>> -> memref<8x128xi32, #tpu.memory_space<hbm>>
    tpu.wait_dma2 semaphore(%arg15 : memref<!tpu.dma_semaphore, #tpu.memory_space<semaphore_mem>>) src(%dma_wait3A_496 : memref<8x128xi32, #tpu.memory_space<hbm>>) dst(%dma_wait3A_494 : memref<8x128xi32, #tpu.memory_space<vmem>>)
    %dma_wait3A_497 = arith.constant 1 : i32
    %dma_wait3A_498 = arith.constant 0 : i32
    %dma_wait3A_499 = arith.constant 0 : i32
    %dma_wait3A_500 = tpu.memref_slice %arg11[%dma_wait3A_497, %dma_wait3A_498, %dma_wait3A_499] : memref<2x8x128xi32, #tpu.memory_space<vmem>> -> memref<1x8x128xi32, #tpu.memory_space<vmem>>
    %dma_wait3A_501 = tpu.memref_squeeze %dma_wait3A_500 : memref<1x8x128xi32, #tpu.memory_space<vmem>> -> memref<8x128xi32, #tpu.memory_space<vmem>>
    %dma_wait3A_502 = arith.constant 0 : i32
    %dma_wait3A_503 = tpu.memref_slice %arg4[%mul3A_15, %dma_wait3A_502] : memref<6272x128xi32, #tpu.memory_space<hbm>> -> memref<8x128xi32, #tpu.memory_space<hbm>>
    %dma_wait3A_504 = arith.constant 0 : i32
    %dma_wait3A_505 = arith.constant 0 : i32
    %dma_wait3A_506 = tpu.memref_slice %arg11[%dma_wait3A_497, %dma_wait3A_504, %dma_wait3A_505] : memref<2x8x128xi32, #tpu.memory_space<vmem>> -> memref<1x8x128xi32, #tpu.memory_space<vmem>>
    %dma_wait3A_507 = tpu.memref_squeeze %dma_wait3A_506 : memref<1x8x128xi32, #tpu.memory_space<vmem>> -> memref<8x128xi32, #tpu.memory_space<vmem>>
    %dma_wait3A_508 = arith.constant 0 : i32
    %dma_wait3A_509 = tpu.memref_slice %arg4[%mul3A_15, %dma_wait3A_508] : memref<6272x128xi32, #tpu.memory_space<hbm>> -> memref<8x128xi32, #tpu.memory_space<hbm>>
    tpu.wait_dma2 semaphore(%arg15 : memref<!tpu.dma_semaphore, #tpu.memory_space<semaphore_mem>>) src(%dma_wait3A_509 : memref<8x128xi32, #tpu.memory_space<hbm>>) dst(%dma_wait3A_507 : memref<8x128xi32, #tpu.memory_space<vmem>>)
    %barrier3A_510 = arith.constant 0 : index
    tpu.barrier barrier_id(%barrier3A_510)
    %scan3A_511 = arith.constant 0 : i32
    %scan3A_512 = arith.constant 0 : i32
    %scan3A_513 = arith.constant 16 : i32
    %scan3A_514 = arith.addi %scan3A_512, %scan3A_513 : i32
    %scan3A_515 = arith.constant 1 : i32
    %scan3A_516 = scf.for %scan3A_518 = %scan3A_512 to %scan3A_514 step %scan3A_515 iter_args(%scan3A_519 = %scan3A_511) -> (i32)  : i32 {
      %mul3A_520 = arith.constant 196 : i32
      %mul3A_521 = arith.muli %scan3A_518, %mul3A_520 : i32
      %add3A_522 = arith.addi %mul3A_6, %mul3A_521 : i32
      %dma_start3A_523 = arith.constant 0 : i32
      %dma_start3A_524 = arith.constant 0 : i32
      %dma_start3A_525 = tpu.memref_slice %arg12[%dma_start3A_523, %dma_start3A_524] : memref<1024x16xf32, #tpu.memory_space<vmem>> -> memref<196x16xf32, #tpu.memory_space<vmem>>
      %dma_start3A_526 = arith.constant 0 : i32
      %dma_start3A_527 = tpu.memref_slice %arg9[%add3A_522, %dma_start3A_526] : memref<50176x16xf32, #tpu.memory_space<vmem_shared>> -> memref<196x16xf32, #tpu.memory_space<vmem_shared>>
      %dma_start3A_528 = arith.constant 0 : i32
      %dma_start3A_529 = arith.constant 0 : i32
      %dma_start3A_530 = tpu.memref_slice %arg12[%dma_start3A_528, %dma_start3A_529] : memref<1024x16xf32, #tpu.memory_space<vmem>> -> memref<196x16xf32, #tpu.memory_space<vmem>>
      %dma_start3A_531 = arith.constant 0 : i32
      %dma_start3A_532 = tpu.memref_slice %arg9[%add3A_522, %dma_start3A_531] : memref<50176x16xf32, #tpu.memory_space<vmem_shared>> -> memref<196x16xf32, #tpu.memory_space<vmem_shared>>
      tpu.enqueue_dma source(%dma_start3A_532 : memref<196x16xf32, #tpu.memory_space<vmem_shared>>) target(%dma_start3A_530 : memref<196x16xf32, #tpu.memory_space<vmem>>) target_semaphore(%arg17 : memref<!tpu.dma_semaphore, #tpu.memory_space<semaphore_mem>>)
      %dma_start3A_533 = arith.constant 0 : i32
      %dma_start3A_534 = tpu.memref_slice %arg5[%add3A_522, %dma_start3A_533] : memref<50176x16xf32, #tpu.memory_space<hbm>> -> memref<196x16xf32, #tpu.memory_space<hbm>>
      %dma_start3A_535 = arith.constant 0 : i32
      %dma_start3A_536 = tpu.memref_slice %arg5[%add3A_522, %dma_start3A_535] : memref<50176x16xf32, #tpu.memory_space<hbm>> -> memref<196x16xf32, #tpu.memory_space<hbm>>
      tpu.enqueue_dma source(%dma_start3A_536 : memref<196x16xf32, #tpu.memory_space<hbm>>) target(%arg13 : memref<196x16xf32, #tpu.memory_space<vmem>>) target_semaphore(%arg18 : memref<!tpu.dma_semaphore, #tpu.memory_space<semaphore_mem>>)
      %dma_start3A_537 = arith.constant 0 : i32
      %dma_start3A_538 = tpu.memref_slice %arg6[%add3A_522, %dma_start3A_537] : memref<50176x16xf32, #tpu.memory_space<hbm>> -> memref<196x16xf32, #tpu.memory_space<hbm>>
      %dma_start3A_539 = arith.constant 0 : i32
      %dma_start3A_540 = tpu.memref_slice %arg6[%add3A_522, %dma_start3A_539] : memref<50176x16xf32, #tpu.memory_space<hbm>> -> memref<196x16xf32, #tpu.memory_space<hbm>>
      tpu.enqueue_dma source(%dma_start3A_540 : memref<196x16xf32, #tpu.memory_space<hbm>>) target(%arg14 : memref<196x16xf32, #tpu.memory_space<vmem>>) target_semaphore(%arg19 : memref<!tpu.dma_semaphore, #tpu.memory_space<semaphore_mem>>)
      %dma_wait3A_541 = arith.constant 0 : i32
      %dma_wait3A_542 = arith.constant 0 : i32
      %dma_wait3A_543 = tpu.memref_slice %arg12[%dma_wait3A_541, %dma_wait3A_542] : memref<1024x16xf32, #tpu.memory_space<vmem>> -> memref<196x16xf32, #tpu.memory_space<vmem>>
      %dma_wait3A_544 = arith.constant 0 : i32
      %dma_wait3A_545 = tpu.memref_slice %arg9[%add3A_522, %dma_wait3A_544] : memref<50176x16xf32, #tpu.memory_space<vmem_shared>> -> memref<196x16xf32, #tpu.memory_space<vmem_shared>>
      %dma_wait3A_546 = arith.constant 0 : i32
      %dma_wait3A_547 = arith.constant 0 : i32
      %dma_wait3A_548 = tpu.memref_slice %arg12[%dma_wait3A_546, %dma_wait3A_547] : memref<1024x16xf32, #tpu.memory_space<vmem>> -> memref<196x16xf32, #tpu.memory_space<vmem>>
      %dma_wait3A_549 = arith.constant 0 : i32
      %dma_wait3A_550 = tpu.memref_slice %arg9[%add3A_522, %dma_wait3A_549] : memref<50176x16xf32, #tpu.memory_space<vmem_shared>> -> memref<196x16xf32, #tpu.memory_space<vmem_shared>>
      tpu.wait_dma2 semaphore(%arg17 : memref<!tpu.dma_semaphore, #tpu.memory_space<semaphore_mem>>) src(%dma_wait3A_550 : memref<196x16xf32, #tpu.memory_space<vmem_shared>>) dst(%dma_wait3A_548 : memref<196x16xf32, #tpu.memory_space<vmem>>)
      %dma_wait3A_551 = arith.constant 0 : i32
      %dma_wait3A_552 = tpu.memref_slice %arg5[%add3A_522, %dma_wait3A_551] : memref<50176x16xf32, #tpu.memory_space<hbm>> -> memref<196x16xf32, #tpu.memory_space<hbm>>
      %dma_wait3A_553 = arith.constant 0 : i32
      %dma_wait3A_554 = tpu.memref_slice %arg5[%add3A_522, %dma_wait3A_553] : memref<50176x16xf32, #tpu.memory_space<hbm>> -> memref<196x16xf32, #tpu.memory_space<hbm>>
      tpu.wait_dma2 semaphore(%arg18 : memref<!tpu.dma_semaphore, #tpu.memory_space<semaphore_mem>>) src(%dma_wait3A_554 : memref<196x16xf32, #tpu.memory_space<hbm>>) dst(%arg13 : memref<196x16xf32, #tpu.memory_space<vmem>>)
      %dma_wait3A_555 = arith.constant 0 : i32
      %dma_wait3A_556 = tpu.memref_slice %arg6[%add3A_522, %dma_wait3A_555] : memref<50176x16xf32, #tpu.memory_space<hbm>> -> memref<196x16xf32, #tpu.memory_space<hbm>>
      %dma_wait3A_557 = arith.constant 0 : i32
      %dma_wait3A_558 = tpu.memref_slice %arg6[%add3A_522, %dma_wait3A_557] : memref<50176x16xf32, #tpu.memory_space<hbm>> -> memref<196x16xf32, #tpu.memory_space<hbm>>
      tpu.wait_dma2 semaphore(%arg19 : memref<!tpu.dma_semaphore, #tpu.memory_space<semaphore_mem>>) src(%dma_wait3A_558 : memref<196x16xf32, #tpu.memory_space<hbm>>) dst(%arg14 : memref<196x16xf32, #tpu.memory_space<vmem>>)
      %scan3A_559 = arith.constant 0 : i32
      %scan3A_560 = arith.constant 0 : i32
      %scan3A_561 = arith.constant 196 : i32
      %scan3A_562 = arith.addi %scan3A_560, %scan3A_561 : i32
      %scan3A_563 = arith.constant 4 : i32
      %scan3A_564 = scf.for %scan3A_574 = %scan3A_560 to %scan3A_562 step %scan3A_563 iter_args(%scan3A_575 = %scan3A_559) -> (i32)  : i32 {
        %get3A = arith.index_cast %scan3A_574 : i32 to index
        %get3A_576 = arith.constant 0 : index
        %get3A_577 = tpu.vector_load %arg13[%get3A, %get3A_576] {strides = array<i32>} : memref<196x16xf32, #tpu.memory_space<vmem>>, vector<1x16xf32>,
        %get3A_578 = vector.shape_cast %get3A_577 : vector<1x16xf32> to vector<16xf32>
        %get3A_579 = arith.index_cast %scan3A_574 : i32 to index
        %get3A_580 = arith.constant 0 : index
        %get3A_581 = tpu.vector_load %arg14[%get3A_579, %get3A_580] {strides = array<i32>} : memref<196x16xf32, #tpu.memory_space<vmem>>, vector<1x16xf32>,
        %get3A_582 = vector.shape_cast %get3A_581 : vector<1x16xf32> to vector<16xf32>
        %add3A_583 = arith.addf %get3A_578, %get3A_582 : vector<16xf32>
        %max3A = arith.constant 1.000000e+00 : f32
        %max3A_584 = vector.broadcast %max3A : f32 to vector<16xf32>
        %max3A_585 = arith.maximumf %add3A_583, %max3A_584 : vector<16xf32>
        %div3A = arith.constant 1.000000e+00 : f32
        %div3A_586 = vector.broadcast %div3A : f32 to vector<16xf32>
        %div3A_587 = arith.divf %div3A_586, %max3A_585 : vector<16xf32>
        %get3A_588 = arith.index_cast %scan3A_574 : i32 to index
        %get3A_589 = arith.constant 0 : index
        %get3A_590 = tpu.vector_load %arg12[%get3A_588, %get3A_589] {strides = array<i32>} : memref<1024x16xf32, #tpu.memory_space<vmem>>, vector<1x16xf32>,
        %get3A_591 = vector.shape_cast %get3A_590 : vector<1x16xf32> to vector<16xf32>
        %mul3A_592 = arith.mulf %get3A_591, %div3A_587 : vector<16xf32>
        %swap3A = arith.index_cast %scan3A_574 : i32 to index
        %swap3A_593 = arith.constant 0 : index
        %swap3A_594 = tpu.vector_load %arg12[%swap3A, %swap3A_593] {strides = array<i32>} : memref<1024x16xf32, #tpu.memory_space<vmem>>, vector<1x16xf32>,
        %swap3A_595 = vector.shape_cast %swap3A_594 : vector<1x16xf32> to vector<16xf32>
        %swap3A_596 = vector.shape_cast %mul3A_592 : vector<16xf32> to vector<1x16xf32>
        tpu.vector_store %arg12[%swap3A, %swap3A_593], %swap3A_596 {strides = array<i32>} : memref<1024x16xf32, #tpu.memory_space<vmem>>, vector<1x16xf32>,
        %scan3A_597 = arith.constant 0 : i32
        %scan3A_598 = arith.constant 1 : i32
        %scan3A_599 = arith.addi %scan3A_574, %scan3A_598 : i32
        %get3A_600 = arith.index_cast %scan3A_599 : i32 to index
        %get3A_601 = arith.constant 0 : index
        %get3A_602 = tpu.vector_load %arg13[%get3A_600, %get3A_601] {strides = array<i32>} : memref<196x16xf32, #tpu.memory_space<vmem>>, vector<1x16xf32>,
        %get3A_603 = vector.shape_cast %get3A_602 : vector<1x16xf32> to vector<16xf32>
        %get3A_604 = arith.index_cast %scan3A_599 : i32 to index
        %get3A_605 = arith.constant 0 : index
        %get3A_606 = tpu.vector_load %arg14[%get3A_604, %get3A_605] {strides = array<i32>} : memref<196x16xf32, #tpu.memory_space<vmem>>, vector<1x16xf32>,
        %get3A_607 = vector.shape_cast %get3A_606 : vector<1x16xf32> to vector<16xf32>
        %add3A_608 = arith.addf %get3A_603, %get3A_607 : vector<16xf32>
        %max3A_609 = arith.constant 1.000000e+00 : f32
        %max3A_610 = vector.broadcast %max3A_609 : f32 to vector<16xf32>
        %max3A_611 = arith.maximumf %add3A_608, %max3A_610 : vector<16xf32>
        %div3A_612 = arith.constant 1.000000e+00 : f32
        %div3A_613 = vector.broadcast %div3A_612 : f32 to vector<16xf32>
        %div3A_614 = arith.divf %div3A_613, %max3A_611 : vector<16xf32>
        %get3A_615 = arith.index_cast %scan3A_599 : i32 to index
        %get3A_616 = arith.constant 0 : index
        %get3A_617 = tpu.vector_load %arg12[%get3A_615, %get3A_616] {strides = array<i32>} : memref<1024x16xf32, #tpu.memory_space<vmem>>, vector<1x16xf32>,
        %get3A_618 = vector.shape_cast %get3A_617 : vector<1x16xf32> to vector<16xf32>
        %mul3A_619 = arith.mulf %get3A_618, %div3A_614 : vector<16xf32>
        %swap3A_620 = arith.index_cast %scan3A_599 : i32 to index
        %swap3A_621 = arith.constant 0 : index
        %swap3A_622 = tpu.vector_load %arg12[%swap3A_620, %swap3A_621] {strides = array<i32>} : memref<1024x16xf32, #tpu.memory_space<vmem>>, vector<1x16xf32>,
        %swap3A_623 = vector.shape_cast %swap3A_622 : vector<1x16xf32> to vector<16xf32>
        %swap3A_624 = vector.shape_cast %mul3A_619 : vector<16xf32> to vector<1x16xf32>
        tpu.vector_store %arg12[%swap3A_620, %swap3A_621], %swap3A_624 {strides = array<i32>} : memref<1024x16xf32, #tpu.memory_space<vmem>>, vector<1x16xf32>,
        %scan3A_625 = arith.constant 0 : i32
        %scan3A_626 = arith.constant 2 : i32
        %scan3A_627 = arith.addi %scan3A_574, %scan3A_626 : i32
        %get3A_628 = arith.index_cast %scan3A_627 : i32 to index
        %get3A_629 = arith.constant 0 : index
        %get3A_630 = tpu.vector_load %arg13[%get3A_628, %get3A_629] {strides = array<i32>} : memref<196x16xf32, #tpu.memory_space<vmem>>, vector<1x16xf32>,
        %get3A_631 = vector.shape_cast %get3A_630 : vector<1x16xf32> to vector<16xf32>
        %get3A_632 = arith.index_cast %scan3A_627 : i32 to index
        %get3A_633 = arith.constant 0 : index
        %get3A_634 = tpu.vector_load %arg14[%get3A_632, %get3A_633] {strides = array<i32>} : memref<196x16xf32, #tpu.memory_space<vmem>>, vector<1x16xf32>,
        %get3A_635 = vector.shape_cast %get3A_634 : vector<1x16xf32> to vector<16xf32>
        %add3A_636 = arith.addf %get3A_631, %get3A_635 : vector<16xf32>
        %max3A_637 = arith.constant 1.000000e+00 : f32
        %max3A_638 = vector.broadcast %max3A_637 : f32 to vector<16xf32>
        %max3A_639 = arith.maximumf %add3A_636, %max3A_638 : vector<16xf32>
        %div3A_640 = arith.constant 1.000000e+00 : f32
        %div3A_641 = vector.broadcast %div3A_640 : f32 to vector<16xf32>
        %div3A_642 = arith.divf %div3A_641, %max3A_639 : vector<16xf32>
        %get3A_643 = arith.index_cast %scan3A_627 : i32 to index
        %get3A_644 = arith.constant 0 : index
        %get3A_645 = tpu.vector_load %arg12[%get3A_643, %get3A_644] {strides = array<i32>} : memref<1024x16xf32, #tpu.memory_space<vmem>>, vector<1x16xf32>,
        %get3A_646 = vector.shape_cast %get3A_645 : vector<1x16xf32> to vector<16xf32>
        %mul3A_647 = arith.mulf %get3A_646, %div3A_642 : vector<16xf32>
        %swap3A_648 = arith.index_cast %scan3A_627 : i32 to index
        %swap3A_649 = arith.constant 0 : index
        %swap3A_650 = tpu.vector_load %arg12[%swap3A_648, %swap3A_649] {strides = array<i32>} : memref<1024x16xf32, #tpu.memory_space<vmem>>, vector<1x16xf32>,
        %swap3A_651 = vector.shape_cast %swap3A_650 : vector<1x16xf32> to vector<16xf32>
        %swap3A_652 = vector.shape_cast %mul3A_647 : vector<16xf32> to vector<1x16xf32>
        tpu.vector_store %arg12[%swap3A_648, %swap3A_649], %swap3A_652 {strides = array<i32>} : memref<1024x16xf32, #tpu.memory_space<vmem>>, vector<1x16xf32>,
        %scan3A_653 = arith.constant 0 : i32
        %scan3A_654 = arith.constant 3 : i32
        %scan3A_655 = arith.addi %scan3A_574, %scan3A_654 : i32
        %get3A_656 = arith.index_cast %scan3A_655 : i32 to index
        %get3A_657 = arith.constant 0 : index
        %get3A_658 = tpu.vector_load %arg13[%get3A_656, %get3A_657] {strides = array<i32>} : memref<196x16xf32, #tpu.memory_space<vmem>>, vector<1x16xf32>,
        %get3A_659 = vector.shape_cast %get3A_658 : vector<1x16xf32> to vector<16xf32>
        %get3A_660 = arith.index_cast %scan3A_655 : i32 to index
        %get3A_661 = arith.constant 0 : index
        %get3A_662 = tpu.vector_load %arg14[%get3A_660, %get3A_661] {strides = array<i32>} : memref<196x16xf32, #tpu.memory_space<vmem>>, vector<1x16xf32>,
        %get3A_663 = vector.shape_cast %get3A_662 : vector<1x16xf32> to vector<16xf32>
        %add3A_664 = arith.addf %get3A_659, %get3A_663 : vector<16xf32>
        %max3A_665 = arith.constant 1.000000e+00 : f32
        %max3A_666 = vector.broadcast %max3A_665 : f32 to vector<16xf32>
        %max3A_667 = arith.maximumf %add3A_664, %max3A_666 : vector<16xf32>
        %div3A_668 = arith.constant 1.000000e+00 : f32
        %div3A_669 = vector.broadcast %div3A_668 : f32 to vector<16xf32>
        %div3A_670 = arith.divf %div3A_669, %max3A_667 : vector<16xf32>
        %get3A_671 = arith.index_cast %scan3A_655 : i32 to index
        %get3A_672 = arith.constant 0 : index
        %get3A_673 = tpu.vector_load %arg12[%get3A_671, %get3A_672] {strides = array<i32>} : memref<1024x16xf32, #tpu.memory_space<vmem>>, vector<1x16xf32>,
        %get3A_674 = vector.shape_cast %get3A_673 : vector<1x16xf32> to vector<16xf32>
        %mul3A_675 = arith.mulf %get3A_674, %div3A_670 : vector<16xf32>
        %swap3A_676 = arith.index_cast %scan3A_655 : i32 to index
        %swap3A_677 = arith.constant 0 : index
        %swap3A_678 = tpu.vector_load %arg12[%swap3A_676, %swap3A_677] {strides = array<i32>} : memref<1024x16xf32, #tpu.memory_space<vmem>>, vector<1x16xf32>,
        %swap3A_679 = vector.shape_cast %swap3A_678 : vector<1x16xf32> to vector<16xf32>
        %swap3A_680 = vector.shape_cast %mul3A_675 : vector<16xf32> to vector<1x16xf32>
        tpu.vector_store %arg12[%swap3A_676, %swap3A_677], %swap3A_680 {strides = array<i32>} : memref<1024x16xf32, #tpu.memory_space<vmem>>, vector<1x16xf32>,
        %scan3A_681 = arith.constant 0 : i32
        scf.yield %scan3A_681 : i32
      }
      %scan3A_565 = arith.constant 196 : i32
      %eq3A = arith.constant 0 : i32
      %eq3A_566 = arith.cmpi eq, %arg0, %eq3A : i32
      %convert_element_type3A = arith.extui %eq3A_566 : i1 to i32
      %cond3A = arith.constant 0 : i32
      %cond3A_567 = arith.cmpi ne, %convert_element_type3A, %cond3A : i32
      scf.if %cond3A_567 {
        "tpu.region"() ({
          %run_scoped3A = tpu.sem_alloc : memref<!tpu.dma_semaphore, #tpu.memory_space<semaphore_mem>>
          %dma_start3A_574 = arith.constant 0 : i32
          %dma_start3A_575 = arith.constant 0 : i32
          %dma_start3A_576 = tpu.memref_slice %arg12[%dma_start3A_574, %dma_start3A_575] : memref<1024x16xf32, #tpu.memory_space<vmem>> -> memref<196x16xf32, #tpu.memory_space<vmem>>
          %dma_start3A_577 = arith.constant 0 : i32
          %dma_start3A_578 = tpu.memref_slice %arg7[%add3A_522, %dma_start3A_577] : memref<50176x16xf32, #tpu.memory_space<hbm>> -> memref<196x16xf32, #tpu.memory_space<hbm>>
          %dma_start3A_579 = arith.constant 0 : i32
          %dma_start3A_580 = tpu.memref_slice %arg7[%add3A_522, %dma_start3A_579] : memref<50176x16xf32, #tpu.memory_space<hbm>> -> memref<196x16xf32, #tpu.memory_space<hbm>>
          %dma_start3A_581 = arith.constant 0 : i32
          %dma_start3A_582 = arith.constant 0 : i32
          %dma_start3A_583 = tpu.memref_slice %arg12[%dma_start3A_581, %dma_start3A_582] : memref<1024x16xf32, #tpu.memory_space<vmem>> -> memref<196x16xf32, #tpu.memory_space<vmem>>
          tpu.enqueue_dma source(%dma_start3A_583 : memref<196x16xf32, #tpu.memory_space<vmem>>) target(%dma_start3A_580 : memref<196x16xf32, #tpu.memory_space<hbm>>) target_semaphore(%run_scoped3A : memref<!tpu.dma_semaphore, #tpu.memory_space<semaphore_mem>>)
          %dma_wait3A_584 = arith.constant 0 : i32
          %dma_wait3A_585 = arith.constant 0 : i32
          %dma_wait3A_586 = tpu.memref_slice %arg12[%dma_wait3A_584, %dma_wait3A_585] : memref<1024x16xf32, #tpu.memory_space<vmem>> -> memref<196x16xf32, #tpu.memory_space<vmem>>
          %dma_wait3A_587 = arith.constant 0 : i32
          %dma_wait3A_588 = tpu.memref_slice %arg7[%add3A_522, %dma_wait3A_587] : memref<50176x16xf32, #tpu.memory_space<hbm>> -> memref<196x16xf32, #tpu.memory_space<hbm>>
          %dma_wait3A_589 = arith.constant 0 : i32
          %dma_wait3A_590 = tpu.memref_slice %arg7[%add3A_522, %dma_wait3A_589] : memref<50176x16xf32, #tpu.memory_space<hbm>> -> memref<196x16xf32, #tpu.memory_space<hbm>>
          %dma_wait3A_591 = arith.constant 0 : i32
          %dma_wait3A_592 = arith.constant 0 : i32
          %dma_wait3A_593 = tpu.memref_slice %arg12[%dma_wait3A_591, %dma_wait3A_592] : memref<1024x16xf32, #tpu.memory_space<vmem>> -> memref<196x16xf32, #tpu.memory_space<vmem>>
          tpu.wait_dma2 semaphore(%run_scoped3A : memref<!tpu.dma_semaphore, #tpu.memory_space<semaphore_mem>>) src(%dma_wait3A_593 : memref<196x16xf32, #tpu.memory_space<vmem>>) dst(%dma_wait3A_590 : memref<196x16xf32, #tpu.memory_space<hbm>>)
          tpu.yield
        }) : () -> ()
      } else {
      }
      %eq3A_568 = arith.constant 1 : i32
      %eq3A_569 = arith.cmpi eq, %arg0, %eq3A_568 : i32
      %convert_element_type3A_570 = arith.extui %eq3A_569 : i1 to i32
      %cond3A_571 = arith.constant 0 : i32
      %cond3A_572 = arith.cmpi ne, %convert_element_type3A_570, %cond3A_571 : i32
      scf.if %cond3A_572 {
        "tpu.region"() ({
          %run_scoped3A = tpu.sem_alloc : memref<!tpu.dma_semaphore, #tpu.memory_space<semaphore_mem>>
          %dma_start3A_574 = arith.constant 0 : i32
          %dma_start3A_575 = arith.constant 0 : i32
          %dma_start3A_576 = tpu.memref_slice %arg12[%dma_start3A_574, %dma_start3A_575] : memref<1024x16xf32, #tpu.memory_space<vmem>> -> memref<196x16xf32, #tpu.memory_space<vmem>>
          %dma_start3A_577 = arith.constant 0 : i32
          %dma_start3A_578 = tpu.memref_slice %arg8[%add3A_522, %dma_start3A_577] : memref<50176x16xf32, #tpu.memory_space<hbm>> -> memref<196x16xf32, #tpu.memory_space<hbm>>
          %dma_start3A_579 = arith.constant 0 : i32
          %dma_start3A_580 = tpu.memref_slice %arg8[%add3A_522, %dma_start3A_579] : memref<50176x16xf32, #tpu.memory_space<hbm>> -> memref<196x16xf32, #tpu.memory_space<hbm>>
          %dma_start3A_581 = arith.constant 0 : i32
          %dma_start3A_582 = arith.constant 0 : i32
          %dma_start3A_583 = tpu.memref_slice %arg12[%dma_start3A_581, %dma_start3A_582] : memref<1024x16xf32, #tpu.memory_space<vmem>> -> memref<196x16xf32, #tpu.memory_space<vmem>>
          tpu.enqueue_dma source(%dma_start3A_583 : memref<196x16xf32, #tpu.memory_space<vmem>>) target(%dma_start3A_580 : memref<196x16xf32, #tpu.memory_space<hbm>>) target_semaphore(%run_scoped3A : memref<!tpu.dma_semaphore, #tpu.memory_space<semaphore_mem>>)
          %dma_wait3A_584 = arith.constant 0 : i32
          %dma_wait3A_585 = arith.constant 0 : i32
          %dma_wait3A_586 = tpu.memref_slice %arg12[%dma_wait3A_584, %dma_wait3A_585] : memref<1024x16xf32, #tpu.memory_space<vmem>> -> memref<196x16xf32, #tpu.memory_space<vmem>>
          %dma_wait3A_587 = arith.constant 0 : i32
          %dma_wait3A_588 = tpu.memref_slice %arg8[%add3A_522, %dma_wait3A_587] : memref<50176x16xf32, #tpu.memory_space<hbm>> -> memref<196x16xf32, #tpu.memory_space<hbm>>
          %dma_wait3A_589 = arith.constant 0 : i32
          %dma_wait3A_590 = tpu.memref_slice %arg8[%add3A_522, %dma_wait3A_589] : memref<50176x16xf32, #tpu.memory_space<hbm>> -> memref<196x16xf32, #tpu.memory_space<hbm>>
          %dma_wait3A_591 = arith.constant 0 : i32
          %dma_wait3A_592 = arith.constant 0 : i32
          %dma_wait3A_593 = tpu.memref_slice %arg12[%dma_wait3A_591, %dma_wait3A_592] : memref<1024x16xf32, #tpu.memory_space<vmem>> -> memref<196x16xf32, #tpu.memory_space<vmem>>
          tpu.wait_dma2 semaphore(%run_scoped3A : memref<!tpu.dma_semaphore, #tpu.memory_space<semaphore_mem>>) src(%dma_wait3A_593 : memref<196x16xf32, #tpu.memory_space<vmem>>) dst(%dma_wait3A_590 : memref<196x16xf32, #tpu.memory_space<hbm>>)
          tpu.yield
        }) : () -> ()
      } else {
      }
      %scan3A_573 = arith.constant 0 : i32
      scf.yield %scan3A_573 : i32
    }
    %scan3A_517 = arith.constant 16 : i32
    return
  }
}

#map = affine_map<(d0, d1) -> (0, 0)>
module attributes {stable_mosaic.version = 14 : i64} {
  func.func @_agg_body(%arg0: i32, %arg1: i32, %arg2: memref<200704x32xf32, #tpu.memory_space<hbm>>, %arg3: memref<6272x128xi32, #tpu.memory_space<hbm>>, %arg4: memref<6272x128xi32, #tpu.memory_space<hbm>>, %arg5: memref<50176x16xf32, #tpu.memory_space<hbm>>, %arg6: memref<50176x16xf32, #tpu.memory_space<hbm>>, %arg7: memref<50176x32xf32, #tpu.memory_space<hbm>>, %arg8: memref<50176x32xf32, #tpu.memory_space<hbm>>, %arg9: memref<50176x32xf32, #tpu.memory_space<vmem_shared>>, %arg10: memref<2x4x128xi32, #tpu.memory_space<vmem>>, %arg11: memref<2x4x128xi32, #tpu.memory_space<vmem>>, %arg12: memref<512x32xf32, #tpu.memory_space<vmem>>, %arg13: memref<196x16xf32, #tpu.memory_space<vmem>>, %arg14: memref<196x16xf32, #tpu.memory_space<vmem>>, %arg15: memref<!tpu.dma_semaphore, #tpu.memory_space<semaphore_mem>>, %arg16: memref<!tpu.dma_semaphore, #tpu.memory_space<semaphore_mem>>, %arg17: memref<!tpu.dma_semaphore, #tpu.memory_space<semaphore_mem>>, %arg18: memref<!tpu.dma_semaphore, #tpu.memory_space<semaphore_mem>>, %arg19: memref<!tpu.dma_semaphore, #tpu.memory_space<semaphore_mem>>, %arg20: memref<!tpu.dma_semaphore, #tpu.memory_space<semaphore_mem>>) attributes {dimension_semantics = [#tpu.dimension_semantics<core_parallel>, #tpu.dimension_semantics<subcore_parallel>], iteration_bounds = array<i64: 2, 16>, scalar_prefetch = 0 : i64, scratch_operands = 12 : i64, tpu.core_type = #tpu.core_type<sc_vector_subcore>, window_params = [{transform_indices = #map}, {transform_indices = #map}, {transform_indices = #map}, {transform_indices = #map}, {transform_indices = #map}, {transform_indices = #map}, {transform_indices = #map}]} {
    %scan3A = arith.constant 0 : i32
    %scan3A_0 = arith.constant 0 : i32
    %scan3A_1 = arith.constant 196 : i32
    %scan3A_2 = arith.addi %scan3A_0, %scan3A_1 : i32
    %scan3A_3 = arith.constant 4 : i32
    %scan3A_4 = scf.for %scan3A_81 = %scan3A_0 to %scan3A_2 step %scan3A_3 iter_args(%scan3A_82 = %scan3A) -> (i32)  : i32 {
      %broadcast_in_dim3A = arith.constant 0.000000e+00 : f32
      %broadcast_in_dim3A_83 = vector.broadcast %broadcast_in_dim3A : f32 to vector<16xf32>
      %swap3A = arith.index_cast %scan3A_81 : i32 to index
      %swap3A_84 = arith.constant 0 : index
      %swap3A_85 = tpu.vector_load %arg12[%swap3A, %swap3A_84] {strides = array<i32>} : memref<512x32xf32, #tpu.memory_space<vmem>>, vector<1x16xf32>,
      %swap3A_86 = vector.shape_cast %swap3A_85 : vector<1x16xf32> to vector<16xf32>
      %swap3A_87 = vector.shape_cast %broadcast_in_dim3A_83 : vector<16xf32> to vector<1x16xf32>
      tpu.vector_store %arg12[%swap3A, %swap3A_84], %swap3A_87 {strides = array<i32>} : memref<512x32xf32, #tpu.memory_space<vmem>>, vector<1x16xf32>,
      %broadcast_in_dim3A_88 = arith.constant 0.000000e+00 : f32
      %broadcast_in_dim3A_89 = vector.broadcast %broadcast_in_dim3A_88 : f32 to vector<16xf32>
      %swap3A_90 = arith.index_cast %scan3A_81 : i32 to index
      %swap3A_91 = arith.constant 16 : index
      %swap3A_92 = tpu.vector_load %arg12[%swap3A_90, %swap3A_91] {strides = array<i32>} : memref<512x32xf32, #tpu.memory_space<vmem>>, vector<1x16xf32>,
      %swap3A_93 = vector.shape_cast %swap3A_92 : vector<1x16xf32> to vector<16xf32>
      %swap3A_94 = vector.shape_cast %broadcast_in_dim3A_89 : vector<16xf32> to vector<1x16xf32>
      tpu.vector_store %arg12[%swap3A_90, %swap3A_91], %swap3A_94 {strides = array<i32>} : memref<512x32xf32, #tpu.memory_space<vmem>>, vector<1x16xf32>,
      %scan3A_95 = arith.constant 0 : i32
      %scan3A_96 = arith.constant 1 : i32
      %scan3A_97 = arith.addi %scan3A_81, %scan3A_96 : i32
      %broadcast_in_dim3A_98 = arith.constant 0.000000e+00 : f32
      %broadcast_in_dim3A_99 = vector.broadcast %broadcast_in_dim3A_98 : f32 to vector<16xf32>
      %swap3A_100 = arith.index_cast %scan3A_97 : i32 to index
      %swap3A_101 = arith.constant 0 : index
      %swap3A_102 = tpu.vector_load %arg12[%swap3A_100, %swap3A_101] {strides = array<i32>} : memref<512x32xf32, #tpu.memory_space<vmem>>, vector<1x16xf32>,
      %swap3A_103 = vector.shape_cast %swap3A_102 : vector<1x16xf32> to vector<16xf32>
      %swap3A_104 = vector.shape_cast %broadcast_in_dim3A_99 : vector<16xf32> to vector<1x16xf32>
      tpu.vector_store %arg12[%swap3A_100, %swap3A_101], %swap3A_104 {strides = array<i32>} : memref<512x32xf32, #tpu.memory_space<vmem>>, vector<1x16xf32>,
      %broadcast_in_dim3A_105 = arith.constant 0.000000e+00 : f32
      %broadcast_in_dim3A_106 = vector.broadcast %broadcast_in_dim3A_105 : f32 to vector<16xf32>
      %swap3A_107 = arith.index_cast %scan3A_97 : i32 to index
      %swap3A_108 = arith.constant 16 : index
      %swap3A_109 = tpu.vector_load %arg12[%swap3A_107, %swap3A_108] {strides = array<i32>} : memref<512x32xf32, #tpu.memory_space<vmem>>, vector<1x16xf32>,
      %swap3A_110 = vector.shape_cast %swap3A_109 : vector<1x16xf32> to vector<16xf32>
      %swap3A_111 = vector.shape_cast %broadcast_in_dim3A_106 : vector<16xf32> to vector<1x16xf32>
      tpu.vector_store %arg12[%swap3A_107, %swap3A_108], %swap3A_111 {strides = array<i32>} : memref<512x32xf32, #tpu.memory_space<vmem>>, vector<1x16xf32>,
      %scan3A_112 = arith.constant 0 : i32
      %scan3A_113 = arith.constant 2 : i32
      %scan3A_114 = arith.addi %scan3A_81, %scan3A_113 : i32
      %broadcast_in_dim3A_115 = arith.constant 0.000000e+00 : f32
      %broadcast_in_dim3A_116 = vector.broadcast %broadcast_in_dim3A_115 : f32 to vector<16xf32>
      %swap3A_117 = arith.index_cast %scan3A_114 : i32 to index
      %swap3A_118 = arith.constant 0 : index
      %swap3A_119 = tpu.vector_load %arg12[%swap3A_117, %swap3A_118] {strides = array<i32>} : memref<512x32xf32, #tpu.memory_space<vmem>>, vector<1x16xf32>,
      %swap3A_120 = vector.shape_cast %swap3A_119 : vector<1x16xf32> to vector<16xf32>
      %swap3A_121 = vector.shape_cast %broadcast_in_dim3A_116 : vector<16xf32> to vector<1x16xf32>
      tpu.vector_store %arg12[%swap3A_117, %swap3A_118], %swap3A_121 {strides = array<i32>} : memref<512x32xf32, #tpu.memory_space<vmem>>, vector<1x16xf32>,
      %broadcast_in_dim3A_122 = arith.constant 0.000000e+00 : f32
      %broadcast_in_dim3A_123 = vector.broadcast %broadcast_in_dim3A_122 : f32 to vector<16xf32>
      %swap3A_124 = arith.index_cast %scan3A_114 : i32 to index
      %swap3A_125 = arith.constant 16 : index
      %swap3A_126 = tpu.vector_load %arg12[%swap3A_124, %swap3A_125] {strides = array<i32>} : memref<512x32xf32, #tpu.memory_space<vmem>>, vector<1x16xf32>,
      %swap3A_127 = vector.shape_cast %swap3A_126 : vector<1x16xf32> to vector<16xf32>
      %swap3A_128 = vector.shape_cast %broadcast_in_dim3A_123 : vector<16xf32> to vector<1x16xf32>
      tpu.vector_store %arg12[%swap3A_124, %swap3A_125], %swap3A_128 {strides = array<i32>} : memref<512x32xf32, #tpu.memory_space<vmem>>, vector<1x16xf32>,
      %scan3A_129 = arith.constant 0 : i32
      %scan3A_130 = arith.constant 3 : i32
      %scan3A_131 = arith.addi %scan3A_81, %scan3A_130 : i32
      %broadcast_in_dim3A_132 = arith.constant 0.000000e+00 : f32
      %broadcast_in_dim3A_133 = vector.broadcast %broadcast_in_dim3A_132 : f32 to vector<16xf32>
      %swap3A_134 = arith.index_cast %scan3A_131 : i32 to index
      %swap3A_135 = arith.constant 0 : index
      %swap3A_136 = tpu.vector_load %arg12[%swap3A_134, %swap3A_135] {strides = array<i32>} : memref<512x32xf32, #tpu.memory_space<vmem>>, vector<1x16xf32>,
      %swap3A_137 = vector.shape_cast %swap3A_136 : vector<1x16xf32> to vector<16xf32>
      %swap3A_138 = vector.shape_cast %broadcast_in_dim3A_133 : vector<16xf32> to vector<1x16xf32>
      tpu.vector_store %arg12[%swap3A_134, %swap3A_135], %swap3A_138 {strides = array<i32>} : memref<512x32xf32, #tpu.memory_space<vmem>>, vector<1x16xf32>,
      %broadcast_in_dim3A_139 = arith.constant 0.000000e+00 : f32
      %broadcast_in_dim3A_140 = vector.broadcast %broadcast_in_dim3A_139 : f32 to vector<16xf32>
      %swap3A_141 = arith.index_cast %scan3A_131 : i32 to index
      %swap3A_142 = arith.constant 16 : index
      %swap3A_143 = tpu.vector_load %arg12[%swap3A_141, %swap3A_142] {strides = array<i32>} : memref<512x32xf32, #tpu.memory_space<vmem>>, vector<1x16xf32>,
      %swap3A_144 = vector.shape_cast %swap3A_143 : vector<1x16xf32> to vector<16xf32>
      %swap3A_145 = vector.shape_cast %broadcast_in_dim3A_140 : vector<16xf32> to vector<1x16xf32>
      tpu.vector_store %arg12[%swap3A_141, %swap3A_142], %swap3A_145 {strides = array<i32>} : memref<512x32xf32, #tpu.memory_space<vmem>>, vector<1x16xf32>,
      %scan3A_146 = arith.constant 0 : i32
      scf.yield %scan3A_146 : i32
    }
    %scan3A_5 = arith.constant 196 : i32
    %mul3A = arith.constant 3136 : i32
    %mul3A_6 = arith.muli %arg1, %mul3A : i32
    %scan3A_7 = arith.constant 0 : i32
    %scan3A_8 = arith.constant 0 : i32
    %scan3A_9 = arith.constant 16 : i32
    %scan3A_10 = arith.addi %scan3A_8, %scan3A_9 : i32
    %scan3A_11 = arith.constant 1 : i32
    %scan3A_12 = scf.for %scan3A_81 = %scan3A_8 to %scan3A_10 step %scan3A_11 iter_args(%scan3A_82 = %scan3A_7) -> (i32)  : i32 {
      %mul3A_83 = arith.constant 196 : i32
      %mul3A_84 = arith.muli %scan3A_81, %mul3A_83 : i32
      %add3A = arith.addi %mul3A_6, %mul3A_84 : i32
      "tpu.region"() ({
        %run_scoped3A = tpu.sem_alloc : memref<!tpu.dma_semaphore, #tpu.memory_space<semaphore_mem>>
        %dma_start3A_86 = arith.constant 0 : i32
        %dma_start3A_87 = arith.constant 0 : i32
        %dma_start3A_88 = tpu.memref_slice %arg12[%dma_start3A_86, %dma_start3A_87] : memref<512x32xf32, #tpu.memory_space<vmem>> -> memref<196x32xf32, #tpu.memory_space<vmem>>
        %dma_start3A_89 = arith.constant 0 : i32
        %dma_start3A_90 = tpu.memref_slice %arg9[%add3A, %dma_start3A_89] : memref<50176x32xf32, #tpu.memory_space<vmem_shared>> -> memref<196x32xf32, #tpu.memory_space<vmem_shared>>
        %dma_start3A_91 = arith.constant 0 : i32
        %dma_start3A_92 = tpu.memref_slice %arg9[%add3A, %dma_start3A_91] : memref<50176x32xf32, #tpu.memory_space<vmem_shared>> -> memref<196x32xf32, #tpu.memory_space<vmem_shared>>
        %dma_start3A_93 = arith.constant 0 : i32
        %dma_start3A_94 = arith.constant 0 : i32
        %dma_start3A_95 = tpu.memref_slice %arg12[%dma_start3A_93, %dma_start3A_94] : memref<512x32xf32, #tpu.memory_space<vmem>> -> memref<196x32xf32, #tpu.memory_space<vmem>>
        tpu.enqueue_dma source(%dma_start3A_95 : memref<196x32xf32, #tpu.memory_space<vmem>>) target(%dma_start3A_92 : memref<196x32xf32, #tpu.memory_space<vmem_shared>>) target_semaphore(%run_scoped3A : memref<!tpu.dma_semaphore, #tpu.memory_space<semaphore_mem>>)
        %dma_wait3A_96 = arith.constant 0 : i32
        %dma_wait3A_97 = arith.constant 0 : i32
        %dma_wait3A_98 = tpu.memref_slice %arg12[%dma_wait3A_96, %dma_wait3A_97] : memref<512x32xf32, #tpu.memory_space<vmem>> -> memref<196x32xf32, #tpu.memory_space<vmem>>
        %dma_wait3A_99 = arith.constant 0 : i32
        %dma_wait3A_100 = tpu.memref_slice %arg9[%add3A, %dma_wait3A_99] : memref<50176x32xf32, #tpu.memory_space<vmem_shared>> -> memref<196x32xf32, #tpu.memory_space<vmem_shared>>
        %dma_wait3A_101 = arith.constant 0 : i32
        %dma_wait3A_102 = tpu.memref_slice %arg9[%add3A, %dma_wait3A_101] : memref<50176x32xf32, #tpu.memory_space<vmem_shared>> -> memref<196x32xf32, #tpu.memory_space<vmem_shared>>
        %dma_wait3A_103 = arith.constant 0 : i32
        %dma_wait3A_104 = arith.constant 0 : i32
        %dma_wait3A_105 = tpu.memref_slice %arg12[%dma_wait3A_103, %dma_wait3A_104] : memref<512x32xf32, #tpu.memory_space<vmem>> -> memref<196x32xf32, #tpu.memory_space<vmem>>
        tpu.wait_dma2 semaphore(%run_scoped3A : memref<!tpu.dma_semaphore, #tpu.memory_space<semaphore_mem>>) src(%dma_wait3A_105 : memref<196x32xf32, #tpu.memory_space<vmem>>) dst(%dma_wait3A_102 : memref<196x32xf32, #tpu.memory_space<vmem_shared>>)
        tpu.yield
      }) : () -> ()
      %scan3A_85 = arith.constant 0 : i32
      scf.yield %scan3A_85 : i32
    }
    %scan3A_13 = arith.constant 16 : i32
    %barrier3A = arith.constant 0 : index
    tpu.barrier barrier_id(%barrier3A)
    %mul3A_14 = arith.constant 392 : i32
    %mul3A_15 = arith.muli %arg1, %mul3A_14 : i32
    %dma_start3A = arith.constant 0 : i32
    %dma_start3A_16 = arith.constant 0 : i32
    %dma_start3A_17 = arith.constant 0 : i32
    %dma_start3A_18 = tpu.memref_slice %arg10[%dma_start3A, %dma_start3A_16, %dma_start3A_17] : memref<2x4x128xi32, #tpu.memory_space<vmem>> -> memref<1x4x128xi32, #tpu.memory_space<vmem>>
    %dma_start3A_19 = tpu.memref_squeeze %dma_start3A_18 : memref<1x4x128xi32, #tpu.memory_space<vmem>> -> memref<4x128xi32, #tpu.memory_space<vmem>>
    %dma_start3A_20 = arith.constant 0 : i32
    %dma_start3A_21 = tpu.memref_slice %arg3[%mul3A_15, %dma_start3A_20] : memref<6272x128xi32, #tpu.memory_space<hbm>> -> memref<4x128xi32, #tpu.memory_space<hbm>>
    %dma_start3A_22 = arith.constant 0 : i32
    %dma_start3A_23 = arith.constant 0 : i32
    %dma_start3A_24 = tpu.memref_slice %arg10[%dma_start3A, %dma_start3A_22, %dma_start3A_23] : memref<2x4x128xi32, #tpu.memory_space<vmem>> -> memref<1x4x128xi32, #tpu.memory_space<vmem>>
    %dma_start3A_25 = tpu.memref_squeeze %dma_start3A_24 : memref<1x4x128xi32, #tpu.memory_space<vmem>> -> memref<4x128xi32, #tpu.memory_space<vmem>>
    %dma_start3A_26 = arith.constant 0 : i32
    %dma_start3A_27 = tpu.memref_slice %arg3[%mul3A_15, %dma_start3A_26] : memref<6272x128xi32, #tpu.memory_space<hbm>> -> memref<4x128xi32, #tpu.memory_space<hbm>>
    tpu.enqueue_dma source(%dma_start3A_27 : memref<4x128xi32, #tpu.memory_space<hbm>>) target(%dma_start3A_25 : memref<4x128xi32, #tpu.memory_space<vmem>>) target_semaphore(%arg15 : memref<!tpu.dma_semaphore, #tpu.memory_space<semaphore_mem>>)
    %dma_start3A_28 = arith.constant 0 : i32
    %dma_start3A_29 = arith.constant 0 : i32
    %dma_start3A_30 = arith.constant 0 : i32
    %dma_start3A_31 = tpu.memref_slice %arg11[%dma_start3A_28, %dma_start3A_29, %dma_start3A_30] : memref<2x4x128xi32, #tpu.memory_space<vmem>> -> memref<1x4x128xi32, #tpu.memory_space<vmem>>
    %dma_start3A_32 = tpu.memref_squeeze %dma_start3A_31 : memref<1x4x128xi32, #tpu.memory_space<vmem>> -> memref<4x128xi32, #tpu.memory_space<vmem>>
    %dma_start3A_33 = arith.constant 0 : i32
    %dma_start3A_34 = tpu.memref_slice %arg4[%mul3A_15, %dma_start3A_33] : memref<6272x128xi32, #tpu.memory_space<hbm>> -> memref<4x128xi32, #tpu.memory_space<hbm>>
    %dma_start3A_35 = arith.constant 0 : i32
    %dma_start3A_36 = arith.constant 0 : i32
    %dma_start3A_37 = tpu.memref_slice %arg11[%dma_start3A_28, %dma_start3A_35, %dma_start3A_36] : memref<2x4x128xi32, #tpu.memory_space<vmem>> -> memref<1x4x128xi32, #tpu.memory_space<vmem>>
    %dma_start3A_38 = tpu.memref_squeeze %dma_start3A_37 : memref<1x4x128xi32, #tpu.memory_space<vmem>> -> memref<4x128xi32, #tpu.memory_space<vmem>>
    %dma_start3A_39 = arith.constant 0 : i32
    %dma_start3A_40 = tpu.memref_slice %arg4[%mul3A_15, %dma_start3A_39] : memref<6272x128xi32, #tpu.memory_space<hbm>> -> memref<4x128xi32, #tpu.memory_space<hbm>>
    tpu.enqueue_dma source(%dma_start3A_40 : memref<4x128xi32, #tpu.memory_space<hbm>>) target(%dma_start3A_38 : memref<4x128xi32, #tpu.memory_space<vmem>>) target_semaphore(%arg15 : memref<!tpu.dma_semaphore, #tpu.memory_space<semaphore_mem>>)
    %scan3A_41 = arith.constant 0 : i32
    %scan3A_42 = arith.constant 0 : i32
    %scan3A_43 = arith.constant 49 : i32
    %scan3A_44 = arith.addi %scan3A_42, %scan3A_43 : i32
    %scan3A_45 = arith.constant 1 : i32
    %scan3A_46 = scf.for %scan3A_81 = %scan3A_42 to %scan3A_44 step %scan3A_45 iter_args(%scan3A_82 = %scan3A_41) -> (i32)  : i32 {
      %mul3A_83 = arith.constant 2 : i32
      %mul3A_84 = arith.muli %mul3A_83, %scan3A_81 : i32
      %mul3A_85 = arith.constant 4 : i32
      %mul3A_86 = arith.muli %mul3A_84, %mul3A_85 : i32
      %add3A = arith.addi %mul3A_15, %mul3A_86 : i32
      %add3A_87 = arith.constant 1 : i32
      %add3A_88 = arith.addi %mul3A_84, %add3A_87 : i32
      %mul3A_89 = arith.constant 4 : i32
      %mul3A_90 = arith.muli %add3A_88, %mul3A_89 : i32
      %add3A_91 = arith.addi %mul3A_15, %mul3A_90 : i32
      %dma_wait3A_92 = arith.constant 0 : i32
      %dma_wait3A_93 = arith.constant 0 : i32
      %dma_wait3A_94 = arith.constant 0 : i32
      %dma_wait3A_95 = tpu.memref_slice %arg10[%dma_wait3A_92, %dma_wait3A_93, %dma_wait3A_94] : memref<2x4x128xi32, #tpu.memory_space<vmem>> -> memref<1x4x128xi32, #tpu.memory_space<vmem>>
      %dma_wait3A_96 = tpu.memref_squeeze %dma_wait3A_95 : memref<1x4x128xi32, #tpu.memory_space<vmem>> -> memref<4x128xi32, #tpu.memory_space<vmem>>
      %dma_wait3A_97 = arith.constant 0 : i32
      %dma_wait3A_98 = tpu.memref_slice %arg3[%mul3A_15, %dma_wait3A_97] : memref<6272x128xi32, #tpu.memory_space<hbm>> -> memref<4x128xi32, #tpu.memory_space<hbm>>
      %dma_wait3A_99 = arith.constant 0 : i32
      %dma_wait3A_100 = arith.constant 0 : i32
      %dma_wait3A_101 = tpu.memref_slice %arg10[%dma_wait3A_92, %dma_wait3A_99, %dma_wait3A_100] : memref<2x4x128xi32, #tpu.memory_space<vmem>> -> memref<1x4x128xi32, #tpu.memory_space<vmem>>
      %dma_wait3A_102 = tpu.memref_squeeze %dma_wait3A_101 : memref<1x4x128xi32, #tpu.memory_space<vmem>> -> memref<4x128xi32, #tpu.memory_space<vmem>>
      %dma_wait3A_103 = arith.constant 0 : i32
      %dma_wait3A_104 = tpu.memref_slice %arg3[%mul3A_15, %dma_wait3A_103] : memref<6272x128xi32, #tpu.memory_space<hbm>> -> memref<4x128xi32, #tpu.memory_space<hbm>>
      tpu.wait_dma2 semaphore(%arg15 : memref<!tpu.dma_semaphore, #tpu.memory_space<semaphore_mem>>) src(%dma_wait3A_104 : memref<4x128xi32, #tpu.memory_space<hbm>>) dst(%dma_wait3A_102 : memref<4x128xi32, #tpu.memory_space<vmem>>)
      %dma_wait3A_105 = arith.constant 0 : i32
      %dma_wait3A_106 = arith.constant 0 : i32
      %dma_wait3A_107 = arith.constant 0 : i32
      %dma_wait3A_108 = tpu.memref_slice %arg11[%dma_wait3A_105, %dma_wait3A_106, %dma_wait3A_107] : memref<2x4x128xi32, #tpu.memory_space<vmem>> -> memref<1x4x128xi32, #tpu.memory_space<vmem>>
      %dma_wait3A_109 = tpu.memref_squeeze %dma_wait3A_108 : memref<1x4x128xi32, #tpu.memory_space<vmem>> -> memref<4x128xi32, #tpu.memory_space<vmem>>
      %dma_wait3A_110 = arith.constant 0 : i32
      %dma_wait3A_111 = tpu.memref_slice %arg4[%mul3A_15, %dma_wait3A_110] : memref<6272x128xi32, #tpu.memory_space<hbm>> -> memref<4x128xi32, #tpu.memory_space<hbm>>
      %dma_wait3A_112 = arith.constant 0 : i32
      %dma_wait3A_113 = arith.constant 0 : i32
      %dma_wait3A_114 = tpu.memref_slice %arg11[%dma_wait3A_105, %dma_wait3A_112, %dma_wait3A_113] : memref<2x4x128xi32, #tpu.memory_space<vmem>> -> memref<1x4x128xi32, #tpu.memory_space<vmem>>
      %dma_wait3A_115 = tpu.memref_squeeze %dma_wait3A_114 : memref<1x4x128xi32, #tpu.memory_space<vmem>> -> memref<4x128xi32, #tpu.memory_space<vmem>>
      %dma_wait3A_116 = arith.constant 0 : i32
      %dma_wait3A_117 = tpu.memref_slice %arg4[%mul3A_15, %dma_wait3A_116] : memref<6272x128xi32, #tpu.memory_space<hbm>> -> memref<4x128xi32, #tpu.memory_space<hbm>>
      tpu.wait_dma2 semaphore(%arg15 : memref<!tpu.dma_semaphore, #tpu.memory_space<semaphore_mem>>) src(%dma_wait3A_117 : memref<4x128xi32, #tpu.memory_space<hbm>>) dst(%dma_wait3A_115 : memref<4x128xi32, #tpu.memory_space<vmem>>)
      %dma_start3A_118 = arith.constant 0 : i32
      %dma_start3A_119 = arith.constant 0 : i32
      %dma_start3A_120 = arith.constant 0 : i32
      %dma_start3A_121 = arith.constant 0 : i32
      %dma_start3A_122 = tpu.memref_slice %arg12[%dma_start3A_120, %dma_start3A_121] : memref<512x32xf32, #tpu.memory_space<vmem>> -> memref<128x32xf32, #tpu.memory_space<vmem>>
      %dma_start3A_123 = arith.constant 0 : i32
      %dma_start3A_124 = tpu.memref_slice %arg10[%dma_start3A_118, %dma_start3A_119, %dma_start3A_123] : memref<2x4x128xi32, #tpu.memory_space<vmem>> -> memref<1x1x128xi32, #tpu.memory_space<vmem>>
      %dma_start3A_125 = tpu.memref_squeeze %dma_start3A_124 : memref<1x1x128xi32, #tpu.memory_space<vmem>> -> memref<128xi32, #tpu.memory_space<vmem>>
      %dma_start3A_126 = arith.constant 0 : i32
      %dma_start3A_127 = tpu.memref_slice %arg2[%arg0, %dma_start3A_126] : memref<200704x32xf32, #tpu.memory_space<hbm>> -> memref<200696x32xf32, #tpu.memory_space<hbm>>
      %dma_start3A_128 = arith.constant 0 : i32
      %dma_start3A_129 = arith.constant 0 : i32
      %dma_start3A_130 = tpu.memref_slice %dma_start3A_127[%dma_start3A_128, %dma_start3A_129] : memref<200696x32xf32, #tpu.memory_space<hbm>> -> memref<200696x32xf32, #tpu.memory_space<hbm>>
      tpu.enqueue_indirect_dma source(%dma_start3A_130 : memref<200696x32xf32, #tpu.memory_space<hbm>>) target(%dma_start3A_122 : memref<128x32xf32, #tpu.memory_space<vmem>>) offsets(%dma_start3A_125 : memref<128xi32, #tpu.memory_space<vmem>>) semaphore(%arg17 : memref<!tpu.dma_semaphore, #tpu.memory_space<semaphore_mem>>)
      %dma_start3A_131 = arith.constant 0 : i32
      %dma_start3A_132 = arith.constant 1 : i32
      %dma_start3A_133 = arith.constant 128 : i32
      %dma_start3A_134 = arith.constant 0 : i32
      %dma_start3A_135 = tpu.memref_slice %arg12[%dma_start3A_133, %dma_start3A_134] : memref<512x32xf32, #tpu.memory_space<vmem>> -> memref<128x32xf32, #tpu.memory_space<vmem>>
      %dma_start3A_136 = arith.constant 0 : i32
      %dma_start3A_137 = tpu.memref_slice %arg10[%dma_start3A_131, %dma_start3A_132, %dma_start3A_136] : memref<2x4x128xi32, #tpu.memory_space<vmem>> -> memref<1x1x128xi32, #tpu.memory_space<vmem>>
      %dma_start3A_138 = tpu.memref_squeeze %dma_start3A_137 : memref<1x1x128xi32, #tpu.memory_space<vmem>> -> memref<128xi32, #tpu.memory_space<vmem>>
      %dma_start3A_139 = arith.constant 0 : i32
      %dma_start3A_140 = tpu.memref_slice %arg2[%arg0, %dma_start3A_139] : memref<200704x32xf32, #tpu.memory_space<hbm>> -> memref<200696x32xf32, #tpu.memory_space<hbm>>
      %dma_start3A_141 = arith.constant 0 : i32
      %dma_start3A_142 = arith.constant 0 : i32
      %dma_start3A_143 = tpu.memref_slice %dma_start3A_140[%dma_start3A_141, %dma_start3A_142] : memref<200696x32xf32, #tpu.memory_space<hbm>> -> memref<200696x32xf32, #tpu.memory_space<hbm>>
      tpu.enqueue_indirect_dma source(%dma_start3A_143 : memref<200696x32xf32, #tpu.memory_space<hbm>>) target(%dma_start3A_135 : memref<128x32xf32, #tpu.memory_space<vmem>>) offsets(%dma_start3A_138 : memref<128xi32, #tpu.memory_space<vmem>>) semaphore(%arg18 : memref<!tpu.dma_semaphore, #tpu.memory_space<semaphore_mem>>)
      %dma_start3A_144 = arith.constant 0 : i32
      %dma_start3A_145 = arith.constant 2 : i32
      %dma_start3A_146 = arith.constant 256 : i32
      %dma_start3A_147 = arith.constant 0 : i32
      %dma_start3A_148 = tpu.memref_slice %arg12[%dma_start3A_146, %dma_start3A_147] : memref<512x32xf32, #tpu.memory_space<vmem>> -> memref<128x32xf32, #tpu.memory_space<vmem>>
      %dma_start3A_149 = arith.constant 0 : i32
      %dma_start3A_150 = tpu.memref_slice %arg10[%dma_start3A_144, %dma_start3A_145, %dma_start3A_149] : memref<2x4x128xi32, #tpu.memory_space<vmem>> -> memref<1x1x128xi32, #tpu.memory_space<vmem>>
      %dma_start3A_151 = tpu.memref_squeeze %dma_start3A_150 : memref<1x1x128xi32, #tpu.memory_space<vmem>> -> memref<128xi32, #tpu.memory_space<vmem>>
      %dma_start3A_152 = arith.constant 0 : i32
      %dma_start3A_153 = tpu.memref_slice %arg2[%arg0, %dma_start3A_152] : memref<200704x32xf32, #tpu.memory_space<hbm>> -> memref<200696x32xf32, #tpu.memory_space<hbm>>
      %dma_start3A_154 = arith.constant 0 : i32
      %dma_start3A_155 = arith.constant 0 : i32
      %dma_start3A_156 = tpu.memref_slice %dma_start3A_153[%dma_start3A_154, %dma_start3A_155] : memref<200696x32xf32, #tpu.memory_space<hbm>> -> memref<200696x32xf32, #tpu.memory_space<hbm>>
      tpu.enqueue_indirect_dma source(%dma_start3A_156 : memref<200696x32xf32, #tpu.memory_space<hbm>>) target(%dma_start3A_148 : memref<128x32xf32, #tpu.memory_space<vmem>>) offsets(%dma_start3A_151 : memref<128xi32, #tpu.memory_space<vmem>>) semaphore(%arg19 : memref<!tpu.dma_semaphore, #tpu.memory_space<semaphore_mem>>)
      %dma_start3A_157 = arith.constant 0 : i32
      %dma_start3A_158 = arith.constant 3 : i32
      %dma_start3A_159 = arith.constant 384 : i32
      %dma_start3A_160 = arith.constant 0 : i32
      %dma_start3A_161 = tpu.memref_slice %arg12[%dma_start3A_159, %dma_start3A_160] : memref<512x32xf32, #tpu.memory_space<vmem>> -> memref<128x32xf32, #tpu.memory_space<vmem>>
      %dma_start3A_162 = arith.constant 0 : i32
      %dma_start3A_163 = tpu.memref_slice %arg10[%dma_start3A_157, %dma_start3A_158, %dma_start3A_162] : memref<2x4x128xi32, #tpu.memory_space<vmem>> -> memref<1x1x128xi32, #tpu.memory_space<vmem>>
      %dma_start3A_164 = tpu.memref_squeeze %dma_start3A_163 : memref<1x1x128xi32, #tpu.memory_space<vmem>> -> memref<128xi32, #tpu.memory_space<vmem>>
      %dma_start3A_165 = arith.constant 0 : i32
      %dma_start3A_166 = tpu.memref_slice %arg2[%arg0, %dma_start3A_165] : memref<200704x32xf32, #tpu.memory_space<hbm>> -> memref<200696x32xf32, #tpu.memory_space<hbm>>
      %dma_start3A_167 = arith.constant 0 : i32
      %dma_start3A_168 = arith.constant 0 : i32
      %dma_start3A_169 = tpu.memref_slice %dma_start3A_166[%dma_start3A_167, %dma_start3A_168] : memref<200696x32xf32, #tpu.memory_space<hbm>> -> memref<200696x32xf32, #tpu.memory_space<hbm>>
      tpu.enqueue_indirect_dma source(%dma_start3A_169 : memref<200696x32xf32, #tpu.memory_space<hbm>>) target(%dma_start3A_161 : memref<128x32xf32, #tpu.memory_space<vmem>>) offsets(%dma_start3A_164 : memref<128xi32, #tpu.memory_space<vmem>>) semaphore(%arg20 : memref<!tpu.dma_semaphore, #tpu.memory_space<semaphore_mem>>)
      %dma_start3A_170 = arith.constant 1 : i32
      %dma_start3A_171 = arith.constant 0 : i32
      %dma_start3A_172 = arith.constant 0 : i32
      %dma_start3A_173 = tpu.memref_slice %arg10[%dma_start3A_170, %dma_start3A_171, %dma_start3A_172] : memref<2x4x128xi32, #tpu.memory_space<vmem>> -> memref<1x4x128xi32, #tpu.memory_space<vmem>>
      %dma_start3A_174 = tpu.memref_squeeze %dma_start3A_173 : memref<1x4x128xi32, #tpu.memory_space<vmem>> -> memref<4x128xi32, #tpu.memory_space<vmem>>
      %dma_start3A_175 = arith.constant 0 : i32
      %dma_start3A_176 = tpu.memref_slice %arg3[%add3A_91, %dma_start3A_175] : memref<6272x128xi32, #tpu.memory_space<hbm>> -> memref<4x128xi32, #tpu.memory_space<hbm>>
      %dma_start3A_177 = arith.constant 0 : i32
      %dma_start3A_178 = arith.constant 0 : i32
      %dma_start3A_179 = tpu.memref_slice %arg10[%dma_start3A_170, %dma_start3A_177, %dma_start3A_178] : memref<2x4x128xi32, #tpu.memory_space<vmem>> -> memref<1x4x128xi32, #tpu.memory_space<vmem>>
      %dma_start3A_180 = tpu.memref_squeeze %dma_start3A_179 : memref<1x4x128xi32, #tpu.memory_space<vmem>> -> memref<4x128xi32, #tpu.memory_space<vmem>>
      %dma_start3A_181 = arith.constant 0 : i32
      %dma_start3A_182 = tpu.memref_slice %arg3[%add3A_91, %dma_start3A_181] : memref<6272x128xi32, #tpu.memory_space<hbm>> -> memref<4x128xi32, #tpu.memory_space<hbm>>
      tpu.enqueue_dma source(%dma_start3A_182 : memref<4x128xi32, #tpu.memory_space<hbm>>) target(%dma_start3A_180 : memref<4x128xi32, #tpu.memory_space<vmem>>) target_semaphore(%arg15 : memref<!tpu.dma_semaphore, #tpu.memory_space<semaphore_mem>>)
      %dma_start3A_183 = arith.constant 1 : i32
      %dma_start3A_184 = arith.constant 0 : i32
      %dma_start3A_185 = arith.constant 0 : i32
      %dma_start3A_186 = tpu.memref_slice %arg11[%dma_start3A_183, %dma_start3A_184, %dma_start3A_185] : memref<2x4x128xi32, #tpu.memory_space<vmem>> -> memref<1x4x128xi32, #tpu.memory_space<vmem>>
      %dma_start3A_187 = tpu.memref_squeeze %dma_start3A_186 : memref<1x4x128xi32, #tpu.memory_space<vmem>> -> memref<4x128xi32, #tpu.memory_space<vmem>>
      %dma_start3A_188 = arith.constant 0 : i32
      %dma_start3A_189 = tpu.memref_slice %arg4[%add3A_91, %dma_start3A_188] : memref<6272x128xi32, #tpu.memory_space<hbm>> -> memref<4x128xi32, #tpu.memory_space<hbm>>
      %dma_start3A_190 = arith.constant 0 : i32
      %dma_start3A_191 = arith.constant 0 : i32
      %dma_start3A_192 = tpu.memref_slice %arg11[%dma_start3A_183, %dma_start3A_190, %dma_start3A_191] : memref<2x4x128xi32, #tpu.memory_space<vmem>> -> memref<1x4x128xi32, #tpu.memory_space<vmem>>
      %dma_start3A_193 = tpu.memref_squeeze %dma_start3A_192 : memref<1x4x128xi32, #tpu.memory_space<vmem>> -> memref<4x128xi32, #tpu.memory_space<vmem>>
      %dma_start3A_194 = arith.constant 0 : i32
      %dma_start3A_195 = tpu.memref_slice %arg4[%add3A_91, %dma_start3A_194] : memref<6272x128xi32, #tpu.memory_space<hbm>> -> memref<4x128xi32, #tpu.memory_space<hbm>>
      tpu.enqueue_dma source(%dma_start3A_195 : memref<4x128xi32, #tpu.memory_space<hbm>>) target(%dma_start3A_193 : memref<4x128xi32, #tpu.memory_space<vmem>>) target_semaphore(%arg15 : memref<!tpu.dma_semaphore, #tpu.memory_space<semaphore_mem>>)
      %dma_wait3A_196 = arith.constant 0 : i32
      %dma_wait3A_197 = arith.constant 0 : i32
      %dma_wait3A_198 = arith.constant 0 : i32
      %dma_wait3A_199 = arith.constant 0 : i32
      %dma_wait3A_200 = tpu.memref_slice %arg12[%dma_wait3A_198, %dma_wait3A_199] : memref<512x32xf32, #tpu.memory_space<vmem>> -> memref<128x32xf32, #tpu.memory_space<vmem>>
      %dma_wait3A_201 = arith.constant 0 : i32
      %dma_wait3A_202 = tpu.memref_slice %arg10[%dma_wait3A_196, %dma_wait3A_197, %dma_wait3A_201] : memref<2x4x128xi32, #tpu.memory_space<vmem>> -> memref<1x1x128xi32, #tpu.memory_space<vmem>>
      %dma_wait3A_203 = tpu.memref_squeeze %dma_wait3A_202 : memref<1x1x128xi32, #tpu.memory_space<vmem>> -> memref<128xi32, #tpu.memory_space<vmem>>
      %dma_wait3A_204 = arith.constant 0 : i32
      %dma_wait3A_205 = tpu.memref_slice %arg2[%arg0, %dma_wait3A_204] : memref<200704x32xf32, #tpu.memory_space<hbm>> -> memref<200696x32xf32, #tpu.memory_space<hbm>>
      %dma_wait3A_206 = arith.constant 0 : i32
      %dma_wait3A_207 = arith.constant 0 : i32
      %dma_wait3A_208 = tpu.memref_slice %dma_wait3A_205[%dma_wait3A_206, %dma_wait3A_207] : memref<200696x32xf32, #tpu.memory_space<hbm>> -> memref<200696x32xf32, #tpu.memory_space<hbm>>
      tpu.wait_indirect_dma semaphore(%arg17 : memref<!tpu.dma_semaphore, #tpu.memory_space<semaphore_mem>>) src(%dma_wait3A_208 : memref<200696x32xf32, #tpu.memory_space<hbm>>) dst(%dma_wait3A_200 : memref<128x32xf32, #tpu.memory_space<vmem>>)
      %dma_start3A_209 = arith.constant 0 : i32
      %dma_start3A_210 = arith.constant 0 : i32
      %dma_start3A_211 = arith.constant 0 : i32
      %dma_start3A_212 = arith.constant 0 : i32
      %dma_start3A_213 = tpu.memref_slice %arg12[%dma_start3A_211, %dma_start3A_212] : memref<512x32xf32, #tpu.memory_space<vmem>> -> memref<128x32xf32, #tpu.memory_space<vmem>>
      %dma_start3A_214 = arith.constant 0 : i32
      %dma_start3A_215 = tpu.memref_slice %arg11[%dma_start3A_209, %dma_start3A_210, %dma_start3A_214] : memref<2x4x128xi32, #tpu.memory_space<vmem>> -> memref<1x1x128xi32, #tpu.memory_space<vmem>>
      %dma_start3A_216 = tpu.memref_squeeze %dma_start3A_215 : memref<1x1x128xi32, #tpu.memory_space<vmem>> -> memref<128xi32, #tpu.memory_space<vmem>>
      %dma_start3A_217 = arith.constant 0 : i32
      %dma_start3A_218 = arith.constant 0 : i32
      %dma_start3A_219 = tpu.memref_slice %arg9[%dma_start3A_217, %dma_start3A_218] : memref<50176x32xf32, #tpu.memory_space<vmem_shared>> -> memref<50176x32xf32, #tpu.memory_space<vmem_shared>>
      tpu.enqueue_indirect_dma source(%dma_start3A_213 : memref<128x32xf32, #tpu.memory_space<vmem>>) target(%dma_start3A_219 : memref<50176x32xf32, #tpu.memory_space<vmem_shared>>) offsets(%dma_start3A_216 : memref<128xi32, #tpu.memory_space<vmem>>) semaphore(%arg16 : memref<!tpu.dma_semaphore, #tpu.memory_space<semaphore_mem>>) {add = true}
      %dma_wait3A_220 = arith.constant 0 : i32
      %dma_wait3A_221 = arith.constant 1 : i32
      %dma_wait3A_222 = arith.constant 128 : i32
      %dma_wait3A_223 = arith.constant 0 : i32
      %dma_wait3A_224 = tpu.memref_slice %arg12[%dma_wait3A_222, %dma_wait3A_223] : memref<512x32xf32, #tpu.memory_space<vmem>> -> memref<128x32xf32, #tpu.memory_space<vmem>>
      %dma_wait3A_225 = arith.constant 0 : i32
      %dma_wait3A_226 = tpu.memref_slice %arg10[%dma_wait3A_220, %dma_wait3A_221, %dma_wait3A_225] : memref<2x4x128xi32, #tpu.memory_space<vmem>> -> memref<1x1x128xi32, #tpu.memory_space<vmem>>
      %dma_wait3A_227 = tpu.memref_squeeze %dma_wait3A_226 : memref<1x1x128xi32, #tpu.memory_space<vmem>> -> memref<128xi32, #tpu.memory_space<vmem>>
      %dma_wait3A_228 = arith.constant 0 : i32
      %dma_wait3A_229 = tpu.memref_slice %arg2[%arg0, %dma_wait3A_228] : memref<200704x32xf32, #tpu.memory_space<hbm>> -> memref<200696x32xf32, #tpu.memory_space<hbm>>
      %dma_wait3A_230 = arith.constant 0 : i32
      %dma_wait3A_231 = arith.constant 0 : i32
      %dma_wait3A_232 = tpu.memref_slice %dma_wait3A_229[%dma_wait3A_230, %dma_wait3A_231] : memref<200696x32xf32, #tpu.memory_space<hbm>> -> memref<200696x32xf32, #tpu.memory_space<hbm>>
      tpu.wait_indirect_dma semaphore(%arg18 : memref<!tpu.dma_semaphore, #tpu.memory_space<semaphore_mem>>) src(%dma_wait3A_232 : memref<200696x32xf32, #tpu.memory_space<hbm>>) dst(%dma_wait3A_224 : memref<128x32xf32, #tpu.memory_space<vmem>>)
      %dma_start3A_233 = arith.constant 0 : i32
      %dma_start3A_234 = arith.constant 1 : i32
      %dma_start3A_235 = arith.constant 128 : i32
      %dma_start3A_236 = arith.constant 0 : i32
      %dma_start3A_237 = tpu.memref_slice %arg12[%dma_start3A_235, %dma_start3A_236] : memref<512x32xf32, #tpu.memory_space<vmem>> -> memref<128x32xf32, #tpu.memory_space<vmem>>
      %dma_start3A_238 = arith.constant 0 : i32
      %dma_start3A_239 = tpu.memref_slice %arg11[%dma_start3A_233, %dma_start3A_234, %dma_start3A_238] : memref<2x4x128xi32, #tpu.memory_space<vmem>> -> memref<1x1x128xi32, #tpu.memory_space<vmem>>
      %dma_start3A_240 = tpu.memref_squeeze %dma_start3A_239 : memref<1x1x128xi32, #tpu.memory_space<vmem>> -> memref<128xi32, #tpu.memory_space<vmem>>
      %dma_start3A_241 = arith.constant 0 : i32
      %dma_start3A_242 = arith.constant 0 : i32
      %dma_start3A_243 = tpu.memref_slice %arg9[%dma_start3A_241, %dma_start3A_242] : memref<50176x32xf32, #tpu.memory_space<vmem_shared>> -> memref<50176x32xf32, #tpu.memory_space<vmem_shared>>
      tpu.enqueue_indirect_dma source(%dma_start3A_237 : memref<128x32xf32, #tpu.memory_space<vmem>>) target(%dma_start3A_243 : memref<50176x32xf32, #tpu.memory_space<vmem_shared>>) offsets(%dma_start3A_240 : memref<128xi32, #tpu.memory_space<vmem>>) semaphore(%arg16 : memref<!tpu.dma_semaphore, #tpu.memory_space<semaphore_mem>>) {add = true}
      %dma_wait3A_244 = arith.constant 0 : i32
      %dma_wait3A_245 = arith.constant 2 : i32
      %dma_wait3A_246 = arith.constant 256 : i32
      %dma_wait3A_247 = arith.constant 0 : i32
      %dma_wait3A_248 = tpu.memref_slice %arg12[%dma_wait3A_246, %dma_wait3A_247] : memref<512x32xf32, #tpu.memory_space<vmem>> -> memref<128x32xf32, #tpu.memory_space<vmem>>
      %dma_wait3A_249 = arith.constant 0 : i32
      %dma_wait3A_250 = tpu.memref_slice %arg10[%dma_wait3A_244, %dma_wait3A_245, %dma_wait3A_249] : memref<2x4x128xi32, #tpu.memory_space<vmem>> -> memref<1x1x128xi32, #tpu.memory_space<vmem>>
      %dma_wait3A_251 = tpu.memref_squeeze %dma_wait3A_250 : memref<1x1x128xi32, #tpu.memory_space<vmem>> -> memref<128xi32, #tpu.memory_space<vmem>>
      %dma_wait3A_252 = arith.constant 0 : i32
      %dma_wait3A_253 = tpu.memref_slice %arg2[%arg0, %dma_wait3A_252] : memref<200704x32xf32, #tpu.memory_space<hbm>> -> memref<200696x32xf32, #tpu.memory_space<hbm>>
      %dma_wait3A_254 = arith.constant 0 : i32
      %dma_wait3A_255 = arith.constant 0 : i32
      %dma_wait3A_256 = tpu.memref_slice %dma_wait3A_253[%dma_wait3A_254, %dma_wait3A_255] : memref<200696x32xf32, #tpu.memory_space<hbm>> -> memref<200696x32xf32, #tpu.memory_space<hbm>>
      tpu.wait_indirect_dma semaphore(%arg19 : memref<!tpu.dma_semaphore, #tpu.memory_space<semaphore_mem>>) src(%dma_wait3A_256 : memref<200696x32xf32, #tpu.memory_space<hbm>>) dst(%dma_wait3A_248 : memref<128x32xf32, #tpu.memory_space<vmem>>)
      %dma_start3A_257 = arith.constant 0 : i32
      %dma_start3A_258 = arith.constant 2 : i32
      %dma_start3A_259 = arith.constant 256 : i32
      %dma_start3A_260 = arith.constant 0 : i32
      %dma_start3A_261 = tpu.memref_slice %arg12[%dma_start3A_259, %dma_start3A_260] : memref<512x32xf32, #tpu.memory_space<vmem>> -> memref<128x32xf32, #tpu.memory_space<vmem>>
      %dma_start3A_262 = arith.constant 0 : i32
      %dma_start3A_263 = tpu.memref_slice %arg11[%dma_start3A_257, %dma_start3A_258, %dma_start3A_262] : memref<2x4x128xi32, #tpu.memory_space<vmem>> -> memref<1x1x128xi32, #tpu.memory_space<vmem>>
      %dma_start3A_264 = tpu.memref_squeeze %dma_start3A_263 : memref<1x1x128xi32, #tpu.memory_space<vmem>> -> memref<128xi32, #tpu.memory_space<vmem>>
      %dma_start3A_265 = arith.constant 0 : i32
      %dma_start3A_266 = arith.constant 0 : i32
      %dma_start3A_267 = tpu.memref_slice %arg9[%dma_start3A_265, %dma_start3A_266] : memref<50176x32xf32, #tpu.memory_space<vmem_shared>> -> memref<50176x32xf32, #tpu.memory_space<vmem_shared>>
      tpu.enqueue_indirect_dma source(%dma_start3A_261 : memref<128x32xf32, #tpu.memory_space<vmem>>) target(%dma_start3A_267 : memref<50176x32xf32, #tpu.memory_space<vmem_shared>>) offsets(%dma_start3A_264 : memref<128xi32, #tpu.memory_space<vmem>>) semaphore(%arg16 : memref<!tpu.dma_semaphore, #tpu.memory_space<semaphore_mem>>) {add = true}
      %dma_wait3A_268 = arith.constant 0 : i32
      %dma_wait3A_269 = arith.constant 3 : i32
      %dma_wait3A_270 = arith.constant 384 : i32
      %dma_wait3A_271 = arith.constant 0 : i32
      %dma_wait3A_272 = tpu.memref_slice %arg12[%dma_wait3A_270, %dma_wait3A_271] : memref<512x32xf32, #tpu.memory_space<vmem>> -> memref<128x32xf32, #tpu.memory_space<vmem>>
      %dma_wait3A_273 = arith.constant 0 : i32
      %dma_wait3A_274 = tpu.memref_slice %arg10[%dma_wait3A_268, %dma_wait3A_269, %dma_wait3A_273] : memref<2x4x128xi32, #tpu.memory_space<vmem>> -> memref<1x1x128xi32, #tpu.memory_space<vmem>>
      %dma_wait3A_275 = tpu.memref_squeeze %dma_wait3A_274 : memref<1x1x128xi32, #tpu.memory_space<vmem>> -> memref<128xi32, #tpu.memory_space<vmem>>
      %dma_wait3A_276 = arith.constant 0 : i32
      %dma_wait3A_277 = tpu.memref_slice %arg2[%arg0, %dma_wait3A_276] : memref<200704x32xf32, #tpu.memory_space<hbm>> -> memref<200696x32xf32, #tpu.memory_space<hbm>>
      %dma_wait3A_278 = arith.constant 0 : i32
      %dma_wait3A_279 = arith.constant 0 : i32
      %dma_wait3A_280 = tpu.memref_slice %dma_wait3A_277[%dma_wait3A_278, %dma_wait3A_279] : memref<200696x32xf32, #tpu.memory_space<hbm>> -> memref<200696x32xf32, #tpu.memory_space<hbm>>
      tpu.wait_indirect_dma semaphore(%arg20 : memref<!tpu.dma_semaphore, #tpu.memory_space<semaphore_mem>>) src(%dma_wait3A_280 : memref<200696x32xf32, #tpu.memory_space<hbm>>) dst(%dma_wait3A_272 : memref<128x32xf32, #tpu.memory_space<vmem>>)
      %dma_start3A_281 = arith.constant 0 : i32
      %dma_start3A_282 = arith.constant 3 : i32
      %dma_start3A_283 = arith.constant 384 : i32
      %dma_start3A_284 = arith.constant 0 : i32
      %dma_start3A_285 = tpu.memref_slice %arg12[%dma_start3A_283, %dma_start3A_284] : memref<512x32xf32, #tpu.memory_space<vmem>> -> memref<128x32xf32, #tpu.memory_space<vmem>>
      %dma_start3A_286 = arith.constant 0 : i32
      %dma_start3A_287 = tpu.memref_slice %arg11[%dma_start3A_281, %dma_start3A_282, %dma_start3A_286] : memref<2x4x128xi32, #tpu.memory_space<vmem>> -> memref<1x1x128xi32, #tpu.memory_space<vmem>>
      %dma_start3A_288 = tpu.memref_squeeze %dma_start3A_287 : memref<1x1x128xi32, #tpu.memory_space<vmem>> -> memref<128xi32, #tpu.memory_space<vmem>>
      %dma_start3A_289 = arith.constant 0 : i32
      %dma_start3A_290 = arith.constant 0 : i32
      %dma_start3A_291 = tpu.memref_slice %arg9[%dma_start3A_289, %dma_start3A_290] : memref<50176x32xf32, #tpu.memory_space<vmem_shared>> -> memref<50176x32xf32, #tpu.memory_space<vmem_shared>>
      tpu.enqueue_indirect_dma source(%dma_start3A_285 : memref<128x32xf32, #tpu.memory_space<vmem>>) target(%dma_start3A_291 : memref<50176x32xf32, #tpu.memory_space<vmem_shared>>) offsets(%dma_start3A_288 : memref<128xi32, #tpu.memory_space<vmem>>) semaphore(%arg16 : memref<!tpu.dma_semaphore, #tpu.memory_space<semaphore_mem>>) {add = true}
      %dma_wait3A_292 = arith.constant 0 : i32
      %dma_wait3A_293 = arith.constant 0 : i32
      %dma_wait3A_294 = arith.constant 0 : i32
      %dma_wait3A_295 = arith.constant 0 : i32
      %dma_wait3A_296 = tpu.memref_slice %arg12[%dma_wait3A_294, %dma_wait3A_295] : memref<512x32xf32, #tpu.memory_space<vmem>> -> memref<128x32xf32, #tpu.memory_space<vmem>>
      %dma_wait3A_297 = arith.constant 0 : i32
      %dma_wait3A_298 = tpu.memref_slice %arg11[%dma_wait3A_292, %dma_wait3A_293, %dma_wait3A_297] : memref<2x4x128xi32, #tpu.memory_space<vmem>> -> memref<1x1x128xi32, #tpu.memory_space<vmem>>
      %dma_wait3A_299 = tpu.memref_squeeze %dma_wait3A_298 : memref<1x1x128xi32, #tpu.memory_space<vmem>> -> memref<128xi32, #tpu.memory_space<vmem>>
      %dma_wait3A_300 = arith.constant 0 : i32
      %dma_wait3A_301 = arith.constant 0 : i32
      %dma_wait3A_302 = tpu.memref_slice %arg9[%dma_wait3A_300, %dma_wait3A_301] : memref<50176x32xf32, #tpu.memory_space<vmem_shared>> -> memref<50176x32xf32, #tpu.memory_space<vmem_shared>>
      tpu.wait_indirect_dma semaphore(%arg16 : memref<!tpu.dma_semaphore, #tpu.memory_space<semaphore_mem>>) src(%dma_wait3A_296 : memref<128x32xf32, #tpu.memory_space<vmem>>) dst(%dma_wait3A_302 : memref<50176x32xf32, #tpu.memory_space<vmem_shared>>)
      %dma_wait3A_303 = arith.constant 0 : i32
      %dma_wait3A_304 = arith.constant 1 : i32
      %dma_wait3A_305 = arith.constant 128 : i32
      %dma_wait3A_306 = arith.constant 0 : i32
      %dma_wait3A_307 = tpu.memref_slice %arg12[%dma_wait3A_305, %dma_wait3A_306] : memref<512x32xf32, #tpu.memory_space<vmem>> -> memref<128x32xf32, #tpu.memory_space<vmem>>
      %dma_wait3A_308 = arith.constant 0 : i32
      %dma_wait3A_309 = tpu.memref_slice %arg11[%dma_wait3A_303, %dma_wait3A_304, %dma_wait3A_308] : memref<2x4x128xi32, #tpu.memory_space<vmem>> -> memref<1x1x128xi32, #tpu.memory_space<vmem>>
      %dma_wait3A_310 = tpu.memref_squeeze %dma_wait3A_309 : memref<1x1x128xi32, #tpu.memory_space<vmem>> -> memref<128xi32, #tpu.memory_space<vmem>>
      %dma_wait3A_311 = arith.constant 0 : i32
      %dma_wait3A_312 = arith.constant 0 : i32
      %dma_wait3A_313 = tpu.memref_slice %arg9[%dma_wait3A_311, %dma_wait3A_312] : memref<50176x32xf32, #tpu.memory_space<vmem_shared>> -> memref<50176x32xf32, #tpu.memory_space<vmem_shared>>
      tpu.wait_indirect_dma semaphore(%arg16 : memref<!tpu.dma_semaphore, #tpu.memory_space<semaphore_mem>>) src(%dma_wait3A_307 : memref<128x32xf32, #tpu.memory_space<vmem>>) dst(%dma_wait3A_313 : memref<50176x32xf32, #tpu.memory_space<vmem_shared>>)
      %dma_wait3A_314 = arith.constant 0 : i32
      %dma_wait3A_315 = arith.constant 2 : i32
      %dma_wait3A_316 = arith.constant 256 : i32
      %dma_wait3A_317 = arith.constant 0 : i32
      %dma_wait3A_318 = tpu.memref_slice %arg12[%dma_wait3A_316, %dma_wait3A_317] : memref<512x32xf32, #tpu.memory_space<vmem>> -> memref<128x32xf32, #tpu.memory_space<vmem>>
      %dma_wait3A_319 = arith.constant 0 : i32
      %dma_wait3A_320 = tpu.memref_slice %arg11[%dma_wait3A_314, %dma_wait3A_315, %dma_wait3A_319] : memref<2x4x128xi32, #tpu.memory_space<vmem>> -> memref<1x1x128xi32, #tpu.memory_space<vmem>>
      %dma_wait3A_321 = tpu.memref_squeeze %dma_wait3A_320 : memref<1x1x128xi32, #tpu.memory_space<vmem>> -> memref<128xi32, #tpu.memory_space<vmem>>
      %dma_wait3A_322 = arith.constant 0 : i32
      %dma_wait3A_323 = arith.constant 0 : i32
      %dma_wait3A_324 = tpu.memref_slice %arg9[%dma_wait3A_322, %dma_wait3A_323] : memref<50176x32xf32, #tpu.memory_space<vmem_shared>> -> memref<50176x32xf32, #tpu.memory_space<vmem_shared>>
      tpu.wait_indirect_dma semaphore(%arg16 : memref<!tpu.dma_semaphore, #tpu.memory_space<semaphore_mem>>) src(%dma_wait3A_318 : memref<128x32xf32, #tpu.memory_space<vmem>>) dst(%dma_wait3A_324 : memref<50176x32xf32, #tpu.memory_space<vmem_shared>>)
      %dma_wait3A_325 = arith.constant 0 : i32
      %dma_wait3A_326 = arith.constant 3 : i32
      %dma_wait3A_327 = arith.constant 384 : i32
      %dma_wait3A_328 = arith.constant 0 : i32
      %dma_wait3A_329 = tpu.memref_slice %arg12[%dma_wait3A_327, %dma_wait3A_328] : memref<512x32xf32, #tpu.memory_space<vmem>> -> memref<128x32xf32, #tpu.memory_space<vmem>>
      %dma_wait3A_330 = arith.constant 0 : i32
      %dma_wait3A_331 = tpu.memref_slice %arg11[%dma_wait3A_325, %dma_wait3A_326, %dma_wait3A_330] : memref<2x4x128xi32, #tpu.memory_space<vmem>> -> memref<1x1x128xi32, #tpu.memory_space<vmem>>
      %dma_wait3A_332 = tpu.memref_squeeze %dma_wait3A_331 : memref<1x1x128xi32, #tpu.memory_space<vmem>> -> memref<128xi32, #tpu.memory_space<vmem>>
      %dma_wait3A_333 = arith.constant 0 : i32
      %dma_wait3A_334 = arith.constant 0 : i32
      %dma_wait3A_335 = tpu.memref_slice %arg9[%dma_wait3A_333, %dma_wait3A_334] : memref<50176x32xf32, #tpu.memory_space<vmem_shared>> -> memref<50176x32xf32, #tpu.memory_space<vmem_shared>>
      tpu.wait_indirect_dma semaphore(%arg16 : memref<!tpu.dma_semaphore, #tpu.memory_space<semaphore_mem>>) src(%dma_wait3A_329 : memref<128x32xf32, #tpu.memory_space<vmem>>) dst(%dma_wait3A_335 : memref<50176x32xf32, #tpu.memory_space<vmem_shared>>)
      %add3A_336 = arith.constant 1 : i32
      %add3A_337 = arith.addi %mul3A_84, %add3A_336 : i32
      %mul3A_338 = arith.constant 4 : i32
      %mul3A_339 = arith.muli %add3A_337, %mul3A_338 : i32
      %add3A_340 = arith.addi %mul3A_15, %mul3A_339 : i32
      %add3A_341 = arith.constant 2 : i32
      %add3A_342 = arith.addi %mul3A_84, %add3A_341 : i32
      %jit3A = arith.constant 98 : i32
      %eq3A = arith.constant 0 : i32
      %eq3A_343 = arith.cmpi eq, %jit3A, %eq3A : i32
      %jit3A_344 = arith.constant 1 : i32
      %select_n3A = arith.select %eq3A_343, %jit3A_344, %jit3A : i32
      %rem3A = arith.remsi %add3A_342, %select_n3A : i32
      %ne3A = arith.constant 0 : i32
      %ne3A_345 = arith.cmpi ne, %rem3A, %ne3A : i32
      %lt3A = arith.constant 0 : i32
      %lt3A_346 = arith.cmpi slt, %rem3A, %lt3A : i32
      %lt3A_347 = arith.constant 0 : i32
      %lt3A_348 = arith.cmpi slt, %select_n3A, %lt3A_347 : i32
      %ne3A_349 = arith.xori %lt3A_346, %lt3A_348 : i1
      %and3A = arith.andi %ne3A_349, %ne3A_345 : i1
      %add3A_350 = arith.addi %rem3A, %select_n3A : i32
      %select_n3A_351 = arith.select %and3A, %add3A_350, %rem3A : i32
      %mul3A_352 = arith.constant 4 : i32
      %mul3A_353 = arith.muli %select_n3A_351, %mul3A_352 : i32
      %add3A_354 = arith.addi %mul3A_15, %mul3A_353 : i32
      %dma_wait3A_355 = arith.constant 1 : i32
      %dma_wait3A_356 = arith.constant 0 : i32
      %dma_wait3A_357 = arith.constant 0 : i32
      %dma_wait3A_358 = tpu.memref_slice %arg10[%dma_wait3A_355, %dma_wait3A_356, %dma_wait3A_357] : memref<2x4x128xi32, #tpu.memory_space<vmem>> -> memref<1x4x128xi32, #tpu.memory_space<vmem>>
      %dma_wait3A_359 = tpu.memref_squeeze %dma_wait3A_358 : memref<1x4x128xi32, #tpu.memory_space<vmem>> -> memref<4x128xi32, #tpu.memory_space<vmem>>
      %dma_wait3A_360 = arith.constant 0 : i32
      %dma_wait3A_361 = tpu.memref_slice %arg3[%mul3A_15, %dma_wait3A_360] : memref<6272x128xi32, #tpu.memory_space<hbm>> -> memref<4x128xi32, #tpu.memory_space<hbm>>
      %dma_wait3A_362 = arith.constant 0 : i32
      %dma_wait3A_363 = arith.constant 0 : i32
      %dma_wait3A_364 = tpu.memref_slice %arg10[%dma_wait3A_355, %dma_wait3A_362, %dma_wait3A_363] : memref<2x4x128xi32, #tpu.memory_space<vmem>> -> memref<1x4x128xi32, #tpu.memory_space<vmem>>
      %dma_wait3A_365 = tpu.memref_squeeze %dma_wait3A_364 : memref<1x4x128xi32, #tpu.memory_space<vmem>> -> memref<4x128xi32, #tpu.memory_space<vmem>>
      %dma_wait3A_366 = arith.constant 0 : i32
      %dma_wait3A_367 = tpu.memref_slice %arg3[%mul3A_15, %dma_wait3A_366] : memref<6272x128xi32, #tpu.memory_space<hbm>> -> memref<4x128xi32, #tpu.memory_space<hbm>>
      tpu.wait_dma2 semaphore(%arg15 : memref<!tpu.dma_semaphore, #tpu.memory_space<semaphore_mem>>) src(%dma_wait3A_367 : memref<4x128xi32, #tpu.memory_space<hbm>>) dst(%dma_wait3A_365 : memref<4x128xi32, #tpu.memory_space<vmem>>)
      %dma_wait3A_368 = arith.constant 1 : i32
      %dma_wait3A_369 = arith.constant 0 : i32
      %dma_wait3A_370 = arith.constant 0 : i32
      %dma_wait3A_371 = tpu.memref_slice %arg11[%dma_wait3A_368, %dma_wait3A_369, %dma_wait3A_370] : memref<2x4x128xi32, #tpu.memory_space<vmem>> -> memref<1x4x128xi32, #tpu.memory_space<vmem>>
      %dma_wait3A_372 = tpu.memref_squeeze %dma_wait3A_371 : memref<1x4x128xi32, #tpu.memory_space<vmem>> -> memref<4x128xi32, #tpu.memory_space<vmem>>
      %dma_wait3A_373 = arith.constant 0 : i32
      %dma_wait3A_374 = tpu.memref_slice %arg4[%mul3A_15, %dma_wait3A_373] : memref<6272x128xi32, #tpu.memory_space<hbm>> -> memref<4x128xi32, #tpu.memory_space<hbm>>
      %dma_wait3A_375 = arith.constant 0 : i32
      %dma_wait3A_376 = arith.constant 0 : i32
      %dma_wait3A_377 = tpu.memref_slice %arg11[%dma_wait3A_368, %dma_wait3A_375, %dma_wait3A_376] : memref<2x4x128xi32, #tpu.memory_space<vmem>> -> memref<1x4x128xi32, #tpu.memory_space<vmem>>
      %dma_wait3A_378 = tpu.memref_squeeze %dma_wait3A_377 : memref<1x4x128xi32, #tpu.memory_space<vmem>> -> memref<4x128xi32, #tpu.memory_space<vmem>>
      %dma_wait3A_379 = arith.constant 0 : i32
      %dma_wait3A_380 = tpu.memref_slice %arg4[%mul3A_15, %dma_wait3A_379] : memref<6272x128xi32, #tpu.memory_space<hbm>> -> memref<4x128xi32, #tpu.memory_space<hbm>>
      tpu.wait_dma2 semaphore(%arg15 : memref<!tpu.dma_semaphore, #tpu.memory_space<semaphore_mem>>) src(%dma_wait3A_380 : memref<4x128xi32, #tpu.memory_space<hbm>>) dst(%dma_wait3A_378 : memref<4x128xi32, #tpu.memory_space<vmem>>)
      %dma_start3A_381 = arith.constant 1 : i32
      %dma_start3A_382 = arith.constant 0 : i32
      %dma_start3A_383 = arith.constant 0 : i32
      %dma_start3A_384 = arith.constant 0 : i32
      %dma_start3A_385 = tpu.memref_slice %arg12[%dma_start3A_383, %dma_start3A_384] : memref<512x32xf32, #tpu.memory_space<vmem>> -> memref<128x32xf32, #tpu.memory_space<vmem>>
      %dma_start3A_386 = arith.constant 0 : i32
      %dma_start3A_387 = tpu.memref_slice %arg10[%dma_start3A_381, %dma_start3A_382, %dma_start3A_386] : memref<2x4x128xi32, #tpu.memory_space<vmem>> -> memref<1x1x128xi32, #tpu.memory_space<vmem>>
      %dma_start3A_388 = tpu.memref_squeeze %dma_start3A_387 : memref<1x1x128xi32, #tpu.memory_space<vmem>> -> memref<128xi32, #tpu.memory_space<vmem>>
      %dma_start3A_389 = arith.constant 0 : i32
      %dma_start3A_390 = tpu.memref_slice %arg2[%arg0, %dma_start3A_389] : memref<200704x32xf32, #tpu.memory_space<hbm>> -> memref<200696x32xf32, #tpu.memory_space<hbm>>
      %dma_start3A_391 = arith.constant 0 : i32
      %dma_start3A_392 = arith.constant 0 : i32
      %dma_start3A_393 = tpu.memref_slice %dma_start3A_390[%dma_start3A_391, %dma_start3A_392] : memref<200696x32xf32, #tpu.memory_space<hbm>> -> memref<200696x32xf32, #tpu.memory_space<hbm>>
      tpu.enqueue_indirect_dma source(%dma_start3A_393 : memref<200696x32xf32, #tpu.memory_space<hbm>>) target(%dma_start3A_385 : memref<128x32xf32, #tpu.memory_space<vmem>>) offsets(%dma_start3A_388 : memref<128xi32, #tpu.memory_space<vmem>>) semaphore(%arg17 : memref<!tpu.dma_semaphore, #tpu.memory_space<semaphore_mem>>)
      %dma_start3A_394 = arith.constant 1 : i32
      %dma_start3A_395 = arith.constant 1 : i32
      %dma_start3A_396 = arith.constant 128 : i32
      %dma_start3A_397 = arith.constant 0 : i32
      %dma_start3A_398 = tpu.memref_slice %arg12[%dma_start3A_396, %dma_start3A_397] : memref<512x32xf32, #tpu.memory_space<vmem>> -> memref<128x32xf32, #tpu.memory_space<vmem>>
      %dma_start3A_399 = arith.constant 0 : i32
      %dma_start3A_400 = tpu.memref_slice %arg10[%dma_start3A_394, %dma_start3A_395, %dma_start3A_399] : memref<2x4x128xi32, #tpu.memory_space<vmem>> -> memref<1x1x128xi32, #tpu.memory_space<vmem>>
      %dma_start3A_401 = tpu.memref_squeeze %dma_start3A_400 : memref<1x1x128xi32, #tpu.memory_space<vmem>> -> memref<128xi32, #tpu.memory_space<vmem>>
      %dma_start3A_402 = arith.constant 0 : i32
      %dma_start3A_403 = tpu.memref_slice %arg2[%arg0, %dma_start3A_402] : memref<200704x32xf32, #tpu.memory_space<hbm>> -> memref<200696x32xf32, #tpu.memory_space<hbm>>
      %dma_start3A_404 = arith.constant 0 : i32
      %dma_start3A_405 = arith.constant 0 : i32
      %dma_start3A_406 = tpu.memref_slice %dma_start3A_403[%dma_start3A_404, %dma_start3A_405] : memref<200696x32xf32, #tpu.memory_space<hbm>> -> memref<200696x32xf32, #tpu.memory_space<hbm>>
      tpu.enqueue_indirect_dma source(%dma_start3A_406 : memref<200696x32xf32, #tpu.memory_space<hbm>>) target(%dma_start3A_398 : memref<128x32xf32, #tpu.memory_space<vmem>>) offsets(%dma_start3A_401 : memref<128xi32, #tpu.memory_space<vmem>>) semaphore(%arg18 : memref<!tpu.dma_semaphore, #tpu.memory_space<semaphore_mem>>)
      %dma_start3A_407 = arith.constant 1 : i32
      %dma_start3A_408 = arith.constant 2 : i32
      %dma_start3A_409 = arith.constant 256 : i32
      %dma_start3A_410 = arith.constant 0 : i32
      %dma_start3A_411 = tpu.memref_slice %arg12[%dma_start3A_409, %dma_start3A_410] : memref<512x32xf32, #tpu.memory_space<vmem>> -> memref<128x32xf32, #tpu.memory_space<vmem>>
      %dma_start3A_412 = arith.constant 0 : i32
      %dma_start3A_413 = tpu.memref_slice %arg10[%dma_start3A_407, %dma_start3A_408, %dma_start3A_412] : memref<2x4x128xi32, #tpu.memory_space<vmem>> -> memref<1x1x128xi32, #tpu.memory_space<vmem>>
      %dma_start3A_414 = tpu.memref_squeeze %dma_start3A_413 : memref<1x1x128xi32, #tpu.memory_space<vmem>> -> memref<128xi32, #tpu.memory_space<vmem>>
      %dma_start3A_415 = arith.constant 0 : i32
      %dma_start3A_416 = tpu.memref_slice %arg2[%arg0, %dma_start3A_415] : memref<200704x32xf32, #tpu.memory_space<hbm>> -> memref<200696x32xf32, #tpu.memory_space<hbm>>
      %dma_start3A_417 = arith.constant 0 : i32
      %dma_start3A_418 = arith.constant 0 : i32
      %dma_start3A_419 = tpu.memref_slice %dma_start3A_416[%dma_start3A_417, %dma_start3A_418] : memref<200696x32xf32, #tpu.memory_space<hbm>> -> memref<200696x32xf32, #tpu.memory_space<hbm>>
      tpu.enqueue_indirect_dma source(%dma_start3A_419 : memref<200696x32xf32, #tpu.memory_space<hbm>>) target(%dma_start3A_411 : memref<128x32xf32, #tpu.memory_space<vmem>>) offsets(%dma_start3A_414 : memref<128xi32, #tpu.memory_space<vmem>>) semaphore(%arg19 : memref<!tpu.dma_semaphore, #tpu.memory_space<semaphore_mem>>)
      %dma_start3A_420 = arith.constant 1 : i32
      %dma_start3A_421 = arith.constant 3 : i32
      %dma_start3A_422 = arith.constant 384 : i32
      %dma_start3A_423 = arith.constant 0 : i32
      %dma_start3A_424 = tpu.memref_slice %arg12[%dma_start3A_422, %dma_start3A_423] : memref<512x32xf32, #tpu.memory_space<vmem>> -> memref<128x32xf32, #tpu.memory_space<vmem>>
      %dma_start3A_425 = arith.constant 0 : i32
      %dma_start3A_426 = tpu.memref_slice %arg10[%dma_start3A_420, %dma_start3A_421, %dma_start3A_425] : memref<2x4x128xi32, #tpu.memory_space<vmem>> -> memref<1x1x128xi32, #tpu.memory_space<vmem>>
      %dma_start3A_427 = tpu.memref_squeeze %dma_start3A_426 : memref<1x1x128xi32, #tpu.memory_space<vmem>> -> memref<128xi32, #tpu.memory_space<vmem>>
      %dma_start3A_428 = arith.constant 0 : i32
      %dma_start3A_429 = tpu.memref_slice %arg2[%arg0, %dma_start3A_428] : memref<200704x32xf32, #tpu.memory_space<hbm>> -> memref<200696x32xf32, #tpu.memory_space<hbm>>
      %dma_start3A_430 = arith.constant 0 : i32
      %dma_start3A_431 = arith.constant 0 : i32
      %dma_start3A_432 = tpu.memref_slice %dma_start3A_429[%dma_start3A_430, %dma_start3A_431] : memref<200696x32xf32, #tpu.memory_space<hbm>> -> memref<200696x32xf32, #tpu.memory_space<hbm>>
      tpu.enqueue_indirect_dma source(%dma_start3A_432 : memref<200696x32xf32, #tpu.memory_space<hbm>>) target(%dma_start3A_424 : memref<128x32xf32, #tpu.memory_space<vmem>>) offsets(%dma_start3A_427 : memref<128xi32, #tpu.memory_space<vmem>>) semaphore(%arg20 : memref<!tpu.dma_semaphore, #tpu.memory_space<semaphore_mem>>)
      %dma_start3A_433 = arith.constant 0 : i32
      %dma_start3A_434 = arith.constant 0 : i32
      %dma_start3A_435 = arith.constant 0 : i32
      %dma_start3A_436 = tpu.memref_slice %arg10[%dma_start3A_433, %dma_start3A_434, %dma_start3A_435] : memref<2x4x128xi32, #tpu.memory_space<vmem>> -> memref<1x4x128xi32, #tpu.memory_space<vmem>>
      %dma_start3A_437 = tpu.memref_squeeze %dma_start3A_436 : memref<1x4x128xi32, #tpu.memory_space<vmem>> -> memref<4x128xi32, #tpu.memory_space<vmem>>
      %dma_start3A_438 = arith.constant 0 : i32
      %dma_start3A_439 = tpu.memref_slice %arg3[%add3A_354, %dma_start3A_438] : memref<6272x128xi32, #tpu.memory_space<hbm>> -> memref<4x128xi32, #tpu.memory_space<hbm>>
      %dma_start3A_440 = arith.constant 0 : i32
      %dma_start3A_441 = arith.constant 0 : i32
      %dma_start3A_442 = tpu.memref_slice %arg10[%dma_start3A_433, %dma_start3A_440, %dma_start3A_441] : memref<2x4x128xi32, #tpu.memory_space<vmem>> -> memref<1x4x128xi32, #tpu.memory_space<vmem>>
      %dma_start3A_443 = tpu.memref_squeeze %dma_start3A_442 : memref<1x4x128xi32, #tpu.memory_space<vmem>> -> memref<4x128xi32, #tpu.memory_space<vmem>>
      %dma_start3A_444 = arith.constant 0 : i32
      %dma_start3A_445 = tpu.memref_slice %arg3[%add3A_354, %dma_start3A_444] : memref<6272x128xi32, #tpu.memory_space<hbm>> -> memref<4x128xi32, #tpu.memory_space<hbm>>
      tpu.enqueue_dma source(%dma_start3A_445 : memref<4x128xi32, #tpu.memory_space<hbm>>) target(%dma_start3A_443 : memref<4x128xi32, #tpu.memory_space<vmem>>) target_semaphore(%arg15 : memref<!tpu.dma_semaphore, #tpu.memory_space<semaphore_mem>>)
      %dma_start3A_446 = arith.constant 0 : i32
      %dma_start3A_447 = arith.constant 0 : i32
      %dma_start3A_448 = arith.constant 0 : i32
      %dma_start3A_449 = tpu.memref_slice %arg11[%dma_start3A_446, %dma_start3A_447, %dma_start3A_448] : memref<2x4x128xi32, #tpu.memory_space<vmem>> -> memref<1x4x128xi32, #tpu.memory_space<vmem>>
      %dma_start3A_450 = tpu.memref_squeeze %dma_start3A_449 : memref<1x4x128xi32, #tpu.memory_space<vmem>> -> memref<4x128xi32, #tpu.memory_space<vmem>>
      %dma_start3A_451 = arith.constant 0 : i32
      %dma_start3A_452 = tpu.memref_slice %arg4[%add3A_354, %dma_start3A_451] : memref<6272x128xi32, #tpu.memory_space<hbm>> -> memref<4x128xi32, #tpu.memory_space<hbm>>
      %dma_start3A_453 = arith.constant 0 : i32
      %dma_start3A_454 = arith.constant 0 : i32
      %dma_start3A_455 = tpu.memref_slice %arg11[%dma_start3A_446, %dma_start3A_453, %dma_start3A_454] : memref<2x4x128xi32, #tpu.memory_space<vmem>> -> memref<1x4x128xi32, #tpu.memory_space<vmem>>
      %dma_start3A_456 = tpu.memref_squeeze %dma_start3A_455 : memref<1x4x128xi32, #tpu.memory_space<vmem>> -> memref<4x128xi32, #tpu.memory_space<vmem>>
      %dma_start3A_457 = arith.constant 0 : i32
      %dma_start3A_458 = tpu.memref_slice %arg4[%add3A_354, %dma_start3A_457] : memref<6272x128xi32, #tpu.memory_space<hbm>> -> memref<4x128xi32, #tpu.memory_space<hbm>>
      tpu.enqueue_dma source(%dma_start3A_458 : memref<4x128xi32, #tpu.memory_space<hbm>>) target(%dma_start3A_456 : memref<4x128xi32, #tpu.memory_space<vmem>>) target_semaphore(%arg15 : memref<!tpu.dma_semaphore, #tpu.memory_space<semaphore_mem>>)
      %dma_wait3A_459 = arith.constant 1 : i32
      %dma_wait3A_460 = arith.constant 0 : i32
      %dma_wait3A_461 = arith.constant 0 : i32
      %dma_wait3A_462 = arith.constant 0 : i32
      %dma_wait3A_463 = tpu.memref_slice %arg12[%dma_wait3A_461, %dma_wait3A_462] : memref<512x32xf32, #tpu.memory_space<vmem>> -> memref<128x32xf32, #tpu.memory_space<vmem>>
      %dma_wait3A_464 = arith.constant 0 : i32
      %dma_wait3A_465 = tpu.memref_slice %arg10[%dma_wait3A_459, %dma_wait3A_460, %dma_wait3A_464] : memref<2x4x128xi32, #tpu.memory_space<vmem>> -> memref<1x1x128xi32, #tpu.memory_space<vmem>>
      %dma_wait3A_466 = tpu.memref_squeeze %dma_wait3A_465 : memref<1x1x128xi32, #tpu.memory_space<vmem>> -> memref<128xi32, #tpu.memory_space<vmem>>
      %dma_wait3A_467 = arith.constant 0 : i32
      %dma_wait3A_468 = tpu.memref_slice %arg2[%arg0, %dma_wait3A_467] : memref<200704x32xf32, #tpu.memory_space<hbm>> -> memref<200696x32xf32, #tpu.memory_space<hbm>>
      %dma_wait3A_469 = arith.constant 0 : i32
      %dma_wait3A_470 = arith.constant 0 : i32
      %dma_wait3A_471 = tpu.memref_slice %dma_wait3A_468[%dma_wait3A_469, %dma_wait3A_470] : memref<200696x32xf32, #tpu.memory_space<hbm>> -> memref<200696x32xf32, #tpu.memory_space<hbm>>
      tpu.wait_indirect_dma semaphore(%arg17 : memref<!tpu.dma_semaphore, #tpu.memory_space<semaphore_mem>>) src(%dma_wait3A_471 : memref<200696x32xf32, #tpu.memory_space<hbm>>) dst(%dma_wait3A_463 : memref<128x32xf32, #tpu.memory_space<vmem>>)
      %dma_start3A_472 = arith.constant 1 : i32
      %dma_start3A_473 = arith.constant 0 : i32
      %dma_start3A_474 = arith.constant 0 : i32
      %dma_start3A_475 = arith.constant 0 : i32
      %dma_start3A_476 = tpu.memref_slice %arg12[%dma_start3A_474, %dma_start3A_475] : memref<512x32xf32, #tpu.memory_space<vmem>> -> memref<128x32xf32, #tpu.memory_space<vmem>>
      %dma_start3A_477 = arith.constant 0 : i32
      %dma_start3A_478 = tpu.memref_slice %arg11[%dma_start3A_472, %dma_start3A_473, %dma_start3A_477] : memref<2x4x128xi32, #tpu.memory_space<vmem>> -> memref<1x1x128xi32, #tpu.memory_space<vmem>>
      %dma_start3A_479 = tpu.memref_squeeze %dma_start3A_478 : memref<1x1x128xi32, #tpu.memory_space<vmem>> -> memref<128xi32, #tpu.memory_space<vmem>>
      %dma_start3A_480 = arith.constant 0 : i32
      %dma_start3A_481 = arith.constant 0 : i32
      %dma_start3A_482 = tpu.memref_slice %arg9[%dma_start3A_480, %dma_start3A_481] : memref<50176x32xf32, #tpu.memory_space<vmem_shared>> -> memref<50176x32xf32, #tpu.memory_space<vmem_shared>>
      tpu.enqueue_indirect_dma source(%dma_start3A_476 : memref<128x32xf32, #tpu.memory_space<vmem>>) target(%dma_start3A_482 : memref<50176x32xf32, #tpu.memory_space<vmem_shared>>) offsets(%dma_start3A_479 : memref<128xi32, #tpu.memory_space<vmem>>) semaphore(%arg16 : memref<!tpu.dma_semaphore, #tpu.memory_space<semaphore_mem>>) {add = true}
      %dma_wait3A_483 = arith.constant 1 : i32
      %dma_wait3A_484 = arith.constant 1 : i32
      %dma_wait3A_485 = arith.constant 128 : i32
      %dma_wait3A_486 = arith.constant 0 : i32
      %dma_wait3A_487 = tpu.memref_slice %arg12[%dma_wait3A_485, %dma_wait3A_486] : memref<512x32xf32, #tpu.memory_space<vmem>> -> memref<128x32xf32, #tpu.memory_space<vmem>>
      %dma_wait3A_488 = arith.constant 0 : i32
      %dma_wait3A_489 = tpu.memref_slice %arg10[%dma_wait3A_483, %dma_wait3A_484, %dma_wait3A_488] : memref<2x4x128xi32, #tpu.memory_space<vmem>> -> memref<1x1x128xi32, #tpu.memory_space<vmem>>
      %dma_wait3A_490 = tpu.memref_squeeze %dma_wait3A_489 : memref<1x1x128xi32, #tpu.memory_space<vmem>> -> memref<128xi32, #tpu.memory_space<vmem>>
      %dma_wait3A_491 = arith.constant 0 : i32
      %dma_wait3A_492 = tpu.memref_slice %arg2[%arg0, %dma_wait3A_491] : memref<200704x32xf32, #tpu.memory_space<hbm>> -> memref<200696x32xf32, #tpu.memory_space<hbm>>
      %dma_wait3A_493 = arith.constant 0 : i32
      %dma_wait3A_494 = arith.constant 0 : i32
      %dma_wait3A_495 = tpu.memref_slice %dma_wait3A_492[%dma_wait3A_493, %dma_wait3A_494] : memref<200696x32xf32, #tpu.memory_space<hbm>> -> memref<200696x32xf32, #tpu.memory_space<hbm>>
      tpu.wait_indirect_dma semaphore(%arg18 : memref<!tpu.dma_semaphore, #tpu.memory_space<semaphore_mem>>) src(%dma_wait3A_495 : memref<200696x32xf32, #tpu.memory_space<hbm>>) dst(%dma_wait3A_487 : memref<128x32xf32, #tpu.memory_space<vmem>>)
      %dma_start3A_496 = arith.constant 1 : i32
      %dma_start3A_497 = arith.constant 1 : i32
      %dma_start3A_498 = arith.constant 128 : i32
      %dma_start3A_499 = arith.constant 0 : i32
      %dma_start3A_500 = tpu.memref_slice %arg12[%dma_start3A_498, %dma_start3A_499] : memref<512x32xf32, #tpu.memory_space<vmem>> -> memref<128x32xf32, #tpu.memory_space<vmem>>
      %dma_start3A_501 = arith.constant 0 : i32
      %dma_start3A_502 = tpu.memref_slice %arg11[%dma_start3A_496, %dma_start3A_497, %dma_start3A_501] : memref<2x4x128xi32, #tpu.memory_space<vmem>> -> memref<1x1x128xi32, #tpu.memory_space<vmem>>
      %dma_start3A_503 = tpu.memref_squeeze %dma_start3A_502 : memref<1x1x128xi32, #tpu.memory_space<vmem>> -> memref<128xi32, #tpu.memory_space<vmem>>
      %dma_start3A_504 = arith.constant 0 : i32
      %dma_start3A_505 = arith.constant 0 : i32
      %dma_start3A_506 = tpu.memref_slice %arg9[%dma_start3A_504, %dma_start3A_505] : memref<50176x32xf32, #tpu.memory_space<vmem_shared>> -> memref<50176x32xf32, #tpu.memory_space<vmem_shared>>
      tpu.enqueue_indirect_dma source(%dma_start3A_500 : memref<128x32xf32, #tpu.memory_space<vmem>>) target(%dma_start3A_506 : memref<50176x32xf32, #tpu.memory_space<vmem_shared>>) offsets(%dma_start3A_503 : memref<128xi32, #tpu.memory_space<vmem>>) semaphore(%arg16 : memref<!tpu.dma_semaphore, #tpu.memory_space<semaphore_mem>>) {add = true}
      %dma_wait3A_507 = arith.constant 1 : i32
      %dma_wait3A_508 = arith.constant 2 : i32
      %dma_wait3A_509 = arith.constant 256 : i32
      %dma_wait3A_510 = arith.constant 0 : i32
      %dma_wait3A_511 = tpu.memref_slice %arg12[%dma_wait3A_509, %dma_wait3A_510] : memref<512x32xf32, #tpu.memory_space<vmem>> -> memref<128x32xf32, #tpu.memory_space<vmem>>
      %dma_wait3A_512 = arith.constant 0 : i32
      %dma_wait3A_513 = tpu.memref_slice %arg10[%dma_wait3A_507, %dma_wait3A_508, %dma_wait3A_512] : memref<2x4x128xi32, #tpu.memory_space<vmem>> -> memref<1x1x128xi32, #tpu.memory_space<vmem>>
      %dma_wait3A_514 = tpu.memref_squeeze %dma_wait3A_513 : memref<1x1x128xi32, #tpu.memory_space<vmem>> -> memref<128xi32, #tpu.memory_space<vmem>>
      %dma_wait3A_515 = arith.constant 0 : i32
      %dma_wait3A_516 = tpu.memref_slice %arg2[%arg0, %dma_wait3A_515] : memref<200704x32xf32, #tpu.memory_space<hbm>> -> memref<200696x32xf32, #tpu.memory_space<hbm>>
      %dma_wait3A_517 = arith.constant 0 : i32
      %dma_wait3A_518 = arith.constant 0 : i32
      %dma_wait3A_519 = tpu.memref_slice %dma_wait3A_516[%dma_wait3A_517, %dma_wait3A_518] : memref<200696x32xf32, #tpu.memory_space<hbm>> -> memref<200696x32xf32, #tpu.memory_space<hbm>>
      tpu.wait_indirect_dma semaphore(%arg19 : memref<!tpu.dma_semaphore, #tpu.memory_space<semaphore_mem>>) src(%dma_wait3A_519 : memref<200696x32xf32, #tpu.memory_space<hbm>>) dst(%dma_wait3A_511 : memref<128x32xf32, #tpu.memory_space<vmem>>)
      %dma_start3A_520 = arith.constant 1 : i32
      %dma_start3A_521 = arith.constant 2 : i32
      %dma_start3A_522 = arith.constant 256 : i32
      %dma_start3A_523 = arith.constant 0 : i32
      %dma_start3A_524 = tpu.memref_slice %arg12[%dma_start3A_522, %dma_start3A_523] : memref<512x32xf32, #tpu.memory_space<vmem>> -> memref<128x32xf32, #tpu.memory_space<vmem>>
      %dma_start3A_525 = arith.constant 0 : i32
      %dma_start3A_526 = tpu.memref_slice %arg11[%dma_start3A_520, %dma_start3A_521, %dma_start3A_525] : memref<2x4x128xi32, #tpu.memory_space<vmem>> -> memref<1x1x128xi32, #tpu.memory_space<vmem>>
      %dma_start3A_527 = tpu.memref_squeeze %dma_start3A_526 : memref<1x1x128xi32, #tpu.memory_space<vmem>> -> memref<128xi32, #tpu.memory_space<vmem>>
      %dma_start3A_528 = arith.constant 0 : i32
      %dma_start3A_529 = arith.constant 0 : i32
      %dma_start3A_530 = tpu.memref_slice %arg9[%dma_start3A_528, %dma_start3A_529] : memref<50176x32xf32, #tpu.memory_space<vmem_shared>> -> memref<50176x32xf32, #tpu.memory_space<vmem_shared>>
      tpu.enqueue_indirect_dma source(%dma_start3A_524 : memref<128x32xf32, #tpu.memory_space<vmem>>) target(%dma_start3A_530 : memref<50176x32xf32, #tpu.memory_space<vmem_shared>>) offsets(%dma_start3A_527 : memref<128xi32, #tpu.memory_space<vmem>>) semaphore(%arg16 : memref<!tpu.dma_semaphore, #tpu.memory_space<semaphore_mem>>) {add = true}
      %dma_wait3A_531 = arith.constant 1 : i32
      %dma_wait3A_532 = arith.constant 3 : i32
      %dma_wait3A_533 = arith.constant 384 : i32
      %dma_wait3A_534 = arith.constant 0 : i32
      %dma_wait3A_535 = tpu.memref_slice %arg12[%dma_wait3A_533, %dma_wait3A_534] : memref<512x32xf32, #tpu.memory_space<vmem>> -> memref<128x32xf32, #tpu.memory_space<vmem>>
      %dma_wait3A_536 = arith.constant 0 : i32
      %dma_wait3A_537 = tpu.memref_slice %arg10[%dma_wait3A_531, %dma_wait3A_532, %dma_wait3A_536] : memref<2x4x128xi32, #tpu.memory_space<vmem>> -> memref<1x1x128xi32, #tpu.memory_space<vmem>>
      %dma_wait3A_538 = tpu.memref_squeeze %dma_wait3A_537 : memref<1x1x128xi32, #tpu.memory_space<vmem>> -> memref<128xi32, #tpu.memory_space<vmem>>
      %dma_wait3A_539 = arith.constant 0 : i32
      %dma_wait3A_540 = tpu.memref_slice %arg2[%arg0, %dma_wait3A_539] : memref<200704x32xf32, #tpu.memory_space<hbm>> -> memref<200696x32xf32, #tpu.memory_space<hbm>>
      %dma_wait3A_541 = arith.constant 0 : i32
      %dma_wait3A_542 = arith.constant 0 : i32
      %dma_wait3A_543 = tpu.memref_slice %dma_wait3A_540[%dma_wait3A_541, %dma_wait3A_542] : memref<200696x32xf32, #tpu.memory_space<hbm>> -> memref<200696x32xf32, #tpu.memory_space<hbm>>
      tpu.wait_indirect_dma semaphore(%arg20 : memref<!tpu.dma_semaphore, #tpu.memory_space<semaphore_mem>>) src(%dma_wait3A_543 : memref<200696x32xf32, #tpu.memory_space<hbm>>) dst(%dma_wait3A_535 : memref<128x32xf32, #tpu.memory_space<vmem>>)
      %dma_start3A_544 = arith.constant 1 : i32
      %dma_start3A_545 = arith.constant 3 : i32
      %dma_start3A_546 = arith.constant 384 : i32
      %dma_start3A_547 = arith.constant 0 : i32
      %dma_start3A_548 = tpu.memref_slice %arg12[%dma_start3A_546, %dma_start3A_547] : memref<512x32xf32, #tpu.memory_space<vmem>> -> memref<128x32xf32, #tpu.memory_space<vmem>>
      %dma_start3A_549 = arith.constant 0 : i32
      %dma_start3A_550 = tpu.memref_slice %arg11[%dma_start3A_544, %dma_start3A_545, %dma_start3A_549] : memref<2x4x128xi32, #tpu.memory_space<vmem>> -> memref<1x1x128xi32, #tpu.memory_space<vmem>>
      %dma_start3A_551 = tpu.memref_squeeze %dma_start3A_550 : memref<1x1x128xi32, #tpu.memory_space<vmem>> -> memref<128xi32, #tpu.memory_space<vmem>>
      %dma_start3A_552 = arith.constant 0 : i32
      %dma_start3A_553 = arith.constant 0 : i32
      %dma_start3A_554 = tpu.memref_slice %arg9[%dma_start3A_552, %dma_start3A_553] : memref<50176x32xf32, #tpu.memory_space<vmem_shared>> -> memref<50176x32xf32, #tpu.memory_space<vmem_shared>>
      tpu.enqueue_indirect_dma source(%dma_start3A_548 : memref<128x32xf32, #tpu.memory_space<vmem>>) target(%dma_start3A_554 : memref<50176x32xf32, #tpu.memory_space<vmem_shared>>) offsets(%dma_start3A_551 : memref<128xi32, #tpu.memory_space<vmem>>) semaphore(%arg16 : memref<!tpu.dma_semaphore, #tpu.memory_space<semaphore_mem>>) {add = true}
      %dma_wait3A_555 = arith.constant 1 : i32
      %dma_wait3A_556 = arith.constant 0 : i32
      %dma_wait3A_557 = arith.constant 0 : i32
      %dma_wait3A_558 = arith.constant 0 : i32
      %dma_wait3A_559 = tpu.memref_slice %arg12[%dma_wait3A_557, %dma_wait3A_558] : memref<512x32xf32, #tpu.memory_space<vmem>> -> memref<128x32xf32, #tpu.memory_space<vmem>>
      %dma_wait3A_560 = arith.constant 0 : i32
      %dma_wait3A_561 = tpu.memref_slice %arg11[%dma_wait3A_555, %dma_wait3A_556, %dma_wait3A_560] : memref<2x4x128xi32, #tpu.memory_space<vmem>> -> memref<1x1x128xi32, #tpu.memory_space<vmem>>
      %dma_wait3A_562 = tpu.memref_squeeze %dma_wait3A_561 : memref<1x1x128xi32, #tpu.memory_space<vmem>> -> memref<128xi32, #tpu.memory_space<vmem>>
      %dma_wait3A_563 = arith.constant 0 : i32
      %dma_wait3A_564 = arith.constant 0 : i32
      %dma_wait3A_565 = tpu.memref_slice %arg9[%dma_wait3A_563, %dma_wait3A_564] : memref<50176x32xf32, #tpu.memory_space<vmem_shared>> -> memref<50176x32xf32, #tpu.memory_space<vmem_shared>>
      tpu.wait_indirect_dma semaphore(%arg16 : memref<!tpu.dma_semaphore, #tpu.memory_space<semaphore_mem>>) src(%dma_wait3A_559 : memref<128x32xf32, #tpu.memory_space<vmem>>) dst(%dma_wait3A_565 : memref<50176x32xf32, #tpu.memory_space<vmem_shared>>)
      %dma_wait3A_566 = arith.constant 1 : i32
      %dma_wait3A_567 = arith.constant 1 : i32
      %dma_wait3A_568 = arith.constant 128 : i32
      %dma_wait3A_569 = arith.constant 0 : i32
      %dma_wait3A_570 = tpu.memref_slice %arg12[%dma_wait3A_568, %dma_wait3A_569] : memref<512x32xf32, #tpu.memory_space<vmem>> -> memref<128x32xf32, #tpu.memory_space<vmem>>
      %dma_wait3A_571 = arith.constant 0 : i32
      %dma_wait3A_572 = tpu.memref_slice %arg11[%dma_wait3A_566, %dma_wait3A_567, %dma_wait3A_571] : memref<2x4x128xi32, #tpu.memory_space<vmem>> -> memref<1x1x128xi32, #tpu.memory_space<vmem>>
      %dma_wait3A_573 = tpu.memref_squeeze %dma_wait3A_572 : memref<1x1x128xi32, #tpu.memory_space<vmem>> -> memref<128xi32, #tpu.memory_space<vmem>>
      %dma_wait3A_574 = arith.constant 0 : i32
      %dma_wait3A_575 = arith.constant 0 : i32
      %dma_wait3A_576 = tpu.memref_slice %arg9[%dma_wait3A_574, %dma_wait3A_575] : memref<50176x32xf32, #tpu.memory_space<vmem_shared>> -> memref<50176x32xf32, #tpu.memory_space<vmem_shared>>
      tpu.wait_indirect_dma semaphore(%arg16 : memref<!tpu.dma_semaphore, #tpu.memory_space<semaphore_mem>>) src(%dma_wait3A_570 : memref<128x32xf32, #tpu.memory_space<vmem>>) dst(%dma_wait3A_576 : memref<50176x32xf32, #tpu.memory_space<vmem_shared>>)
      %dma_wait3A_577 = arith.constant 1 : i32
      %dma_wait3A_578 = arith.constant 2 : i32
      %dma_wait3A_579 = arith.constant 256 : i32
      %dma_wait3A_580 = arith.constant 0 : i32
      %dma_wait3A_581 = tpu.memref_slice %arg12[%dma_wait3A_579, %dma_wait3A_580] : memref<512x32xf32, #tpu.memory_space<vmem>> -> memref<128x32xf32, #tpu.memory_space<vmem>>
      %dma_wait3A_582 = arith.constant 0 : i32
      %dma_wait3A_583 = tpu.memref_slice %arg11[%dma_wait3A_577, %dma_wait3A_578, %dma_wait3A_582] : memref<2x4x128xi32, #tpu.memory_space<vmem>> -> memref<1x1x128xi32, #tpu.memory_space<vmem>>
      %dma_wait3A_584 = tpu.memref_squeeze %dma_wait3A_583 : memref<1x1x128xi32, #tpu.memory_space<vmem>> -> memref<128xi32, #tpu.memory_space<vmem>>
      %dma_wait3A_585 = arith.constant 0 : i32
      %dma_wait3A_586 = arith.constant 0 : i32
      %dma_wait3A_587 = tpu.memref_slice %arg9[%dma_wait3A_585, %dma_wait3A_586] : memref<50176x32xf32, #tpu.memory_space<vmem_shared>> -> memref<50176x32xf32, #tpu.memory_space<vmem_shared>>
      tpu.wait_indirect_dma semaphore(%arg16 : memref<!tpu.dma_semaphore, #tpu.memory_space<semaphore_mem>>) src(%dma_wait3A_581 : memref<128x32xf32, #tpu.memory_space<vmem>>) dst(%dma_wait3A_587 : memref<50176x32xf32, #tpu.memory_space<vmem_shared>>)
      %dma_wait3A_588 = arith.constant 1 : i32
      %dma_wait3A_589 = arith.constant 3 : i32
      %dma_wait3A_590 = arith.constant 384 : i32
      %dma_wait3A_591 = arith.constant 0 : i32
      %dma_wait3A_592 = tpu.memref_slice %arg12[%dma_wait3A_590, %dma_wait3A_591] : memref<512x32xf32, #tpu.memory_space<vmem>> -> memref<128x32xf32, #tpu.memory_space<vmem>>
      %dma_wait3A_593 = arith.constant 0 : i32
      %dma_wait3A_594 = tpu.memref_slice %arg11[%dma_wait3A_588, %dma_wait3A_589, %dma_wait3A_593] : memref<2x4x128xi32, #tpu.memory_space<vmem>> -> memref<1x1x128xi32, #tpu.memory_space<vmem>>
      %dma_wait3A_595 = tpu.memref_squeeze %dma_wait3A_594 : memref<1x1x128xi32, #tpu.memory_space<vmem>> -> memref<128xi32, #tpu.memory_space<vmem>>
      %dma_wait3A_596 = arith.constant 0 : i32
      %dma_wait3A_597 = arith.constant 0 : i32
      %dma_wait3A_598 = tpu.memref_slice %arg9[%dma_wait3A_596, %dma_wait3A_597] : memref<50176x32xf32, #tpu.memory_space<vmem_shared>> -> memref<50176x32xf32, #tpu.memory_space<vmem_shared>>
      tpu.wait_indirect_dma semaphore(%arg16 : memref<!tpu.dma_semaphore, #tpu.memory_space<semaphore_mem>>) src(%dma_wait3A_592 : memref<128x32xf32, #tpu.memory_space<vmem>>) dst(%dma_wait3A_598 : memref<50176x32xf32, #tpu.memory_space<vmem_shared>>)
      %scan3A_599 = arith.constant 0 : i32
      scf.yield %scan3A_599 : i32
    }
    %scan3A_47 = arith.constant 49 : i32
    %dma_wait3A = arith.constant 0 : i32
    %dma_wait3A_48 = arith.constant 0 : i32
    %dma_wait3A_49 = arith.constant 0 : i32
    %dma_wait3A_50 = tpu.memref_slice %arg10[%dma_wait3A, %dma_wait3A_48, %dma_wait3A_49] : memref<2x4x128xi32, #tpu.memory_space<vmem>> -> memref<1x4x128xi32, #tpu.memory_space<vmem>>
    %dma_wait3A_51 = tpu.memref_squeeze %dma_wait3A_50 : memref<1x4x128xi32, #tpu.memory_space<vmem>> -> memref<4x128xi32, #tpu.memory_space<vmem>>
    %dma_wait3A_52 = arith.constant 0 : i32
    %dma_wait3A_53 = tpu.memref_slice %arg3[%mul3A_15, %dma_wait3A_52] : memref<6272x128xi32, #tpu.memory_space<hbm>> -> memref<4x128xi32, #tpu.memory_space<hbm>>
    %dma_wait3A_54 = arith.constant 0 : i32
    %dma_wait3A_55 = arith.constant 0 : i32
    %dma_wait3A_56 = tpu.memref_slice %arg10[%dma_wait3A, %dma_wait3A_54, %dma_wait3A_55] : memref<2x4x128xi32, #tpu.memory_space<vmem>> -> memref<1x4x128xi32, #tpu.memory_space<vmem>>
    %dma_wait3A_57 = tpu.memref_squeeze %dma_wait3A_56 : memref<1x4x128xi32, #tpu.memory_space<vmem>> -> memref<4x128xi32, #tpu.memory_space<vmem>>
    %dma_wait3A_58 = arith.constant 0 : i32
    %dma_wait3A_59 = tpu.memref_slice %arg3[%mul3A_15, %dma_wait3A_58] : memref<6272x128xi32, #tpu.memory_space<hbm>> -> memref<4x128xi32, #tpu.memory_space<hbm>>
    tpu.wait_dma2 semaphore(%arg15 : memref<!tpu.dma_semaphore, #tpu.memory_space<semaphore_mem>>) src(%dma_wait3A_59 : memref<4x128xi32, #tpu.memory_space<hbm>>) dst(%dma_wait3A_57 : memref<4x128xi32, #tpu.memory_space<vmem>>)
    %dma_wait3A_60 = arith.constant 0 : i32
    %dma_wait3A_61 = arith.constant 0 : i32
    %dma_wait3A_62 = arith.constant 0 : i32
    %dma_wait3A_63 = tpu.memref_slice %arg11[%dma_wait3A_60, %dma_wait3A_61, %dma_wait3A_62] : memref<2x4x128xi32, #tpu.memory_space<vmem>> -> memref<1x4x128xi32, #tpu.memory_space<vmem>>
    %dma_wait3A_64 = tpu.memref_squeeze %dma_wait3A_63 : memref<1x4x128xi32, #tpu.memory_space<vmem>> -> memref<4x128xi32, #tpu.memory_space<vmem>>
    %dma_wait3A_65 = arith.constant 0 : i32
    %dma_wait3A_66 = tpu.memref_slice %arg4[%mul3A_15, %dma_wait3A_65] : memref<6272x128xi32, #tpu.memory_space<hbm>> -> memref<4x128xi32, #tpu.memory_space<hbm>>
    %dma_wait3A_67 = arith.constant 0 : i32
    %dma_wait3A_68 = arith.constant 0 : i32
    %dma_wait3A_69 = tpu.memref_slice %arg11[%dma_wait3A_60, %dma_wait3A_67, %dma_wait3A_68] : memref<2x4x128xi32, #tpu.memory_space<vmem>> -> memref<1x4x128xi32, #tpu.memory_space<vmem>>
    %dma_wait3A_70 = tpu.memref_squeeze %dma_wait3A_69 : memref<1x4x128xi32, #tpu.memory_space<vmem>> -> memref<4x128xi32, #tpu.memory_space<vmem>>
    %dma_wait3A_71 = arith.constant 0 : i32
    %dma_wait3A_72 = tpu.memref_slice %arg4[%mul3A_15, %dma_wait3A_71] : memref<6272x128xi32, #tpu.memory_space<hbm>> -> memref<4x128xi32, #tpu.memory_space<hbm>>
    tpu.wait_dma2 semaphore(%arg15 : memref<!tpu.dma_semaphore, #tpu.memory_space<semaphore_mem>>) src(%dma_wait3A_72 : memref<4x128xi32, #tpu.memory_space<hbm>>) dst(%dma_wait3A_70 : memref<4x128xi32, #tpu.memory_space<vmem>>)
    %barrier3A_73 = arith.constant 0 : index
    tpu.barrier barrier_id(%barrier3A_73)
    %scan3A_74 = arith.constant 0 : i32
    %scan3A_75 = arith.constant 0 : i32
    %scan3A_76 = arith.constant 16 : i32
    %scan3A_77 = arith.addi %scan3A_75, %scan3A_76 : i32
    %scan3A_78 = arith.constant 1 : i32
    %scan3A_79 = scf.for %scan3A_81 = %scan3A_75 to %scan3A_77 step %scan3A_78 iter_args(%scan3A_82 = %scan3A_74) -> (i32)  : i32 {
      %mul3A_83 = arith.constant 196 : i32
      %mul3A_84 = arith.muli %scan3A_81, %mul3A_83 : i32
      %add3A = arith.addi %mul3A_6, %mul3A_84 : i32
      %dma_start3A_85 = arith.constant 0 : i32
      %dma_start3A_86 = arith.constant 0 : i32
      %dma_start3A_87 = tpu.memref_slice %arg12[%dma_start3A_85, %dma_start3A_86] : memref<512x32xf32, #tpu.memory_space<vmem>> -> memref<196x32xf32, #tpu.memory_space<vmem>>
      %dma_start3A_88 = arith.constant 0 : i32
      %dma_start3A_89 = tpu.memref_slice %arg9[%add3A, %dma_start3A_88] : memref<50176x32xf32, #tpu.memory_space<vmem_shared>> -> memref<196x32xf32, #tpu.memory_space<vmem_shared>>
      %dma_start3A_90 = arith.constant 0 : i32
      %dma_start3A_91 = arith.constant 0 : i32
      %dma_start3A_92 = tpu.memref_slice %arg12[%dma_start3A_90, %dma_start3A_91] : memref<512x32xf32, #tpu.memory_space<vmem>> -> memref<196x32xf32, #tpu.memory_space<vmem>>
      %dma_start3A_93 = arith.constant 0 : i32
      %dma_start3A_94 = tpu.memref_slice %arg9[%add3A, %dma_start3A_93] : memref<50176x32xf32, #tpu.memory_space<vmem_shared>> -> memref<196x32xf32, #tpu.memory_space<vmem_shared>>
      tpu.enqueue_dma source(%dma_start3A_94 : memref<196x32xf32, #tpu.memory_space<vmem_shared>>) target(%dma_start3A_92 : memref<196x32xf32, #tpu.memory_space<vmem>>) target_semaphore(%arg17 : memref<!tpu.dma_semaphore, #tpu.memory_space<semaphore_mem>>)
      %dma_start3A_95 = arith.constant 0 : i32
      %dma_start3A_96 = tpu.memref_slice %arg5[%add3A, %dma_start3A_95] : memref<50176x16xf32, #tpu.memory_space<hbm>> -> memref<196x16xf32, #tpu.memory_space<hbm>>
      %dma_start3A_97 = arith.constant 0 : i32
      %dma_start3A_98 = tpu.memref_slice %arg5[%add3A, %dma_start3A_97] : memref<50176x16xf32, #tpu.memory_space<hbm>> -> memref<196x16xf32, #tpu.memory_space<hbm>>
      tpu.enqueue_dma source(%dma_start3A_98 : memref<196x16xf32, #tpu.memory_space<hbm>>) target(%arg13 : memref<196x16xf32, #tpu.memory_space<vmem>>) target_semaphore(%arg18 : memref<!tpu.dma_semaphore, #tpu.memory_space<semaphore_mem>>)
      %dma_start3A_99 = arith.constant 0 : i32
      %dma_start3A_100 = tpu.memref_slice %arg6[%add3A, %dma_start3A_99] : memref<50176x16xf32, #tpu.memory_space<hbm>> -> memref<196x16xf32, #tpu.memory_space<hbm>>
      %dma_start3A_101 = arith.constant 0 : i32
      %dma_start3A_102 = tpu.memref_slice %arg6[%add3A, %dma_start3A_101] : memref<50176x16xf32, #tpu.memory_space<hbm>> -> memref<196x16xf32, #tpu.memory_space<hbm>>
      tpu.enqueue_dma source(%dma_start3A_102 : memref<196x16xf32, #tpu.memory_space<hbm>>) target(%arg14 : memref<196x16xf32, #tpu.memory_space<vmem>>) target_semaphore(%arg19 : memref<!tpu.dma_semaphore, #tpu.memory_space<semaphore_mem>>)
      %dma_wait3A_103 = arith.constant 0 : i32
      %dma_wait3A_104 = arith.constant 0 : i32
      %dma_wait3A_105 = tpu.memref_slice %arg12[%dma_wait3A_103, %dma_wait3A_104] : memref<512x32xf32, #tpu.memory_space<vmem>> -> memref<196x32xf32, #tpu.memory_space<vmem>>
      %dma_wait3A_106 = arith.constant 0 : i32
      %dma_wait3A_107 = tpu.memref_slice %arg9[%add3A, %dma_wait3A_106] : memref<50176x32xf32, #tpu.memory_space<vmem_shared>> -> memref<196x32xf32, #tpu.memory_space<vmem_shared>>
      %dma_wait3A_108 = arith.constant 0 : i32
      %dma_wait3A_109 = arith.constant 0 : i32
      %dma_wait3A_110 = tpu.memref_slice %arg12[%dma_wait3A_108, %dma_wait3A_109] : memref<512x32xf32, #tpu.memory_space<vmem>> -> memref<196x32xf32, #tpu.memory_space<vmem>>
      %dma_wait3A_111 = arith.constant 0 : i32
      %dma_wait3A_112 = tpu.memref_slice %arg9[%add3A, %dma_wait3A_111] : memref<50176x32xf32, #tpu.memory_space<vmem_shared>> -> memref<196x32xf32, #tpu.memory_space<vmem_shared>>
      tpu.wait_dma2 semaphore(%arg17 : memref<!tpu.dma_semaphore, #tpu.memory_space<semaphore_mem>>) src(%dma_wait3A_112 : memref<196x32xf32, #tpu.memory_space<vmem_shared>>) dst(%dma_wait3A_110 : memref<196x32xf32, #tpu.memory_space<vmem>>)
      %dma_wait3A_113 = arith.constant 0 : i32
      %dma_wait3A_114 = tpu.memref_slice %arg5[%add3A, %dma_wait3A_113] : memref<50176x16xf32, #tpu.memory_space<hbm>> -> memref<196x16xf32, #tpu.memory_space<hbm>>
      %dma_wait3A_115 = arith.constant 0 : i32
      %dma_wait3A_116 = tpu.memref_slice %arg5[%add3A, %dma_wait3A_115] : memref<50176x16xf32, #tpu.memory_space<hbm>> -> memref<196x16xf32, #tpu.memory_space<hbm>>
      tpu.wait_dma2 semaphore(%arg18 : memref<!tpu.dma_semaphore, #tpu.memory_space<semaphore_mem>>) src(%dma_wait3A_116 : memref<196x16xf32, #tpu.memory_space<hbm>>) dst(%arg13 : memref<196x16xf32, #tpu.memory_space<vmem>>)
      %dma_wait3A_117 = arith.constant 0 : i32
      %dma_wait3A_118 = tpu.memref_slice %arg6[%add3A, %dma_wait3A_117] : memref<50176x16xf32, #tpu.memory_space<hbm>> -> memref<196x16xf32, #tpu.memory_space<hbm>>
      %dma_wait3A_119 = arith.constant 0 : i32
      %dma_wait3A_120 = tpu.memref_slice %arg6[%add3A, %dma_wait3A_119] : memref<50176x16xf32, #tpu.memory_space<hbm>> -> memref<196x16xf32, #tpu.memory_space<hbm>>
      tpu.wait_dma2 semaphore(%arg19 : memref<!tpu.dma_semaphore, #tpu.memory_space<semaphore_mem>>) src(%dma_wait3A_120 : memref<196x16xf32, #tpu.memory_space<hbm>>) dst(%arg14 : memref<196x16xf32, #tpu.memory_space<vmem>>)
      %scan3A_121 = arith.constant 0 : i32
      %scan3A_122 = arith.constant 0 : i32
      %scan3A_123 = arith.constant 196 : i32
      %scan3A_124 = arith.addi %scan3A_122, %scan3A_123 : i32
      %scan3A_125 = arith.constant 4 : i32
      %scan3A_126 = scf.for %scan3A_136 = %scan3A_122 to %scan3A_124 step %scan3A_125 iter_args(%scan3A_137 = %scan3A_121) -> (i32)  : i32 {
        %get3A = arith.index_cast %scan3A_136 : i32 to index
        %get3A_138 = arith.constant 0 : index
        %get3A_139 = tpu.vector_load %arg13[%get3A, %get3A_138] {strides = array<i32>} : memref<196x16xf32, #tpu.memory_space<vmem>>, vector<1x16xf32>,
        %get3A_140 = vector.shape_cast %get3A_139 : vector<1x16xf32> to vector<16xf32>
        %get3A_141 = arith.index_cast %scan3A_136 : i32 to index
        %get3A_142 = arith.constant 0 : index
        %get3A_143 = tpu.vector_load %arg14[%get3A_141, %get3A_142] {strides = array<i32>} : memref<196x16xf32, #tpu.memory_space<vmem>>, vector<1x16xf32>,
        %get3A_144 = vector.shape_cast %get3A_143 : vector<1x16xf32> to vector<16xf32>
        %add3A_145 = arith.addf %get3A_140, %get3A_144 : vector<16xf32>
        %max3A = arith.constant 1.000000e+00 : f32
        %max3A_146 = vector.broadcast %max3A : f32 to vector<16xf32>
        %max3A_147 = arith.maximumf %add3A_145, %max3A_146 : vector<16xf32>
        %div3A = arith.constant 1.000000e+00 : f32
        %div3A_148 = vector.broadcast %div3A : f32 to vector<16xf32>
        %div3A_149 = arith.divf %div3A_148, %max3A_147 : vector<16xf32>
        %get3A_150 = arith.index_cast %scan3A_136 : i32 to index
        %get3A_151 = arith.constant 0 : index
        %get3A_152 = tpu.vector_load %arg12[%get3A_150, %get3A_151] {strides = array<i32>} : memref<512x32xf32, #tpu.memory_space<vmem>>, vector<1x16xf32>,
        %get3A_153 = vector.shape_cast %get3A_152 : vector<1x16xf32> to vector<16xf32>
        %mul3A_154 = arith.mulf %get3A_153, %div3A_149 : vector<16xf32>
        %swap3A = arith.index_cast %scan3A_136 : i32 to index
        %swap3A_155 = arith.constant 0 : index
        %swap3A_156 = tpu.vector_load %arg12[%swap3A, %swap3A_155] {strides = array<i32>} : memref<512x32xf32, #tpu.memory_space<vmem>>, vector<1x16xf32>,
        %swap3A_157 = vector.shape_cast %swap3A_156 : vector<1x16xf32> to vector<16xf32>
        %swap3A_158 = vector.shape_cast %mul3A_154 : vector<16xf32> to vector<1x16xf32>
        tpu.vector_store %arg12[%swap3A, %swap3A_155], %swap3A_158 {strides = array<i32>} : memref<512x32xf32, #tpu.memory_space<vmem>>, vector<1x16xf32>,
        %get3A_159 = arith.index_cast %scan3A_136 : i32 to index
        %get3A_160 = arith.constant 16 : index
        %get3A_161 = tpu.vector_load %arg12[%get3A_159, %get3A_160] {strides = array<i32>} : memref<512x32xf32, #tpu.memory_space<vmem>>, vector<1x16xf32>,
        %get3A_162 = vector.shape_cast %get3A_161 : vector<1x16xf32> to vector<16xf32>
        %mul3A_163 = arith.mulf %get3A_162, %div3A_149 : vector<16xf32>
        %swap3A_164 = arith.index_cast %scan3A_136 : i32 to index
        %swap3A_165 = arith.constant 16 : index
        %swap3A_166 = tpu.vector_load %arg12[%swap3A_164, %swap3A_165] {strides = array<i32>} : memref<512x32xf32, #tpu.memory_space<vmem>>, vector<1x16xf32>,
        %swap3A_167 = vector.shape_cast %swap3A_166 : vector<1x16xf32> to vector<16xf32>
        %swap3A_168 = vector.shape_cast %mul3A_163 : vector<16xf32> to vector<1x16xf32>
        tpu.vector_store %arg12[%swap3A_164, %swap3A_165], %swap3A_168 {strides = array<i32>} : memref<512x32xf32, #tpu.memory_space<vmem>>, vector<1x16xf32>,
        %scan3A_169 = arith.constant 0 : i32
        %scan3A_170 = arith.constant 1 : i32
        %scan3A_171 = arith.addi %scan3A_136, %scan3A_170 : i32
        %get3A_172 = arith.index_cast %scan3A_171 : i32 to index
        %get3A_173 = arith.constant 0 : index
        %get3A_174 = tpu.vector_load %arg13[%get3A_172, %get3A_173] {strides = array<i32>} : memref<196x16xf32, #tpu.memory_space<vmem>>, vector<1x16xf32>,
        %get3A_175 = vector.shape_cast %get3A_174 : vector<1x16xf32> to vector<16xf32>
        %get3A_176 = arith.index_cast %scan3A_171 : i32 to index
        %get3A_177 = arith.constant 0 : index
        %get3A_178 = tpu.vector_load %arg14[%get3A_176, %get3A_177] {strides = array<i32>} : memref<196x16xf32, #tpu.memory_space<vmem>>, vector<1x16xf32>,
        %get3A_179 = vector.shape_cast %get3A_178 : vector<1x16xf32> to vector<16xf32>
        %add3A_180 = arith.addf %get3A_175, %get3A_179 : vector<16xf32>
        %max3A_181 = arith.constant 1.000000e+00 : f32
        %max3A_182 = vector.broadcast %max3A_181 : f32 to vector<16xf32>
        %max3A_183 = arith.maximumf %add3A_180, %max3A_182 : vector<16xf32>
        %div3A_184 = arith.constant 1.000000e+00 : f32
        %div3A_185 = vector.broadcast %div3A_184 : f32 to vector<16xf32>
        %div3A_186 = arith.divf %div3A_185, %max3A_183 : vector<16xf32>
        %get3A_187 = arith.index_cast %scan3A_171 : i32 to index
        %get3A_188 = arith.constant 0 : index
        %get3A_189 = tpu.vector_load %arg12[%get3A_187, %get3A_188] {strides = array<i32>} : memref<512x32xf32, #tpu.memory_space<vmem>>, vector<1x16xf32>,
        %get3A_190 = vector.shape_cast %get3A_189 : vector<1x16xf32> to vector<16xf32>
        %mul3A_191 = arith.mulf %get3A_190, %div3A_186 : vector<16xf32>
        %swap3A_192 = arith.index_cast %scan3A_171 : i32 to index
        %swap3A_193 = arith.constant 0 : index
        %swap3A_194 = tpu.vector_load %arg12[%swap3A_192, %swap3A_193] {strides = array<i32>} : memref<512x32xf32, #tpu.memory_space<vmem>>, vector<1x16xf32>,
        %swap3A_195 = vector.shape_cast %swap3A_194 : vector<1x16xf32> to vector<16xf32>
        %swap3A_196 = vector.shape_cast %mul3A_191 : vector<16xf32> to vector<1x16xf32>
        tpu.vector_store %arg12[%swap3A_192, %swap3A_193], %swap3A_196 {strides = array<i32>} : memref<512x32xf32, #tpu.memory_space<vmem>>, vector<1x16xf32>,
        %get3A_197 = arith.index_cast %scan3A_171 : i32 to index
        %get3A_198 = arith.constant 16 : index
        %get3A_199 = tpu.vector_load %arg12[%get3A_197, %get3A_198] {strides = array<i32>} : memref<512x32xf32, #tpu.memory_space<vmem>>, vector<1x16xf32>,
        %get3A_200 = vector.shape_cast %get3A_199 : vector<1x16xf32> to vector<16xf32>
        %mul3A_201 = arith.mulf %get3A_200, %div3A_186 : vector<16xf32>
        %swap3A_202 = arith.index_cast %scan3A_171 : i32 to index
        %swap3A_203 = arith.constant 16 : index
        %swap3A_204 = tpu.vector_load %arg12[%swap3A_202, %swap3A_203] {strides = array<i32>} : memref<512x32xf32, #tpu.memory_space<vmem>>, vector<1x16xf32>,
        %swap3A_205 = vector.shape_cast %swap3A_204 : vector<1x16xf32> to vector<16xf32>
        %swap3A_206 = vector.shape_cast %mul3A_201 : vector<16xf32> to vector<1x16xf32>
        tpu.vector_store %arg12[%swap3A_202, %swap3A_203], %swap3A_206 {strides = array<i32>} : memref<512x32xf32, #tpu.memory_space<vmem>>, vector<1x16xf32>,
        %scan3A_207 = arith.constant 0 : i32
        %scan3A_208 = arith.constant 2 : i32
        %scan3A_209 = arith.addi %scan3A_136, %scan3A_208 : i32
        %get3A_210 = arith.index_cast %scan3A_209 : i32 to index
        %get3A_211 = arith.constant 0 : index
        %get3A_212 = tpu.vector_load %arg13[%get3A_210, %get3A_211] {strides = array<i32>} : memref<196x16xf32, #tpu.memory_space<vmem>>, vector<1x16xf32>,
        %get3A_213 = vector.shape_cast %get3A_212 : vector<1x16xf32> to vector<16xf32>
        %get3A_214 = arith.index_cast %scan3A_209 : i32 to index
        %get3A_215 = arith.constant 0 : index
        %get3A_216 = tpu.vector_load %arg14[%get3A_214, %get3A_215] {strides = array<i32>} : memref<196x16xf32, #tpu.memory_space<vmem>>, vector<1x16xf32>,
        %get3A_217 = vector.shape_cast %get3A_216 : vector<1x16xf32> to vector<16xf32>
        %add3A_218 = arith.addf %get3A_213, %get3A_217 : vector<16xf32>
        %max3A_219 = arith.constant 1.000000e+00 : f32
        %max3A_220 = vector.broadcast %max3A_219 : f32 to vector<16xf32>
        %max3A_221 = arith.maximumf %add3A_218, %max3A_220 : vector<16xf32>
        %div3A_222 = arith.constant 1.000000e+00 : f32
        %div3A_223 = vector.broadcast %div3A_222 : f32 to vector<16xf32>
        %div3A_224 = arith.divf %div3A_223, %max3A_221 : vector<16xf32>
        %get3A_225 = arith.index_cast %scan3A_209 : i32 to index
        %get3A_226 = arith.constant 0 : index
        %get3A_227 = tpu.vector_load %arg12[%get3A_225, %get3A_226] {strides = array<i32>} : memref<512x32xf32, #tpu.memory_space<vmem>>, vector<1x16xf32>,
        %get3A_228 = vector.shape_cast %get3A_227 : vector<1x16xf32> to vector<16xf32>
        %mul3A_229 = arith.mulf %get3A_228, %div3A_224 : vector<16xf32>
        %swap3A_230 = arith.index_cast %scan3A_209 : i32 to index
        %swap3A_231 = arith.constant 0 : index
        %swap3A_232 = tpu.vector_load %arg12[%swap3A_230, %swap3A_231] {strides = array<i32>} : memref<512x32xf32, #tpu.memory_space<vmem>>, vector<1x16xf32>,
        %swap3A_233 = vector.shape_cast %swap3A_232 : vector<1x16xf32> to vector<16xf32>
        %swap3A_234 = vector.shape_cast %mul3A_229 : vector<16xf32> to vector<1x16xf32>
        tpu.vector_store %arg12[%swap3A_230, %swap3A_231], %swap3A_234 {strides = array<i32>} : memref<512x32xf32, #tpu.memory_space<vmem>>, vector<1x16xf32>,
        %get3A_235 = arith.index_cast %scan3A_209 : i32 to index
        %get3A_236 = arith.constant 16 : index
        %get3A_237 = tpu.vector_load %arg12[%get3A_235, %get3A_236] {strides = array<i32>} : memref<512x32xf32, #tpu.memory_space<vmem>>, vector<1x16xf32>,
        %get3A_238 = vector.shape_cast %get3A_237 : vector<1x16xf32> to vector<16xf32>
        %mul3A_239 = arith.mulf %get3A_238, %div3A_224 : vector<16xf32>
        %swap3A_240 = arith.index_cast %scan3A_209 : i32 to index
        %swap3A_241 = arith.constant 16 : index
        %swap3A_242 = tpu.vector_load %arg12[%swap3A_240, %swap3A_241] {strides = array<i32>} : memref<512x32xf32, #tpu.memory_space<vmem>>, vector<1x16xf32>,
        %swap3A_243 = vector.shape_cast %swap3A_242 : vector<1x16xf32> to vector<16xf32>
        %swap3A_244 = vector.shape_cast %mul3A_239 : vector<16xf32> to vector<1x16xf32>
        tpu.vector_store %arg12[%swap3A_240, %swap3A_241], %swap3A_244 {strides = array<i32>} : memref<512x32xf32, #tpu.memory_space<vmem>>, vector<1x16xf32>,
        %scan3A_245 = arith.constant 0 : i32
        %scan3A_246 = arith.constant 3 : i32
        %scan3A_247 = arith.addi %scan3A_136, %scan3A_246 : i32
        %get3A_248 = arith.index_cast %scan3A_247 : i32 to index
        %get3A_249 = arith.constant 0 : index
        %get3A_250 = tpu.vector_load %arg13[%get3A_248, %get3A_249] {strides = array<i32>} : memref<196x16xf32, #tpu.memory_space<vmem>>, vector<1x16xf32>,
        %get3A_251 = vector.shape_cast %get3A_250 : vector<1x16xf32> to vector<16xf32>
        %get3A_252 = arith.index_cast %scan3A_247 : i32 to index
        %get3A_253 = arith.constant 0 : index
        %get3A_254 = tpu.vector_load %arg14[%get3A_252, %get3A_253] {strides = array<i32>} : memref<196x16xf32, #tpu.memory_space<vmem>>, vector<1x16xf32>,
        %get3A_255 = vector.shape_cast %get3A_254 : vector<1x16xf32> to vector<16xf32>
        %add3A_256 = arith.addf %get3A_251, %get3A_255 : vector<16xf32>
        %max3A_257 = arith.constant 1.000000e+00 : f32
        %max3A_258 = vector.broadcast %max3A_257 : f32 to vector<16xf32>
        %max3A_259 = arith.maximumf %add3A_256, %max3A_258 : vector<16xf32>
        %div3A_260 = arith.constant 1.000000e+00 : f32
        %div3A_261 = vector.broadcast %div3A_260 : f32 to vector<16xf32>
        %div3A_262 = arith.divf %div3A_261, %max3A_259 : vector<16xf32>
        %get3A_263 = arith.index_cast %scan3A_247 : i32 to index
        %get3A_264 = arith.constant 0 : index
        %get3A_265 = tpu.vector_load %arg12[%get3A_263, %get3A_264] {strides = array<i32>} : memref<512x32xf32, #tpu.memory_space<vmem>>, vector<1x16xf32>,
        %get3A_266 = vector.shape_cast %get3A_265 : vector<1x16xf32> to vector<16xf32>
        %mul3A_267 = arith.mulf %get3A_266, %div3A_262 : vector<16xf32>
        %swap3A_268 = arith.index_cast %scan3A_247 : i32 to index
        %swap3A_269 = arith.constant 0 : index
        %swap3A_270 = tpu.vector_load %arg12[%swap3A_268, %swap3A_269] {strides = array<i32>} : memref<512x32xf32, #tpu.memory_space<vmem>>, vector<1x16xf32>,
        %swap3A_271 = vector.shape_cast %swap3A_270 : vector<1x16xf32> to vector<16xf32>
        %swap3A_272 = vector.shape_cast %mul3A_267 : vector<16xf32> to vector<1x16xf32>
        tpu.vector_store %arg12[%swap3A_268, %swap3A_269], %swap3A_272 {strides = array<i32>} : memref<512x32xf32, #tpu.memory_space<vmem>>, vector<1x16xf32>,
        %get3A_273 = arith.index_cast %scan3A_247 : i32 to index
        %get3A_274 = arith.constant 16 : index
        %get3A_275 = tpu.vector_load %arg12[%get3A_273, %get3A_274] {strides = array<i32>} : memref<512x32xf32, #tpu.memory_space<vmem>>, vector<1x16xf32>,
        %get3A_276 = vector.shape_cast %get3A_275 : vector<1x16xf32> to vector<16xf32>
        %mul3A_277 = arith.mulf %get3A_276, %div3A_262 : vector<16xf32>
        %swap3A_278 = arith.index_cast %scan3A_247 : i32 to index
        %swap3A_279 = arith.constant 16 : index
        %swap3A_280 = tpu.vector_load %arg12[%swap3A_278, %swap3A_279] {strides = array<i32>} : memref<512x32xf32, #tpu.memory_space<vmem>>, vector<1x16xf32>,
        %swap3A_281 = vector.shape_cast %swap3A_280 : vector<1x16xf32> to vector<16xf32>
        %swap3A_282 = vector.shape_cast %mul3A_277 : vector<16xf32> to vector<1x16xf32>
        tpu.vector_store %arg12[%swap3A_278, %swap3A_279], %swap3A_282 {strides = array<i32>} : memref<512x32xf32, #tpu.memory_space<vmem>>, vector<1x16xf32>,
        %scan3A_283 = arith.constant 0 : i32
        scf.yield %scan3A_283 : i32
      }
      %scan3A_127 = arith.constant 196 : i32
      %eq3A = arith.constant 0 : i32
      %eq3A_128 = arith.cmpi eq, %arg0, %eq3A : i32
      %convert_element_type3A = arith.extui %eq3A_128 : i1 to i32
      %cond3A = arith.constant 0 : i32
      %cond3A_129 = arith.cmpi ne, %convert_element_type3A, %cond3A : i32
      scf.if %cond3A_129 {
        "tpu.region"() ({
          %run_scoped3A = tpu.sem_alloc : memref<!tpu.dma_semaphore, #tpu.memory_space<semaphore_mem>>
          %dma_start3A_136 = arith.constant 0 : i32
          %dma_start3A_137 = arith.constant 0 : i32
          %dma_start3A_138 = tpu.memref_slice %arg12[%dma_start3A_136, %dma_start3A_137] : memref<512x32xf32, #tpu.memory_space<vmem>> -> memref<196x32xf32, #tpu.memory_space<vmem>>
          %dma_start3A_139 = arith.constant 0 : i32
          %dma_start3A_140 = tpu.memref_slice %arg7[%add3A, %dma_start3A_139] : memref<50176x32xf32, #tpu.memory_space<hbm>> -> memref<196x32xf32, #tpu.memory_space<hbm>>
          %dma_start3A_141 = arith.constant 0 : i32
          %dma_start3A_142 = tpu.memref_slice %arg7[%add3A, %dma_start3A_141] : memref<50176x32xf32, #tpu.memory_space<hbm>> -> memref<196x32xf32, #tpu.memory_space<hbm>>
          %dma_start3A_143 = arith.constant 0 : i32
          %dma_start3A_144 = arith.constant 0 : i32
          %dma_start3A_145 = tpu.memref_slice %arg12[%dma_start3A_143, %dma_start3A_144] : memref<512x32xf32, #tpu.memory_space<vmem>> -> memref<196x32xf32, #tpu.memory_space<vmem>>
          tpu.enqueue_dma source(%dma_start3A_145 : memref<196x32xf32, #tpu.memory_space<vmem>>) target(%dma_start3A_142 : memref<196x32xf32, #tpu.memory_space<hbm>>) target_semaphore(%run_scoped3A : memref<!tpu.dma_semaphore, #tpu.memory_space<semaphore_mem>>)
          %dma_wait3A_146 = arith.constant 0 : i32
          %dma_wait3A_147 = arith.constant 0 : i32
          %dma_wait3A_148 = tpu.memref_slice %arg12[%dma_wait3A_146, %dma_wait3A_147] : memref<512x32xf32, #tpu.memory_space<vmem>> -> memref<196x32xf32, #tpu.memory_space<vmem>>
          %dma_wait3A_149 = arith.constant 0 : i32
          %dma_wait3A_150 = tpu.memref_slice %arg7[%add3A, %dma_wait3A_149] : memref<50176x32xf32, #tpu.memory_space<hbm>> -> memref<196x32xf32, #tpu.memory_space<hbm>>
          %dma_wait3A_151 = arith.constant 0 : i32
          %dma_wait3A_152 = tpu.memref_slice %arg7[%add3A, %dma_wait3A_151] : memref<50176x32xf32, #tpu.memory_space<hbm>> -> memref<196x32xf32, #tpu.memory_space<hbm>>
          %dma_wait3A_153 = arith.constant 0 : i32
          %dma_wait3A_154 = arith.constant 0 : i32
          %dma_wait3A_155 = tpu.memref_slice %arg12[%dma_wait3A_153, %dma_wait3A_154] : memref<512x32xf32, #tpu.memory_space<vmem>> -> memref<196x32xf32, #tpu.memory_space<vmem>>
          tpu.wait_dma2 semaphore(%run_scoped3A : memref<!tpu.dma_semaphore, #tpu.memory_space<semaphore_mem>>) src(%dma_wait3A_155 : memref<196x32xf32, #tpu.memory_space<vmem>>) dst(%dma_wait3A_152 : memref<196x32xf32, #tpu.memory_space<hbm>>)
          tpu.yield
        }) : () -> ()
      } else {
      }
      %eq3A_130 = arith.constant 1 : i32
      %eq3A_131 = arith.cmpi eq, %arg0, %eq3A_130 : i32
      %convert_element_type3A_132 = arith.extui %eq3A_131 : i1 to i32
      %cond3A_133 = arith.constant 0 : i32
      %cond3A_134 = arith.cmpi ne, %convert_element_type3A_132, %cond3A_133 : i32
      scf.if %cond3A_134 {
        "tpu.region"() ({
          %run_scoped3A = tpu.sem_alloc : memref<!tpu.dma_semaphore, #tpu.memory_space<semaphore_mem>>
          %dma_start3A_136 = arith.constant 0 : i32
          %dma_start3A_137 = arith.constant 0 : i32
          %dma_start3A_138 = tpu.memref_slice %arg12[%dma_start3A_136, %dma_start3A_137] : memref<512x32xf32, #tpu.memory_space<vmem>> -> memref<196x32xf32, #tpu.memory_space<vmem>>
          %dma_start3A_139 = arith.constant 0 : i32
          %dma_start3A_140 = tpu.memref_slice %arg8[%add3A, %dma_start3A_139] : memref<50176x32xf32, #tpu.memory_space<hbm>> -> memref<196x32xf32, #tpu.memory_space<hbm>>
          %dma_start3A_141 = arith.constant 0 : i32
          %dma_start3A_142 = tpu.memref_slice %arg8[%add3A, %dma_start3A_141] : memref<50176x32xf32, #tpu.memory_space<hbm>> -> memref<196x32xf32, #tpu.memory_space<hbm>>
          %dma_start3A_143 = arith.constant 0 : i32
          %dma_start3A_144 = arith.constant 0 : i32
          %dma_start3A_145 = tpu.memref_slice %arg12[%dma_start3A_143, %dma_start3A_144] : memref<512x32xf32, #tpu.memory_space<vmem>> -> memref<196x32xf32, #tpu.memory_space<vmem>>
          tpu.enqueue_dma source(%dma_start3A_145 : memref<196x32xf32, #tpu.memory_space<vmem>>) target(%dma_start3A_142 : memref<196x32xf32, #tpu.memory_space<hbm>>) target_semaphore(%run_scoped3A : memref<!tpu.dma_semaphore, #tpu.memory_space<semaphore_mem>>)
          %dma_wait3A_146 = arith.constant 0 : i32
          %dma_wait3A_147 = arith.constant 0 : i32
          %dma_wait3A_148 = tpu.memref_slice %arg12[%dma_wait3A_146, %dma_wait3A_147] : memref<512x32xf32, #tpu.memory_space<vmem>> -> memref<196x32xf32, #tpu.memory_space<vmem>>
          %dma_wait3A_149 = arith.constant 0 : i32
          %dma_wait3A_150 = tpu.memref_slice %arg8[%add3A, %dma_wait3A_149] : memref<50176x32xf32, #tpu.memory_space<hbm>> -> memref<196x32xf32, #tpu.memory_space<hbm>>
          %dma_wait3A_151 = arith.constant 0 : i32
          %dma_wait3A_152 = tpu.memref_slice %arg8[%add3A, %dma_wait3A_151] : memref<50176x32xf32, #tpu.memory_space<hbm>> -> memref<196x32xf32, #tpu.memory_space<hbm>>
          %dma_wait3A_153 = arith.constant 0 : i32
          %dma_wait3A_154 = arith.constant 0 : i32
          %dma_wait3A_155 = tpu.memref_slice %arg12[%dma_wait3A_153, %dma_wait3A_154] : memref<512x32xf32, #tpu.memory_space<vmem>> -> memref<196x32xf32, #tpu.memory_space<vmem>>
          tpu.wait_dma2 semaphore(%run_scoped3A : memref<!tpu.dma_semaphore, #tpu.memory_space<semaphore_mem>>) src(%dma_wait3A_155 : memref<196x32xf32, #tpu.memory_space<vmem>>) dst(%dma_wait3A_152 : memref<196x32xf32, #tpu.memory_space<hbm>>)
          tpu.yield
        }) : () -> ()
      } else {
      }
      %scan3A_135 = arith.constant 0 : i32
      scf.yield %scan3A_135 : i32
    }
    %scan3A_80 = arith.constant 16 : i32
    return
  }
}

#map = affine_map<(d0, d1) -> (0, 0)>
module attributes {stable_mosaic.version = 14 : i64} {
  func.func @_deg_body(%arg0: i32, %arg1: i32, %arg2: memref<6272x128xi32, #tpu.memory_space<hbm>>, %arg3: memref<50176x16xf32, #tpu.memory_space<hbm>>, %arg4: memref<50176x16xf32, #tpu.memory_space<hbm>>, %arg5: memref<50176x16xf32, #tpu.memory_space<vmem_shared>>, %arg6: memref<4x128xi32, #tpu.memory_space<vmem>>, %arg7: memref<128x16xf32, #tpu.memory_space<vmem>>, %arg8: memref<196x16xf32, #tpu.memory_space<vmem>>, %arg9: memref<!tpu.dma_semaphore, #tpu.memory_space<semaphore_mem>>) attributes {dimension_semantics = [#tpu.dimension_semantics<core_parallel>, #tpu.dimension_semantics<subcore_parallel>], iteration_bounds = array<i64: 2, 16>, scalar_prefetch = 0 : i64, scratch_operands = 5 : i64, tpu.core_type = #tpu.core_type<sc_vector_subcore>, window_params = [{transform_indices = #map}, {transform_indices = #map}, {transform_indices = #map}]} {
    %scan3A = arith.constant 0 : i32
    %scan3A_0 = arith.constant 0 : i32
    %scan3A_1 = arith.constant 128 : i32
    %scan3A_2 = arith.addi %scan3A_0, %scan3A_1 : i32
    %scan3A_3 = arith.constant 4 : i32
    %scan3A_4 = scf.for %scan3A_40 = %scan3A_0 to %scan3A_2 step %scan3A_3 iter_args(%scan3A_41 = %scan3A) -> (i32)  : i32 {
      %broadcast_in_dim3A = arith.constant 1.000000e+00 : f32
      %broadcast_in_dim3A_42 = vector.broadcast %broadcast_in_dim3A : f32 to vector<16xf32>
      %swap3A = arith.index_cast %scan3A_40 : i32 to index
      %swap3A_43 = arith.constant 0 : index
      %swap3A_44 = tpu.vector_load %arg7[%swap3A, %swap3A_43] {strides = array<i32>} : memref<128x16xf32, #tpu.memory_space<vmem>>, vector<1x16xf32>,
      %swap3A_45 = vector.shape_cast %swap3A_44 : vector<1x16xf32> to vector<16xf32>
      %swap3A_46 = vector.shape_cast %broadcast_in_dim3A_42 : vector<16xf32> to vector<1x16xf32>
      tpu.vector_store %arg7[%swap3A, %swap3A_43], %swap3A_46 {strides = array<i32>} : memref<128x16xf32, #tpu.memory_space<vmem>>, vector<1x16xf32>,
      %scan3A_47 = arith.constant 0 : i32
      %scan3A_48 = arith.constant 1 : i32
      %scan3A_49 = arith.addi %scan3A_40, %scan3A_48 : i32
      %broadcast_in_dim3A_50 = arith.constant 1.000000e+00 : f32
      %broadcast_in_dim3A_51 = vector.broadcast %broadcast_in_dim3A_50 : f32 to vector<16xf32>
      %swap3A_52 = arith.index_cast %scan3A_49 : i32 to index
      %swap3A_53 = arith.constant 0 : index
      %swap3A_54 = tpu.vector_load %arg7[%swap3A_52, %swap3A_53] {strides = array<i32>} : memref<128x16xf32, #tpu.memory_space<vmem>>, vector<1x16xf32>,
      %swap3A_55 = vector.shape_cast %swap3A_54 : vector<1x16xf32> to vector<16xf32>
      %swap3A_56 = vector.shape_cast %broadcast_in_dim3A_51 : vector<16xf32> to vector<1x16xf32>
      tpu.vector_store %arg7[%swap3A_52, %swap3A_53], %swap3A_56 {strides = array<i32>} : memref<128x16xf32, #tpu.memory_space<vmem>>, vector<1x16xf32>,
      %scan3A_57 = arith.constant 0 : i32
      %scan3A_58 = arith.constant 2 : i32
      %scan3A_59 = arith.addi %scan3A_40, %scan3A_58 : i32
      %broadcast_in_dim3A_60 = arith.constant 1.000000e+00 : f32
      %broadcast_in_dim3A_61 = vector.broadcast %broadcast_in_dim3A_60 : f32 to vector<16xf32>
      %swap3A_62 = arith.index_cast %scan3A_59 : i32 to index
      %swap3A_63 = arith.constant 0 : index
      %swap3A_64 = tpu.vector_load %arg7[%swap3A_62, %swap3A_63] {strides = array<i32>} : memref<128x16xf32, #tpu.memory_space<vmem>>, vector<1x16xf32>,
      %swap3A_65 = vector.shape_cast %swap3A_64 : vector<1x16xf32> to vector<16xf32>
      %swap3A_66 = vector.shape_cast %broadcast_in_dim3A_61 : vector<16xf32> to vector<1x16xf32>
      tpu.vector_store %arg7[%swap3A_62, %swap3A_63], %swap3A_66 {strides = array<i32>} : memref<128x16xf32, #tpu.memory_space<vmem>>, vector<1x16xf32>,
      %scan3A_67 = arith.constant 0 : i32
      %scan3A_68 = arith.constant 3 : i32
      %scan3A_69 = arith.addi %scan3A_40, %scan3A_68 : i32
      %broadcast_in_dim3A_70 = arith.constant 1.000000e+00 : f32
      %broadcast_in_dim3A_71 = vector.broadcast %broadcast_in_dim3A_70 : f32 to vector<16xf32>
      %swap3A_72 = arith.index_cast %scan3A_69 : i32 to index
      %swap3A_73 = arith.constant 0 : index
      %swap3A_74 = tpu.vector_load %arg7[%swap3A_72, %swap3A_73] {strides = array<i32>} : memref<128x16xf32, #tpu.memory_space<vmem>>, vector<1x16xf32>,
      %swap3A_75 = vector.shape_cast %swap3A_74 : vector<1x16xf32> to vector<16xf32>
      %swap3A_76 = vector.shape_cast %broadcast_in_dim3A_71 : vector<16xf32> to vector<1x16xf32>
      tpu.vector_store %arg7[%swap3A_72, %swap3A_73], %swap3A_76 {strides = array<i32>} : memref<128x16xf32, #tpu.memory_space<vmem>>, vector<1x16xf32>,
      %scan3A_77 = arith.constant 0 : i32
      scf.yield %scan3A_77 : i32
    }
    %scan3A_5 = arith.constant 128 : i32
    %scan3A_6 = arith.constant 0 : i32
    %scan3A_7 = arith.constant 0 : i32
    %scan3A_8 = arith.constant 196 : i32
    %scan3A_9 = arith.addi %scan3A_7, %scan3A_8 : i32
    %scan3A_10 = arith.constant 4 : i32
    %scan3A_11 = scf.for %scan3A_40 = %scan3A_7 to %scan3A_9 step %scan3A_10 iter_args(%scan3A_41 = %scan3A_6) -> (i32)  : i32 {
      %broadcast_in_dim3A = arith.constant 0.000000e+00 : f32
      %broadcast_in_dim3A_42 = vector.broadcast %broadcast_in_dim3A : f32 to vector<16xf32>
      %swap3A = arith.index_cast %scan3A_40 : i32 to index
      %swap3A_43 = arith.constant 0 : index
      %swap3A_44 = tpu.vector_load %arg8[%swap3A, %swap3A_43] {strides = array<i32>} : memref<196x16xf32, #tpu.memory_space<vmem>>, vector<1x16xf32>,
      %swap3A_45 = vector.shape_cast %swap3A_44 : vector<1x16xf32> to vector<16xf32>
      %swap3A_46 = vector.shape_cast %broadcast_in_dim3A_42 : vector<16xf32> to vector<1x16xf32>
      tpu.vector_store %arg8[%swap3A, %swap3A_43], %swap3A_46 {strides = array<i32>} : memref<196x16xf32, #tpu.memory_space<vmem>>, vector<1x16xf32>,
      %scan3A_47 = arith.constant 0 : i32
      %scan3A_48 = arith.constant 1 : i32
      %scan3A_49 = arith.addi %scan3A_40, %scan3A_48 : i32
      %broadcast_in_dim3A_50 = arith.constant 0.000000e+00 : f32
      %broadcast_in_dim3A_51 = vector.broadcast %broadcast_in_dim3A_50 : f32 to vector<16xf32>
      %swap3A_52 = arith.index_cast %scan3A_49 : i32 to index
      %swap3A_53 = arith.constant 0 : index
      %swap3A_54 = tpu.vector_load %arg8[%swap3A_52, %swap3A_53] {strides = array<i32>} : memref<196x16xf32, #tpu.memory_space<vmem>>, vector<1x16xf32>,
      %swap3A_55 = vector.shape_cast %swap3A_54 : vector<1x16xf32> to vector<16xf32>
      %swap3A_56 = vector.shape_cast %broadcast_in_dim3A_51 : vector<16xf32> to vector<1x16xf32>
      tpu.vector_store %arg8[%swap3A_52, %swap3A_53], %swap3A_56 {strides = array<i32>} : memref<196x16xf32, #tpu.memory_space<vmem>>, vector<1x16xf32>,
      %scan3A_57 = arith.constant 0 : i32
      %scan3A_58 = arith.constant 2 : i32
      %scan3A_59 = arith.addi %scan3A_40, %scan3A_58 : i32
      %broadcast_in_dim3A_60 = arith.constant 0.000000e+00 : f32
      %broadcast_in_dim3A_61 = vector.broadcast %broadcast_in_dim3A_60 : f32 to vector<16xf32>
      %swap3A_62 = arith.index_cast %scan3A_59 : i32 to index
      %swap3A_63 = arith.constant 0 : index
      %swap3A_64 = tpu.vector_load %arg8[%swap3A_62, %swap3A_63] {strides = array<i32>} : memref<196x16xf32, #tpu.memory_space<vmem>>, vector<1x16xf32>,
      %swap3A_65 = vector.shape_cast %swap3A_64 : vector<1x16xf32> to vector<16xf32>
      %swap3A_66 = vector.shape_cast %broadcast_in_dim3A_61 : vector<16xf32> to vector<1x16xf32>
      tpu.vector_store %arg8[%swap3A_62, %swap3A_63], %swap3A_66 {strides = array<i32>} : memref<196x16xf32, #tpu.memory_space<vmem>>, vector<1x16xf32>,
      %scan3A_67 = arith.constant 0 : i32
      %scan3A_68 = arith.constant 3 : i32
      %scan3A_69 = arith.addi %scan3A_40, %scan3A_68 : i32
      %broadcast_in_dim3A_70 = arith.constant 0.000000e+00 : f32
      %broadcast_in_dim3A_71 = vector.broadcast %broadcast_in_dim3A_70 : f32 to vector<16xf32>
      %swap3A_72 = arith.index_cast %scan3A_69 : i32 to index
      %swap3A_73 = arith.constant 0 : index
      %swap3A_74 = tpu.vector_load %arg8[%swap3A_72, %swap3A_73] {strides = array<i32>} : memref<196x16xf32, #tpu.memory_space<vmem>>, vector<1x16xf32>,
      %swap3A_75 = vector.shape_cast %swap3A_74 : vector<1x16xf32> to vector<16xf32>
      %swap3A_76 = vector.shape_cast %broadcast_in_dim3A_71 : vector<16xf32> to vector<1x16xf32>
      tpu.vector_store %arg8[%swap3A_72, %swap3A_73], %swap3A_76 {strides = array<i32>} : memref<196x16xf32, #tpu.memory_space<vmem>>, vector<1x16xf32>,
      %scan3A_77 = arith.constant 0 : i32
      scf.yield %scan3A_77 : i32
    }
    %scan3A_12 = arith.constant 196 : i32
    %mul3A = arith.constant 3136 : i32
    %mul3A_13 = arith.muli %arg1, %mul3A : i32
    %scan3A_14 = arith.constant 0 : i32
    %scan3A_15 = arith.constant 0 : i32
    %scan3A_16 = arith.constant 16 : i32
    %scan3A_17 = arith.addi %scan3A_15, %scan3A_16 : i32
    %scan3A_18 = arith.constant 1 : i32
    %scan3A_19 = scf.for %scan3A_40 = %scan3A_15 to %scan3A_17 step %scan3A_18 iter_args(%scan3A_41 = %scan3A_14) -> (i32)  : i32 {
      %mul3A_42 = arith.constant 196 : i32
      %mul3A_43 = arith.muli %scan3A_40, %mul3A_42 : i32
      %add3A_44 = arith.addi %mul3A_13, %mul3A_43 : i32
      "tpu.region"() ({
        %run_scoped3A = tpu.sem_alloc : memref<!tpu.dma_semaphore, #tpu.memory_space<semaphore_mem>>
        %dma_start3A = arith.constant 0 : i32
        %dma_start3A_46 = tpu.memref_slice %arg5[%add3A_44, %dma_start3A] : memref<50176x16xf32, #tpu.memory_space<vmem_shared>> -> memref<196x16xf32, #tpu.memory_space<vmem_shared>>
        %dma_start3A_47 = arith.constant 0 : i32
        %dma_start3A_48 = tpu.memref_slice %arg5[%add3A_44, %dma_start3A_47] : memref<50176x16xf32, #tpu.memory_space<vmem_shared>> -> memref<196x16xf32, #tpu.memory_space<vmem_shared>>
        tpu.enqueue_dma source(%arg8 : memref<196x16xf32, #tpu.memory_space<vmem>>) target(%dma_start3A_48 : memref<196x16xf32, #tpu.memory_space<vmem_shared>>) target_semaphore(%run_scoped3A : memref<!tpu.dma_semaphore, #tpu.memory_space<semaphore_mem>>)
        %dma_wait3A = arith.constant 0 : i32
        %dma_wait3A_49 = tpu.memref_slice %arg5[%add3A_44, %dma_wait3A] : memref<50176x16xf32, #tpu.memory_space<vmem_shared>> -> memref<196x16xf32, #tpu.memory_space<vmem_shared>>
        %dma_wait3A_50 = arith.constant 0 : i32
        %dma_wait3A_51 = tpu.memref_slice %arg5[%add3A_44, %dma_wait3A_50] : memref<50176x16xf32, #tpu.memory_space<vmem_shared>> -> memref<196x16xf32, #tpu.memory_space<vmem_shared>>
        tpu.wait_dma2 semaphore(%run_scoped3A : memref<!tpu.dma_semaphore, #tpu.memory_space<semaphore_mem>>) src(%arg8 : memref<196x16xf32, #tpu.memory_space<vmem>>) dst(%dma_wait3A_51 : memref<196x16xf32, #tpu.memory_space<vmem_shared>>)
        tpu.yield
      }) : () -> ()
      %scan3A_45 = arith.constant 0 : i32
      scf.yield %scan3A_45 : i32
    }
    %scan3A_20 = arith.constant 16 : i32
    %barrier3A = arith.constant 0 : index
    tpu.barrier barrier_id(%barrier3A)
    %mul3A_21 = arith.constant 16 : i32
    %mul3A_22 = arith.muli %arg0, %mul3A_21 : i32
    %add3A = arith.addi %mul3A_22, %arg1 : i32
    %mul3A_23 = arith.constant 196 : i32
    %mul3A_24 = arith.muli %add3A, %mul3A_23 : i32
    %scan3A_25 = arith.constant 0 : i32
    %scan3A_26 = arith.constant 0 : i32
    %scan3A_27 = arith.constant 49 : i32
    %scan3A_28 = arith.addi %scan3A_26, %scan3A_27 : i32
    %scan3A_29 = arith.constant 1 : i32
    %scan3A_30 = scf.for %scan3A_40 = %scan3A_26 to %scan3A_28 step %scan3A_29 iter_args(%scan3A_41 = %scan3A_25) -> (i32)  : i32 {
      %mul3A_42 = arith.constant 4 : i32
      %mul3A_43 = arith.muli %scan3A_40, %mul3A_42 : i32
      %add3A_44 = arith.addi %mul3A_24, %mul3A_43 : i32
      %dma_start3A = arith.constant 0 : i32
      %dma_start3A_45 = tpu.memref_slice %arg2[%add3A_44, %dma_start3A] : memref<6272x128xi32, #tpu.memory_space<hbm>> -> memref<4x128xi32, #tpu.memory_space<hbm>>
      %dma_start3A_46 = arith.constant 0 : i32
      %dma_start3A_47 = tpu.memref_slice %arg2[%add3A_44, %dma_start3A_46] : memref<6272x128xi32, #tpu.memory_space<hbm>> -> memref<4x128xi32, #tpu.memory_space<hbm>>
      tpu.enqueue_dma source(%dma_start3A_47 : memref<4x128xi32, #tpu.memory_space<hbm>>) target(%arg6 : memref<4x128xi32, #tpu.memory_space<vmem>>) target_semaphore(%arg9 : memref<!tpu.dma_semaphore, #tpu.memory_space<semaphore_mem>>)
      %dma_wait3A = arith.constant 0 : i32
      %dma_wait3A_48 = tpu.memref_slice %arg2[%add3A_44, %dma_wait3A] : memref<6272x128xi32, #tpu.memory_space<hbm>> -> memref<4x128xi32, #tpu.memory_space<hbm>>
      %dma_wait3A_49 = arith.constant 0 : i32
      %dma_wait3A_50 = tpu.memref_slice %arg2[%add3A_44, %dma_wait3A_49] : memref<6272x128xi32, #tpu.memory_space<hbm>> -> memref<4x128xi32, #tpu.memory_space<hbm>>
      tpu.wait_dma2 semaphore(%arg9 : memref<!tpu.dma_semaphore, #tpu.memory_space<semaphore_mem>>) src(%dma_wait3A_50 : memref<4x128xi32, #tpu.memory_space<hbm>>) dst(%arg6 : memref<4x128xi32, #tpu.memory_space<vmem>>)
      %dma_start3A_51 = arith.constant 0 : i32
      %dma_start3A_52 = arith.constant 0 : i32
      %dma_start3A_53 = tpu.memref_slice %arg6[%dma_start3A_51, %dma_start3A_52] : memref<4x128xi32, #tpu.memory_space<vmem>> -> memref<1x128xi32, #tpu.memory_space<vmem>>
      %dma_start3A_54 = tpu.memref_squeeze %dma_start3A_53 : memref<1x128xi32, #tpu.memory_space<vmem>> -> memref<128xi32, #tpu.memory_space<vmem>>
      %dma_start3A_55 = arith.constant 0 : i32
      %dma_start3A_56 = arith.constant 0 : i32
      %dma_start3A_57 = tpu.memref_slice %arg5[%dma_start3A_55, %dma_start3A_56] : memref<50176x16xf32, #tpu.memory_space<vmem_shared>> -> memref<50176x16xf32, #tpu.memory_space<vmem_shared>>
      tpu.enqueue_indirect_dma source(%arg7 : memref<128x16xf32, #tpu.memory_space<vmem>>) target(%dma_start3A_57 : memref<50176x16xf32, #tpu.memory_space<vmem_shared>>) offsets(%dma_start3A_54 : memref<128xi32, #tpu.memory_space<vmem>>) semaphore(%arg9 : memref<!tpu.dma_semaphore, #tpu.memory_space<semaphore_mem>>) {add = true}
      %dma_start3A_58 = arith.constant 1 : i32
      %dma_start3A_59 = arith.constant 0 : i32
      %dma_start3A_60 = tpu.memref_slice %arg6[%dma_start3A_58, %dma_start3A_59] : memref<4x128xi32, #tpu.memory_space<vmem>> -> memref<1x128xi32, #tpu.memory_space<vmem>>
      %dma_start3A_61 = tpu.memref_squeeze %dma_start3A_60 : memref<1x128xi32, #tpu.memory_space<vmem>> -> memref<128xi32, #tpu.memory_space<vmem>>
      %dma_start3A_62 = arith.constant 0 : i32
      %dma_start3A_63 = arith.constant 0 : i32
      %dma_start3A_64 = tpu.memref_slice %arg5[%dma_start3A_62, %dma_start3A_63] : memref<50176x16xf32, #tpu.memory_space<vmem_shared>> -> memref<50176x16xf32, #tpu.memory_space<vmem_shared>>
      tpu.enqueue_indirect_dma source(%arg7 : memref<128x16xf32, #tpu.memory_space<vmem>>) target(%dma_start3A_64 : memref<50176x16xf32, #tpu.memory_space<vmem_shared>>) offsets(%dma_start3A_61 : memref<128xi32, #tpu.memory_space<vmem>>) semaphore(%arg9 : memref<!tpu.dma_semaphore, #tpu.memory_space<semaphore_mem>>) {add = true}
      %dma_start3A_65 = arith.constant 2 : i32
      %dma_start3A_66 = arith.constant 0 : i32
      %dma_start3A_67 = tpu.memref_slice %arg6[%dma_start3A_65, %dma_start3A_66] : memref<4x128xi32, #tpu.memory_space<vmem>> -> memref<1x128xi32, #tpu.memory_space<vmem>>
      %dma_start3A_68 = tpu.memref_squeeze %dma_start3A_67 : memref<1x128xi32, #tpu.memory_space<vmem>> -> memref<128xi32, #tpu.memory_space<vmem>>
      %dma_start3A_69 = arith.constant 0 : i32
      %dma_start3A_70 = arith.constant 0 : i32
      %dma_start3A_71 = tpu.memref_slice %arg5[%dma_start3A_69, %dma_start3A_70] : memref<50176x16xf32, #tpu.memory_space<vmem_shared>> -> memref<50176x16xf32, #tpu.memory_space<vmem_shared>>
      tpu.enqueue_indirect_dma source(%arg7 : memref<128x16xf32, #tpu.memory_space<vmem>>) target(%dma_start3A_71 : memref<50176x16xf32, #tpu.memory_space<vmem_shared>>) offsets(%dma_start3A_68 : memref<128xi32, #tpu.memory_space<vmem>>) semaphore(%arg9 : memref<!tpu.dma_semaphore, #tpu.memory_space<semaphore_mem>>) {add = true}
      %dma_start3A_72 = arith.constant 3 : i32
      %dma_start3A_73 = arith.constant 0 : i32
      %dma_start3A_74 = tpu.memref_slice %arg6[%dma_start3A_72, %dma_start3A_73] : memref<4x128xi32, #tpu.memory_space<vmem>> -> memref<1x128xi32, #tpu.memory_space<vmem>>
      %dma_start3A_75 = tpu.memref_squeeze %dma_start3A_74 : memref<1x128xi32, #tpu.memory_space<vmem>> -> memref<128xi32, #tpu.memory_space<vmem>>
      %dma_start3A_76 = arith.constant 0 : i32
      %dma_start3A_77 = arith.constant 0 : i32
      %dma_start3A_78 = tpu.memref_slice %arg5[%dma_start3A_76, %dma_start3A_77] : memref<50176x16xf32, #tpu.memory_space<vmem_shared>> -> memref<50176x16xf32, #tpu.memory_space<vmem_shared>>
      tpu.enqueue_indirect_dma source(%arg7 : memref<128x16xf32, #tpu.memory_space<vmem>>) target(%dma_start3A_78 : memref<50176x16xf32, #tpu.memory_space<vmem_shared>>) offsets(%dma_start3A_75 : memref<128xi32, #tpu.memory_space<vmem>>) semaphore(%arg9 : memref<!tpu.dma_semaphore, #tpu.memory_space<semaphore_mem>>) {add = true}
      %dma_wait3A_79 = arith.constant 0 : i32
      %dma_wait3A_80 = arith.constant 0 : i32
      %dma_wait3A_81 = tpu.memref_slice %arg6[%dma_wait3A_79, %dma_wait3A_80] : memref<4x128xi32, #tpu.memory_space<vmem>> -> memref<1x128xi32, #tpu.memory_space<vmem>>
      %dma_wait3A_82 = tpu.memref_squeeze %dma_wait3A_81 : memref<1x128xi32, #tpu.memory_space<vmem>> -> memref<128xi32, #tpu.memory_space<vmem>>
      %dma_wait3A_83 = arith.constant 0 : i32
      %dma_wait3A_84 = arith.constant 0 : i32
      %dma_wait3A_85 = tpu.memref_slice %arg5[%dma_wait3A_83, %dma_wait3A_84] : memref<50176x16xf32, #tpu.memory_space<vmem_shared>> -> memref<50176x16xf32, #tpu.memory_space<vmem_shared>>
      tpu.wait_indirect_dma semaphore(%arg9 : memref<!tpu.dma_semaphore, #tpu.memory_space<semaphore_mem>>) src(%arg7 : memref<128x16xf32, #tpu.memory_space<vmem>>) dst(%dma_wait3A_85 : memref<50176x16xf32, #tpu.memory_space<vmem_shared>>)
      %dma_wait3A_86 = arith.constant 1 : i32
      %dma_wait3A_87 = arith.constant 0 : i32
      %dma_wait3A_88 = tpu.memref_slice %arg6[%dma_wait3A_86, %dma_wait3A_87] : memref<4x128xi32, #tpu.memory_space<vmem>> -> memref<1x128xi32, #tpu.memory_space<vmem>>
      %dma_wait3A_89 = tpu.memref_squeeze %dma_wait3A_88 : memref<1x128xi32, #tpu.memory_space<vmem>> -> memref<128xi32, #tpu.memory_space<vmem>>
      %dma_wait3A_90 = arith.constant 0 : i32
      %dma_wait3A_91 = arith.constant 0 : i32
      %dma_wait3A_92 = tpu.memref_slice %arg5[%dma_wait3A_90, %dma_wait3A_91] : memref<50176x16xf32, #tpu.memory_space<vmem_shared>> -> memref<50176x16xf32, #tpu.memory_space<vmem_shared>>
      tpu.wait_indirect_dma semaphore(%arg9 : memref<!tpu.dma_semaphore, #tpu.memory_space<semaphore_mem>>) src(%arg7 : memref<128x16xf32, #tpu.memory_space<vmem>>) dst(%dma_wait3A_92 : memref<50176x16xf32, #tpu.memory_space<vmem_shared>>)
      %dma_wait3A_93 = arith.constant 2 : i32
      %dma_wait3A_94 = arith.constant 0 : i32
      %dma_wait3A_95 = tpu.memref_slice %arg6[%dma_wait3A_93, %dma_wait3A_94] : memref<4x128xi32, #tpu.memory_space<vmem>> -> memref<1x128xi32, #tpu.memory_space<vmem>>
      %dma_wait3A_96 = tpu.memref_squeeze %dma_wait3A_95 : memref<1x128xi32, #tpu.memory_space<vmem>> -> memref<128xi32, #tpu.memory_space<vmem>>
      %dma_wait3A_97 = arith.constant 0 : i32
      %dma_wait3A_98 = arith.constant 0 : i32
      %dma_wait3A_99 = tpu.memref_slice %arg5[%dma_wait3A_97, %dma_wait3A_98] : memref<50176x16xf32, #tpu.memory_space<vmem_shared>> -> memref<50176x16xf32, #tpu.memory_space<vmem_shared>>
      tpu.wait_indirect_dma semaphore(%arg9 : memref<!tpu.dma_semaphore, #tpu.memory_space<semaphore_mem>>) src(%arg7 : memref<128x16xf32, #tpu.memory_space<vmem>>) dst(%dma_wait3A_99 : memref<50176x16xf32, #tpu.memory_space<vmem_shared>>)
      %dma_wait3A_100 = arith.constant 3 : i32
      %dma_wait3A_101 = arith.constant 0 : i32
      %dma_wait3A_102 = tpu.memref_slice %arg6[%dma_wait3A_100, %dma_wait3A_101] : memref<4x128xi32, #tpu.memory_space<vmem>> -> memref<1x128xi32, #tpu.memory_space<vmem>>
      %dma_wait3A_103 = tpu.memref_squeeze %dma_wait3A_102 : memref<1x128xi32, #tpu.memory_space<vmem>> -> memref<128xi32, #tpu.memory_space<vmem>>
      %dma_wait3A_104 = arith.constant 0 : i32
      %dma_wait3A_105 = arith.constant 0 : i32
      %dma_wait3A_106 = tpu.memref_slice %arg5[%dma_wait3A_104, %dma_wait3A_105] : memref<50176x16xf32, #tpu.memory_space<vmem_shared>> -> memref<50176x16xf32, #tpu.memory_space<vmem_shared>>
      tpu.wait_indirect_dma semaphore(%arg9 : memref<!tpu.dma_semaphore, #tpu.memory_space<semaphore_mem>>) src(%arg7 : memref<128x16xf32, #tpu.memory_space<vmem>>) dst(%dma_wait3A_106 : memref<50176x16xf32, #tpu.memory_space<vmem_shared>>)
      %scan3A_107 = arith.constant 0 : i32
      scf.yield %scan3A_107 : i32
    }
    %scan3A_31 = arith.constant 49 : i32
    %barrier3A_32 = arith.constant 0 : index
    tpu.barrier barrier_id(%barrier3A_32)
    %scan3A_33 = arith.constant 0 : i32
    %scan3A_34 = arith.constant 0 : i32
    %scan3A_35 = arith.constant 16 : i32
    %scan3A_36 = arith.addi %scan3A_34, %scan3A_35 : i32
    %scan3A_37 = arith.constant 1 : i32
    %scan3A_38 = scf.for %scan3A_40 = %scan3A_34 to %scan3A_36 step %scan3A_37 iter_args(%scan3A_41 = %scan3A_33) -> (i32)  : i32 {
      %mul3A_42 = arith.constant 196 : i32
      %mul3A_43 = arith.muli %scan3A_40, %mul3A_42 : i32
      %add3A_44 = arith.addi %mul3A_13, %mul3A_43 : i32
      "tpu.region"() ({
        %run_scoped3A = tpu.sem_alloc : memref<!tpu.dma_semaphore, #tpu.memory_space<semaphore_mem>>
        %dma_start3A = arith.constant 0 : i32
        %dma_start3A_53 = tpu.memref_slice %arg5[%add3A_44, %dma_start3A] : memref<50176x16xf32, #tpu.memory_space<vmem_shared>> -> memref<196x16xf32, #tpu.memory_space<vmem_shared>>
        %dma_start3A_54 = arith.constant 0 : i32
        %dma_start3A_55 = tpu.memref_slice %arg5[%add3A_44, %dma_start3A_54] : memref<50176x16xf32, #tpu.memory_space<vmem_shared>> -> memref<196x16xf32, #tpu.memory_space<vmem_shared>>
        tpu.enqueue_dma source(%dma_start3A_55 : memref<196x16xf32, #tpu.memory_space<vmem_shared>>) target(%arg8 : memref<196x16xf32, #tpu.memory_space<vmem>>) target_semaphore(%run_scoped3A : memref<!tpu.dma_semaphore, #tpu.memory_space<semaphore_mem>>)
        %dma_wait3A = arith.constant 0 : i32
        %dma_wait3A_56 = tpu.memref_slice %arg5[%add3A_44, %dma_wait3A] : memref<50176x16xf32, #tpu.memory_space<vmem_shared>> -> memref<196x16xf32, #tpu.memory_space<vmem_shared>>
        %dma_wait3A_57 = arith.constant 0 : i32
        %dma_wait3A_58 = tpu.memref_slice %arg5[%add3A_44, %dma_wait3A_57] : memref<50176x16xf32, #tpu.memory_space<vmem_shared>> -> memref<196x16xf32, #tpu.memory_space<vmem_shared>>
        tpu.wait_dma2 semaphore(%run_scoped3A : memref<!tpu.dma_semaphore, #tpu.memory_space<semaphore_mem>>) src(%dma_wait3A_58 : memref<196x16xf32, #tpu.memory_space<vmem_shared>>) dst(%arg8 : memref<196x16xf32, #tpu.memory_space<vmem>>)
        tpu.yield
      }) : () -> ()
      %eq3A = arith.constant 0 : i32
      %eq3A_45 = arith.cmpi eq, %arg0, %eq3A : i32
      %convert_element_type3A = arith.extui %eq3A_45 : i1 to i32
      %cond3A = arith.constant 0 : i32
      %cond3A_46 = arith.cmpi ne, %convert_element_type3A, %cond3A : i32
      scf.if %cond3A_46 {
        "tpu.region"() ({
          %run_scoped3A = tpu.sem_alloc : memref<!tpu.dma_semaphore, #tpu.memory_space<semaphore_mem>>
          %dma_start3A = arith.constant 0 : i32
          %dma_start3A_53 = tpu.memref_slice %arg3[%add3A_44, %dma_start3A] : memref<50176x16xf32, #tpu.memory_space<hbm>> -> memref<196x16xf32, #tpu.memory_space<hbm>>
          %dma_start3A_54 = arith.constant 0 : i32
          %dma_start3A_55 = tpu.memref_slice %arg3[%add3A_44, %dma_start3A_54] : memref<50176x16xf32, #tpu.memory_space<hbm>> -> memref<196x16xf32, #tpu.memory_space<hbm>>
          tpu.enqueue_dma source(%arg8 : memref<196x16xf32, #tpu.memory_space<vmem>>) target(%dma_start3A_55 : memref<196x16xf32, #tpu.memory_space<hbm>>) target_semaphore(%run_scoped3A : memref<!tpu.dma_semaphore, #tpu.memory_space<semaphore_mem>>)
          %dma_wait3A = arith.constant 0 : i32
          %dma_wait3A_56 = tpu.memref_slice %arg3[%add3A_44, %dma_wait3A] : memref<50176x16xf32, #tpu.memory_space<hbm>> -> memref<196x16xf32, #tpu.memory_space<hbm>>
          %dma_wait3A_57 = arith.constant 0 : i32
          %dma_wait3A_58 = tpu.memref_slice %arg3[%add3A_44, %dma_wait3A_57] : memref<50176x16xf32, #tpu.memory_space<hbm>> -> memref<196x16xf32, #tpu.memory_space<hbm>>
          tpu.wait_dma2 semaphore(%run_scoped3A : memref<!tpu.dma_semaphore, #tpu.memory_space<semaphore_mem>>) src(%arg8 : memref<196x16xf32, #tpu.memory_space<vmem>>) dst(%dma_wait3A_58 : memref<196x16xf32, #tpu.memory_space<hbm>>)
          tpu.yield
        }) : () -> ()
      } else {
      }
      %eq3A_47 = arith.constant 1 : i32
      %eq3A_48 = arith.cmpi eq, %arg0, %eq3A_47 : i32
      %convert_element_type3A_49 = arith.extui %eq3A_48 : i1 to i32
      %cond3A_50 = arith.constant 0 : i32
      %cond3A_51 = arith.cmpi ne, %convert_element_type3A_49, %cond3A_50 : i32
      scf.if %cond3A_51 {
        "tpu.region"() ({
          %run_scoped3A = tpu.sem_alloc : memref<!tpu.dma_semaphore, #tpu.memory_space<semaphore_mem>>
          %dma_start3A = arith.constant 0 : i32
          %dma_start3A_53 = tpu.memref_slice %arg4[%add3A_44, %dma_start3A] : memref<50176x16xf32, #tpu.memory_space<hbm>> -> memref<196x16xf32, #tpu.memory_space<hbm>>
          %dma_start3A_54 = arith.constant 0 : i32
          %dma_start3A_55 = tpu.memref_slice %arg4[%add3A_44, %dma_start3A_54] : memref<50176x16xf32, #tpu.memory_space<hbm>> -> memref<196x16xf32, #tpu.memory_space<hbm>>
          tpu.enqueue_dma source(%arg8 : memref<196x16xf32, #tpu.memory_space<vmem>>) target(%dma_start3A_55 : memref<196x16xf32, #tpu.memory_space<hbm>>) target_semaphore(%run_scoped3A : memref<!tpu.dma_semaphore, #tpu.memory_space<semaphore_mem>>)
          %dma_wait3A = arith.constant 0 : i32
          %dma_wait3A_56 = tpu.memref_slice %arg4[%add3A_44, %dma_wait3A] : memref<50176x16xf32, #tpu.memory_space<hbm>> -> memref<196x16xf32, #tpu.memory_space<hbm>>
          %dma_wait3A_57 = arith.constant 0 : i32
          %dma_wait3A_58 = tpu.memref_slice %arg4[%add3A_44, %dma_wait3A_57] : memref<50176x16xf32, #tpu.memory_space<hbm>> -> memref<196x16xf32, #tpu.memory_space<hbm>>
          tpu.wait_dma2 semaphore(%run_scoped3A : memref<!tpu.dma_semaphore, #tpu.memory_space<semaphore_mem>>) src(%arg8 : memref<196x16xf32, #tpu.memory_space<vmem>>) dst(%dma_wait3A_58 : memref<196x16xf32, #tpu.memory_space<hbm>>)
          tpu.yield
        }) : () -> ()
      } else {
      }
      %scan3A_52 = arith.constant 0 : i32
      scf.yield %scan3A_52 : i32
    }
    %scan3A_39 = arith.constant 16 : i32
    return
  }
}

module attributes {stable_mosaic.version = 14 : i64} {
  func.func @_mm1_body(%arg0: i32, %arg1: memref<1433x1024xf32, #tpu.memory_space<vmem>>, %arg2: memref<1433x128xf32, #tpu.memory_space<vmem>>, %arg3: memref<1024x128xf32, #tpu.memory_space<vmem>>) attributes {dimension_semantics = [#tpu.dimension_semantics<arbitrary>], iteration_bounds = array<i64: 49>, scalar_prefetch = 0 : i64, scratch_operands = 0 : i64, tpu.core_type = #tpu.core_type<tc>, window_params = [{transform_indices = @transform_0, window_bounds = array<i64: 1433, 1024>}, {pipeline_mode = #tpu.pipeline_mode<synchronous>, transform_indices = @transform_1, window_bounds = array<i64: 1433, 128>}, {transform_indices = @transform_2, window_bounds = array<i64: 1024, 128>}]} {
    %get3A = arith.constant 0 : index
    %get3A_0 = arith.constant 0 : index
    %get3A_1 = vector.load %arg1[%get3A, %get3A_0] : memref<1433x1024xf32, #tpu.memory_space<vmem>>, vector<1433x1024xf32>
    %get3A_2 = arith.constant 0 : index
    %get3A_3 = arith.constant 0 : index
    %get3A_4 = vector.load %arg2[%get3A_2, %get3A_3] : memref<1433x128xf32, #tpu.memory_space<vmem>>, vector<1433x128xf32>
    %dot_general3A = arith.constant dense<0.000000e+00> : vector<1024x128xf32>
    %dot_general3A_5 = tpu.matmul %get3A_1, %get3A_4, %dot_general3A {dimension_numbers = #tpu.dot_dimension_numbers<[0], [0], [1], [1], [0, 1, 1, 1], [], []>, transpose_lhs_hint = false} : vector<1433x1024xf32>, vector<1433x128xf32>, vector<1024x128xf32> -> vector<1024x128xf32>
    %swap3A = arith.constant 0 : index
    %swap3A_6 = arith.constant 0 : index
    %swap3A_7 = vector.load %arg3[%swap3A, %swap3A_6] : memref<1024x128xf32, #tpu.memory_space<vmem>>, vector<1024x128xf32>
    tpu.vector_store %arg3[%swap3A, %swap3A_6], %dot_general3A_5 {strides = array<i32>} : memref<1024x128xf32, #tpu.memory_space<vmem>>, vector<1024x128xf32>,
    return
  }
  func.func @transform_0(%arg0: i32) -> (i32, i32) {
    %c0_i32 = arith.constant 0 : i32
    %c0_i32_0 = arith.constant 0 : i32
    return %c0_i32, %arg0 : i32, i32
  }
  func.func @transform_1(%arg0: i32) -> (i32, i32) {
    %c0_i32 = arith.constant 0 : i32
    %c0_i32_0 = arith.constant 0 : i32
    %c0_i32_1 = arith.constant 0 : i32
    return %c0_i32, %c0_i32_0 : i32, i32
  }
  func.func @transform_2(%arg0: i32) -> (i32, i32) {
    %c0_i32 = arith.constant 0 : i32
    %c0_i32_0 = arith.constant 0 : i32
    return %arg0, %c0_i32 : i32, i32
  }
}

module attributes {stable_mosaic.version = 14 : i64} {
  func.func @_ep1_body(%arg0: i32, %arg1: memref<2048x32xf32, #tpu.memory_space<vmem>>, %arg2: memref<2048x32xf32, #tpu.memory_space<vmem>>, %arg3: memref<2048x128xf32, #tpu.memory_space<vmem>>, %arg4: memref<64x64xf32, #tpu.memory_space<vmem>>, %arg5: memref<1x64xf32, #tpu.memory_space<vmem>>, %arg6: memref<2048x128xf32, #tpu.memory_space<vmem>>) attributes {dimension_semantics = [#tpu.dimension_semantics<arbitrary>], iteration_bounds = array<i64: 25>, scalar_prefetch = 0 : i64, scratch_operands = 0 : i64, tpu.core_type = #tpu.core_type<tc>, window_params = [{transform_indices = @transform_0, window_bounds = array<i64: 2048, 32>}, {transform_indices = @transform_1, window_bounds = array<i64: 2048, 32>}, {transform_indices = @transform_2, window_bounds = array<i64: 2048, 128>}, {pipeline_mode = #tpu.pipeline_mode<synchronous>, transform_indices = @transform_3, window_bounds = array<i64: 64, 64>}, {pipeline_mode = #tpu.pipeline_mode<synchronous>, transform_indices = @transform_4, window_bounds = array<i64: 1, 64>}, {transform_indices = @transform_5, window_bounds = array<i64: 2048, 128>}]} {
    %get3A = arith.constant 0 : index
    %get3A_0 = arith.constant 0 : index
    %get3A_1 = vector.load %arg1[%get3A, %get3A_0] : memref<2048x32xf32, #tpu.memory_space<vmem>>, vector<2048x32xf32>
    %get3A_2 = arith.constant 0 : index
    %get3A_3 = arith.constant 0 : index
    %get3A_4 = vector.load %arg2[%get3A_2, %get3A_3] : memref<2048x32xf32, #tpu.memory_space<vmem>>, vector<2048x32xf32>
    %concatenate3A = tpu.concatenate %get3A_1, %get3A_4 in 1 : vector<2048x32xf32>, vector<2048x32xf32> -> vector<2048x64xf32>
    %get3A_5 = arith.constant 0 : index
    %get3A_6 = arith.constant 0 : index
    %get3A_7 = vector.load %arg5[%get3A_5, %get3A_6] : memref<1x64xf32, #tpu.memory_space<vmem>>, vector<1x64xf32>
    %add3A = vector.broadcast %get3A_7 : vector<1x64xf32> to vector<2048x64xf32>
    %add3A_8 = arith.addf %concatenate3A, %add3A : vector<2048x64xf32>
    %get3A_9 = arith.constant 0 : index
    %get3A_10 = arith.constant 0 : index
    %get3A_11 = vector.load %arg3[%get3A_9, %get3A_10] : memref<2048x128xf32, #tpu.memory_space<vmem>>, vector<2048x128xf32>
    %slice3A = vector.extract_strided_slice %get3A_11 {offsets = [0, 64], sizes = [2048, 64], strides = [1, 1]} : vector<2048x128xf32> to vector<2048x64xf32>
    %add3A_12 = arith.addf %add3A_8, %slice3A : vector<2048x64xf32>
    %get3A_13 = arith.constant 0 : index
    %get3A_14 = arith.constant 0 : index
    %get3A_15 = vector.load %arg4[%get3A_13, %get3A_14] : memref<64x64xf32, #tpu.memory_space<vmem>>, vector<64x64xf32>
    %dot_general3A = arith.constant dense<0.000000e+00> : vector<2048x64xf32>
    %dot_general3A_16 = tpu.matmul %add3A_12, %get3A_15, %dot_general3A {dimension_numbers = #tpu.dot_dimension_numbers<[1], [0], [0], [1], [0, 0, 1, 1], [], []>, transpose_lhs_hint = false} : vector<2048x64xf32>, vector<64x64xf32>, vector<2048x64xf32> -> vector<2048x64xf32>
    %broadcast_in_dim3A = arith.constant 0.000000e+00 : f32
    %broadcast_in_dim3A_17 = vector.broadcast %broadcast_in_dim3A : f32 to vector<2048x64xf32>
    %concatenate3A_18 = tpu.concatenate %dot_general3A_16, %broadcast_in_dim3A_17 in 1 : vector<2048x64xf32>, vector<2048x64xf32> -> vector<2048x128xf32>
    %swap3A = arith.constant 0 : index
    %swap3A_19 = arith.constant 0 : index
    %swap3A_20 = vector.load %arg6[%swap3A, %swap3A_19] : memref<2048x128xf32, #tpu.memory_space<vmem>>, vector<2048x128xf32>
    tpu.vector_store %arg6[%swap3A, %swap3A_19], %concatenate3A_18 {strides = array<i32>} : memref<2048x128xf32, #tpu.memory_space<vmem>>, vector<2048x128xf32>,
    return
  }
  func.func @transform_0(%arg0: i32) -> (i32, i32) {
    %c0_i32 = arith.constant 0 : i32
    %c0_i32_0 = arith.constant 0 : i32
    return %arg0, %c0_i32 : i32, i32
  }
  func.func @transform_1(%arg0: i32) -> (i32, i32) {
    %c0_i32 = arith.constant 0 : i32
    %c0_i32_0 = arith.constant 0 : i32
    return %arg0, %c0_i32 : i32, i32
  }
  func.func @transform_2(%arg0: i32) -> (i32, i32) {
    %c0_i32 = arith.constant 0 : i32
    %c0_i32_0 = arith.constant 0 : i32
    return %arg0, %c0_i32 : i32, i32
  }
  func.func @transform_3(%arg0: i32) -> (i32, i32) {
    %c0_i32 = arith.constant 0 : i32
    %c0_i32_0 = arith.constant 0 : i32
    %c0_i32_1 = arith.constant 0 : i32
    return %c0_i32, %c0_i32_0 : i32, i32
  }
  func.func @transform_4(%arg0: i32) -> (i32, i32) {
    %c0_i32 = arith.constant 0 : i32
    %c0_i32_0 = arith.constant 0 : i32
    %c0_i32_1 = arith.constant 0 : i32
    return %c0_i32, %c0_i32_0 : i32, i32
  }
  func.func @transform_5(%arg0: i32) -> (i32, i32) {
    %c0_i32 = arith.constant 0 : i32
    %c0_i32_0 = arith.constant 0 : i32
    return %arg0, %c0_i32 : i32, i32
  }
}

module attributes {stable_mosaic.version = 14 : i64} {
  func.func @_ep2_body(%arg0: i32, %arg1: memref<2048x16xf32, #tpu.memory_space<vmem>>, %arg2: memref<2048x16xf32, #tpu.memory_space<vmem>>, %arg3: memref<2048x128xf32, #tpu.memory_space<vmem>>, %arg4: memref<1x32xf32, #tpu.memory_space<vmem>>, %arg5: memref<2048x32xf32, #tpu.memory_space<vmem>>) attributes {dimension_semantics = [#tpu.dimension_semantics<arbitrary>], iteration_bounds = array<i64: 25>, scalar_prefetch = 0 : i64, scratch_operands = 0 : i64, tpu.core_type = #tpu.core_type<tc>, window_params = [{transform_indices = @transform_0, window_bounds = array<i64: 2048, 16>}, {transform_indices = @transform_1, window_bounds = array<i64: 2048, 16>}, {transform_indices = @transform_2, window_bounds = array<i64: 2048, 128>}, {pipeline_mode = #tpu.pipeline_mode<synchronous>, transform_indices = @transform_3, window_bounds = array<i64: 1, 32>}, {transform_indices = @transform_4, window_bounds = array<i64: 2048, 32>}]} {
    %get3A = arith.constant 0 : index
    %get3A_0 = arith.constant 0 : index
    %get3A_1 = vector.load %arg1[%get3A, %get3A_0] : memref<2048x16xf32, #tpu.memory_space<vmem>>, vector<2048x16xf32>
    %get3A_2 = arith.constant 0 : index
    %get3A_3 = arith.constant 0 : index
    %get3A_4 = vector.load %arg2[%get3A_2, %get3A_3] : memref<2048x16xf32, #tpu.memory_space<vmem>>, vector<2048x16xf32>
    %concatenate3A = tpu.concatenate %get3A_1, %get3A_4 in 1 : vector<2048x16xf32>, vector<2048x16xf32> -> vector<2048x32xf32>
    %get3A_5 = arith.constant 0 : index
    %get3A_6 = arith.constant 0 : index
    %get3A_7 = vector.load %arg4[%get3A_5, %get3A_6] : memref<1x32xf32, #tpu.memory_space<vmem>>, vector<1x32xf32>
    %add3A = vector.broadcast %get3A_7 : vector<1x32xf32> to vector<2048x32xf32>
    %add3A_8 = arith.addf %concatenate3A, %add3A : vector<2048x32xf32>
    %get3A_9 = arith.constant 0 : index
    %get3A_10 = arith.constant 0 : index
    %get3A_11 = vector.load %arg3[%get3A_9, %get3A_10] : memref<2048x128xf32, #tpu.memory_space<vmem>>, vector<2048x128xf32>
    %slice3A = vector.extract_strided_slice %get3A_11 {offsets = [0, 32], sizes = [2048, 32], strides = [1, 1]} : vector<2048x128xf32> to vector<2048x32xf32>
    %add3A_12 = arith.addf %add3A_8, %slice3A : vector<2048x32xf32>
    %max3A = arith.constant 0.000000e+00 : f32
    %max3A_13 = vector.broadcast %max3A : f32 to vector<2048x32xf32>
    %max3A_14 = arith.maximumf %add3A_12, %max3A_13 : vector<2048x32xf32>
    %reduce_max3A = arith.constant dense<0xFF800000> : vector<2048xf32>
    %reduce_max3A_15 = vector.multi_reduction <maximumf>, %max3A_14, %reduce_max3A [1] : vector<2048x32xf32> to vector<2048xf32>
    %broadcast_in_dim3A = vector.shape_cast %reduce_max3A_15 : vector<2048xf32> to vector<2048x1xf32>
    %sub3A = vector.broadcast %broadcast_in_dim3A : vector<2048x1xf32> to vector<2048x32xf32>
    %sub3A_16 = arith.subf %max3A_14, %sub3A : vector<2048x32xf32>
    %exp3A = math.exp %sub3A_16 : vector<2048x32xf32>
    %reduce_sum3A = arith.constant dense<0.000000e+00> : vector<2048xf32>
    %reduce_sum3A_17 = vector.multi_reduction <add>, %exp3A, %reduce_sum3A [1] : vector<2048x32xf32> to vector<2048xf32>
    %broadcast_in_dim3A_18 = vector.shape_cast %reduce_sum3A_17 : vector<2048xf32> to vector<2048x1xf32>
    %log3A = math.log %broadcast_in_dim3A_18 : vector<2048x1xf32>
    %add3A_19 = arith.addf %log3A, %broadcast_in_dim3A : vector<2048x1xf32>
    %sub3A_20 = vector.broadcast %add3A_19 : vector<2048x1xf32> to vector<2048x32xf32>
    %sub3A_21 = arith.subf %max3A_14, %sub3A_20 : vector<2048x32xf32>
    %swap3A = arith.constant 0 : index
    %swap3A_22 = arith.constant 0 : index
    %swap3A_23 = vector.load %arg5[%swap3A, %swap3A_22] : memref<2048x32xf32, #tpu.memory_space<vmem>>, vector<2048x32xf32>
    tpu.vector_store %arg5[%swap3A, %swap3A_22], %sub3A_21 {strides = array<i32>} : memref<2048x32xf32, #tpu.memory_space<vmem>>, vector<2048x32xf32>,
    return
  }
  func.func @transform_0(%arg0: i32) -> (i32, i32) {
    %c0_i32 = arith.constant 0 : i32
    %c0_i32_0 = arith.constant 0 : i32
    return %arg0, %c0_i32 : i32, i32
  }
  func.func @transform_1(%arg0: i32) -> (i32, i32) {
    %c0_i32 = arith.constant 0 : i32
    %c0_i32_0 = arith.constant 0 : i32
    return %arg0, %c0_i32 : i32, i32
  }
  func.func @transform_2(%arg0: i32) -> (i32, i32) {
    %c0_i32 = arith.constant 0 : i32
    %c0_i32_0 = arith.constant 0 : i32
    return %arg0, %c0_i32 : i32, i32
  }
  func.func @transform_3(%arg0: i32) -> (i32, i32) {
    %c0_i32 = arith.constant 0 : i32
    %c0_i32_0 = arith.constant 0 : i32
    %c0_i32_1 = arith.constant 0 : i32
    return %c0_i32, %c0_i32_0 : i32, i32
  }
  func.func @transform_4(%arg0: i32) -> (i32, i32) {
    %c0_i32 = arith.constant 0 : i32
    %c0_i32_0 = arith.constant 0 : i32
    return %arg0, %c0_i32 : i32, i32
  }
}

</mosaic_0001>

<sc_bundles>
// kernel: kernel.11.cloned.1.call-start
scs
__scs_entry_jumppad:
0x0: {  	(pc) =	sbr.rel $0x88, $3  }
0x1: {  	(tag) =	ssettag $0x0;
	lr =	simm.s32 $0x1  }
0x2: {  	[smem:$0x3F99] =	sst lr;
	_ =	strace $0xD0000000  }
0x3: {  	_ = 	snop  }
0x4: {  	_ = 	snop  }
0x5: {  	_ = 	snop  }
0x6: {  	_ = 	snop  }
0x7: {  	_ = 	snop  }
__scs_overlays_trampoline_lowered:
0x8: {  	[smem:$0x3FA8] =	sst s0  }
0x9: {  	[smem:$0x3FA9] =	sst s1  }
0xa: {  	[smem:$0x3FAA] =	sst s2  }
0xb: {  	[smem:$0x3FAB] =	sst s3  }
0xc: {  	[smem:$0x3FAC] =	sst s4  }
0xd: {  	[smem:$0x3FAD] =	sst s5  }
0xe: {  	[smem:$0x3FAE] =	sst s6  }
0xf: {  	[smem:$0x3FAF] =	sst s7  }
0x10: {  	[smem:$0x3FB0] =	sst s8  }
0x11: {  	[smem:$0x3FB1] =	sst s9;
	s0 =	simm.s32 @!p0 $0x0  }
0x12: {  	s1 =	sld [smem:$0x3F97];
	s0 =	simm.s32 @p0 $0x1  }
0x13: {  	[smem:$0x3FB2] =	sst s0;
	s0 =	simm.s32 @!p1 $0x0  }
0x14: {  	s2 =	sld [smem:$0x3F96];
	s0 =	simm.s32 @p1 $0x1  }
0x15: {  	[smem:$0x3FB3] =	sst s0;
	s0 =	simm.s32 @!p2 $0x0  }
0x16: {  	s3 =	sld [smem:$0x3FDB];
	s0 =	simm.s32 @p2 $0x1  }
0x17: {  	s4 =	simm.s32 $0x1BF5;
	[smem:$0x3FB5] =	sst s0  }
0x18: {  	s0 =	sld [smem:$0x3F98];
	_ =	swait.ge [sflag:s4], $0x0  }
0x19: {  	s7 =	sld [smem:$0x3F99]  }
0x1a: {  	s8 =	sadd.s32 $0xFFFFE003, lr  }
0x1b: {  	s9 =	sadd.s32 $0xFFFFFEF7, lr;
	s5 =	simm.s32 $0xFFFFFFFF;
	p2 =	slt.u32 s8, $0xFFFFF086  }
0x1c: {  	p1 =	slt.u32 s9, $0xF7A;
	s5 =	simm.s32 @!p2 $0x0  }
0x1d: {  	s5 =	simm.s32 @p1 $0x1;
	p0 =	seq.s32 s7, s2  }
0x1e: {  	s7 =	smul.u32 @!p0 $0xF7A, s2;
	p2 =	seq.s32 @!p0 s5, $0x0  }
0x1f: {  	s9 =	smul.u32 $0xF7A, s1;
	s8 =	simm.s32 @!p0 $0x1BF5;
	p2 =	por !p2, p0  }
0x20: {  	[sflag:s8] =	ssyncset.s32 @!p0 $0xFFFFF086;
	s6 =	sadd.s32 @!p0 s3, s7;
	s7 =	simm.s32 @!p0 $0x108  }
0x21: {  	s3 =	sadd.s32 s3, s9;
	s6 =	sadd.s32 @!p0 $0x88, s6;
	s7 =	simm.s32 @p2 $0x1082  }
0x22: {  	[simem:s7], [sflag:s8] =	dma.local @!p0 [hbm:s6], $0xF7A  }
0x23: {  	s9 =	sor.u32 $0xD0000000, s2;
	s6 =	simm.s32 $0x108;
	_ =	swait.ge @!p0 [sflag:s8], $0x0  }
0x24: {  	s3 =	sadd.s32 $0x88, s3;
	s6 =	simm.s32 @!p1 $0x1082;
	[sflag:s4] =	ssyncset.s32 $0xFFFFF086  }
0x25: {  	[simem:s6], [sflag:s4] =	dma.local [hbm:s3], $0xF7A  }
0x26: {  	[smem:$0x3F99] =	sst s1;
	(tag) =	ssettag s2;
	_ =	strace s9  }
0x27: {  	s1 =	sld [smem:$0x3FA9]  }
0x28: {  	s2 =	sld [smem:$0x3FAA]  }
0x29: {  	s4 =	sld [smem:$0x3FAC]  }
0x2a: {  	p0 =	seq.s32 s5, $0x0;
	s5 =	sld [smem:$0x3FAD]  }
0x2b: {  	s6 =	sld [smem:$0x3FAE]  }
0x2c: {  	s7 =	sld [smem:$0x3FAF]  }
0x2d: {  	s3 =	simm.s32 $0x108;
	s8 =	sld [smem:$0x3FB0]  }
0x2e: {  	s3 =	simm.s32 @!p0 $0x1082;
	s9 =	sld [smem:$0x3FB1]  }
0x2f: {  	lr =	sadd.s32 s0, s3;
	s0 =	sld [smem:$0x3FA8]  }
0x30: {  	s3 =	sld [smem:$0x3FAB]  }
0x31: {  	[smem:$0x3FB4] =	sst s10  }
0x32: {  	s10 =	sld [smem:$0x3FB2];
	_ =	sdelay $0x3  }
0x33: {  	p0 =	seq.s32 s10, $0x1;
	s10 =	sld [smem:$0x3FB4];
	_ =	sdelay $0x3  }
0x34: {  	[smem:$0x3FB4] =	sst s10  }
0x35: {  	s10 =	sld [smem:$0x3FB3];
	_ =	sdelay $0x3  }
0x36: {  	p1 =	seq.s32 s10, $0x1;
	s10 =	sld [smem:$0x3FB4];
	_ =	sdelay $0x3  }
0x37: {  	[smem:$0x3FB4] =	sst s10  }
0x38: {  	s10 =	sld [smem:$0x3FB5]  }
0x39: {  	_ = 	snop;
	(pc) =	sbr.ind lr, $3  }
0x3a: {  	_ = 	snop  }
0x3b: {  	_ = 	snop  }
0x3c: {  	p2 =	seq.s32 s10, $0x1;
	s10 =	sld [smem:$0x3FB4]  }
0x3d: {  	_ =	shalt  }
0x3e: {  	_ =	shalt  }
0x3f: {  	_ =	shalt  }
0x40: {  	_ =	shalt  }
0x41: {  	_ =	shalt  }
0x42: {  	_ =	shalt  }
0x43: {  	_ =	shalt  }
0x44: {  	_ =	shalt  }
0x45: {  	_ =	shalt  }
0x46: {  	_ =	shalt  }
0x47: {  	_ =	shalt  }
0x48: {  	_ =	shalt  }
0x49: {  	_ =	shalt  }
0x4a: {  	_ =	shalt  }
0x4b: {  	_ =	shalt  }
0x4c: {  	_ =	shalt  }
0x4d: {  	_ =	shalt  }
0x4e: {  	_ =	shalt  }
0x4f: {  	_ =	shalt  }
0x50: {  	_ =	shalt  }
0x51: {  	_ =	shalt  }
0x52: {  	_ =	shalt  }
0x53: {  	_ =	shalt  }
0x54: {  	_ =	shalt  }
0x55: {  	_ =	shalt  }
0x56: {  	_ =	shalt  }
0x57: {  	_ =	shalt  }
0x58: {  	_ =	shalt  }
0x59: {  	_ =	shalt  }
0x5a: {  	_ =	shalt  }
0x5b: {  	_ =	shalt  }
0x5c: {  	_ =	shalt  }
0x5d: {  	_ =	shalt  }
0x5e: {  	_ =	shalt  }
0x5f: {  	_ =	shalt  }
0x60: {  	_ =	shalt  }
0x61: {  	_ =	shalt  }
0x62: {  	_ =	shalt  }
0x63: {  	_ =	shalt  }
0x64: {  	_ =	shalt  }
0x65: {  	_ =	shalt  }
0x66: {  	_ =	shalt  }
0x67: {  	_ =	shalt  }
0x68: {  	_ =	shalt  }
0x69: {  	_ =	shalt  }
0x6a: {  	_ =	shalt  }
0x6b: {  	_ =	shalt  }
0x6c: {  	_ =	shalt  }
0x6d: {  	_ =	shalt  }
0x6e: {  	_ =	shalt  }
0x6f: {  	_ =	shalt  }
0x70: {  	_ =	shalt  }
0x71: {  	_ =	shalt  }
0x72: {  	_ =	shalt  }
0x73: {  	_ =	shalt  }
0x74: {  	_ =	shalt  }
0x75: {  	_ =	shalt  }
0x76: {  	_ =	shalt  }
0x77: {  	_ =	shalt  }
0x78: {  	_ =	shalt  }
0x79: {  	_ =	shalt  }
0x7a: {  	_ =	shalt  }
0x7b: {  	_ =	shalt  }
0x7c: {  	_ =	shalt  }
0x7d: {  	_ =	shalt  }
0x7e: {  	_ =	shalt  }
0x7f: {  	_ =	shalt  }
0x80: {  	_ =	shalt  }
0x81: {  	_ =	shalt  }
0x82: {  	_ =	shalt  }
0x83: {  	_ =	shalt  }
0x84: {  	_ =	shalt  }
0x85: {  	_ =	shalt  }
0x86: {  	_ =	shalt  }
0x87: {  	_ =	shalt  }
.Lfunc_end0:
.L_simem_size_0:
called_computation.1_lowered:
.L_overlay_start_0:
0x88: {  	s2 =	sld [smem:$0x3FD9]  }
0x89: {  	s3 =	sld [smem:$0x3FFE];
	_ =	sdelay $0x1  }
0x8a: {  	s1 =	srdreg.scid  }
0x8b: {  	s0 =	sand.u32 $0x1, s1  }
0x8c: {  	s16 =	sshll.u32 s0, $0xA;
	s2 =	sadd.s32 s3, s2  }
0x8d: {  	s2 =	sadd.s32 s2, s16  }
0x8e: {  	[smem:$0x3FC0] =	sst s2  }
0x8f: {  	_ = 	snop  }
0x90: {  	(tm) =	ssettm $0x1  }
0x91: {  	s17 =	sld [smem:$0x3FFB];
	_ =	sdelay $0x3  }
0x92: {  	_ =	strace s17  }
0x93: {  	s2 =	sld [smem:$0x3FFC];
	_ =	sdelay $0x3  }
0x94: {  	_ =	strace s2  }
0x95: {  	s2 =	sld [smem:$0x3FFD];
	_ =	sdelay $0x3  }
0x96: {  	_ =	strace s2  }
0x97: {  	_ =	strace $0x8FFFFFFF  }
0x98: {  	s18 =	sld [smem:$0x3FDB];
	_ =	sdelay $0x1  }
0x99: {  	s19 =	simm.s32 $_scs_section_size  }
0x9a: {  	s4 =	simm.s32 $_size__tile_overlayer_lowered;
	s5 =	simm.s32 $_tile_overlayer_lowered  }
0x9b: {  	s22 =	simm.s32 $0x1BFF;
	s21 =	sshll.u32 s5, $0x1;
	s2 =	sadd.s32 s19, s18  }
0x9c: {  	s6 =	simm.s32 $0x0;
	s20 =	sshll.u32 s4, $0x1;
	s4 =	sadd.s32 s21, s2  }
0x9d: {  	[timem:s6], [sflag:s22] =	dma.local [hbm:s4], s20  }
0x9e: {  	_ =	swait.ge [sflag:s22], s20  }
0x9f: {  	s3 =	ssub.s32 $0x0, s20;
	[sflag:s22] =	ssyncset.done $0x0  }
0xa0: {  	[sflag:s22] =	ssyncadd.s32 s3;
	_ =	sdelay $0x1  }
0xa1: {  	s23 =	simm.s32 $0x1B8B  }
0xa2: {  	_ =	swait.ge [sflag:s23], $0x1  }
0xa3: {  	[sflag:s23] =	ssyncset.done $0x0  }
0xa4: {  	s25 =	simm.s32 $0x1B8E;
	s24 =	sld [smem:$0x3FFE];
	[sflag:s23] =	ssyncadd.s32 $0xFFFFFFFF  }
0xa5: {  	s26 =	simm.s32 $execute0_lowered;
	[smem:$0x3FD2] =	sst s25  }
0xa6: {  	s4 =	sshll.u32 s26, $0x1;
	_ =	strace $0x80000049;
	[dreg:$0x1] =	wrdreg $0xFFFFFFFF  }
0xa7: {  	s28 =	simm.s32 $_size_execute0_lowered;
	s2 =	sadd.s32 s2, s4;
	[dreg:$0x0] =	wrdreg $0x0  }
0xa8: {  	s4 =	sshll.u32 s28, $0x1;
	[dreg:$0x2] =	wrdreg s2  }
0xa9: {  	[dreg:$0x3] =	wrdreg s4  }
0xaa: {  	[dreg:$0x4] =	wrdreg $0xC0  }
0xab: {  	_ =	task [dreg:s6], $0x5FFFF  }
0xac: {  	[dreg:$0x1] =	wrdreg $0xFFFFFFFF  }
0xad: {  	[dreg:$0x0] =	wrdreg $0x60  }
0xae: {  	[dreg:$0x2] =	wrdreg s24  }
0xaf: {  	[dreg:$0x3] =	wrdreg $0x0  }
0xb0: {  	[dreg:$0x4] =	wrdreg $0x9  }
0xb1: {  	_ =	task.clear_ibuf [dreg:s6], $0x5FFFF;
	_ =	strace $0x90000049  }
0xb2: {  	s29 =	simm.s32 $0x9;
	_ =	strace $0x8000004B  }
0xb3: {  	_ =	swait.ge [sflag:s29], $0x1  }
0xb4: {  	[sflag:s29] =	ssyncadd.s32 $0xFFFFFFFF  }
0xb5: {  	_ =	strace $0x9000004B  }
0xb6: {  	_ =	sfence  }
0xb7: {  	s30 =	sld [smem:$0x0];
	_ =	sdelay $0x2  }
0xb8: {  	s31 =	sshll.u32 s1, $0xD;
	s1 =	sshrl.u32 s1, $0x2  }
0xb9: {  	s3 =	sand.u32 $0x4000, s31;
	s1 =	sadd.s32 s1, s30  }
0xba: {  	s0 =	sor.u32 s3, s0;
	s1 =	sshll.u32 s1, $0x11  }
0xbb: {  	s0 =	sor.u32 s1, s0  }
0xbc: {  	s0 =	sadd.s32 $0x8F2B, s0  }
0xbd: {  	[sflag:s0] =	ssyncadd.remote.s32 $0x1  }
0xbe: {  	_ =	sfence.sel $0xFFFF  }
0xbf: {  	[dreg:$0x0] =	wrdreg $0xFFFFFFFF;
	(pc) =	sbr.abs _section_cstart, $3  }
0xc0: {  	[dreg:$0x1] =	wrdreg $0xFFFFFFFF  }
0xc1: {  	_ =	task.clear_ibuf [dreg:s6], $0x2FFFF;
	_ =	strace $0x9FFFFFFF  }
0xc2: {  	(tm) =	ssettm $0x7FFFFFFF  }
0xc3: {  	_ =	shalt  }
tec
execute0_lowered:
.L_overlay_start_1:
0x0: {  	(tag) =	ssettag $0x1  }
0x1: {  	s0 =	rddreg [dreg:$0x0]  }
0x2: {  	s1 =	rddreg [dreg:$0x1];
	s2 =	simm.s32 $0x0;
	s3 =	srdreg.scid  }
0x3: {  	s10 =	stileid.u32;
	[smem:$0x7FF] =	sst s2;
	s7 =	sadd.s32 $0x1AA00, s0  }
0x4: {  	s8 =	sadd.s32 $0x33200, s0;
	_ =	strace $0x8000004A;
	[dreg:$0xe] =	wrdreg s7  }
0x5: {  	s20 =	simm.s32 $0x18880;
	s21 =	simm.s32 $0x18900;
	[dreg:$0xf] =	wrdreg s8  }
0x6: {  	s23 =	simm.s32 $0x18980;
	s25 =	simm.s32 $0x18C80;
	[dreg:$0x5] =	wrdreg s20  }
0x7: {  	s31 =	simm.s32 $0x18D00;
	s3 =	sand.u32 $0x1, s3;
	[dreg:$0x6] =	wrdreg s21  }
0x8: {  	s5 =	sadd.s32 $0x2200, s0;
	s11 =	sadd.s32 $0x159200, s0;
	[dreg:$0x7] =	wrdreg s23  }
0x9: {  	s16 =	smul.u32 $0xC40, s10;
	s4 =	sshll.u32 s3, $0x2;
	[dreg:$0x8] =	wrdreg s25  }
0xa: {  	s15 =	ssub.s32 $0x2, s3;
	s8 =	smul.u32 $0x1880, s10;
	[dreg:$0x9] =	wrdreg s31  }
0xb: {  	p0 =	sne.s32 s3, $0x0;
	s6 =	sadd.s32 s4, s0;
	s4 =	sadd.s32 $0x10FA00, s0  }
0xc: {  	s9 =	sshrl.u32 s15, $0x1;
	[dreg:$0x11] =	wrdreg s16;
	s17 =	sadd.s32 s4, s8  }
0xd: {  	s0 =	sadd.s32 $0x128200, s0;
	s12 =	sadd.s32 s5, s8;
	[dreg:$0x12] =	wrdreg s17  }
0xe: {  	s7 =	ssub.s32 s15, s9;
	s15 =	simm.s32 $0x18A80;
	[dreg:$0x13] =	wrdreg s12  }
0xf: {  	s11 =	smov.u32 @p0 s0;
	[dreg:$0xb] =	wrdreg s15  }
0x10: {  	s7 =	smax.u32 s7, $0x1;
	[dreg:$0x10] =	wrdreg s11  }
0x11: {  	s9 =	sadd.s32 $0x40, s17;
	[dreg:$0x14] =	wrdreg s7  }
0x12: {  	s19 =	sadd.s32 $0x40, s12;
	[dreg:$0x3] =	wrdreg s9  }
0x13: {  	s18 =	smul.u32 $0x62000, s10;
	s12 =	simm.s32 $0x18D80;
	[dreg:$0x4] =	wrdreg s19  }
0x14: {  	s13 =	sadd.s32 $0x4BA00, s6;
	s17 =	simm.s32 $0x18B00;
	[dreg:$0xa] =	wrdreg s12  }
0x15: {  	s6 =	sshrl.u32 s18, $0x2;
	[dreg:$0xc] =	wrdreg s17;
	s19 =	simm.s32 $0x18B80  }
0x16: {  	s9 =	sadd.s32 s6, s1;
	[dreg:$0xd] =	wrdreg s19  }
0x17: {  	s22 =	sadd.s32 $0x1880, s9;
	[dreg:$0x15] =	wrdreg s9  }
0x18: {  	s28 =	simm.s32 $0x18E80;
	s24 =	sadd.s32 $0x3100, s9;
	[dreg:$0x16] =	wrdreg s22  }
0x19: {  	s29 =	simm.s32 $0x18F00;
	s26 =	sadd.s32 $0x4980, s9;
	[dreg:$0x17] =	wrdreg s24  }
0x1a: {  	s30 =	simm.s32 $0x18F80;
	s10 =	sadd.s32 $0x6200, s9;
	[dreg:$0x18] =	wrdreg s26  }
0x1b: {  	s0 =	simm.s32 $0x19000;
	s14 =	sadd.s32 $0x7A80, s9;
	[dreg:$0x19] =	wrdreg s10  }
0x1c: {  	s11 =	simm.s32 $0x1A000;
	s16 =	sadd.s32 $0x9300, s9;
	[dreg:$0x1a] =	wrdreg s14  }
0x1d: {  	s17 =	simm.s32 $0x1;
	s18 =	sadd.s32 $0xAB80, s9;
	[dreg:$0x1b] =	wrdreg s16  }
0x1e: {  	s12 =	simm.s32 $0x1B000;
	s20 =	sadd.s32 $0xC400, s9;
	[dreg:$0x1c] =	wrdreg s18  }
0x1f: {  	s6 =	simm.s32 $0x0;
	s21 =	sadd.s32 $0xDC80, s9;
	[dreg:$0x1d] =	wrdreg s20  }
0x20: {  	s23 =	sadd.s32 $0x10D80, s9;
	s25 =	sadd.s32 $0x13E80, s9;
	[dreg:$0x1e] =	wrdreg s21  }
0x21: {  	s31 =	sadd.s32 $0x16F80, s9;
	s19 =	simm.s32 $0x1C000;
	[smem:$0x7F9] =	sst s23  }
0x22: {  	s22 =	sadd.s32 $0xF500, s9;
	s24 =	sadd.s32 $0x12600, s9;
	[smem:$0x7FB] =	sst s25  }
0x23: {  	s26 =	sadd.s32 $0x15700, s9;
	[smem:$0x7FD] =	sst s31;
	s14 =	simm.s32 $0x18800  }
0x24: {  	s16 =	simm.s32 $0x18C00;
	s18 =	simm.s32 $0x80;
	[dreg:$0x1f] =	wrdreg s22  }
0x25: {  	s20 =	simm.s32 $0x18A00;
	s21 =	simm.s32 $0x18E00;
	[smem:$0x7FA] =	sst s24  }
0x26: {  	s23 =	simm.s32 $0x4;
	s25 =	simm.s32 $0x6;
	[smem:$0x7FC] =	sst s26  }
0x27: {  	v0 =	vimm.f32 $0.0e+00;
	s22 =	simm.s32 $0x3;
	s24 =	simm.s32 $0x5;
	s26 =	simm.s32 $0x2  }
.LBB2_1:
0x28: {  	s3 =	simm.s32 $0x19040  }
0x29: {  	[tilespmem:s3+$0xFFFFFFC0] =	vst v0  }
0x2a: {  	[tilespmem:s3+$0x30] =	vst v0  }
0x2b: {  	[tilespmem:s3+$0x20] =	vst v0  }
0x2c: {  	[tilespmem:s3+$0x10] =	vst v0  }
0x2d: {  	[tilespmem:s3+$0x0] =	vst v0  }
0x2e: {  	[tilespmem:s3+$0xFFFFFFF0] =	vst v0  }
0x2f: {  	[smem:$0x7F8] =	sst s6;
	s6 =	simm.s32 $0x0;
	[tilespmem:s3+$0xFFFFFFE0] =	vst v0  }
.LBB2_2:
0x30: {  	s6 =	sadd.s32 $0x4, s6;
	[tilespmem:s3+$0xFFFFFFD0] =	vst v0;
	s3 =	sadd.s32 $0x80, s3  }
0x31: {  	[tilespmem:s3+$0xFFFFFFC0] =	vst v0;
	p1 =	slt.u32 s6, $0xC0  }
0x32: {  	[tilespmem:s3+$0x30] =	vst v0  }
.Ltmp0:
0x33: {  	[tilespmem:s3+$0x20] =	vst v0;
	(pc) =	sbr.rel @p1 .LBB2_2-.Ltmp0, $4  }
0x34: {  	[tilespmem:s3+$0x10] =	vst v0  }
0x35: {  	[tilespmem:s3+$0x0] =	vst v0  }
0x36: {  	[tilespmem:s3+$0xFFFFFFF0] =	vst v0  }
0x37: {  	[tilespmem:s3+$0xFFFFFFE0] =	vst v0  }
0x38: {  	[tilespmem:s3+$0xFFFFFFD0] =	vst v0;
	s9 =	rddreg [dreg:$0x15];
	s6 =	simm.s32 $0x7  }
0x39: {  	[spmem:s9] =	stream.linear.scatter [tilespmem:s0], [sflag:$0x7], $0x1880, $0x38;
	[tilespmem:$0x1E880] =	vst v63  }
0x3a: {  	_ =	swait.ge [sflag:s6], $0x1880  }
0x3b: {  	[sflag:s6] =	ssyncset.done $0x0  }
0x3c: {  	s10 =	rddreg [dreg:$0x16];
	[sflag:s6] =	ssyncadd.s32 $0xFFFFE780  }
0x3d: {  	[spmem:s10] =	stream.linear.scatter [tilespmem:s0], [sflag:$0x7], $0x1880, $0x38;
	[tilespmem:$0x1E880] =	vst v63  }
0x3e: {  	_ =	swait.ge [sflag:s6], $0x1880  }
0x3f: {  	[sflag:s6] =	ssyncset.done $0x0  }
0x40: {  	s15 =	rddreg [dreg:$0x17];
	[sflag:s6] =	ssyncadd.s32 $0xFFFFE780  }
0x41: {  	[spmem:s15] =	stream.linear.scatter [tilespmem:s0], [sflag:$0x7], $0x1880, $0x38;
	[tilespmem:$0x1E880] =	vst v63  }
0x42: {  	_ =	swait.ge [sflag:s6], $0x1880  }
0x43: {  	[sflag:s6] =	ssyncset.done $0x0  }
0x44: {  	s31 =	rddreg [dreg:$0x18];
	[sflag:s6] =	ssyncadd.s32 $0xFFFFE780  }
0x45: {  	[spmem:s31] =	stream.linear.scatter [tilespmem:s0], [sflag:$0x7], $0x1880, $0x38;
	[tilespmem:$0x1E880] =	vst v63  }
0x46: {  	_ =	swait.ge [sflag:s6], $0x1880  }
0x47: {  	[sflag:s6] =	ssyncset.done $0x0  }
0x48: {  	s7 =	rddreg [dreg:$0x19];
	[sflag:s6] =	ssyncadd.s32 $0xFFFFE780  }
0x49: {  	[spmem:s7] =	stream.linear.scatter [tilespmem:s0], [sflag:$0x7], $0x1880, $0x38;
	[tilespmem:$0x1E880] =	vst v63  }
0x4a: {  	_ =	swait.ge [sflag:s6], $0x1880  }
0x4b: {  	[sflag:s6] =	ssyncset.done $0x0  }
0x4c: {  	s9 =	rddreg [dreg:$0x1a];
	[sflag:s6] =	ssyncadd.s32 $0xFFFFE780  }
0x4d: {  	[spmem:s9] =	stream.linear.scatter [tilespmem:s0], [sflag:$0x7], $0x1880, $0x38;
	[tilespmem:$0x1E880] =	vst v63  }
0x4e: {  	_ =	swait.ge [sflag:s6], $0x1880  }
0x4f: {  	[sflag:s6] =	ssyncset.done $0x0  }
0x50: {  	s10 =	rddreg [dreg:$0x1b];
	[sflag:s6] =	ssyncadd.s32 $0xFFFFE780  }
0x51: {  	[spmem:s10] =	stream.linear.scatter [tilespmem:s0], [sflag:$0x7], $0x1880, $0x38;
	[tilespmem:$0x1E880] =	vst v63  }
0x52: {  	_ =	swait.ge [sflag:s6], $0x1880  }
0x53: {  	[sflag:s6] =	ssyncset.done $0x0  }
0x54: {  	s15 =	rddreg [dreg:$0x1c];
	[sflag:s6] =	ssyncadd.s32 $0xFFFFE780  }
0x55: {  	[spmem:s15] =	stream.linear.scatter [tilespmem:s0], [sflag:$0x7], $0x1880, $0x38;
	[tilespmem:$0x1E880] =	vst v63  }
0x56: {  	_ =	swait.ge [sflag:s6], $0x1880  }
0x57: {  	[sflag:s6] =	ssyncset.done $0x0  }
0x58: {  	s31 =	rddreg [dreg:$0x1d];
	[sflag:s6] =	ssyncadd.s32 $0xFFFFE780  }
0x59: {  	[spmem:s31] =	stream.linear.scatter [tilespmem:s0], [sflag:$0x7], $0x1880, $0x38;
	[tilespmem:$0x1E880] =	vst v63  }
0x5a: {  	_ =	swait.ge [sflag:s6], $0x1880  }
0x5b: {  	[sflag:s6] =	ssyncset.done $0x0  }
0x5c: {  	s7 =	rddreg [dreg:$0x1e];
	[sflag:s6] =	ssyncadd.s32 $0xFFFFE780  }
0x5d: {  	[spmem:s7] =	stream.linear.scatter [tilespmem:s0], [sflag:$0x7], $0x1880, $0x38;
	[tilespmem:$0x1E880] =	vst v63  }
0x5e: {  	_ =	swait.ge [sflag:s6], $0x1880  }
0x5f: {  	[sflag:s6] =	ssyncset.done $0x0  }
0x60: {  	s9 =	rddreg [dreg:$0x1f];
	[sflag:s6] =	ssyncadd.s32 $0xFFFFE780  }
0x61: {  	[spmem:s9] =	stream.linear.scatter [tilespmem:s0], [sflag:$0x7], $0x1880, $0x38;
	[tilespmem:$0x1E880] =	vst v63  }
0x62: {  	_ =	swait.ge [sflag:s6], $0x1880  }
0x63: {  	s10 =	sld [smem:$0x7F9]  }
0x64: {  	[sflag:s6] =	ssyncset.done $0x0  }
0x65: {  	[sflag:s6] =	ssyncadd.s32 $0xFFFFE780  }
0x66: {  	[spmem:s10] =	stream.linear.scatter [tilespmem:s0], [sflag:$0x7], $0x1880, $0x38;
	[tilespmem:$0x1E880] =	vst v63  }
0x67: {  	_ =	swait.ge [sflag:s6], $0x1880  }
0x68: {  	s15 =	sld [smem:$0x7FA]  }
0x69: {  	[sflag:s6] =	ssyncset.done $0x0  }
0x6a: {  	[sflag:s6] =	ssyncadd.s32 $0xFFFFE780  }
0x6b: {  	[spmem:s15] =	stream.linear.scatter [tilespmem:s0], [sflag:$0x7], $0x1880, $0x38;
	[tilespmem:$0x1E880] =	vst v63  }
0x6c: {  	_ =	swait.ge [sflag:s6], $0x1880  }
0x6d: {  	s31 =	sld [smem:$0x7FB]  }
0x6e: {  	[sflag:s6] =	ssyncset.done $0x0  }
0x6f: {  	[sflag:s6] =	ssyncadd.s32 $0xFFFFE780  }
0x70: {  	[spmem:s31] =	stream.linear.scatter [tilespmem:s0], [sflag:$0x7], $0x1880, $0x38;
	[tilespmem:$0x1E880] =	vst v63  }
0x71: {  	_ =	swait.ge [sflag:s6], $0x1880  }
0x72: {  	s7 =	sld [smem:$0x7FC]  }
0x73: {  	[sflag:s6] =	ssyncset.done $0x0  }
0x74: {  	[sflag:s6] =	ssyncadd.s32 $0xFFFFE780  }
0x75: {  	[spmem:s7] =	stream.linear.scatter [tilespmem:s0], [sflag:$0x7], $0x1880, $0x38;
	[tilespmem:$0x1E880] =	vst v63  }
0x76: {  	_ =	swait.ge [sflag:s6], $0x1880  }
0x77: {  	s9 =	sld [smem:$0x7FD]  }
0x78: {  	[sflag:s6] =	ssyncset.done $0x0  }
0x79: {  	[sflag:s6] =	ssyncadd.s32 $0xFFFFE780  }
0x7a: {  	[spmem:s9] =	stream.linear.scatter [tilespmem:s0], [sflag:$0x7], $0x1880, $0x38;
	[tilespmem:$0x1E880] =	vst v63  }
0x7b: {  	_ =	swait.ge [sflag:s6], $0x1880  }
0x7c: {  	[sflag:s6] =	ssyncset.done $0x0  }
0x7d: {  	[sflag:s6] =	ssyncadd.s32 $0xFFFFE780  }
0x7e: {  	[bflag:$0x0] =	sbarrier.arrive $0xFFFF  }
0x7f: {  	s10 =	simm.s32 $0x0;
	s15 =	rddreg [dreg:$0x12]  }
0x80: {  	[tilespmem:s14], [sflag:$0x1] =	stream.linear.gather [hbm4b:s15+s10], $0x200, $0x38;
	[tilespmem:$0x1E880] =	vst v63  }
0x81: {  	s31 =	rddreg [dreg:$0x13]  }
0x82: {  	[tilespmem:s16], [sflag:$0x1] =	stream.linear.gather [hbm4b:s31+s10], $0x200, $0x38;
	[tilespmem:$0x1E880] =	vst v63  }
0x83: {  	_ =	swait.ge [sflag:s17], $0x200  }
0x84: {  	[sflag:s17] =	ssyncset.done $0x0  }
0x85: {  	[sflag:s17] =	ssyncadd.s32 $0xFFFFFE00  }
0x86: {  	_ =	swait.ge [sflag:s17], $0x200  }
0x87: {  	[sflag:s17] =	ssyncset.done $0x0  }
0x88: {  	s6 =	rddreg [dreg:$0x5];
	[sflag:s17] =	ssyncadd.s32 $0xFFFFFE00  }
0x89: {  	[tilespmem:s0], [sflag:$0x3] =	stream.indirect.gather [hbm4b:s13+s18], $0x20, s14, s18, $0xb8;
	[tilespmem:$0x1E880] =	vst v63  }
0x8a: {  	s7 =	rddreg [dreg:$0x6]  }
0x8b: {  	[tilespmem:s11], [sflag:$0x4] =	stream.indirect.gather [hbm4b:s13+s18], $0x20, s6, s18, $0xb8;
	[tilespmem:$0x1E880] =	vst v63  }
0x8c: {  	s9 =	rddreg [dreg:$0x7]  }
0x8d: {  	[tilespmem:s12], [sflag:$0x5] =	stream.indirect.gather [hbm4b:s13+s18], $0x20, s7, s18, $0xb8;
	[tilespmem:$0x1E880] =	vst v63  }
0x8e: {  	s10 =	rddreg [dreg:$0x3]  }
0x8f: {  	[tilespmem:s19], [sflag:$0x6] =	stream.indirect.gather [hbm4b:s13+s18], $0x20, s9, s18, $0xb8;
	[tilespmem:$0x1E880] =	vst v63  }
0x90: {  	s15 =	rddreg [dreg:$0x4];
	s6 =	sadd.s32 $0x0, s10  }
0x91: {  	[tilespmem:s20], [sflag:$0x1] =	stream.linear.gather [hbm4b:s6+s2], $0x200, $0x38;
	[tilespmem:$0x1E880] =	vst v63  }
0x92: {  	s3 =	sadd.s32 $0x0, s15  }
0x93: {  	[tilespmem:s21], [sflag:$0x1] =	stream.linear.gather [hbm4b:s3+s2], $0x200, $0x38;
	[tilespmem:$0x1E880] =	vst v63  }
0x94: {  	_ =	swait.ge [sflag:s22], $0x1000  }
0x95: {  	[sflag:s22] =	ssyncset.done $0x0  }
0x96: {  	[sflag:s22] =	ssyncadd.s32 $0xFFFFF000  }
0x97: {  	[spmem:s1] =	stream.indirect.scatter.add.f32 [tilespmem:s0], [sflag:$0x2], $0x20, s16, s18, $0xb8;
	[tilespmem:$0x1E880] =	vst v63  }
0x98: {  	_ =	swait.ge [sflag:s23], $0x1000  }
0x99: {  	[sflag:s23] =	ssyncset.done $0x0  }
0x9a: {  	s31 =	rddreg [dreg:$0x8];
	[sflag:s23] =	ssyncadd.s32 $0xFFFFF000  }
0x9b: {  	[spmem:s1] =	stream.indirect.scatter.add.f32 [tilespmem:s11], [sflag:$0x2], $0x20, s31, s18, $0xb8;
	[tilespmem:$0x1E880] =	vst v63  }
0x9c: {  	_ =	swait.ge [sflag:s24], $0x1000  }
0x9d: {  	[sflag:s24] =	ssyncset.done $0x0  }
0x9e: {  	s6 =	rddreg [dreg:$0x9];
	[sflag:s24] =	ssyncadd.s32 $0xFFFFF000  }
0x9f: {  	[spmem:s1] =	stream.indirect.scatter.add.f32 [tilespmem:s12], [sflag:$0x2], $0x20, s6, s18, $0xb8;
	[tilespmem:$0x1E880] =	vst v63  }
0xa0: {  	_ =	swait.ge [sflag:s25], $0x1000  }
0xa1: {  	[sflag:s25] =	ssyncset.done $0x0  }
0xa2: {  	s7 =	rddreg [dreg:$0xa];
	[sflag:s25] =	ssyncadd.s32 $0xFFFFF000  }
0xa3: {  	[spmem:s1] =	stream.indirect.scatter.add.f32 [tilespmem:s19], [sflag:$0x2], $0x20, s7, s18, $0xb8;
	[tilespmem:$0x1E880] =	vst v63  }
0xa4: {  	_ =	swait.ge [sflag:s26], $0x1000  }
0xa5: {  	[sflag:s26] =	ssyncset.done $0x0  }
0xa6: {  	[sflag:s26] =	ssyncadd.s32 $0xFFFFF000  }
0xa7: {  	_ =	swait.ge [sflag:s26], $0x1000  }
0xa8: {  	[sflag:s26] =	ssyncset.done $0x0  }
0xa9: {  	[sflag:s26] =	ssyncadd.s32 $0xFFFFF000  }
0xaa: {  	_ =	swait.ge [sflag:s26], $0x1000  }
0xab: {  	[sflag:s26] =	ssyncset.done $0x0  }
0xac: {  	[sflag:s26] =	ssyncadd.s32 $0xFFFFF000  }
0xad: {  	_ =	swait.ge [sflag:s26], $0x1000  }
0xae: {  	[sflag:s26] =	ssyncset.done $0x0  }
0xaf: {  	[sflag:s26] =	ssyncadd.s32 $0xFFFFF000  }
0xb0: {  	_ =	swait.ge [sflag:s17], $0x200  }
0xb1: {  	[sflag:s17] =	ssyncset.done $0x0  }
0xb2: {  	[sflag:s17] =	ssyncadd.s32 $0xFFFFFE00  }
0xb3: {  	_ =	swait.ge [sflag:s17], $0x200  }
0xb4: {  	[sflag:s17] =	ssyncset.done $0x0  }
0xb5: {  	[sflag:s17] =	ssyncadd.s32 $0xFFFFFE00  }
0xb6: {  	[tilespmem:s0], [sflag:$0x3] =	stream.indirect.gather [hbm4b:s13+s18], $0x20, s20, s18, $0xb8;
	[tilespmem:$0x1E880] =	vst v63  }
0xb7: {  	p1 =	por $0x0, $0x0;
	s6 =	simm.s32 $0x80;
	s9 =	rddreg [dreg:$0xb]  }
0xb8: {  	[tilespmem:s11], [sflag:$0x4] =	stream.indirect.gather [hbm4b:s13+s18], $0x20, s9, s18, $0xb8;
	[tilespmem:$0x1E880] =	vst v63  }
0xb9: {  	s6 =	simm.s32 @p1 $0x0;
	s10 =	rddreg [dreg:$0xc]  }
0xba: {  	[tilespmem:s12], [sflag:$0x5] =	stream.indirect.gather [hbm4b:s13+s18], $0x20, s10, s18, $0xb8;
	[tilespmem:$0x1E880] =	vst v63  }
0xbb: {  	s31 =	sadd.s32 s8, s6;
	s15 =	rddreg [dreg:$0xd]  }
0xbc: {  	[tilespmem:s19], [sflag:$0x6] =	stream.indirect.gather [hbm4b:s13+s18], $0x20, s15, s18, $0xb8;
	[tilespmem:$0x1E880] =	vst v63  }
0xbd: {  	s6 =	sadd.s32 s4, s31  }
0xbe: {  	[tilespmem:s14], [sflag:$0x1] =	stream.linear.gather [hbm4b:s6+s2], $0x200, $0x38;
	[tilespmem:$0x1E880] =	vst v63  }
0xbf: {  	s3 =	sadd.s32 s5, s31  }
0xc0: {  	[tilespmem:s16], [sflag:$0x1] =	stream.linear.gather [hbm4b:s3+s2], $0x200, $0x38;
	[tilespmem:$0x1E880] =	vst v63  }
0xc1: {  	_ =	swait.ge [sflag:s22], $0x1000  }
0xc2: {  	[sflag:s22] =	ssyncset.done $0x0  }
0xc3: {  	[sflag:s22] =	ssyncadd.s32 $0xFFFFF000  }
0xc4: {  	[spmem:s1] =	stream.indirect.scatter.add.f32 [tilespmem:s0], [sflag:$0x2], $0x20, s21, s18, $0xb8;
	[tilespmem:$0x1E880] =	vst v63  }
0xc5: {  	_ =	swait.ge [sflag:s23], $0x1000  }
0xc6: {  	[sflag:s23] =	ssyncset.done $0x0  }
0xc7: {  	[sflag:s23] =	ssyncadd.s32 $0xFFFFF000  }
0xc8: {  	[spmem:s1] =	stream.indirect.scatter.add.f32 [tilespmem:s11], [sflag:$0x2], $0x20, s28, s18, $0xb8;
	[tilespmem:$0x1E880] =	vst v63  }
0xc9: {  	_ =	swait.ge [sflag:s24], $0x1000  }
0xca: {  	[sflag:s24] =	ssyncset.done $0x0  }
0xcb: {  	[sflag:s24] =	ssyncadd.s32 $0xFFFFF000  }
0xcc: {  	[spmem:s1] =	stream.indirect.scatter.add.f32 [tilespmem:s12], [sflag:$0x2], $0x20, s29, s18, $0xb8;
	[tilespmem:$0x1E880] =	vst v63  }
0xcd: {  	_ =	swait.ge [sflag:s25], $0x1000  }
0xce: {  	[sflag:s25] =	ssyncset.done $0x0  }
0xcf: {  	[sflag:s25] =	ssyncadd.s32 $0xFFFFF000  }
0xd0: {  	[spmem:s1] =	stream.indirect.scatter.add.f32 [tilespmem:s19], [sflag:$0x2], $0x20, s30, s18, $0xb8;
	[tilespmem:$0x1E880] =	vst v63  }
0xd1: {  	_ =	swait.ge [sflag:s26], $0x1000  }
0xd2: {  	[sflag:s26] =	ssyncset.done $0x0  }
0xd3: {  	[sflag:s26] =	ssyncadd.s32 $0xFFFFF000  }
0xd4: {  	_ =	swait.ge [sflag:s26], $0x1000  }
0xd5: {  	[sflag:s26] =	ssyncset.done $0x0  }
0xd6: {  	[sflag:s26] =	ssyncadd.s32 $0xFFFFF000  }
0xd7: {  	_ =	swait.ge [sflag:s26], $0x1000  }
0xd8: {  	[sflag:s26] =	ssyncset.done $0x0  }
0xd9: {  	[sflag:s26] =	ssyncadd.s32 $0xFFFFF000  }
0xda: {  	s15 =	simm.s32 $0x80;
	_ =	swait.ge [sflag:s26], $0x1000  }
.LBB2_4:
0xdb: {  	[sflag:s26] =	ssyncset.done $0x0  }
0xdc: {  	[sflag:s26] =	ssyncadd.s32 $0xFFFFF000  }
0xdd: {  	_ =	swait.ge [sflag:s17], $0x200  }
0xde: {  	[sflag:s17] =	ssyncset.done $0x0  }
0xdf: {  	[sflag:s17] =	ssyncadd.s32 $0xFFFFFE00  }
0xe0: {  	_ =	swait.ge [sflag:s17], $0x200  }
0xe1: {  	[sflag:s17] =	ssyncset.done $0x0  }
0xe2: {  	s6 =	rddreg [dreg:$0x3];
	[sflag:s17] =	ssyncadd.s32 $0xFFFFFE00  }
0xe3: {  	[tilespmem:s0], [sflag:$0x3] =	stream.indirect.gather [hbm4b:s13+s18], $0x20, s14, s18, $0xb8;
	[tilespmem:$0x1E880] =	vst v63  }
0xe4: {  	s7 =	rddreg [dreg:$0x5]  }
0xe5: {  	[tilespmem:s11], [sflag:$0x4] =	stream.indirect.gather [hbm4b:s13+s18], $0x20, s7, s18, $0xb8;
	[tilespmem:$0x1E880] =	vst v63  }
0xe6: {  	s9 =	rddreg [dreg:$0x6]  }
0xe7: {  	[tilespmem:s12], [sflag:$0x5] =	stream.indirect.gather [hbm4b:s13+s18], $0x20, s9, s18, $0xb8;
	[tilespmem:$0x1E880] =	vst v63  }
0xe8: {  	s3 =	smov.u32 s15;
	s10 =	rddreg [dreg:$0x7]  }
0xe9: {  	[tilespmem:s19], [sflag:$0x6] =	stream.indirect.gather [hbm4b:s13+s18], $0x20, s10, s18, $0xb8;
	[tilespmem:$0x1E880] =	vst v63  }
0xea: {  	s31 =	rddreg [dreg:$0x4];
	s6 =	sadd.s32 s3, s6  }
0xeb: {  	[tilespmem:s20], [sflag:$0x1] =	stream.linear.gather [hbm4b:s6+s2], $0x200, $0x38;
	[tilespmem:$0x1E880] =	vst v63  }
0xec: {  	s7 =	sadd.s32 s3, s31  }
0xed: {  	[tilespmem:s21], [sflag:$0x1] =	stream.linear.gather [hbm4b:s7+s2], $0x200, $0x38;
	[tilespmem:$0x1E880] =	vst v63  }
0xee: {  	_ =	swait.ge [sflag:s22], $0x1000  }
0xef: {  	[sflag:s22] =	ssyncset.done $0x0  }
0xf0: {  	[sflag:s22] =	ssyncadd.s32 $0xFFFFF000  }
0xf1: {  	[spmem:s1] =	stream.indirect.scatter.add.f32 [tilespmem:s0], [sflag:$0x2], $0x20, s16, s18, $0xb8;
	[tilespmem:$0x1E880] =	vst v63  }
0xf2: {  	_ =	swait.ge [sflag:s23], $0x1000  }
0xf3: {  	[sflag:s23] =	ssyncset.done $0x0  }
0xf4: {  	s9 =	rddreg [dreg:$0x8];
	[sflag:s23] =	ssyncadd.s32 $0xFFFFF000  }
0xf5: {  	[spmem:s1] =	stream.indirect.scatter.add.f32 [tilespmem:s11], [sflag:$0x2], $0x20, s9, s18, $0xb8;
	[tilespmem:$0x1E880] =	vst v63  }
0xf6: {  	_ =	swait.ge [sflag:s24], $0x1000  }
0xf7: {  	[sflag:s24] =	ssyncset.done $0x0  }
0xf8: {  	s10 =	rddreg [dreg:$0x9];
	[sflag:s24] =	ssyncadd.s32 $0xFFFFF000  }
0xf9: {  	[spmem:s1] =	stream.indirect.scatter.add.f32 [tilespmem:s12], [sflag:$0x2], $0x20, s10, s18, $0xb8;
	[tilespmem:$0x1E880] =	vst v63  }
0xfa: {  	_ =	swait.ge [sflag:s25], $0x1000  }
0xfb: {  	[sflag:s25] =	ssyncset.done $0x0  }
0xfc: {  	s31 =	rddreg [dreg:$0xa];
	[sflag:s25] =	ssyncadd.s32 $0xFFFFF000  }
0xfd: {  	[spmem:s1] =	stream.indirect.scatter.add.f32 [tilespmem:s19], [sflag:$0x2], $0x20, s31, s18, $0xb8;
	[tilespmem:$0x1E880] =	vst v63  }
0xfe: {  	_ =	swait.ge [sflag:s26], $0x1000  }
0xff: {  	[sflag:s26] =	ssyncset.done $0x0  }
0x100: {  	[sflag:s26] =	ssyncadd.s32 $0xFFFFF000  }
0x101: {  	_ =	swait.ge [sflag:s26], $0x1000  }
0x102: {  	[sflag:s26] =	ssyncset.done $0x0  }
0x103: {  	[sflag:s26] =	ssyncadd.s32 $0xFFFFF000  }
0x104: {  	_ =	swait.ge [sflag:s26], $0x1000  }
0x105: {  	[sflag:s26] =	ssyncset.done $0x0  }
0x106: {  	[sflag:s26] =	ssyncadd.s32 $0xFFFFF000  }
0x107: {  	_ =	swait.ge [sflag:s26], $0x1000  }
0x108: {  	[sflag:s26] =	ssyncset.done $0x0  }
0x109: {  	[sflag:s26] =	ssyncadd.s32 $0xFFFFF000  }
0x10a: {  	_ =	swait.ge [sflag:s17], $0x200  }
0x10b: {  	[sflag:s17] =	ssyncset.done $0x0  }
0x10c: {  	[sflag:s17] =	ssyncadd.s32 $0xFFFFFE00  }
0x10d: {  	_ =	swait.ge [sflag:s17], $0x200  }
0x10e: {  	[sflag:s17] =	ssyncset.done $0x0  }
0x10f: {  	p1 =	sne.s32 s15, $0x1800;
	s15 =	sadd.s32 $0x80, s15;
	[sflag:s17] =	ssyncadd.s32 $0xFFFFFE00  }
0x110: {  	[tilespmem:s0], [sflag:$0x3] =	stream.indirect.gather [hbm4b:s13+s18], $0x20, s20, s18, $0xb8;
	[tilespmem:$0x1E880] =	vst v63  }
0x111: {  	p2 =	seq.s32 s3, $0x1800;
	s3 =	smov.u32 s15;
	s7 =	rddreg [dreg:$0xb]  }
0x112: {  	[tilespmem:s11], [sflag:$0x4] =	stream.indirect.gather [hbm4b:s13+s18], $0x20, s7, s18, $0xb8;
	[tilespmem:$0x1E880] =	vst v63  }
0x113: {  	s3 =	simm.s32 @p2 $0x0;
	s9 =	rddreg [dreg:$0xc]  }
0x114: {  	[tilespmem:s12], [sflag:$0x5] =	stream.indirect.gather [hbm4b:s13+s18], $0x20, s9, s18, $0xb8;
	[tilespmem:$0x1E880] =	vst v63  }
0x115: {  	s3 =	sadd.s32 s8, s3;
	s10 =	rddreg [dreg:$0xd]  }
0x116: {  	[tilespmem:s19], [sflag:$0x6] =	stream.indirect.gather [hbm4b:s13+s18], $0x20, s10, s18, $0xb8;
	[tilespmem:$0x1E880] =	vst v63  }
0x117: {  	s31 =	sadd.s32 s4, s3  }
0x118: {  	[tilespmem:s14], [sflag:$0x1] =	stream.linear.gather [hbm4b:s31+s2], $0x200, $0x38;
	[tilespmem:$0x1E880] =	vst v63  }
0x119: {  	s3 =	sadd.s32 s5, s3  }
0x11a: {  	[tilespmem:s16], [sflag:$0x1] =	stream.linear.gather [hbm4b:s3+s2], $0x200, $0x38;
	[tilespmem:$0x1E880] =	vst v63  }
0x11b: {  	_ =	swait.ge [sflag:s22], $0x1000  }
0x11c: {  	[sflag:s22] =	ssyncset.done $0x0  }
0x11d: {  	[sflag:s22] =	ssyncadd.s32 $0xFFFFF000  }
0x11e: {  	[spmem:s1] =	stream.indirect.scatter.add.f32 [tilespmem:s0], [sflag:$0x2], $0x20, s21, s18, $0xb8;
	[tilespmem:$0x1E880] =	vst v63  }
0x11f: {  	_ =	swait.ge [sflag:s23], $0x1000  }
0x120: {  	[sflag:s23] =	ssyncset.done $0x0  }
0x121: {  	[sflag:s23] =	ssyncadd.s32 $0xFFFFF000  }
0x122: {  	[spmem:s1] =	stream.indirect.scatter.add.f32 [tilespmem:s11], [sflag:$0x2], $0x20, s28, s18, $0xb8;
	[tilespmem:$0x1E880] =	vst v63  }
0x123: {  	_ =	swait.ge [sflag:s24], $0x1000  }
0x124: {  	[sflag:s24] =	ssyncset.done $0x0  }
0x125: {  	[sflag:s24] =	ssyncadd.s32 $0xFFFFF000  }
0x126: {  	[spmem:s1] =	stream.indirect.scatter.add.f32 [tilespmem:s12], [sflag:$0x2], $0x20, s29, s18, $0xb8;
	[tilespmem:$0x1E880] =	vst v63  }
0x127: {  	_ =	swait.ge [sflag:s25], $0x1000  }
0x128: {  	[sflag:s25] =	ssyncset.done $0x0  }
0x129: {  	[sflag:s25] =	ssyncadd.s32 $0xFFFFF000  }
0x12a: {  	[spmem:s1] =	stream.indirect.scatter.add.f32 [tilespmem:s19], [sflag:$0x2], $0x20, s30, s18, $0xb8;
	[tilespmem:$0x1E880] =	vst v63  }
0x12b: {  	_ =	swait.ge [sflag:s26], $0x1000  }
0x12c: {  	[sflag:s26] =	ssyncset.done $0x0  }
0x12d: {  	[sflag:s26] =	ssyncadd.s32 $0xFFFFF000  }
0x12e: {  	_ =	swait.ge [sflag:s26], $0x1000  }
0x12f: {  	[sflag:s26] =	ssyncset.done $0x0  }
.Ltmp1:
0x130: {  	[sflag:s26] =	ssyncadd.s32 $0xFFFFF000;
	(pc) =	sbr.rel @p1 .LBB2_4-.Ltmp1, $4  }
0x131: {  	_ =	swait.ge [sflag:s26], $0x1000  }
0x132: {  	[sflag:s26] =	ssyncset.done $0x0  }
0x133: {  	[sflag:s26] =	ssyncadd.s32 $0xFFFFF000  }
0x134: {  	_ =	swait.ge [sflag:s26], $0x1000  }
0x135: {  	[sflag:s26] =	ssyncset.done $0x0  }
0x136: {  	[sflag:s26] =	ssyncadd.s32 $0xFFFFF000  }
0x137: {  	_ =	swait.ge [sflag:s17], $0x200  }
0x138: {  	[sflag:s17] =	ssyncset.done $0x0  }
0x139: {  	[sflag:s17] =	ssyncadd.s32 $0xFFFFFE00  }
0x13a: {  	_ =	swait.ge [sflag:s17], $0x200  }
0x13b: {  	[sflag:s17] =	ssyncset.done $0x0  }
0x13c: {  	[sflag:s17] =	ssyncadd.s32 $0xFFFFFE00  }
0x13d: {  	s31 =	simm.s32 $0x0;
	[bflag:$0x0] =	sbarrier.arrive $0xFFFF  }
.LBB2_6:
0x13e: {  	s3 =	smul.u32 $0xC4, s31  }
0x13f: {  	s6 =	rddreg [dreg:$0x11]  }
0x140: {  	s15 =	sadd.s32 s6, s3  }
0x141: {  	s3 =	sshll.u32 s15, $0x5  }
0x142: {  	s3 =	sand.u32 $0x3FFFFFE0, s3  }
0x143: {  	s10 =	rddreg [dreg:$0xe];
	s9 =	sshll.u32 s15, $0x1;
	s3 =	sadd.s32 s3, s1  }
0x144: {  	[tilespmem:s0], [sflag:$0x3] =	stream.linear.gather [spmem:s3], $0x1880, $0x38;
	[tilespmem:$0x1E880] =	vst v63  }
0x145: {  	s7 =	simm.s32 $0x1D000;
	s6 =	sadd.s32 s10, s9  }
0x146: {  	[tilespmem:s7], [sflag:$0x4] =	stream.linear.gather [hbm4b:s6+s2], $0xC40, $0x38;
	[tilespmem:$0x1E880] =	vst v63  }
0x147: {  	s7 =	rddreg [dreg:$0xf]  }
0x148: {  	s3 =	sadd.s32 s7, s9;
	s9 =	simm.s32 $0x1DC40  }
0x149: {  	[tilespmem:s9], [sflag:$0x5] =	stream.linear.gather [hbm4b:s3+s2], $0xC40, $0x38;
	[tilespmem:$0x1E880] =	vst v63  }
0x14a: {  	_ =	swait.ge [sflag:s22], $0x1880  }
0x14b: {  	[sflag:s22] =	ssyncset.done $0x0  }
0x14c: {  	[sflag:s22] =	ssyncadd.s32 $0xFFFFE780  }
0x14d: {  	_ =	swait.ge [sflag:s23], $0xC40  }
0x14e: {  	[sflag:s23] =	ssyncset.done $0x0  }
0x14f: {  	[sflag:s23] =	ssyncadd.s32 $0xFFFFF3C0  }
0x150: {  	_ =	swait.ge [sflag:s24], $0xC40  }
0x151: {  	[sflag:s24] =	ssyncset.done $0x0  }
0x152: {  	s10 =	simm.s32 $0x1D020;
	[sflag:s24] =	ssyncadd.s32 $0xFFFFF3C0  }
0x153: {  	s3 =	simm.s32 $0x1DC60;
	v1 =	vld [tilespmem:s10+$0xFFFFFFE0]  }
0x154: {  	v2 =	vld [tilespmem:s3+$0xFFFFFFE0];
	_ =	sdelay $0x4  }
0x155: {  	v1 =	vadd.f32 v2, v1;
	_ =	sdelay $0x1  }
0x156: {  	v1 =	vmax.f32 v1, $1.000000000e+00  }
0x157: {  	(erf) = vrcp.f32 v1;
	_ =	sdelay $0x3  }
0x158: {  	s6 =	simm.s32 $0x19040  }
0x159: {  	v1 =	vld [tilespmem:s6+$0xFFFFFFC0]  }
0x15a: {  	v2 =	vld [tilespmem:s6+$0xFFFFFFD0];
	_ =	sdelay $0x2  }
0x15b: {  	v3 =	vpop (erf)  }
0x15c: {  	v1 =	vmul.f32 v3, v1  }
0x15d: {  	v2 =	vmul.f32 v3, v2  }
0x15e: {  	[tilespmem:s6+$0xFFFFFFC0] =	vst v1  }
0x15f: {  	[tilespmem:s6+$0xFFFFFFD0] =	vst v2  }
0x160: {  	v1 =	vld [tilespmem:s10+$0xFFFFFFF0]  }
0x161: {  	v2 =	vld [tilespmem:s3+$0xFFFFFFF0];
	_ =	sdelay $0x4  }
0x162: {  	v1 =	vadd.f32 v2, v1;
	_ =	sdelay $0x1  }
0x163: {  	v1 =	vmax.f32 v1, $1.000000000e+00  }
0x164: {  	(erf) = vrcp.f32 v1;
	_ =	sdelay $0x4  }
0x165: {  	v1 =	vld [tilespmem:s6+$0xFFFFFFE0]  }
0x166: {  	v2 =	vld [tilespmem:s6+$0xFFFFFFF0];
	_ =	sdelay $0x2  }
0x167: {  	v3 =	vpop (erf)  }
0x168: {  	v1 =	vmul.f32 v3, v1  }
0x169: {  	v2 =	vmul.f32 v3, v2  }
0x16a: {  	[tilespmem:s6+$0xFFFFFFE0] =	vst v1  }
0x16b: {  	[tilespmem:s6+$0xFFFFFFF0] =	vst v2  }
0x16c: {  	v1 =	vld [tilespmem:s10+$0x0]  }
0x16d: {  	v2 =	vld [tilespmem:s3+$0x0];
	_ =	sdelay $0x4  }
0x16e: {  	v1 =	vadd.f32 v2, v1;
	_ =	sdelay $0x1  }
0x16f: {  	v1 =	vmax.f32 v1, $1.000000000e+00  }
0x170: {  	(erf) = vrcp.f32 v1;
	_ =	sdelay $0x4  }
0x171: {  	v1 =	vld [tilespmem:s6+$0x0]  }
0x172: {  	v2 =	vld [tilespmem:s6+$0x10];
	_ =	sdelay $0x2  }
0x173: {  	v3 =	vpop (erf)  }
0x174: {  	v1 =	vmul.f32 v3, v1  }
0x175: {  	v2 =	vmul.f32 v3, v2  }
0x176: {  	[tilespmem:s6+$0x0] =	vst v1  }
0x177: {  	[tilespmem:s6+$0x10] =	vst v2  }
0x178: {  	v1 =	vld [tilespmem:s10+$0x10]  }
0x179: {  	v2 =	vld [tilespmem:s3+$0x10];
	_ =	sdelay $0x4  }
0x17a: {  	v1 =	vadd.f32 v2, v1;
	_ =	sdelay $0x1  }
0x17b: {  	v2 =	vmax.f32 v1, $1.000000000e+00  }
0x17c: {  	(erf) = vrcp.f32 v2;
	_ =	sdelay $0x3  }
0x17d: {  	v1 =	vld [tilespmem:s6+$0x20]  }
0x17e: {  	s7 =	simm.s32 $0x19040;
	s9 =	simm.s32 $0x0;
	s10 =	simm.s32 $0x1D060;
	v2 =	vld [tilespmem:s6+$0x30]  }
.LBB2_7:
0x17f: {  	s9 =	sadd.s32 $0x4, s9;
	s3 =	sadd.s32 $0x40, s3;
	s6 =	sadd.s32 $0x80, s6  }
0x180: {  	p1 =	slt.u32 s9, $0xC0;
	_ =	sdelay $0x1  }
0x181: {  	v3 =	vpop (erf)  }
0x182: {  	v1 =	vmul.f32 v3, v1;
	v2 =	vmul.f32 v3, v2;
	_ =	sdelay $0x1  }
0x183: {  	[tilespmem:s7+$0x20] =	vst v1  }
0x184: {  	[tilespmem:s7+$0x30] =	vst v2;
	s7 =	smov.u32 s6  }
0x185: {  	v1 =	vld [tilespmem:s10+$0xFFFFFFE0]  }
0x186: {  	v2 =	vld [tilespmem:s3+$0xFFFFFFE0];
	_ =	sdelay $0x4  }
0x187: {  	v1 =	vadd.f32 v2, v1;
	_ =	sdelay $0x1  }
0x188: {  	v1 =	vmax.f32 v1, $1.000000000e+00  }
0x189: {  	(erf) = vrcp.f32 v1;
	_ =	sdelay $0x3  }
0x18a: {  	v1 =	vld [tilespmem:s6+$0xFFFFFFD0]  }
0x18b: {  	v2 =	vld [tilespmem:s6+$0xFFFFFFC0];
	_ =	sdelay $0x3  }
0x18c: {  	v3 =	vpop (erf)  }
0x18d: {  	v2 =	vmul.f32 v3, v2;
	v1 =	vmul.f32 v3, v1;
	_ =	sdelay $0x1  }
0x18e: {  	[tilespmem:s6+$0xFFFFFFC0] =	vst v2  }
0x18f: {  	[tilespmem:s6+$0xFFFFFFD0] =	vst v1  }
0x190: {  	v1 =	vld [tilespmem:s10+$0xFFFFFFF0]  }
0x191: {  	v2 =	vld [tilespmem:s3+$0xFFFFFFF0];
	_ =	sdelay $0x4  }
0x192: {  	v1 =	vadd.f32 v2, v1;
	_ =	sdelay $0x1  }
0x193: {  	v1 =	vmax.f32 v1, $1.000000000e+00  }
0x194: {  	(erf) = vrcp.f32 v1;
	_ =	sdelay $0x2  }
0x195: {  	v1 =	vld [tilespmem:s6+$0xFFFFFFF0];
	_ =	sdelay $0x1  }
0x196: {  	v2 =	vld [tilespmem:s6+$0xFFFFFFE0];
	_ =	sdelay $0x3  }
0x197: {  	v3 =	vpop (erf)  }
0x198: {  	v2 =	vmul.f32 v3, v2;
	v1 =	vmul.f32 v3, v1;
	_ =	sdelay $0x1  }
0x199: {  	[tilespmem:s6+$0xFFFFFFE0] =	vst v2  }
0x19a: {  	[tilespmem:s6+$0xFFFFFFF0] =	vst v1  }
0x19b: {  	v1 =	vld [tilespmem:s10+$0x0]  }
0x19c: {  	v2 =	vld [tilespmem:s3+$0x0];
	_ =	sdelay $0x4  }
0x19d: {  	v1 =	vadd.f32 v2, v1;
	_ =	sdelay $0x1  }
0x19e: {  	v1 =	vmax.f32 v1, $1.000000000e+00  }
0x19f: {  	(erf) = vrcp.f32 v1;
	_ =	sdelay $0x3  }
0x1a0: {  	v1 =	vld [tilespmem:s6+$0x10]  }
0x1a1: {  	v2 =	vld [tilespmem:s6+$0x0];
	_ =	sdelay $0x3  }
0x1a2: {  	v3 =	vpop (erf)  }
0x1a3: {  	v2 =	vmul.f32 v3, v2;
	v1 =	vmul.f32 v3, v1;
	_ =	sdelay $0x1  }
0x1a4: {  	[tilespmem:s6+$0x0] =	vst v2  }
0x1a5: {  	[tilespmem:s6+$0x10] =	vst v1  }
0x1a6: {  	v1 =	vld [tilespmem:s10+$0x10]  }
0x1a7: {  	v2 =	vld [tilespmem:s3+$0x10];
	_ =	sdelay $0x4  }
0x1a8: {  	v1 =	vadd.f32 v2, v1;
	_ =	sdelay $0x1  }
0x1a9: {  	v1 =	vmax.f32 v1, $1.000000000e+00  }
0x1aa: {  	(erf) = vrcp.f32 v1  }
.Ltmp2:
0x1ab: {  	(pc) =	sbr.rel @p1 .LBB2_7-.Ltmp2, $3  }
0x1ac: {  	_ =	sdelay $0x1  }
0x1ad: {  	v1 =	vld [tilespmem:s6+$0x20]  }
0x1ae: {  	s10 =	sadd.s32 $0x40, s10;
	v2 =	vld [tilespmem:s6+$0x30]  }
0x1af: {  	_ =	sdelay $0x2  }
0x1b0: {  	v3 =	vpop (erf)  }
0x1b1: {  	v1 =	vmul.f32 v3, v1  }
0x1b2: {  	s3 =	simm.s32 @!p0 $0x8;
	s31 =	sadd.s32 $0x1, s31;
	v2 =	vmul.f32 v3, v2  }
0x1b3: {  	s6 =	sshll.u32 s15, $0x2;
	s15 =	rddreg [dreg:$0x10];
	p1 =	sne.s32 s31, $0x10;
	[tilespmem:s7+$0x20] =	vst v1  }
.Ltmp3:
0x1b4: {  	s3 =	simm.s32 @p0 $0x7;
	s6 =	sadd.s32 s15, s6;
	[tilespmem:s7+$0x30] =	vst v2;
	(pc) =	sbr.rel @p1 .LBB2_6-.Ltmp3, $4  }
0x1b5: {  	[hbm4b:s6+s2] =	stream.linear.scatter [tilespmem:s0], [sflag:s3], $0x1880, $0x38;
	[tilespmem:$0x1E880] =	vst v63  }
0x1b6: {  	_ =	swait.ge [sflag:s3], $0x1880  }
0x1b7: {  	[sflag:s3] =	ssyncset.done $0x0  }
0x1b8: {  	[sflag:s3] =	ssyncadd.s32 $0xFFFFE780  }
0x1b9: {  	s6 =	sld [smem:$0x7F8];
	_ =	sdelay $0x2  }
0x1ba: {  	s3 =	rddreg [dreg:$0x14];
	s6 =	sadd.s32 $0x1, s6  }
0x1bb: {  	p1 =	sne.s32 s6, s3  }
.Ltmp4:
0x1bc: {  	_ = 	snop;
	(pc) =	sbr.rel @p1 .LBB2_1-.Ltmp4, $1  }
0x1bd: {  	_ =	sdelay $0x3  }
0x1be: {  	_ =	sfence.sel $0x180000  }
0x1bf: {  	[bflag:$0x0] =	sbarrier.arrive $0xFFFF  }
0x1c0: {  	_ =	strace $0x9000004A  }
0x1c1: {  	s0 =	stileid.u32;
	[bflag:$0x2] =	sbarrier.arrive $0xFFFF  }
0x1c2: {  	p0 =	sne.s32 s0, $0x0;
	s0 =	rddreg [dreg:$0x2]  }
0x1c3: {  	s0 =	sadd.s32 @!p0 $0x100000, s0  }
0x1c4: {  	[sflag:s0] =	ssyncadd.tile.s32 @!p0 $0x1;
	_ =	shalt  }
.Lfunc_end2:
_tile_overlayer_lowered:
.L_overlay_start_2:
0x1c5: {  	(tag) =	ssettag $0x2  }
0x1c6: {  	s0 =	rddreg [dreg:$0x0];
	s2 =	stileid.u32  }
0x1c7: {  	s1 =	rddreg [dreg:$0x1];
	p0 =	sne.s32 s2, $0x0  }
0x1c8: {  	s3 =	rddreg [dreg:$0x2];
	[bflag:$0x3] =	sbarrier.arrive $0xFFFF;
	s2 =	simm.s32 @!p0 $0x1C07  }
0x1c9: {  	[timem:s3], [sflag:s2] =	dma.local @!p0 [hbm:s0], s1  }
0x1ca: {  	s0 =	simm.s32 @!p0 $0x7  }
0x1cb: {  	_ =	swait.ge @!p0 [sflag:s0], s1  }
0x1cc: {  	s1 =	ssub.s32 @!p0 $0x0, s1;
	[sflag:s0] =	ssyncset.done @!p0 $0x0  }
0x1cd: {  	[sflag:s0] =	ssyncadd.s32 @!p0 s1  }
0x1ce: {  	[bflag:$0x3] =	sbarrier.arrive $0xFFFF  }
0x1cf: {  	_ =	shalt  }

// kernel: kernel.14.cloned.1.call-start
scs
__scs_entry_jumppad:
0x0: {  	(pc) =	sbr.rel $0x88, $3  }
0x1: {  	(tag) =	ssettag $0x0;
	lr =	simm.s32 $0x1  }
0x2: {  	[smem:$0x3F99] =	sst lr;
	_ =	strace $0xD0000000  }
0x3: {  	_ = 	snop  }
0x4: {  	_ = 	snop  }
0x5: {  	_ = 	snop  }
0x6: {  	_ = 	snop  }
0x7: {  	_ = 	snop  }
__scs_overlays_trampoline_lowered:
0x8: {  	[smem:$0x3FA8] =	sst s0  }
0x9: {  	[smem:$0x3FA9] =	sst s1  }
0xa: {  	[smem:$0x3FAA] =	sst s2  }
0xb: {  	[smem:$0x3FAB] =	sst s3  }
0xc: {  	[smem:$0x3FAC] =	sst s4  }
0xd: {  	[smem:$0x3FAD] =	sst s5  }
0xe: {  	[smem:$0x3FAE] =	sst s6  }
0xf: {  	[smem:$0x3FAF] =	sst s7  }
0x10: {  	[smem:$0x3FB0] =	sst s8  }
0x11: {  	[smem:$0x3FB1] =	sst s9;
	s0 =	simm.s32 @!p0 $0x0  }
0x12: {  	s1 =	sld [smem:$0x3F97];
	s0 =	simm.s32 @p0 $0x1  }
0x13: {  	[smem:$0x3FB2] =	sst s0;
	s0 =	simm.s32 @!p1 $0x0  }
0x14: {  	s2 =	sld [smem:$0x3F96];
	s0 =	simm.s32 @p1 $0x1  }
0x15: {  	[smem:$0x3FB3] =	sst s0;
	s0 =	simm.s32 @!p2 $0x0  }
0x16: {  	s3 =	sld [smem:$0x3FDB];
	s0 =	simm.s32 @p2 $0x1  }
0x17: {  	s4 =	simm.s32 $0x1BF5;
	[smem:$0x3FB5] =	sst s0  }
0x18: {  	s0 =	sld [smem:$0x3F98];
	_ =	swait.ge [sflag:s4], $0x0  }
0x19: {  	s7 =	sld [smem:$0x3F99]  }
0x1a: {  	s8 =	sadd.s32 $0xFFFFE003, lr  }
0x1b: {  	s9 =	sadd.s32 $0xFFFFFEF7, lr;
	s5 =	simm.s32 $0xFFFFFFFF;
	p2 =	slt.u32 s8, $0xFFFFF086  }
0x1c: {  	p1 =	slt.u32 s9, $0xF7A;
	s5 =	simm.s32 @!p2 $0x0  }
0x1d: {  	s5 =	simm.s32 @p1 $0x1;
	p0 =	seq.s32 s7, s2  }
0x1e: {  	s7 =	smul.u32 @!p0 $0xF7A, s2;
	p2 =	seq.s32 @!p0 s5, $0x0  }
0x1f: {  	s9 =	smul.u32 $0xF7A, s1;
	s8 =	simm.s32 @!p0 $0x1BF5;
	p2 =	por !p2, p0  }
0x20: {  	[sflag:s8] =	ssyncset.s32 @!p0 $0xFFFFF086;
	s6 =	sadd.s32 @!p0 s3, s7;
	s7 =	simm.s32 @!p0 $0x108  }
0x21: {  	s3 =	sadd.s32 s3, s9;
	s6 =	sadd.s32 @!p0 $0x88, s6;
	s7 =	simm.s32 @p2 $0x1082  }
0x22: {  	[simem:s7], [sflag:s8] =	dma.local @!p0 [hbm:s6], $0xF7A  }
0x23: {  	s9 =	sor.u32 $0xD0000000, s2;
	s6 =	simm.s32 $0x108;
	_ =	swait.ge @!p0 [sflag:s8], $0x0  }
0x24: {  	s3 =	sadd.s32 $0x88, s3;
	s6 =	simm.s32 @!p1 $0x1082;
	[sflag:s4] =	ssyncset.s32 $0xFFFFF086  }
0x25: {  	[simem:s6], [sflag:s4] =	dma.local [hbm:s3], $0xF7A  }
0x26: {  	[smem:$0x3F99] =	sst s1;
	(tag) =	ssettag s2;
	_ =	strace s9  }
0x27: {  	s1 =	sld [smem:$0x3FA9]  }
0x28: {  	s2 =	sld [smem:$0x3FAA]  }
0x29: {  	s4 =	sld [smem:$0x3FAC]  }
0x2a: {  	p0 =	seq.s32 s5, $0x0;
	s5 =	sld [smem:$0x3FAD]  }
0x2b: {  	s6 =	sld [smem:$0x3FAE]  }
0x2c: {  	s7 =	sld [smem:$0x3FAF]  }
0x2d: {  	s3 =	simm.s32 $0x108;
	s8 =	sld [smem:$0x3FB0]  }
0x2e: {  	s3 =	simm.s32 @!p0 $0x1082;
	s9 =	sld [smem:$0x3FB1]  }
0x2f: {  	lr =	sadd.s32 s0, s3;
	s0 =	sld [smem:$0x3FA8]  }
0x30: {  	s3 =	sld [smem:$0x3FAB]  }
0x31: {  	[smem:$0x3FB4] =	sst s10  }
0x32: {  	s10 =	sld [smem:$0x3FB2];
	_ =	sdelay $0x3  }
0x33: {  	p0 =	seq.s32 s10, $0x1;
	s10 =	sld [smem:$0x3FB4];
	_ =	sdelay $0x3  }
0x34: {  	[smem:$0x3FB4] =	sst s10  }
0x35: {  	s10 =	sld [smem:$0x3FB3];
	_ =	sdelay $0x3  }
0x36: {  	p1 =	seq.s32 s10, $0x1;
	s10 =	sld [smem:$0x3FB4];
	_ =	sdelay $0x3  }
0x37: {  	[smem:$0x3FB4] =	sst s10  }
0x38: {  	s10 =	sld [smem:$0x3FB5]  }
0x39: {  	_ = 	snop;
	(pc) =	sbr.ind lr, $3  }
0x3a: {  	_ = 	snop  }
0x3b: {  	_ = 	snop  }
0x3c: {  	p2 =	seq.s32 s10, $0x1;
	s10 =	sld [smem:$0x3FB4]  }
0x3d: {  	_ =	shalt  }
0x3e: {  	_ =	shalt  }
0x3f: {  	_ =	shalt  }
0x40: {  	_ =	shalt  }
0x41: {  	_ =	shalt  }
0x42: {  	_ =	shalt  }
0x43: {  	_ =	shalt  }
0x44: {  	_ =	shalt  }
0x45: {  	_ =	shalt  }
0x46: {  	_ =	shalt  }
0x47: {  	_ =	shalt  }
0x48: {  	_ =	shalt  }
0x49: {  	_ =	shalt  }
0x4a: {  	_ =	shalt  }
0x4b: {  	_ =	shalt  }
0x4c: {  	_ =	shalt  }
0x4d: {  	_ =	shalt  }
0x4e: {  	_ =	shalt  }
0x4f: {  	_ =	shalt  }
0x50: {  	_ =	shalt  }
0x51: {  	_ =	shalt  }
0x52: {  	_ =	shalt  }
0x53: {  	_ =	shalt  }
0x54: {  	_ =	shalt  }
0x55: {  	_ =	shalt  }
0x56: {  	_ =	shalt  }
0x57: {  	_ =	shalt  }
0x58: {  	_ =	shalt  }
0x59: {  	_ =	shalt  }
0x5a: {  	_ =	shalt  }
0x5b: {  	_ =	shalt  }
0x5c: {  	_ =	shalt  }
0x5d: {  	_ =	shalt  }
0x5e: {  	_ =	shalt  }
0x5f: {  	_ =	shalt  }
0x60: {  	_ =	shalt  }
0x61: {  	_ =	shalt  }
0x62: {  	_ =	shalt  }
0x63: {  	_ =	shalt  }
0x64: {  	_ =	shalt  }
0x65: {  	_ =	shalt  }
0x66: {  	_ =	shalt  }
0x67: {  	_ =	shalt  }
0x68: {  	_ =	shalt  }
0x69: {  	_ =	shalt  }
0x6a: {  	_ =	shalt  }
0x6b: {  	_ =	shalt  }
0x6c: {  	_ =	shalt  }
0x6d: {  	_ =	shalt  }
0x6e: {  	_ =	shalt  }
0x6f: {  	_ =	shalt  }
0x70: {  	_ =	shalt  }
0x71: {  	_ =	shalt  }
0x72: {  	_ =	shalt  }
0x73: {  	_ =	shalt  }
0x74: {  	_ =	shalt  }
0x75: {  	_ =	shalt  }
0x76: {  	_ =	shalt  }
0x77: {  	_ =	shalt  }
0x78: {  	_ =	shalt  }
0x79: {  	_ =	shalt  }
0x7a: {  	_ =	shalt  }
0x7b: {  	_ =	shalt  }
0x7c: {  	_ =	shalt  }
0x7d: {  	_ =	shalt  }
0x7e: {  	_ =	shalt  }
0x7f: {  	_ =	shalt  }
0x80: {  	_ =	shalt  }
0x81: {  	_ =	shalt  }
0x82: {  	_ =	shalt  }
0x83: {  	_ =	shalt  }
0x84: {  	_ =	shalt  }
0x85: {  	_ =	shalt  }
0x86: {  	_ =	shalt  }
0x87: {  	_ =	shalt  }
.Lfunc_end0:
.L_simem_size_0:
called_computation.2_lowered:
.L_overlay_start_0:
0x88: {  	s2 =	sld [smem:$0x3FD9]  }
0x89: {  	s3 =	sld [smem:$0x3FFE];
	_ =	sdelay $0x1  }
0x8a: {  	s1 =	srdreg.scid  }
0x8b: {  	s0 =	sand.u32 $0x1, s1  }
0x8c: {  	s17 =	sshll.u32 s0, $0xA;
	s2 =	sadd.s32 s3, s2  }
0x8d: {  	s2 =	sadd.s32 s2, s17  }
0x8e: {  	[smem:$0x3FC0] =	sst s2  }
0x8f: {  	_ = 	snop  }
0x90: {  	s2 =	sld [smem:$0x3FD0];
	(tm) =	ssettm $0x1  }
0x91: {  	s18 =	sld [smem:$0x3FFB];
	_ =	sdelay $0x3  }
0x92: {  	_ =	strace s18  }
0x93: {  	s3 =	sld [smem:$0x3FFC];
	_ =	sdelay $0x3  }
0x94: {  	_ =	strace s3  }
0x95: {  	s3 =	sld [smem:$0x3FFD];
	_ =	sdelay $0x3  }
0x96: {  	_ =	strace s3  }
0x97: {  	_ =	strace $0x8FFFFFFF  }
0x98: {  	s19 =	sld [smem:$0x3FDB];
	_ =	sdelay $0x1  }
0x99: {  	s4 =	simm.s32 $_scs_section_size  }
0x9a: {  	s5 =	simm.s32 $_size__tile_overlayer_lowered;
	s6 =	simm.s32 $_tile_overlayer_lowered  }
0x9b: {  	s22 =	simm.s32 $0x1BFF;
	s21 =	sshll.u32 s6, $0x1;
	s3 =	sadd.s32 s4, s19  }
0x9c: {  	s7 =	simm.s32 $0x0;
	s20 =	sshll.u32 s5, $0x1;
	s5 =	sadd.s32 s21, s3  }
0x9d: {  	[timem:s7], [sflag:s22] =	dma.local [hbm:s5], s20  }
0x9e: {  	_ =	swait.ge [sflag:s22], s20  }
0x9f: {  	s4 =	ssub.s32 $0x0, s20;
	[sflag:s22] =	ssyncset.done $0x0  }
0xa0: {  	[sflag:s22] =	ssyncadd.s32 s4;
	_ =	sdelay $0x1  }
0xa1: {  	s23 =	simm.s32 $0x1B8B  }
0xa2: {  	_ =	swait.ge [sflag:s23], $0x1  }
0xa3: {  	[sflag:s23] =	ssyncset.done $0x0  }
0xa4: {  	s25 =	simm.s32 $0x1B8E;
	s24 =	sld [smem:$0x3FFE];
	[sflag:s23] =	ssyncadd.s32 $0xFFFFFFFF  }
0xa5: {  	s26 =	simm.s32 $execute0_lowered;
	[smem:$0x3FD2] =	sst s25  }
0xa6: {  	s5 =	sshll.u32 s26, $0x1;
	_ =	strace $0x8000004C;
	[dreg:$0x1] =	wrdreg $0xFFFFFFFF  }
0xa7: {  	s28 =	simm.s32 $_size_execute0_lowered;
	s3 =	sadd.s32 s3, s5;
	[dreg:$0x0] =	wrdreg $0x0  }
0xa8: {  	s5 =	sshll.u32 s28, $0x1;
	[dreg:$0x2] =	wrdreg s3  }
0xa9: {  	[dreg:$0x3] =	wrdreg s5  }
0xaa: {  	[dreg:$0x4] =	wrdreg $0xC0  }
0xab: {  	_ =	task [dreg:s7], $0x5FFFF  }
0xac: {  	[dreg:$0x1] =	wrdreg $0xFFFFFFFF  }
0xad: {  	[dreg:$0x0] =	wrdreg $0x60  }
0xae: {  	[dreg:$0x2] =	wrdreg s24  }
0xaf: {  	[dreg:$0x3] =	wrdreg s2  }
0xb0: {  	[dreg:$0x4] =	wrdreg $0x0  }
0xb1: {  	[dreg:$0x5] =	wrdreg $0x9  }
0xb2: {  	_ =	task.clear_ibuf [dreg:s7], $0x6FFFF;
	_ =	strace $0x9000004C  }
0xb3: {  	s29 =	simm.s32 $0x9;
	_ =	strace $0x8000004E  }
0xb4: {  	_ =	swait.ge [sflag:s29], $0x1  }
0xb5: {  	[sflag:s29] =	ssyncadd.s32 $0xFFFFFFFF  }
0xb6: {  	_ =	strace $0x9000004E  }
0xb7: {  	_ =	sfence  }
0xb8: {  	s30 =	sld [smem:$0x0];
	_ =	sdelay $0x2  }
0xb9: {  	s31 =	sshll.u32 s1, $0xD;
	s1 =	sshrl.u32 s1, $0x2  }
0xba: {  	s3 =	sand.u32 $0x4000, s31;
	s1 =	sadd.s32 s1, s30  }
0xbb: {  	s0 =	sor.u32 s3, s0;
	s1 =	sshll.u32 s1, $0x11  }
0xbc: {  	s0 =	sor.u32 s1, s0  }
0xbd: {  	s0 =	sadd.s32 $0x8F2B, s0  }
0xbe: {  	[sflag:s0] =	ssyncadd.remote.s32 $0x1  }
0xbf: {  	_ =	sfence.sel $0xFFFF  }
0xc0: {  	[dreg:$0x0] =	wrdreg $0xFFFFFFFF;
	(pc) =	sbr.abs _section_cstart, $3  }
0xc1: {  	[dreg:$0x1] =	wrdreg $0xFFFFFFFF  }
0xc2: {  	_ =	task.clear_ibuf [dreg:s7], $0x2FFFF;
	_ =	strace $0x9FFFFFFF  }
0xc3: {  	(tm) =	ssettm $0x7FFFFFFF  }
tec
execute0_lowered:
.L_overlay_start_1:
0x0: {  	(tag) =	ssettag $0x1  }
0x1: {  	s0 =	rddreg [dreg:$0x0]  }
0x2: {  	s2 =	rddreg [dreg:$0x1]  }
0x3: {  	s1 =	rddreg [dreg:$0x2];
	s3 =	simm.s32 $0x0  }
0x4: {  	[smem:$0x7FF] =	sst s3;
	s8 =	sadd.s32 $0x1AA00, s0  }
0x5: {  	s9 =	sadd.s32 $0x33200, s0;
	_ =	strace $0x8000004D;
	[dreg:$0x13] =	wrdreg s8  }
0x6: {  	s13 =	simm.s32 $0xC880;
	[dreg:$0x14] =	wrdreg s9  }
0x7: {  	s4 =	srdreg.scid;
	s14 =	simm.s32 $0xC900;
	[dreg:$0x4] =	wrdreg s13  }
0x8: {  	s11 =	stileid.u32;
	s17 =	simm.s32 $0xC980;
	[dreg:$0x5] =	wrdreg s14  }
0x9: {  	s19 =	simm.s32 $0xCA00;
	s20 =	simm.s32 $0xCA80;
	[dreg:$0x6] =	wrdreg s17  }
0xa: {  	s21 =	simm.s32 $0xCB00;
	s23 =	simm.s32 $0xCB80;
	[dreg:$0x7] =	wrdreg s19  }
0xb: {  	s25 =	simm.s32 $0xD080;
	s6 =	smul.u32 $0x1880, s11;
	[dreg:$0x8] =	wrdreg s20  }
0xc: {  	s4 =	sand.u32 $0x1, s4;
	s10 =	smul.u32 $0xC40, s11;
	[dreg:$0x9] =	wrdreg s21  }
0xd: {  	s12 =	sadd.s32 $0x64200, s0;
	s16 =	smul.u32 $0x31000, s11;
	[dreg:$0xa] =	wrdreg s23  }
0xe: {  	s11 =	simm.s32 $0xD200;
	s5 =	sshll.u32 s4, $0x1;
	[dreg:$0xb] =	wrdreg s25  }
0xf: {  	s26 =	ssub.s32 $0x2, s4;
	[dreg:$0xe] =	wrdreg s11;
	s14 =	simm.s32 $0xD280  }
0x10: {  	s17 =	simm.s32 $0xD300;
	s19 =	simm.s32 $0xD380;
	[dreg:$0x16] =	wrdreg s10  }
0x11: {  	p0 =	sne.s32 s4, $0x0;
	s5 =	sadd.s32 s5, s0;
	[dreg:$0xf] =	wrdreg s14  }
0x12: {  	s7 =	sadd.s32 s6, s0;
	s3 =	sshrl.u32 s26, $0x1;
	[dreg:$0x10] =	wrdreg s17  }
0x13: {  	s0 =	sadd.s32 $0x4BA00, s0;
	s31 =	sadd.s32 s2, s6;
	[dreg:$0x11] =	wrdreg s19  }
0x14: {  	s8 =	ssub.s32 s26, s3;
	s3 =	simm.s32 $0xD100;
	[dreg:$0x12] =	wrdreg s31  }
0x15: {  	s12 =	smov.u32 @p0 s0;
	[dreg:$0xc] =	wrdreg s3  }
0x16: {  	s15 =	sadd.s32 $0x2200, s7;
	[dreg:$0x15] =	wrdreg s12  }
0x17: {  	s10 =	sadd.s32 $0x312200, s5;
	s18 =	smax.u32 s8, $0x1;
	[dreg:$0x17] =	wrdreg s15  }
0x18: {  	s5 =	sshrl.u32 s16, $0x2;
	s8 =	simm.s32 $0xD180;
	[dreg:$0x18] =	wrdreg s18  }
0x19: {  	s5 =	sadd.s32 s5, s1;
	[dreg:$0xd] =	wrdreg s8  }
0x1a: {  	s22 =	sadd.s32 $0xC40, s5;
	[dreg:$0x19] =	wrdreg s5  }
0x1b: {  	s29 =	simm.s32 $0xD400;
	s24 =	sadd.s32 $0x1880, s5;
	[dreg:$0x1a] =	wrdreg s22  }
0x1c: {  	s28 =	simm.s32 $0xC500;
	s26 =	sadd.s32 $0x24C0, s5;
	[dreg:$0x1b] =	wrdreg s24  }
0x1d: {  	s30 =	simm.s32 $0x3;
	s7 =	sadd.s32 $0x3100, s5;
	[dreg:$0x1c] =	wrdreg s26  }
0x1e: {  	s11 =	simm.s32 $0x80;
	s9 =	sadd.s32 $0x3D40, s5;
	[dreg:$0x1d] =	wrdreg s7  }
0x1f: {  	s4 =	simm.s32 $0x4;
	s13 =	sadd.s32 $0x4980, s5;
	[dreg:$0x1e] =	wrdreg s9  }
0x20: {  	s2 =	simm.s32 $0x1;
	s16 =	sadd.s32 $0x55C0, s5;
	[dreg:$0x1f] =	wrdreg s13  }
0x21: {  	s6 =	simm.s32 $0x5;
	s18 =	sadd.s32 $0x6200, s5;
	[smem:$0x7F5] =	sst s16  }
0x22: {  	s17 =	simm.s32 $0x7;
	s20 =	sadd.s32 $0x6E40, s5;
	[smem:$0x7F6] =	sst s18  }
0x23: {  	s19 =	simm.s32 $0x2;
	s21 =	sadd.s32 $0x7A80, s5;
	[smem:$0x7F7] =	sst s20  }
0x24: {  	s12 =	simm.s32 $0xC480;
	s23 =	sadd.s32 $0x9300, s5;
	[smem:$0x7F8] =	sst s21  }
0x25: {  	s25 =	sadd.s32 $0xAB80, s5;
	s22 =	sadd.s32 $0x86C0, s5;
	[smem:$0x7FA] =	sst s23  }
0x26: {  	s24 =	sadd.s32 $0x9F40, s5;
	[smem:$0x7FC] =	sst s25;
	s26 =	sadd.s32 $0xB7C0, s5  }
0x27: {  	s9 =	simm.s32 $0xC400;
	s23 =	simm.s32 $0xCC00;
	s18 =	simm.s32 $0xEC00  }
0x28: {  	s20 =	simm.s32 $0xF400;
	s13 =	simm.s32 $0x6;
	[smem:$0x7F9] =	sst s22  }
0x29: {  	s21 =	simm.s32 $0x8;
	s25 =	simm.s32 $0x9;
	[smem:$0x7FB] =	sst s24  }
0x2a: {  	s7 =	simm.s32 $0xA;
	s5 =	simm.s32 $0x0;
	[smem:$0x7FD] =	sst s26  }
0x2b: {  	v0 =	vimm.f32 $0.0e+00;
	s22 =	simm.s32 $0xFC00;
	s24 =	simm.s32 $0x10400;
	s26 =	simm.s32 $0x10C00  }
.LBB2_1:
0x2c: {  	[smem:$0x7F4] =	sst s5;
	s5 =	simm.s32 $0xD420  }
0x2d: {  	[tilespmem:s5+$0xFFFFFFE0] =	vst v0  }
0x2e: {  	[tilespmem:s5+$0x10] =	vst v0  }
0x2f: {  	s8 =	simm.s32 $0x0;
	[tilespmem:s5+$0x0] =	vst v0  }
.LBB2_2:
0x30: {  	s8 =	sadd.s32 $0x4, s8  }
0x31: {  	[tilespmem:s5+$0xFFFFFFF0] =	vst v0;
	s5 =	sadd.s32 $0x40, s5;
	p1 =	slt.u32 s8, $0xC0  }
.Ltmp0:
0x32: {  	[tilespmem:s5+$0xFFFFFFE0] =	vst v0;
	(pc) =	sbr.rel @p1 .LBB2_2-.Ltmp0, $3  }
0x33: {  	_ =	sdelay $0x1  }
0x34: {  	[tilespmem:s5+$0x10] =	vst v0  }
0x35: {  	[tilespmem:s5+$0x0] =	vst v0  }
0x36: {  	[tilespmem:s5+$0xFFFFFFF0] =	vst v0;
	s0 =	rddreg [dreg:$0x19];
	s5 =	simm.s32 $0xB  }
0x37: {  	[spmem:s0] =	stream.linear.scatter [tilespmem:s29], [sflag:$0xB], $0xC40, $0x38;
	[tilespmem:$0x12C80] =	vst v63  }
0x38: {  	_ =	swait.ge [sflag:s5], $0xC40  }
0x39: {  	[sflag:s5] =	ssyncset.done $0x0  }
0x3a: {  	s8 =	rddreg [dreg:$0x1a];
	[sflag:s5] =	ssyncadd.s32 $0xFFFFF3C0  }
0x3b: {  	[spmem:s8] =	stream.linear.scatter [tilespmem:s29], [sflag:$0xB], $0xC40, $0x38;
	[tilespmem:$0x12C80] =	vst v63  }
0x3c: {  	_ =	swait.ge [sflag:s5], $0xC40  }
0x3d: {  	[sflag:s5] =	ssyncset.done $0x0  }
0x3e: {  	s14 =	rddreg [dreg:$0x1b];
	[sflag:s5] =	ssyncadd.s32 $0xFFFFF3C0  }
0x3f: {  	[spmem:s14] =	stream.linear.scatter [tilespmem:s29], [sflag:$0xB], $0xC40, $0x38;
	[tilespmem:$0x12C80] =	vst v63  }
0x40: {  	_ =	swait.ge [sflag:s5], $0xC40  }
0x41: {  	[sflag:s5] =	ssyncset.done $0x0  }
0x42: {  	s16 =	rddreg [dreg:$0x1c];
	[sflag:s5] =	ssyncadd.s32 $0xFFFFF3C0  }
0x43: {  	[spmem:s16] =	stream.linear.scatter [tilespmem:s29], [sflag:$0xB], $0xC40, $0x38;
	[tilespmem:$0x12C80] =	vst v63  }
0x44: {  	_ =	swait.ge [sflag:s5], $0xC40  }
0x45: {  	[sflag:s5] =	ssyncset.done $0x0  }
0x46: {  	s3 =	rddreg [dreg:$0x1d];
	[sflag:s5] =	ssyncadd.s32 $0xFFFFF3C0  }
0x47: {  	[spmem:s3] =	stream.linear.scatter [tilespmem:s29], [sflag:$0xB], $0xC40, $0x38;
	[tilespmem:$0x12C80] =	vst v63  }
0x48: {  	_ =	swait.ge [sflag:s5], $0xC40  }
0x49: {  	[sflag:s5] =	ssyncset.done $0x0  }
0x4a: {  	s8 =	rddreg [dreg:$0x1e];
	[sflag:s5] =	ssyncadd.s32 $0xFFFFF3C0  }
0x4b: {  	[spmem:s8] =	stream.linear.scatter [tilespmem:s29], [sflag:$0xB], $0xC40, $0x38;
	[tilespmem:$0x12C80] =	vst v63  }
0x4c: {  	_ =	swait.ge [sflag:s5], $0xC40  }
0x4d: {  	[sflag:s5] =	ssyncset.done $0x0  }
0x4e: {  	s14 =	rddreg [dreg:$0x1f];
	[sflag:s5] =	ssyncadd.s32 $0xFFFFF3C0  }
0x4f: {  	[spmem:s14] =	stream.linear.scatter [tilespmem:s29], [sflag:$0xB], $0xC40, $0x38;
	[tilespmem:$0x12C80] =	vst v63  }
0x50: {  	_ =	swait.ge [sflag:s5], $0xC40  }
0x51: {  	s16 =	sld [smem:$0x7F5]  }
0x52: {  	[sflag:s5] =	ssyncset.done $0x0  }
0x53: {  	[sflag:s5] =	ssyncadd.s32 $0xFFFFF3C0  }
0x54: {  	[spmem:s16] =	stream.linear.scatter [tilespmem:s29], [sflag:$0xB], $0xC40, $0x38;
	[tilespmem:$0x12C80] =	vst v63  }
0x55: {  	_ =	swait.ge [sflag:s5], $0xC40  }
0x56: {  	s3 =	sld [smem:$0x7F6]  }
0x57: {  	[sflag:s5] =	ssyncset.done $0x0  }
0x58: {  	[sflag:s5] =	ssyncadd.s32 $0xFFFFF3C0  }
0x59: {  	[spmem:s3] =	stream.linear.scatter [tilespmem:s29], [sflag:$0xB], $0xC40, $0x38;
	[tilespmem:$0x12C80] =	vst v63  }
0x5a: {  	_ =	swait.ge [sflag:s5], $0xC40  }
0x5b: {  	s8 =	sld [smem:$0x7F7]  }
0x5c: {  	[sflag:s5] =	ssyncset.done $0x0  }
0x5d: {  	[sflag:s5] =	ssyncadd.s32 $0xFFFFF3C0  }
0x5e: {  	[spmem:s8] =	stream.linear.scatter [tilespmem:s29], [sflag:$0xB], $0xC40, $0x38;
	[tilespmem:$0x12C80] =	vst v63  }
0x5f: {  	_ =	swait.ge [sflag:s5], $0xC40  }
0x60: {  	s14 =	sld [smem:$0x7F8]  }
0x61: {  	[sflag:s5] =	ssyncset.done $0x0  }
0x62: {  	[sflag:s5] =	ssyncadd.s32 $0xFFFFF3C0  }
0x63: {  	[spmem:s14] =	stream.linear.scatter [tilespmem:s29], [sflag:$0xB], $0xC40, $0x38;
	[tilespmem:$0x12C80] =	vst v63  }
0x64: {  	_ =	swait.ge [sflag:s5], $0xC40  }
0x65: {  	s16 =	sld [smem:$0x7F9]  }
0x66: {  	[sflag:s5] =	ssyncset.done $0x0  }
0x67: {  	[sflag:s5] =	ssyncadd.s32 $0xFFFFF3C0  }
0x68: {  	[spmem:s16] =	stream.linear.scatter [tilespmem:s29], [sflag:$0xB], $0xC40, $0x38;
	[tilespmem:$0x12C80] =	vst v63  }
0x69: {  	_ =	swait.ge [sflag:s5], $0xC40  }
0x6a: {  	s3 =	sld [smem:$0x7FA]  }
0x6b: {  	[sflag:s5] =	ssyncset.done $0x0  }
0x6c: {  	[sflag:s5] =	ssyncadd.s32 $0xFFFFF3C0  }
0x6d: {  	[spmem:s3] =	stream.linear.scatter [tilespmem:s29], [sflag:$0xB], $0xC40, $0x38;
	[tilespmem:$0x12C80] =	vst v63  }
0x6e: {  	_ =	swait.ge [sflag:s5], $0xC40  }
0x6f: {  	s8 =	sld [smem:$0x7FB]  }
0x70: {  	[sflag:s5] =	ssyncset.done $0x0  }
0x71: {  	[sflag:s5] =	ssyncadd.s32 $0xFFFFF3C0  }
0x72: {  	[spmem:s8] =	stream.linear.scatter [tilespmem:s29], [sflag:$0xB], $0xC40, $0x38;
	[tilespmem:$0x12C80] =	vst v63  }
0x73: {  	_ =	swait.ge [sflag:s5], $0xC40  }
0x74: {  	s14 =	sld [smem:$0x7FC]  }
0x75: {  	[sflag:s5] =	ssyncset.done $0x0  }
0x76: {  	[sflag:s5] =	ssyncadd.s32 $0xFFFFF3C0  }
0x77: {  	[spmem:s14] =	stream.linear.scatter [tilespmem:s29], [sflag:$0xB], $0xC40, $0x38;
	[tilespmem:$0x12C80] =	vst v63  }
0x78: {  	_ =	swait.ge [sflag:s5], $0xC40  }
0x79: {  	s16 =	sld [smem:$0x7FD]  }
0x7a: {  	[sflag:s5] =	ssyncset.done $0x0  }
0x7b: {  	[sflag:s5] =	ssyncadd.s32 $0xFFFFF3C0  }
0x7c: {  	[spmem:s16] =	stream.linear.scatter [tilespmem:s29], [sflag:$0xB], $0xC40, $0x38;
	[tilespmem:$0x12C80] =	vst v63  }
0x7d: {  	_ =	swait.ge [sflag:s5], $0xC40  }
0x7e: {  	[sflag:s5] =	ssyncset.done $0x0  }
0x7f: {  	[sflag:s5] =	ssyncadd.s32 $0xFFFFF3C0  }
0x80: {  	s14 =	simm.s32 $0x0;
	[bflag:$0x0] =	sbarrier.arrive $0xFFFF  }
0x81: {  	[tilespmem:s9], [sflag:$0x1] =	stream.linear.gather [hbm4b:s31+s14], $0x400, $0x38;
	[tilespmem:$0x12C80] =	vst v63  }
0x82: {  	_ = 	snop  }
0x83: {  	[tilespmem:s23], [sflag:$0x1] =	stream.linear.gather [hbm4b:s15+s14], $0x400, $0x38;
	[tilespmem:$0x12C80] =	vst v63  }
0x84: {  	_ =	swait.ge [sflag:s2], $0x400  }
0x85: {  	[sflag:s2] =	ssyncset.done $0x0  }
0x86: {  	[sflag:s2] =	ssyncadd.s32 $0xFFFFFC00  }
0x87: {  	_ =	swait.ge [sflag:s2], $0x400  }
0x88: {  	[sflag:s2] =	ssyncset.done $0x0  }
0x89: {  	[sflag:s2] =	ssyncadd.s32 $0xFFFFFC00  }
0x8a: {  	[tilespmem:s29], [sflag:$0x3] =	stream.indirect.gather [hbm4b:s10+s11], $0x10, s9, s11, $0xb8;
	[tilespmem:$0x12C80] =	vst v63  }
0x8b: {  	s16 =	simm.s32 $0xDC00  }
0x8c: {  	[tilespmem:s16], [sflag:$0x4] =	stream.indirect.gather [hbm4b:s10+s11], $0x10, s12, s11, $0xb8;
	[tilespmem:$0x12C80] =	vst v63  }
0x8d: {  	s12 =	simm.s32 $0xE400  }
0x8e: {  	[tilespmem:s12], [sflag:$0x5] =	stream.indirect.gather [hbm4b:s10+s11], $0x10, s28, s11, $0xb8;
	[tilespmem:$0x12C80] =	vst v63  }
0x8f: {  	s3 =	simm.s32 $0xC580  }
0x90: {  	[tilespmem:s18], [sflag:$0x6] =	stream.indirect.gather [hbm4b:s10+s11], $0x10, s3, s11, $0xb8;
	[tilespmem:$0x12C80] =	vst v63  }
0x91: {  	s5 =	simm.s32 $0xC600  }
0x92: {  	[tilespmem:s20], [sflag:$0x7] =	stream.indirect.gather [hbm4b:s10+s11], $0x10, s5, s11, $0xb8;
	[tilespmem:$0x12C80] =	vst v63  }
0x93: {  	s8 =	simm.s32 $0xC680  }
0x94: {  	[tilespmem:s22], [sflag:$0x8] =	stream.indirect.gather [hbm4b:s10+s11], $0x10, s8, s11, $0xb8;
	[tilespmem:$0x12C80] =	vst v63  }
0x95: {  	s9 =	simm.s32 $0xC700  }
0x96: {  	[tilespmem:s24], [sflag:$0x9] =	stream.indirect.gather [hbm4b:s10+s11], $0x10, s9, s11, $0xb8;
	[tilespmem:$0x12C80] =	vst v63  }
0x97: {  	s5 =	sadd.s32 $0xFFFFE800, s31;
	s31 =	simm.s32 $0xC780  }
0x98: {  	[tilespmem:s26], [sflag:$0xA] =	stream.indirect.gather [hbm4b:s10+s11], $0x10, s31, s11, $0xb8;
	[tilespmem:$0x12C80] =	vst v63  }
0x99: {  	s0 =	simm.s32 $0xC800;
	s3 =	sadd.s32 $0x1880, s5;
	s8 =	sadd.s32 $0xFFFFE800, s15  }
0x9a: {  	[tilespmem:s0], [sflag:$0x1] =	stream.linear.gather [hbm4b:s3+s14], $0x400, $0x38;
	[tilespmem:$0x12C80] =	vst v63  }
0x9b: {  	s31 =	sadd.s32 $0x1880, s8;
	s3 =	simm.s32 $0xD000  }
0x9c: {  	[tilespmem:s3], [sflag:$0x1] =	stream.linear.gather [hbm4b:s31+s14], $0x400, $0x38;
	[tilespmem:$0x12C80] =	vst v63  }
0x9d: {  	_ =	swait.ge [sflag:s30], $0x800  }
0x9e: {  	[sflag:s30] =	ssyncset.done $0x0  }
0x9f: {  	[sflag:s30] =	ssyncadd.s32 $0xFFFFF800  }
0xa0: {  	[spmem:s1] =	stream.indirect.scatter.add.f32 [tilespmem:s29], [sflag:$0x2], $0x10, s23, s11, $0xb8;
	[tilespmem:$0x12C80] =	vst v63  }
0xa1: {  	_ =	swait.ge [sflag:s4], $0x800  }
0xa2: {  	[sflag:s4] =	ssyncset.done $0x0  }
0xa3: {  	s31 =	simm.s32 $0xCC80;
	[sflag:s4] =	ssyncadd.s32 $0xFFFFF800  }
0xa4: {  	[spmem:s1] =	stream.indirect.scatter.add.f32 [tilespmem:s16], [sflag:$0x2], $0x10, s31, s11, $0xb8;
	[tilespmem:$0x12C80] =	vst v63  }
0xa5: {  	_ =	swait.ge [sflag:s6], $0x800  }
0xa6: {  	[sflag:s6] =	ssyncset.done $0x0  }
0xa7: {  	s31 =	simm.s32 $0xCD00;
	[sflag:s6] =	ssyncadd.s32 $0xFFFFF800  }
0xa8: {  	[spmem:s1] =	stream.indirect.scatter.add.f32 [tilespmem:s12], [sflag:$0x2], $0x10, s31, s11, $0xb8;
	[tilespmem:$0x12C80] =	vst v63  }
0xa9: {  	_ =	swait.ge [sflag:s13], $0x800  }
0xaa: {  	[sflag:s13] =	ssyncset.done $0x0  }
0xab: {  	s12 =	simm.s32 $0xCD80;
	[sflag:s13] =	ssyncadd.s32 $0xFFFFF800  }
0xac: {  	[spmem:s1] =	stream.indirect.scatter.add.f32 [tilespmem:s18], [sflag:$0x2], $0x10, s12, s11, $0xb8;
	[tilespmem:$0x12C80] =	vst v63  }
0xad: {  	_ =	swait.ge [sflag:s17], $0x800  }
0xae: {  	[sflag:s17] =	ssyncset.done $0x0  }
0xaf: {  	s31 =	simm.s32 $0xCE00;
	[sflag:s17] =	ssyncadd.s32 $0xFFFFF800  }
0xb0: {  	[spmem:s1] =	stream.indirect.scatter.add.f32 [tilespmem:s20], [sflag:$0x2], $0x10, s31, s11, $0xb8;
	[tilespmem:$0x12C80] =	vst v63  }
0xb1: {  	_ =	swait.ge [sflag:s21], $0x800  }
0xb2: {  	[sflag:s21] =	ssyncset.done $0x0  }
0xb3: {  	s12 =	simm.s32 $0xCE80;
	[sflag:s21] =	ssyncadd.s32 $0xFFFFF800  }
0xb4: {  	[spmem:s1] =	stream.indirect.scatter.add.f32 [tilespmem:s22], [sflag:$0x2], $0x10, s12, s11, $0xb8;
	[tilespmem:$0x12C80] =	vst v63  }
0xb5: {  	_ =	swait.ge [sflag:s25], $0x800  }
0xb6: {  	[sflag:s25] =	ssyncset.done $0x0  }
0xb7: {  	s31 =	simm.s32 $0xCF00;
	[sflag:s25] =	ssyncadd.s32 $0xFFFFF800  }
0xb8: {  	[spmem:s1] =	stream.indirect.scatter.add.f32 [tilespmem:s24], [sflag:$0x2], $0x10, s31, s11, $0xb8;
	[tilespmem:$0x12C80] =	vst v63  }
0xb9: {  	_ =	swait.ge [sflag:s7], $0x800  }
0xba: {  	[sflag:s7] =	ssyncset.done $0x0  }
0xbb: {  	s12 =	simm.s32 $0xCF80;
	[sflag:s7] =	ssyncadd.s32 $0xFFFFF800  }
0xbc: {  	[spmem:s1] =	stream.indirect.scatter.add.f32 [tilespmem:s26], [sflag:$0x2], $0x10, s12, s11, $0xb8;
	[tilespmem:$0x12C80] =	vst v63  }
0xbd: {  	_ =	swait.ge [sflag:s19], $0x800  }
0xbe: {  	[sflag:s19] =	ssyncset.done $0x0  }
0xbf: {  	[sflag:s19] =	ssyncadd.s32 $0xFFFFF800  }
0xc0: {  	_ =	swait.ge [sflag:s19], $0x800  }
0xc1: {  	[sflag:s19] =	ssyncset.done $0x0  }
0xc2: {  	[sflag:s19] =	ssyncadd.s32 $0xFFFFF800  }
0xc3: {  	_ =	swait.ge [sflag:s19], $0x800  }
0xc4: {  	[sflag:s19] =	ssyncset.done $0x0  }
0xc5: {  	[sflag:s19] =	ssyncadd.s32 $0xFFFFF800  }
0xc6: {  	_ =	swait.ge [sflag:s19], $0x800  }
0xc7: {  	[sflag:s19] =	ssyncset.done $0x0  }
0xc8: {  	[sflag:s19] =	ssyncadd.s32 $0xFFFFF800  }
0xc9: {  	_ =	swait.ge [sflag:s19], $0x800  }
0xca: {  	[sflag:s19] =	ssyncset.done $0x0  }
0xcb: {  	[sflag:s19] =	ssyncadd.s32 $0xFFFFF800  }
0xcc: {  	_ =	swait.ge [sflag:s19], $0x800  }
0xcd: {  	[sflag:s19] =	ssyncset.done $0x0  }
0xce: {  	[sflag:s19] =	ssyncadd.s32 $0xFFFFF800  }
0xcf: {  	_ =	swait.ge [sflag:s19], $0x800  }
0xd0: {  	[sflag:s19] =	ssyncset.done $0x0  }
0xd1: {  	[sflag:s19] =	ssyncadd.s32 $0xFFFFF800  }
0xd2: {  	_ =	swait.ge [sflag:s19], $0x800  }
0xd3: {  	[sflag:s19] =	ssyncset.done $0x0  }
0xd4: {  	[sflag:s19] =	ssyncadd.s32 $0xFFFFF800  }
0xd5: {  	_ =	swait.ge [sflag:s2], $0x400  }
0xd6: {  	[sflag:s2] =	ssyncset.done $0x0  }
0xd7: {  	[sflag:s2] =	ssyncadd.s32 $0xFFFFFC00  }
0xd8: {  	_ =	swait.ge [sflag:s2], $0x400  }
0xd9: {  	[sflag:s2] =	ssyncset.done $0x0  }
0xda: {  	[sflag:s2] =	ssyncadd.s32 $0xFFFFFC00  }
0xdb: {  	[tilespmem:s29], [sflag:$0x3] =	stream.indirect.gather [hbm4b:s10+s11], $0x10, s0, s11, $0xb8;
	[tilespmem:$0x12C80] =	vst v63  }
0xdc: {  	s31 =	rddreg [dreg:$0x4]  }
0xdd: {  	[tilespmem:s16], [sflag:$0x4] =	stream.indirect.gather [hbm4b:s10+s11], $0x10, s31, s11, $0xb8;
	[tilespmem:$0x12C80] =	vst v63  }
0xde: {  	s12 =	rddreg [dreg:$0x5];
	s16 =	simm.s32 $0xE400  }
0xdf: {  	[tilespmem:s16], [sflag:$0x5] =	stream.indirect.gather [hbm4b:s10+s11], $0x10, s12, s11, $0xb8;
	[tilespmem:$0x12C80] =	vst v63  }
0xe0: {  	s31 =	rddreg [dreg:$0x6]  }
0xe1: {  	[tilespmem:s18], [sflag:$0x6] =	stream.indirect.gather [hbm4b:s10+s11], $0x10, s31, s11, $0xb8;
	[tilespmem:$0x12C80] =	vst v63  }
0xe2: {  	s12 =	rddreg [dreg:$0x7]  }
0xe3: {  	[tilespmem:s20], [sflag:$0x7] =	stream.indirect.gather [hbm4b:s10+s11], $0x10, s12, s11, $0xb8;
	[tilespmem:$0x12C80] =	vst v63  }
0xe4: {  	s31 =	rddreg [dreg:$0x8]  }
0xe5: {  	[tilespmem:s22], [sflag:$0x8] =	stream.indirect.gather [hbm4b:s10+s11], $0x10, s31, s11, $0xb8;
	[tilespmem:$0x12C80] =	vst v63  }
0xe6: {  	s12 =	rddreg [dreg:$0x9]  }
0xe7: {  	[tilespmem:s24], [sflag:$0x9] =	stream.indirect.gather [hbm4b:s10+s11], $0x10, s12, s11, $0xb8;
	[tilespmem:$0x12C80] =	vst v63  }
0xe8: {  	s31 =	rddreg [dreg:$0xa]  }
0xe9: {  	[tilespmem:s26], [sflag:$0xA] =	stream.indirect.gather [hbm4b:s10+s11], $0x10, s31, s11, $0xb8;
	[tilespmem:$0x12C80] =	vst v63  }
0xea: {  	s5 =	sadd.s32 $0x1900, s5;
	s9 =	simm.s32 $0xC400  }
0xeb: {  	[tilespmem:s9], [sflag:$0x1] =	stream.linear.gather [hbm4b:s5+s14], $0x400, $0x38;
	[tilespmem:$0x12C80] =	vst v63  }
0xec: {  	s12 =	sadd.s32 $0x1900, s8  }
0xed: {  	[tilespmem:s23], [sflag:$0x1] =	stream.linear.gather [hbm4b:s12+s14], $0x400, $0x38;
	[tilespmem:$0x12C80] =	vst v63  }
0xee: {  	_ =	swait.ge [sflag:s30], $0x800  }
0xef: {  	[sflag:s30] =	ssyncset.done $0x0  }
0xf0: {  	[sflag:s30] =	ssyncadd.s32 $0xFFFFF800  }
0xf1: {  	[spmem:s1] =	stream.indirect.scatter.add.f32 [tilespmem:s29], [sflag:$0x2], $0x10, s3, s11, $0xb8;
	[tilespmem:$0x12C80] =	vst v63  }
0xf2: {  	_ =	swait.ge [sflag:s4], $0x800  }
0xf3: {  	s0 =	smov.u32 s15;
	[sflag:s4] =	ssyncset.done $0x0  }
0xf4: {  	s15 =	simm.s32 $0xDC00;
	s23 =	rddreg [dreg:$0xb];
	[sflag:s4] =	ssyncadd.s32 $0xFFFFF800  }
0xf5: {  	[spmem:s1] =	stream.indirect.scatter.add.f32 [tilespmem:s15], [sflag:$0x2], $0x10, s23, s11, $0xb8;
	[tilespmem:$0x12C80] =	vst v63  }
0xf6: {  	_ =	swait.ge [sflag:s6], $0x800  }
0xf7: {  	[sflag:s6] =	ssyncset.done $0x0  }
0xf8: {  	s31 =	rddreg [dreg:$0xc];
	[sflag:s6] =	ssyncadd.s32 $0xFFFFF800  }
0xf9: {  	[spmem:s1] =	stream.indirect.scatter.add.f32 [tilespmem:s16], [sflag:$0x2], $0x10, s31, s11, $0xb8;
	[tilespmem:$0x12C80] =	vst v63  }
0xfa: {  	_ =	swait.ge [sflag:s13], $0x800  }
0xfb: {  	[sflag:s13] =	ssyncset.done $0x0  }
0xfc: {  	s3 =	rddreg [dreg:$0xd];
	[sflag:s13] =	ssyncadd.s32 $0xFFFFF800  }
0xfd: {  	[spmem:s1] =	stream.indirect.scatter.add.f32 [tilespmem:s18], [sflag:$0x2], $0x10, s3, s11, $0xb8;
	[tilespmem:$0x12C80] =	vst v63  }
0xfe: {  	_ =	swait.ge [sflag:s17], $0x800  }
0xff: {  	[sflag:s17] =	ssyncset.done $0x0  }
0x100: {  	s8 =	rddreg [dreg:$0xe];
	[sflag:s17] =	ssyncadd.s32 $0xFFFFF800  }
0x101: {  	[spmem:s1] =	stream.indirect.scatter.add.f32 [tilespmem:s20], [sflag:$0x2], $0x10, s8, s11, $0xb8;
	[tilespmem:$0x12C80] =	vst v63  }
0x102: {  	_ =	swait.ge [sflag:s21], $0x800  }
0x103: {  	[sflag:s21] =	ssyncset.done $0x0  }
0x104: {  	s12 =	rddreg [dreg:$0xf];
	[sflag:s21] =	ssyncadd.s32 $0xFFFFF800  }
0x105: {  	[spmem:s1] =	stream.indirect.scatter.add.f32 [tilespmem:s22], [sflag:$0x2], $0x10, s12, s11, $0xb8;
	[tilespmem:$0x12C80] =	vst v63  }
0x106: {  	_ =	swait.ge [sflag:s25], $0x800  }
0x107: {  	[sflag:s25] =	ssyncset.done $0x0  }
0x108: {  	s23 =	rddreg [dreg:$0x10];
	[sflag:s25] =	ssyncadd.s32 $0xFFFFF800  }
0x109: {  	[spmem:s1] =	stream.indirect.scatter.add.f32 [tilespmem:s24], [sflag:$0x2], $0x10, s23, s11, $0xb8;
	[tilespmem:$0x12C80] =	vst v63  }
0x10a: {  	_ =	swait.ge [sflag:s7], $0x800  }
0x10b: {  	[sflag:s7] =	ssyncset.done $0x0  }
0x10c: {  	s31 =	rddreg [dreg:$0x11];
	[sflag:s7] =	ssyncadd.s32 $0xFFFFF800  }
0x10d: {  	[spmem:s1] =	stream.indirect.scatter.add.f32 [tilespmem:s26], [sflag:$0x2], $0x10, s31, s11, $0xb8;
	[tilespmem:$0x12C80] =	vst v63  }
0x10e: {  	_ =	swait.ge [sflag:s19], $0x800  }
0x10f: {  	[sflag:s19] =	ssyncset.done $0x0  }
0x110: {  	[sflag:s19] =	ssyncadd.s32 $0xFFFFF800  }
0x111: {  	_ =	swait.ge [sflag:s19], $0x800  }
0x112: {  	[sflag:s19] =	ssyncset.done $0x0  }
0x113: {  	[sflag:s19] =	ssyncadd.s32 $0xFFFFF800  }
0x114: {  	_ =	swait.ge [sflag:s19], $0x800  }
0x115: {  	[sflag:s19] =	ssyncset.done $0x0  }
0x116: {  	[sflag:s19] =	ssyncadd.s32 $0xFFFFF800  }
0x117: {  	_ =	swait.ge [sflag:s19], $0x800  }
0x118: {  	[sflag:s19] =	ssyncset.done $0x0  }
0x119: {  	[sflag:s19] =	ssyncadd.s32 $0xFFFFF800  }
0x11a: {  	_ =	swait.ge [sflag:s19], $0x800  }
0x11b: {  	[sflag:s19] =	ssyncset.done $0x0  }
0x11c: {  	[sflag:s19] =	ssyncadd.s32 $0xFFFFF800  }
0x11d: {  	_ =	swait.ge [sflag:s19], $0x800  }
0x11e: {  	[sflag:s19] =	ssyncset.done $0x0  }
0x11f: {  	[sflag:s19] =	ssyncadd.s32 $0xFFFFF800  }
0x120: {  	_ =	swait.ge [sflag:s19], $0x800  }
0x121: {  	[sflag:s19] =	ssyncset.done $0x0  }
0x122: {  	[sflag:s19] =	ssyncadd.s32 $0xFFFFF800  }
0x123: {  	_ =	swait.ge [sflag:s19], $0x800  }
0x124: {  	s28 =	simm.s32 $0xCC00;
	s23 =	simm.s32 $0xFFFFE900;
	[sflag:s19] =	ssyncset.done $0x0  }
.LBB2_4:
0x125: {  	[sflag:s19] =	ssyncadd.s32 $0xFFFFF800  }
0x126: {  	_ =	swait.ge [sflag:s2], $0x400  }
0x127: {  	[sflag:s2] =	ssyncset.done $0x0  }
0x128: {  	[sflag:s2] =	ssyncadd.s32 $0xFFFFFC00  }
0x129: {  	_ =	swait.ge [sflag:s2], $0x400  }
0x12a: {  	[sflag:s2] =	ssyncset.done $0x0  }
0x12b: {  	[sflag:s2] =	ssyncadd.s32 $0xFFFFFC00  }
0x12c: {  	[tilespmem:s29], [sflag:$0x3] =	stream.indirect.gather [hbm4b:s10+s11], $0x10, s9, s11, $0xb8;
	[tilespmem:$0x12C80] =	vst v63  }
0x12d: {  	s3 =	simm.s32 $0xC480  }
0x12e: {  	[tilespmem:s15], [sflag:$0x4] =	stream.indirect.gather [hbm4b:s10+s11], $0x10, s3, s11, $0xb8;
	[tilespmem:$0x12C80] =	vst v63  }
0x12f: {  	s5 =	simm.s32 $0xC500  }
0x130: {  	[tilespmem:s16], [sflag:$0x5] =	stream.indirect.gather [hbm4b:s10+s11], $0x10, s5, s11, $0xb8;
	[tilespmem:$0x12C80] =	vst v63  }
0x131: {  	s5 =	simm.s32 $0xC580  }
0x132: {  	[tilespmem:s18], [sflag:$0x6] =	stream.indirect.gather [hbm4b:s10+s11], $0x10, s5, s11, $0xb8;
	[tilespmem:$0x12C80] =	vst v63  }
0x133: {  	s9 =	simm.s32 $0xC600  }
0x134: {  	[tilespmem:s20], [sflag:$0x7] =	stream.indirect.gather [hbm4b:s10+s11], $0x10, s9, s11, $0xb8;
	[tilespmem:$0x12C80] =	vst v63  }
0x135: {  	s12 =	simm.s32 $0xC680  }
0x136: {  	[tilespmem:s22], [sflag:$0x8] =	stream.indirect.gather [hbm4b:s10+s11], $0x10, s12, s11, $0xb8;
	[tilespmem:$0x12C80] =	vst v63  }
0x137: {  	s8 =	smov.u32 s23;
	s15 =	simm.s32 $0xC700;
	s16 =	rddreg [dreg:$0x12]  }
0x138: {  	[tilespmem:s24], [sflag:$0x9] =	stream.indirect.gather [hbm4b:s10+s11], $0x10, s15, s11, $0xb8;
	[tilespmem:$0x12C80] =	vst v63  }
0x139: {  	s31 =	simm.s32 $0xC780;
	s5 =	sadd.s32 s8, s16  }
0x13a: {  	[tilespmem:s26], [sflag:$0xA] =	stream.indirect.gather [hbm4b:s10+s11], $0x10, s31, s11, $0xb8;
	[tilespmem:$0x12C80] =	vst v63  }
0x13b: {  	s3 =	sadd.s32 $0x1880, s5;
	s15 =	sadd.s32 s8, s0;
	s31 =	simm.s32 $0xC800  }
0x13c: {  	[tilespmem:s31], [sflag:$0x1] =	stream.linear.gather [hbm4b:s3+s14], $0x400, $0x38;
	[tilespmem:$0x12C80] =	vst v63  }
0x13d: {  	s8 =	sadd.s32 $0x1880, s15;
	s3 =	simm.s32 $0xD000  }
0x13e: {  	[tilespmem:s3], [sflag:$0x1] =	stream.linear.gather [hbm4b:s8+s14], $0x400, $0x38;
	[tilespmem:$0x12C80] =	vst v63  }
0x13f: {  	_ =	swait.ge [sflag:s30], $0x800  }
0x140: {  	[sflag:s30] =	ssyncset.done $0x0  }
0x141: {  	[sflag:s30] =	ssyncadd.s32 $0xFFFFF800  }
0x142: {  	[spmem:s1] =	stream.indirect.scatter.add.f32 [tilespmem:s29], [sflag:$0x2], $0x10, s28, s11, $0xb8;
	[tilespmem:$0x12C80] =	vst v63  }
0x143: {  	_ =	swait.ge [sflag:s4], $0x800  }
0x144: {  	[sflag:s4] =	ssyncset.done $0x0  }
0x145: {  	s16 =	simm.s32 $0xDC00;
	s9 =	simm.s32 $0xCC80;
	[sflag:s4] =	ssyncadd.s32 $0xFFFFF800  }
0x146: {  	[spmem:s1] =	stream.indirect.scatter.add.f32 [tilespmem:s16], [sflag:$0x2], $0x10, s9, s11, $0xb8;
	[tilespmem:$0x12C80] =	vst v63  }
0x147: {  	_ =	swait.ge [sflag:s6], $0x800  }
0x148: {  	[sflag:s6] =	ssyncset.done $0x0  }
0x149: {  	s12 =	simm.s32 $0xE400;
	s9 =	simm.s32 $0xCD00;
	[sflag:s6] =	ssyncadd.s32 $0xFFFFF800  }
0x14a: {  	[spmem:s1] =	stream.indirect.scatter.add.f32 [tilespmem:s12], [sflag:$0x2], $0x10, s9, s11, $0xb8;
	[tilespmem:$0x12C80] =	vst v63  }
0x14b: {  	_ =	swait.ge [sflag:s13], $0x800  }
0x14c: {  	[sflag:s13] =	ssyncset.done $0x0  }
0x14d: {  	s12 =	simm.s32 $0xCD80;
	[sflag:s13] =	ssyncadd.s32 $0xFFFFF800  }
0x14e: {  	[spmem:s1] =	stream.indirect.scatter.add.f32 [tilespmem:s18], [sflag:$0x2], $0x10, s12, s11, $0xb8;
	[tilespmem:$0x12C80] =	vst v63  }
0x14f: {  	_ =	swait.ge [sflag:s17], $0x800  }
0x150: {  	[sflag:s17] =	ssyncset.done $0x0  }
0x151: {  	s9 =	simm.s32 $0xCE00;
	[sflag:s17] =	ssyncadd.s32 $0xFFFFF800  }
0x152: {  	[spmem:s1] =	stream.indirect.scatter.add.f32 [tilespmem:s20], [sflag:$0x2], $0x10, s9, s11, $0xb8;
	[tilespmem:$0x12C80] =	vst v63  }
0x153: {  	_ =	swait.ge [sflag:s21], $0x800  }
0x154: {  	[sflag:s21] =	ssyncset.done $0x0  }
0x155: {  	s12 =	simm.s32 $0xCE80;
	[sflag:s21] =	ssyncadd.s32 $0xFFFFF800  }
0x156: {  	[spmem:s1] =	stream.indirect.scatter.add.f32 [tilespmem:s22], [sflag:$0x2], $0x10, s12, s11, $0xb8;
	[tilespmem:$0x12C80] =	vst v63  }
0x157: {  	_ =	swait.ge [sflag:s25], $0x800  }
0x158: {  	[sflag:s25] =	ssyncset.done $0x0  }
0x159: {  	s9 =	simm.s32 $0xCF00;
	[sflag:s25] =	ssyncadd.s32 $0xFFFFF800  }
0x15a: {  	[spmem:s1] =	stream.indirect.scatter.add.f32 [tilespmem:s24], [sflag:$0x2], $0x10, s9, s11, $0xb8;
	[tilespmem:$0x12C80] =	vst v63  }
0x15b: {  	_ =	swait.ge [sflag:s7], $0x800  }
0x15c: {  	[sflag:s7] =	ssyncset.done $0x0  }
0x15d: {  	s12 =	simm.s32 $0xCF80;
	[sflag:s7] =	ssyncadd.s32 $0xFFFFF800  }
0x15e: {  	[spmem:s1] =	stream.indirect.scatter.add.f32 [tilespmem:s26], [sflag:$0x2], $0x10, s12, s11, $0xb8;
	[tilespmem:$0x12C80] =	vst v63  }
0x15f: {  	_ =	swait.ge [sflag:s19], $0x800  }
0x160: {  	[sflag:s19] =	ssyncset.done $0x0  }
0x161: {  	[sflag:s19] =	ssyncadd.s32 $0xFFFFF800  }
0x162: {  	_ =	swait.ge [sflag:s19], $0x800  }
0x163: {  	[sflag:s19] =	ssyncset.done $0x0  }
0x164: {  	[sflag:s19] =	ssyncadd.s32 $0xFFFFF800  }
0x165: {  	_ =	swait.ge [sflag:s19], $0x800  }
0x166: {  	[sflag:s19] =	ssyncset.done $0x0  }
0x167: {  	[sflag:s19] =	ssyncadd.s32 $0xFFFFF800  }
0x168: {  	_ =	swait.ge [sflag:s19], $0x800  }
0x169: {  	[sflag:s19] =	ssyncset.done $0x0  }
0x16a: {  	[sflag:s19] =	ssyncadd.s32 $0xFFFFF800  }
0x16b: {  	_ =	swait.ge [sflag:s19], $0x800  }
0x16c: {  	[sflag:s19] =	ssyncset.done $0x0  }
0x16d: {  	[sflag:s19] =	ssyncadd.s32 $0xFFFFF800  }
0x16e: {  	_ =	swait.ge [sflag:s19], $0x800  }
0x16f: {  	[sflag:s19] =	ssyncset.done $0x0  }
0x170: {  	[sflag:s19] =	ssyncadd.s32 $0xFFFFF800  }
0x171: {  	_ =	swait.ge [sflag:s19], $0x800  }
0x172: {  	[sflag:s19] =	ssyncset.done $0x0  }
0x173: {  	[sflag:s19] =	ssyncadd.s32 $0xFFFFF800  }
0x174: {  	_ =	swait.ge [sflag:s19], $0x800  }
0x175: {  	[sflag:s19] =	ssyncset.done $0x0  }
0x176: {  	[sflag:s19] =	ssyncadd.s32 $0xFFFFF800  }
0x177: {  	_ =	swait.ge [sflag:s2], $0x400  }
0x178: {  	[sflag:s2] =	ssyncset.done $0x0  }
0x179: {  	[sflag:s2] =	ssyncadd.s32 $0xFFFFFC00  }
0x17a: {  	_ =	swait.ge [sflag:s2], $0x400  }
0x17b: {  	[sflag:s2] =	ssyncset.done $0x0  }
0x17c: {  	[sflag:s2] =	ssyncadd.s32 $0xFFFFFC00  }
0x17d: {  	[tilespmem:s29], [sflag:$0x3] =	stream.indirect.gather [hbm4b:s10+s11], $0x10, s31, s11, $0xb8;
	[tilespmem:$0x12C80] =	vst v63  }
0x17e: {  	s8 =	rddreg [dreg:$0x4]  }
0x17f: {  	[tilespmem:s16], [sflag:$0x4] =	stream.indirect.gather [hbm4b:s10+s11], $0x10, s8, s11, $0xb8;
	[tilespmem:$0x12C80] =	vst v63  }
0x180: {  	s9 =	rddreg [dreg:$0x5];
	s16 =	simm.s32 $0xE400  }
0x181: {  	[tilespmem:s16], [sflag:$0x5] =	stream.indirect.gather [hbm4b:s10+s11], $0x10, s9, s11, $0xb8;
	[tilespmem:$0x12C80] =	vst v63  }
0x182: {  	s31 =	rddreg [dreg:$0x6]  }
0x183: {  	[tilespmem:s18], [sflag:$0x6] =	stream.indirect.gather [hbm4b:s10+s11], $0x10, s31, s11, $0xb8;
	[tilespmem:$0x12C80] =	vst v63  }
0x184: {  	s9 =	rddreg [dreg:$0x7]  }
0x185: {  	[tilespmem:s20], [sflag:$0x7] =	stream.indirect.gather [hbm4b:s10+s11], $0x10, s9, s11, $0xb8;
	[tilespmem:$0x12C80] =	vst v63  }
0x186: {  	s31 =	rddreg [dreg:$0x8]  }
0x187: {  	[tilespmem:s22], [sflag:$0x8] =	stream.indirect.gather [hbm4b:s10+s11], $0x10, s31, s11, $0xb8;
	[tilespmem:$0x12C80] =	vst v63  }
0x188: {  	s9 =	rddreg [dreg:$0x9]  }
0x189: {  	[tilespmem:s24], [sflag:$0x9] =	stream.indirect.gather [hbm4b:s10+s11], $0x10, s9, s11, $0xb8;
	[tilespmem:$0x12C80] =	vst v63  }
0x18a: {  	s31 =	rddreg [dreg:$0xa]  }
0x18b: {  	[tilespmem:s26], [sflag:$0xA] =	stream.indirect.gather [hbm4b:s10+s11], $0x10, s31, s11, $0xb8;
	[tilespmem:$0x12C80] =	vst v63  }
0x18c: {  	s5 =	sadd.s32 $0x1900, s5;
	s9 =	simm.s32 $0xC400  }
0x18d: {  	[tilespmem:s9], [sflag:$0x1] =	stream.linear.gather [hbm4b:s5+s14], $0x400, $0x38;
	[tilespmem:$0x12C80] =	vst v63  }
0x18e: {  	s8 =	sadd.s32 $0x1900, s15  }
0x18f: {  	[tilespmem:s28], [sflag:$0x1] =	stream.linear.gather [hbm4b:s8+s14], $0x400, $0x38;
	[tilespmem:$0x12C80] =	vst v63  }
0x190: {  	_ =	swait.ge [sflag:s30], $0x800  }
0x191: {  	[sflag:s30] =	ssyncset.done $0x0  }
0x192: {  	[sflag:s30] =	ssyncadd.s32 $0xFFFFF800  }
0x193: {  	[spmem:s1] =	stream.indirect.scatter.add.f32 [tilespmem:s29], [sflag:$0x2], $0x10, s3, s11, $0xb8;
	[tilespmem:$0x12C80] =	vst v63  }
0x194: {  	_ =	swait.ge [sflag:s4], $0x800  }
0x195: {  	[sflag:s4] =	ssyncset.done $0x0  }
0x196: {  	s15 =	simm.s32 $0xDC00;
	s31 =	rddreg [dreg:$0xb];
	[sflag:s4] =	ssyncadd.s32 $0xFFFFF800  }
0x197: {  	[spmem:s1] =	stream.indirect.scatter.add.f32 [tilespmem:s15], [sflag:$0x2], $0x10, s31, s11, $0xb8;
	[tilespmem:$0x12C80] =	vst v63  }
0x198: {  	_ =	swait.ge [sflag:s6], $0x800  }
0x199: {  	[sflag:s6] =	ssyncset.done $0x0  }
0x19a: {  	s3 =	rddreg [dreg:$0xc];
	[sflag:s6] =	ssyncadd.s32 $0xFFFFF800  }
0x19b: {  	[spmem:s1] =	stream.indirect.scatter.add.f32 [tilespmem:s16], [sflag:$0x2], $0x10, s3, s11, $0xb8;
	[tilespmem:$0x12C80] =	vst v63  }
0x19c: {  	_ =	swait.ge [sflag:s13], $0x800  }
0x19d: {  	[sflag:s13] =	ssyncset.done $0x0  }
0x19e: {  	s31 =	rddreg [dreg:$0xd];
	[sflag:s13] =	ssyncadd.s32 $0xFFFFF800  }
0x19f: {  	[spmem:s1] =	stream.indirect.scatter.add.f32 [tilespmem:s18], [sflag:$0x2], $0x10, s31, s11, $0xb8;
	[tilespmem:$0x12C80] =	vst v63  }
0x1a0: {  	_ =	swait.ge [sflag:s17], $0x800  }
0x1a1: {  	[sflag:s17] =	ssyncset.done $0x0  }
0x1a2: {  	s3 =	rddreg [dreg:$0xe];
	[sflag:s17] =	ssyncadd.s32 $0xFFFFF800  }
0x1a3: {  	[spmem:s1] =	stream.indirect.scatter.add.f32 [tilespmem:s20], [sflag:$0x2], $0x10, s3, s11, $0xb8;
	[tilespmem:$0x12C80] =	vst v63  }
0x1a4: {  	_ =	swait.ge [sflag:s21], $0x800  }
0x1a5: {  	[sflag:s21] =	ssyncset.done $0x0  }
0x1a6: {  	s31 =	rddreg [dreg:$0xf];
	[sflag:s21] =	ssyncadd.s32 $0xFFFFF800  }
0x1a7: {  	[spmem:s1] =	stream.indirect.scatter.add.f32 [tilespmem:s22], [sflag:$0x2], $0x10, s31, s11, $0xb8;
	[tilespmem:$0x12C80] =	vst v63  }
0x1a8: {  	_ =	swait.ge [sflag:s25], $0x800  }
0x1a9: {  	[sflag:s25] =	ssyncset.done $0x0  }
0x1aa: {  	s3 =	rddreg [dreg:$0x10];
	[sflag:s25] =	ssyncadd.s32 $0xFFFFF800  }
0x1ab: {  	[spmem:s1] =	stream.indirect.scatter.add.f32 [tilespmem:s24], [sflag:$0x2], $0x10, s3, s11, $0xb8;
	[tilespmem:$0x12C80] =	vst v63  }
0x1ac: {  	_ =	swait.ge [sflag:s7], $0x800  }
0x1ad: {  	[sflag:s7] =	ssyncset.done $0x0  }
0x1ae: {  	s31 =	rddreg [dreg:$0x11];
	[sflag:s7] =	ssyncadd.s32 $0xFFFFF800  }
0x1af: {  	[spmem:s1] =	stream.indirect.scatter.add.f32 [tilespmem:s26], [sflag:$0x2], $0x10, s31, s11, $0xb8;
	[tilespmem:$0x12C80] =	vst v63  }
0x1b0: {  	_ =	swait.ge [sflag:s19], $0x800  }
0x1b1: {  	[sflag:s19] =	ssyncset.done $0x0  }
0x1b2: {  	[sflag:s19] =	ssyncadd.s32 $0xFFFFF800  }
0x1b3: {  	_ =	swait.ge [sflag:s19], $0x800  }
0x1b4: {  	[sflag:s19] =	ssyncset.done $0x0  }
0x1b5: {  	[sflag:s19] =	ssyncadd.s32 $0xFFFFF800  }
0x1b6: {  	_ =	swait.ge [sflag:s19], $0x800  }
0x1b7: {  	[sflag:s19] =	ssyncset.done $0x0  }
0x1b8: {  	[sflag:s19] =	ssyncadd.s32 $0xFFFFF800  }
0x1b9: {  	_ =	swait.ge [sflag:s19], $0x800  }
0x1ba: {  	[sflag:s19] =	ssyncset.done $0x0  }
0x1bb: {  	[sflag:s19] =	ssyncadd.s32 $0xFFFFF800  }
0x1bc: {  	_ =	swait.ge [sflag:s19], $0x800  }
0x1bd: {  	[sflag:s19] =	ssyncset.done $0x0  }
0x1be: {  	[sflag:s19] =	ssyncadd.s32 $0xFFFFF800  }
0x1bf: {  	_ =	swait.ge [sflag:s19], $0x800  }
0x1c0: {  	[sflag:s19] =	ssyncset.done $0x0  }
0x1c1: {  	p1 =	sne.s32 s23, $0xFFFFFF00;
	[sflag:s19] =	ssyncadd.s32 $0xFFFFF800  }
.Ltmp1:
0x1c2: {  	_ =	swait.ge [sflag:s19], $0x800;
	(pc) =	sbr.rel @p1 .LBB2_4-.Ltmp1, $4  }
0x1c3: {  	[sflag:s19] =	ssyncset.done $0x0  }
0x1c4: {  	[sflag:s19] =	ssyncadd.s32 $0xFFFFF800  }
0x1c5: {  	s23 =	sadd.s32 $0x100, s23;
	_ =	swait.ge [sflag:s19], $0x800  }
0x1c6: {  	s12 =	simm.s32 $0xC800;
	s8 =	simm.s32 $0xD000;
	[sflag:s19] =	ssyncset.done $0x0  }
0x1c7: {  	[sflag:s19] =	ssyncadd.s32 $0xFFFFF800  }
0x1c8: {  	_ =	swait.ge [sflag:s2], $0x400  }
0x1c9: {  	[sflag:s2] =	ssyncset.done $0x0  }
0x1ca: {  	[sflag:s2] =	ssyncadd.s32 $0xFFFFFC00  }
0x1cb: {  	_ =	swait.ge [sflag:s2], $0x400  }
0x1cc: {  	[sflag:s2] =	ssyncset.done $0x0  }
0x1cd: {  	[sflag:s2] =	ssyncadd.s32 $0xFFFFFC00  }
0x1ce: {  	[tilespmem:s29], [sflag:$0x3] =	stream.indirect.gather [hbm4b:s10+s11], $0x10, s9, s11, $0xb8;
	[tilespmem:$0x12C80] =	vst v63  }
0x1cf: {  	s3 =	simm.s32 $0xC480  }
0x1d0: {  	[tilespmem:s15], [sflag:$0x4] =	stream.indirect.gather [hbm4b:s10+s11], $0x10, s3, s11, $0xb8;
	[tilespmem:$0x12C80] =	vst v63  }
0x1d1: {  	s5 =	simm.s32 $0xC500  }
0x1d2: {  	[tilespmem:s16], [sflag:$0x5] =	stream.indirect.gather [hbm4b:s10+s11], $0x10, s5, s11, $0xb8;
	[tilespmem:$0x12C80] =	vst v63  }
0x1d3: {  	s5 =	simm.s32 $0xC580  }
0x1d4: {  	[tilespmem:s18], [sflag:$0x6] =	stream.indirect.gather [hbm4b:s10+s11], $0x10, s5, s11, $0xb8;
	[tilespmem:$0x12C80] =	vst v63  }
0x1d5: {  	s9 =	simm.s32 $0xC600  }
0x1d6: {  	[tilespmem:s20], [sflag:$0x7] =	stream.indirect.gather [hbm4b:s10+s11], $0x10, s9, s11, $0xb8;
	[tilespmem:$0x12C80] =	vst v63  }
0x1d7: {  	s14 =	simm.s32 $0xC680  }
0x1d8: {  	[tilespmem:s22], [sflag:$0x8] =	stream.indirect.gather [hbm4b:s10+s11], $0x10, s14, s11, $0xb8;
	[tilespmem:$0x12C80] =	vst v63  }
0x1d9: {  	s23 =	simm.s32 $0xC700  }
0x1da: {  	[tilespmem:s24], [sflag:$0x9] =	stream.indirect.gather [hbm4b:s10+s11], $0x10, s23, s11, $0xb8;
	[tilespmem:$0x12C80] =	vst v63  }
0x1db: {  	s31 =	simm.s32 $0xC780  }
0x1dc: {  	[tilespmem:s26], [sflag:$0xA] =	stream.indirect.gather [hbm4b:s10+s11], $0x10, s31, s11, $0xb8;
	[tilespmem:$0x12C80] =	vst v63  }
0x1dd: {  	s3 =	rddreg [dreg:$0x12];
	s14 =	simm.s32 $0x0  }
0x1de: {  	[tilespmem:s12], [sflag:$0x1] =	stream.linear.gather [hbm4b:s3+s14], $0x400, $0x38;
	[tilespmem:$0x12C80] =	vst v63  }
0x1df: {  	_ = 	snop  }
0x1e0: {  	[tilespmem:s8], [sflag:$0x1] =	stream.linear.gather [hbm4b:s0+s14], $0x400, $0x38;
	[tilespmem:$0x12C80] =	vst v63  }
0x1e1: {  	_ =	swait.ge [sflag:s30], $0x800  }
0x1e2: {  	[sflag:s30] =	ssyncset.done $0x0  }
0x1e3: {  	[sflag:s30] =	ssyncadd.s32 $0xFFFFF800  }
0x1e4: {  	[spmem:s1] =	stream.indirect.scatter.add.f32 [tilespmem:s29], [sflag:$0x2], $0x10, s28, s11, $0xb8;
	[tilespmem:$0x12C80] =	vst v63  }
0x1e5: {  	_ =	swait.ge [sflag:s4], $0x800  }
0x1e6: {  	[sflag:s4] =	ssyncset.done $0x0  }
0x1e7: {  	s9 =	simm.s32 $0xCC80;
	[sflag:s4] =	ssyncadd.s32 $0xFFFFF800  }
0x1e8: {  	[spmem:s1] =	stream.indirect.scatter.add.f32 [tilespmem:s15], [sflag:$0x2], $0x10, s9, s11, $0xb8;
	[tilespmem:$0x12C80] =	vst v63  }
0x1e9: {  	_ =	swait.ge [sflag:s6], $0x800  }
0x1ea: {  	[sflag:s6] =	ssyncset.done $0x0  }
0x1eb: {  	s12 =	simm.s32 $0xCD00;
	[sflag:s6] =	ssyncadd.s32 $0xFFFFF800  }
0x1ec: {  	[spmem:s1] =	stream.indirect.scatter.add.f32 [tilespmem:s16], [sflag:$0x2], $0x10, s12, s11, $0xb8;
	[tilespmem:$0x12C80] =	vst v63  }
0x1ed: {  	_ =	swait.ge [sflag:s13], $0x800  }
0x1ee: {  	[sflag:s13] =	ssyncset.done $0x0  }
0x1ef: {  	s15 =	simm.s32 $0xCD80;
	[sflag:s13] =	ssyncadd.s32 $0xFFFFF800  }
0x1f0: {  	[spmem:s1] =	stream.indirect.scatter.add.f32 [tilespmem:s18], [sflag:$0x2], $0x10, s15, s11, $0xb8;
	[tilespmem:$0x12C80] =	vst v63  }
0x1f1: {  	_ =	swait.ge [sflag:s17], $0x800  }
0x1f2: {  	[sflag:s17] =	ssyncset.done $0x0  }
0x1f3: {  	s16 =	simm.s32 $0xCE00;
	[sflag:s17] =	ssyncadd.s32 $0xFFFFF800  }
0x1f4: {  	[spmem:s1] =	stream.indirect.scatter.add.f32 [tilespmem:s20], [sflag:$0x2], $0x10, s16, s11, $0xb8;
	[tilespmem:$0x12C80] =	vst v63  }
0x1f5: {  	_ =	swait.ge [sflag:s21], $0x800  }
0x1f6: {  	[sflag:s21] =	ssyncset.done $0x0  }
0x1f7: {  	s23 =	simm.s32 $0xCE80;
	[sflag:s21] =	ssyncadd.s32 $0xFFFFF800  }
0x1f8: {  	[spmem:s1] =	stream.indirect.scatter.add.f32 [tilespmem:s22], [sflag:$0x2], $0x10, s23, s11, $0xb8;
	[tilespmem:$0x12C80] =	vst v63  }
0x1f9: {  	_ =	swait.ge [sflag:s25], $0x800  }
0x1fa: {  	[sflag:s25] =	ssyncset.done $0x0  }
0x1fb: {  	s28 =	simm.s32 $0xCF00;
	[sflag:s25] =	ssyncadd.s32 $0xFFFFF800  }
0x1fc: {  	[spmem:s1] =	stream.indirect.scatter.add.f32 [tilespmem:s24], [sflag:$0x2], $0x10, s28, s11, $0xb8;
	[tilespmem:$0x12C80] =	vst v63  }
0x1fd: {  	_ =	swait.ge [sflag:s7], $0x800  }
0x1fe: {  	[sflag:s7] =	ssyncset.done $0x0  }
0x1ff: {  	s31 =	simm.s32 $0xCF80;
	[sflag:s7] =	ssyncadd.s32 $0xFFFFF800  }
0x200: {  	[spmem:s1] =	stream.indirect.scatter.add.f32 [tilespmem:s26], [sflag:$0x2], $0x10, s31, s11, $0xb8;
	[tilespmem:$0x12C80] =	vst v63  }
0x201: {  	_ =	swait.ge [sflag:s19], $0x800  }
0x202: {  	[sflag:s19] =	ssyncset.done $0x0  }
0x203: {  	[sflag:s19] =	ssyncadd.s32 $0xFFFFF800  }
0x204: {  	_ =	swait.ge [sflag:s19], $0x800  }
0x205: {  	[sflag:s19] =	ssyncset.done $0x0  }
0x206: {  	[sflag:s19] =	ssyncadd.s32 $0xFFFFF800  }
0x207: {  	_ =	swait.ge [sflag:s19], $0x800  }
0x208: {  	[sflag:s19] =	ssyncset.done $0x0  }
0x209: {  	[sflag:s19] =	ssyncadd.s32 $0xFFFFF800  }
0x20a: {  	_ =	swait.ge [sflag:s19], $0x800  }
0x20b: {  	[sflag:s19] =	ssyncset.done $0x0  }
0x20c: {  	[sflag:s19] =	ssyncadd.s32 $0xFFFFF800  }
0x20d: {  	_ =	swait.ge [sflag:s19], $0x800  }
0x20e: {  	[sflag:s19] =	ssyncset.done $0x0  }
0x20f: {  	[sflag:s19] =	ssyncadd.s32 $0xFFFFF800  }
0x210: {  	_ =	swait.ge [sflag:s19], $0x800  }
0x211: {  	[sflag:s19] =	ssyncset.done $0x0  }
0x212: {  	[sflag:s19] =	ssyncadd.s32 $0xFFFFF800  }
0x213: {  	_ =	swait.ge [sflag:s19], $0x800  }
0x214: {  	[sflag:s19] =	ssyncset.done $0x0  }
0x215: {  	[sflag:s19] =	ssyncadd.s32 $0xFFFFF800  }
0x216: {  	_ =	swait.ge [sflag:s19], $0x800  }
0x217: {  	[sflag:s19] =	ssyncset.done $0x0  }
0x218: {  	[sflag:s19] =	ssyncadd.s32 $0xFFFFF800  }
0x219: {  	_ =	swait.ge [sflag:s2], $0x400  }
0x21a: {  	[sflag:s2] =	ssyncset.done $0x0  }
0x21b: {  	[sflag:s2] =	ssyncadd.s32 $0xFFFFFC00  }
0x21c: {  	_ =	swait.ge [sflag:s2], $0x400  }
0x21d: {  	[sflag:s2] =	ssyncset.done $0x0  }
0x21e: {  	s3 =	simm.s32 $0x0;
	[sflag:s2] =	ssyncadd.s32 $0xFFFFFC00  }
0x21f: {  	s0 =	simm.s32 $0x11400;
	s12 =	simm.s32 $0x12040;
	[bflag:$0x0] =	sbarrier.arrive $0xFFFF  }
.LBB2_6:
0x220: {  	s5 =	smul.u32 $0xC4, s14  }
0x221: {  	s8 =	rddreg [dreg:$0x16]  }
0x222: {  	s5 =	sadd.s32 s8, s5  }
0x223: {  	s8 =	sshll.u32 s5, $0x4  }
0x224: {  	s8 =	sand.u32 $0x3FFFFFF0, s8  }
0x225: {  	s23 =	rddreg [dreg:$0x13];
	s16 =	sshll.u32 s5, $0x1;
	s8 =	sadd.s32 s8, s1  }
0x226: {  	[tilespmem:s29], [sflag:$0x3] =	stream.linear.gather [spmem:s8], $0xC40, $0x38;
	[tilespmem:$0x12C80] =	vst v63  }
0x227: {  	s28 =	rddreg [dreg:$0x14];
	s5 =	sadd.s32 s23, s16  }
0x228: {  	[tilespmem:s0], [sflag:$0x4] =	stream.linear.gather [hbm4b:s5+s3], $0xC40, $0x38;
	[tilespmem:$0x12C80] =	vst v63  }
0x229: {  	s5 =	sadd.s32 s28, s16  }
0x22a: {  	[tilespmem:s12], [sflag:$0x5] =	stream.linear.gather [hbm4b:s5+s3], $0xC40, $0x38;
	[tilespmem:$0x12C80] =	vst v63  }
0x22b: {  	_ =	swait.ge [sflag:s30], $0xC40  }
0x22c: {  	[sflag:s30] =	ssyncset.done $0x0  }
0x22d: {  	[sflag:s30] =	ssyncadd.s32 $0xFFFFF3C0  }
0x22e: {  	_ =	swait.ge [sflag:s4], $0xC40  }
0x22f: {  	[sflag:s4] =	ssyncset.done $0x0  }
0x230: {  	[sflag:s4] =	ssyncadd.s32 $0xFFFFF3C0  }
0x231: {  	_ =	swait.ge [sflag:s6], $0xC40  }
0x232: {  	[sflag:s6] =	ssyncset.done $0x0  }
0x233: {  	s31 =	simm.s32 $0x11420;
	[sflag:s6] =	ssyncadd.s32 $0xFFFFF3C0  }
0x234: {  	s15 =	simm.s32 $0x12060;
	v1 =	vld [tilespmem:s31+$0xFFFFFFE0]  }
0x235: {  	v2 =	vld [tilespmem:s15+$0xFFFFFFE0];
	_ =	sdelay $0x4  }
0x236: {  	v1 =	vadd.f32 v2, v1;
	_ =	sdelay $0x1  }
0x237: {  	v1 =	vmax.f32 v1, $1.000000000e+00  }
0x238: {  	(erf) = vrcp.f32 v1;
	_ =	sdelay $0x3  }
0x239: {  	s5 =	simm.s32 $0xD420  }
0x23a: {  	v1 =	vld [tilespmem:s5+$0xFFFFFFE0];
	_ =	sdelay $0x3  }
0x23b: {  	v2 =	vpop (erf)  }
0x23c: {  	v1 =	vmul.f32 v2, v1;
	_ =	sdelay $0x1  }
0x23d: {  	[tilespmem:s5+$0xFFFFFFE0] =	vst v1  }
0x23e: {  	v1 =	vld [tilespmem:s31+$0xFFFFFFF0]  }
0x23f: {  	v2 =	vld [tilespmem:s15+$0xFFFFFFF0];
	_ =	sdelay $0x4  }
0x240: {  	v1 =	vadd.f32 v2, v1;
	_ =	sdelay $0x1  }
0x241: {  	v1 =	vmax.f32 v1, $1.000000000e+00  }
0x242: {  	(erf) = vrcp.f32 v1;
	_ =	sdelay $0x4  }
0x243: {  	v1 =	vld [tilespmem:s5+$0xFFFFFFF0];
	_ =	sdelay $0x3  }
0x244: {  	v2 =	vpop (erf)  }
0x245: {  	v1 =	vmul.f32 v2, v1;
	_ =	sdelay $0x1  }
0x246: {  	[tilespmem:s5+$0xFFFFFFF0] =	vst v1  }
0x247: {  	v1 =	vld [tilespmem:s31+$0x0]  }
0x248: {  	v2 =	vld [tilespmem:s15+$0x0];
	_ =	sdelay $0x4  }
0x249: {  	v1 =	vadd.f32 v2, v1;
	_ =	sdelay $0x1  }
0x24a: {  	v1 =	vmax.f32 v1, $1.000000000e+00  }
0x24b: {  	(erf) = vrcp.f32 v1;
	_ =	sdelay $0x4  }
0x24c: {  	v1 =	vld [tilespmem:s5+$0x0];
	_ =	sdelay $0x3  }
0x24d: {  	v2 =	vpop (erf)  }
0x24e: {  	v1 =	vmul.f32 v2, v1;
	_ =	sdelay $0x1  }
0x24f: {  	[tilespmem:s5+$0x0] =	vst v1  }
0x250: {  	v1 =	vld [tilespmem:s31+$0x10]  }
0x251: {  	v2 =	vld [tilespmem:s15+$0x10];
	_ =	sdelay $0x4  }
0x252: {  	v1 =	vadd.f32 v2, v1;
	_ =	sdelay $0x1  }
0x253: {  	v1 =	vmax.f32 v1, $1.000000000e+00  }
0x254: {  	(erf) = vrcp.f32 v1;
	_ =	sdelay $0x4  }
0x255: {  	v1 =	vld [tilespmem:s5+$0x10];
	_ =	sdelay $0x2  }
0x256: {  	s9 =	simm.s32 $0x11460;
	s23 =	simm.s32 $0x0;
	s8 =	simm.s32 $0xD420  }
.LBB2_7:
0x257: {  	s23 =	sadd.s32 $0x4, s23;
	s5 =	sadd.s32 $0x40, s5;
	s15 =	sadd.s32 $0x40, s15;
	v2 =	vpop (erf)  }
0x258: {  	p1 =	slt.u32 s23, $0xC0;
	v1 =	vmul.f32 v2, v1;
	_ =	sdelay $0x1  }
0x259: {  	[tilespmem:s8+$0x10] =	vst v1;
	s8 =	smov.u32 s5  }
0x25a: {  	v1 =	vld [tilespmem:s9+$0xFFFFFFE0]  }
0x25b: {  	v2 =	vld [tilespmem:s15+$0xFFFFFFE0];
	_ =	sdelay $0x4  }
0x25c: {  	v1 =	vadd.f32 v2, v1;
	_ =	sdelay $0x1  }
0x25d: {  	v1 =	vmax.f32 v1, $1.000000000e+00  }
0x25e: {  	(erf) = vrcp.f32 v1;
	_ =	sdelay $0x4  }
0x25f: {  	v1 =	vld [tilespmem:s5+$0xFFFFFFE0];
	_ =	sdelay $0x3  }
0x260: {  	v2 =	vpop (erf)  }
0x261: {  	v1 =	vmul.f32 v2, v1;
	_ =	sdelay $0x1  }
0x262: {  	[tilespmem:s5+$0xFFFFFFE0] =	vst v1  }
0x263: {  	v1 =	vld [tilespmem:s9+$0xFFFFFFF0]  }
0x264: {  	v2 =	vld [tilespmem:s15+$0xFFFFFFF0];
	_ =	sdelay $0x4  }
0x265: {  	v1 =	vadd.f32 v2, v1;
	_ =	sdelay $0x1  }
0x266: {  	v1 =	vmax.f32 v1, $1.000000000e+00  }
0x267: {  	(erf) = vrcp.f32 v1;
	_ =	sdelay $0x3  }
0x268: {  	v1 =	vld [tilespmem:s5+$0xFFFFFFF0];
	_ =	sdelay $0x4  }
0x269: {  	v2 =	vpop (erf)  }
0x26a: {  	v1 =	vmul.f32 v2, v1;
	_ =	sdelay $0x1  }
0x26b: {  	[tilespmem:s5+$0xFFFFFFF0] =	vst v1  }
0x26c: {  	v1 =	vld [tilespmem:s9+$0x0]  }
0x26d: {  	v2 =	vld [tilespmem:s15+$0x0];
	_ =	sdelay $0x4  }
0x26e: {  	v1 =	vadd.f32 v2, v1;
	_ =	sdelay $0x1  }
0x26f: {  	v1 =	vmax.f32 v1, $1.000000000e+00  }
0x270: {  	(erf) = vrcp.f32 v1;
	_ =	sdelay $0x2  }
0x271: {  	v1 =	vld [tilespmem:s5+$0x0];
	_ =	sdelay $0x5  }
0x272: {  	v2 =	vpop (erf)  }
0x273: {  	v1 =	vmul.f32 v2, v1;
	_ =	sdelay $0x1  }
0x274: {  	[tilespmem:s5+$0x0] =	vst v1  }
0x275: {  	v1 =	vld [tilespmem:s9+$0x10]  }
0x276: {  	v2 =	vld [tilespmem:s15+$0x10];
	_ =	sdelay $0x4  }
0x277: {  	v1 =	vadd.f32 v2, v1;
	_ =	sdelay $0x1  }
0x278: {  	v1 =	vmax.f32 v1, $1.000000000e+00  }
0x279: {  	(erf) = vrcp.f32 v1;
	_ =	sdelay $0x1  }
0x27a: {  	v1 =	vld [tilespmem:s5+$0x10];
	_ =	sdelay $0x1  }
.Ltmp2:
0x27b: {  	(pc) =	sbr.rel @p1 .LBB2_7-.Ltmp2, $2  }
0x27c: {  	_ =	sdelay $0x2  }
0x27d: {  	s9 =	sadd.s32 $0x40, s9  }
0x27e: {  	v2 =	vpop (erf)  }
0x27f: {  	s14 =	sadd.s32 $0x1, s14;
	v1 =	vmul.f32 v2, v1  }
0x280: {  	s5 =	simm.s32 @!p0 $0xC;
	s31 =	rddreg [dreg:$0x15];
	p1 =	sne.s32 s14, $0x10  }
.Ltmp3:
0x281: {  	s5 =	simm.s32 @p0 $0xB;
	[tilespmem:s8+$0x10] =	vst v1;
	s8 =	sadd.s32 s31, s16;
	(pc) =	sbr.rel @p1 .LBB2_6-.Ltmp3, $4  }
0x282: {  	[hbm4b:s8+s3] =	stream.linear.scatter [tilespmem:s29], [sflag:s5], $0xC40, $0x38;
	[tilespmem:$0x12C80] =	vst v63  }
0x283: {  	_ =	swait.ge [sflag:s5], $0xC40  }
0x284: {  	[sflag:s5] =	ssyncset.done $0x0  }
0x285: {  	[sflag:s5] =	ssyncadd.s32 $0xFFFFF3C0  }
0x286: {  	s5 =	sld [smem:$0x7F4];
	_ =	sdelay $0x2  }
0x287: {  	s0 =	rddreg [dreg:$0x18];
	s5 =	sadd.s32 $0x1, s5  }
0x288: {  	p1 =	sne.s32 s5, s0  }
.Ltmp4:
0x289: {  	_ = 	snop;
	(pc) =	sbr.rel @p1 .LBB2_1-.Ltmp4, $4  }
0x28a: {  	_ = 	snop  }
0x28b: {  	s31 =	rddreg [dreg:$0x12]  }
0x28c: {  	s15 =	rddreg [dreg:$0x17];
	s9 =	simm.s32 $0xC400  }
0x28d: {  	s23 =	simm.s32 $0xCC00;
	s12 =	simm.s32 $0xC480;
	s28 =	simm.s32 $0xC500  }
0x28e: {  	_ =	sfence.sel $0x180000  }
0x28f: {  	[bflag:$0x0] =	sbarrier.arrive $0xFFFF  }
0x290: {  	_ =	strace $0x9000004D  }
0x291: {  	s0 =	stileid.u32;
	[bflag:$0x2] =	sbarrier.arrive $0xFFFF  }
0x292: {  	p0 =	sne.s32 s0, $0x0;
	s0 =	rddreg [dreg:$0x3]  }
0x293: {  	s0 =	sadd.s32 @!p0 $0x100000, s0  }
0x294: {  	[sflag:s0] =	ssyncadd.tile.s32 @!p0 $0x1;
	_ =	shalt  }
.Lfunc_end2:
_tile_overlayer_lowered:
.L_overlay_start_2:
0x295: {  	(tag) =	ssettag $0x2  }
0x296: {  	s0 =	rddreg [dreg:$0x0];
	s2 =	stileid.u32  }
0x297: {  	s1 =	rddreg [dreg:$0x1];
	p0 =	sne.s32 s2, $0x0  }
0x298: {  	s3 =	rddreg [dreg:$0x2];
	[bflag:$0x3] =	sbarrier.arrive $0xFFFF;
	s2 =	simm.s32 @!p0 $0x1C0B  }
0x299: {  	[timem:s3], [sflag:s2] =	dma.local @!p0 [hbm:s0], s1  }
0x29a: {  	s0 =	simm.s32 @!p0 $0xB  }
0x29b: {  	_ =	swait.ge @!p0 [sflag:s0], s1  }
0x29c: {  	s1 =	ssub.s32 @!p0 $0x0, s1;
	[sflag:s0] =	ssyncset.done @!p0 $0x0  }
0x29d: {  	[sflag:s0] =	ssyncadd.s32 @!p0 s1  }
0x29e: {  	[bflag:$0x3] =	sbarrier.arrive $0xFFFF  }
0x29f: {  	_ =	shalt  }

// kernel: kernel.8.cloned.1.call-start
scs
__scs_entry_jumppad:
0x0: {  	(pc) =	sbr.rel $0x88, $3  }
0x1: {  	(tag) =	ssettag $0x0;
	lr =	simm.s32 $0x1  }
0x2: {  	[smem:$0x3F99] =	sst lr;
	_ =	strace $0xD0000000  }
0x3: {  	_ = 	snop  }
0x4: {  	_ = 	snop  }
0x5: {  	_ = 	snop  }
0x6: {  	_ = 	snop  }
0x7: {  	_ = 	snop  }
__scs_overlays_trampoline_lowered:
0x8: {  	[smem:$0x3FA8] =	sst s0  }
0x9: {  	[smem:$0x3FA9] =	sst s1  }
0xa: {  	[smem:$0x3FAA] =	sst s2  }
0xb: {  	[smem:$0x3FAB] =	sst s3  }
0xc: {  	[smem:$0x3FAC] =	sst s4  }
0xd: {  	[smem:$0x3FAD] =	sst s5  }
0xe: {  	[smem:$0x3FAE] =	sst s6  }
0xf: {  	[smem:$0x3FAF] =	sst s7  }
0x10: {  	[smem:$0x3FB0] =	sst s8  }
0x11: {  	[smem:$0x3FB1] =	sst s9;
	s0 =	simm.s32 @!p0 $0x0  }
0x12: {  	s1 =	sld [smem:$0x3F97];
	s0 =	simm.s32 @p0 $0x1  }
0x13: {  	[smem:$0x3FB2] =	sst s0;
	s0 =	simm.s32 @!p1 $0x0  }
0x14: {  	s2 =	sld [smem:$0x3F96];
	s0 =	simm.s32 @p1 $0x1  }
0x15: {  	[smem:$0x3FB3] =	sst s0;
	s0 =	simm.s32 @!p2 $0x0  }
0x16: {  	s3 =	sld [smem:$0x3FDB];
	s0 =	simm.s32 @p2 $0x1  }
0x17: {  	s4 =	simm.s32 $0x1BF5;
	[smem:$0x3FB5] =	sst s0  }
0x18: {  	s0 =	sld [smem:$0x3F98];
	_ =	swait.ge [sflag:s4], $0x0  }
0x19: {  	s7 =	sld [smem:$0x3F99]  }
0x1a: {  	s8 =	sadd.s32 $0xFFFFE003, lr  }
0x1b: {  	s9 =	sadd.s32 $0xFFFFFEF7, lr;
	s5 =	simm.s32 $0xFFFFFFFF;
	p2 =	slt.u32 s8, $0xFFFFF086  }
0x1c: {  	p1 =	slt.u32 s9, $0xF7A;
	s5 =	simm.s32 @!p2 $0x0  }
0x1d: {  	s5 =	simm.s32 @p1 $0x1;
	p0 =	seq.s32 s7, s2  }
0x1e: {  	s7 =	smul.u32 @!p0 $0xF7A, s2;
	p2 =	seq.s32 @!p0 s5, $0x0  }
0x1f: {  	s9 =	smul.u32 $0xF7A, s1;
	s8 =	simm.s32 @!p0 $0x1BF5;
	p2 =	por !p2, p0  }
0x20: {  	[sflag:s8] =	ssyncset.s32 @!p0 $0xFFFFF086;
	s6 =	sadd.s32 @!p0 s3, s7;
	s7 =	simm.s32 @!p0 $0x108  }
0x21: {  	s3 =	sadd.s32 s3, s9;
	s6 =	sadd.s32 @!p0 $0x88, s6;
	s7 =	simm.s32 @p2 $0x1082  }
0x22: {  	[simem:s7], [sflag:s8] =	dma.local @!p0 [hbm:s6], $0xF7A  }
0x23: {  	s9 =	sor.u32 $0xD0000000, s2;
	s6 =	simm.s32 $0x108;
	_ =	swait.ge @!p0 [sflag:s8], $0x0  }
0x24: {  	s3 =	sadd.s32 $0x88, s3;
	s6 =	simm.s32 @!p1 $0x1082;
	[sflag:s4] =	ssyncset.s32 $0xFFFFF086  }
0x25: {  	[simem:s6], [sflag:s4] =	dma.local [hbm:s3], $0xF7A  }
0x26: {  	[smem:$0x3F99] =	sst s1;
	(tag) =	ssettag s2;
	_ =	strace s9  }
0x27: {  	s1 =	sld [smem:$0x3FA9]  }
0x28: {  	s2 =	sld [smem:$0x3FAA]  }
0x29: {  	s4 =	sld [smem:$0x3FAC]  }
0x2a: {  	p0 =	seq.s32 s5, $0x0;
	s5 =	sld [smem:$0x3FAD]  }
0x2b: {  	s6 =	sld [smem:$0x3FAE]  }
0x2c: {  	s7 =	sld [smem:$0x3FAF]  }
0x2d: {  	s3 =	simm.s32 $0x108;
	s8 =	sld [smem:$0x3FB0]  }
0x2e: {  	s3 =	simm.s32 @!p0 $0x1082;
	s9 =	sld [smem:$0x3FB1]  }
0x2f: {  	lr =	sadd.s32 s0, s3;
	s0 =	sld [smem:$0x3FA8]  }
0x30: {  	s3 =	sld [smem:$0x3FAB]  }
0x31: {  	[smem:$0x3FB4] =	sst s10  }
0x32: {  	s10 =	sld [smem:$0x3FB2];
	_ =	sdelay $0x3  }
0x33: {  	p0 =	seq.s32 s10, $0x1;
	s10 =	sld [smem:$0x3FB4];
	_ =	sdelay $0x3  }
0x34: {  	[smem:$0x3FB4] =	sst s10  }
0x35: {  	s10 =	sld [smem:$0x3FB3];
	_ =	sdelay $0x3  }
0x36: {  	p1 =	seq.s32 s10, $0x1;
	s10 =	sld [smem:$0x3FB4];
	_ =	sdelay $0x3  }
0x37: {  	[smem:$0x3FB4] =	sst s10  }
0x38: {  	s10 =	sld [smem:$0x3FB5]  }
0x39: {  	_ = 	snop;
	(pc) =	sbr.ind lr, $3  }
0x3a: {  	_ = 	snop  }
0x3b: {  	_ = 	snop  }
0x3c: {  	p2 =	seq.s32 s10, $0x1;
	s10 =	sld [smem:$0x3FB4]  }
0x3d: {  	_ =	shalt  }
0x3e: {  	_ =	shalt  }
0x3f: {  	_ =	shalt  }
0x40: {  	_ =	shalt  }
0x41: {  	_ =	shalt  }
0x42: {  	_ =	shalt  }
0x43: {  	_ =	shalt  }
0x44: {  	_ =	shalt  }
0x45: {  	_ =	shalt  }
0x46: {  	_ =	shalt  }
0x47: {  	_ =	shalt  }
0x48: {  	_ =	shalt  }
0x49: {  	_ =	shalt  }
0x4a: {  	_ =	shalt  }
0x4b: {  	_ =	shalt  }
0x4c: {  	_ =	shalt  }
0x4d: {  	_ =	shalt  }
0x4e: {  	_ =	shalt  }
0x4f: {  	_ =	shalt  }
0x50: {  	_ =	shalt  }
0x51: {  	_ =	shalt  }
0x52: {  	_ =	shalt  }
0x53: {  	_ =	shalt  }
0x54: {  	_ =	shalt  }
0x55: {  	_ =	shalt  }
0x56: {  	_ =	shalt  }
0x57: {  	_ =	shalt  }
0x58: {  	_ =	shalt  }
0x59: {  	_ =	shalt  }
0x5a: {  	_ =	shalt  }
0x5b: {  	_ =	shalt  }
0x5c: {  	_ =	shalt  }
0x5d: {  	_ =	shalt  }
0x5e: {  	_ =	shalt  }
0x5f: {  	_ =	shalt  }
0x60: {  	_ =	shalt  }
0x61: {  	_ =	shalt  }
0x62: {  	_ =	shalt  }
0x63: {  	_ =	shalt  }
0x64: {  	_ =	shalt  }
0x65: {  	_ =	shalt  }
0x66: {  	_ =	shalt  }
0x67: {  	_ =	shalt  }
0x68: {  	_ =	shalt  }
0x69: {  	_ =	shalt  }
0x6a: {  	_ =	shalt  }
0x6b: {  	_ =	shalt  }
0x6c: {  	_ =	shalt  }
0x6d: {  	_ =	shalt  }
0x6e: {  	_ =	shalt  }
0x6f: {  	_ =	shalt  }
0x70: {  	_ =	shalt  }
0x71: {  	_ =	shalt  }
0x72: {  	_ =	shalt  }
0x73: {  	_ =	shalt  }
0x74: {  	_ =	shalt  }
0x75: {  	_ =	shalt  }
0x76: {  	_ =	shalt  }
0x77: {  	_ =	shalt  }
0x78: {  	_ =	shalt  }
0x79: {  	_ =	shalt  }
0x7a: {  	_ =	shalt  }
0x7b: {  	_ =	shalt  }
0x7c: {  	_ =	shalt  }
0x7d: {  	_ =	shalt  }
0x7e: {  	_ =	shalt  }
0x7f: {  	_ =	shalt  }
0x80: {  	_ =	shalt  }
0x81: {  	_ =	shalt  }
0x82: {  	_ =	shalt  }
0x83: {  	_ =	shalt  }
0x84: {  	_ =	shalt  }
0x85: {  	_ =	shalt  }
0x86: {  	_ =	shalt  }
0x87: {  	_ =	shalt  }
.Lfunc_end0:
.L_simem_size_0:
called_computation_lowered:
.L_overlay_start_0:
0x88: {  	s2 =	sld [smem:$0x3FD9]  }
0x89: {  	s3 =	sld [smem:$0x3FFE];
	_ =	sdelay $0x1  }
0x8a: {  	s1 =	srdreg.scid  }
0x8b: {  	s0 =	sand.u32 $0x1, s1  }
0x8c: {  	s16 =	sshll.u32 s0, $0xA;
	s2 =	sadd.s32 s3, s2  }
0x8d: {  	s2 =	sadd.s32 s2, s16  }
0x8e: {  	[smem:$0x3FC0] =	sst s2  }
0x8f: {  	_ = 	snop  }
0x90: {  	(tm) =	ssettm $0x1  }
0x91: {  	s17 =	sld [smem:$0x3FFB];
	_ =	sdelay $0x3  }
0x92: {  	_ =	strace s17  }
0x93: {  	s2 =	sld [smem:$0x3FFC];
	_ =	sdelay $0x3  }
0x94: {  	_ =	strace s2  }
0x95: {  	s2 =	sld [smem:$0x3FFD];
	_ =	sdelay $0x3  }
0x96: {  	_ =	strace s2  }
0x97: {  	_ =	strace $0x8FFFFFFF  }
0x98: {  	s18 =	sld [smem:$0x3FDB];
	_ =	sdelay $0x1  }
0x99: {  	s19 =	simm.s32 $_scs_section_size  }
0x9a: {  	s4 =	simm.s32 $_size__tile_overlayer_lowered;
	s5 =	simm.s32 $_tile_overlayer_lowered  }
0x9b: {  	s22 =	simm.s32 $0x1BFF;
	s21 =	sshll.u32 s5, $0x1;
	s2 =	sadd.s32 s19, s18  }
0x9c: {  	s6 =	simm.s32 $0x0;
	s20 =	sshll.u32 s4, $0x1;
	s4 =	sadd.s32 s21, s2  }
0x9d: {  	[timem:s6], [sflag:s22] =	dma.local [hbm:s4], s20  }
0x9e: {  	_ =	swait.ge [sflag:s22], s20  }
0x9f: {  	s3 =	ssub.s32 $0x0, s20;
	[sflag:s22] =	ssyncset.done $0x0  }
0xa0: {  	[sflag:s22] =	ssyncadd.s32 s3;
	_ =	sdelay $0x1  }
0xa1: {  	s23 =	simm.s32 $0x1B8B  }
0xa2: {  	_ =	swait.ge [sflag:s23], $0x1  }
0xa3: {  	[sflag:s23] =	ssyncset.done $0x0  }
0xa4: {  	s25 =	simm.s32 $0x1B8E;
	s24 =	sld [smem:$0x3FFE];
	[sflag:s23] =	ssyncadd.s32 $0xFFFFFFFF  }
0xa5: {  	s26 =	simm.s32 $execute0_lowered;
	[smem:$0x3FD2] =	sst s25  }
0xa6: {  	s4 =	sshll.u32 s26, $0x1;
	_ =	strace $0x80000046;
	[dreg:$0x1] =	wrdreg $0xFFFFFFFF  }
0xa7: {  	s28 =	simm.s32 $_size_execute0_lowered;
	s2 =	sadd.s32 s2, s4;
	[dreg:$0x0] =	wrdreg $0x0  }
0xa8: {  	s4 =	sshll.u32 s28, $0x1;
	[dreg:$0x2] =	wrdreg s2  }
0xa9: {  	[dreg:$0x3] =	wrdreg s4  }
0xaa: {  	[dreg:$0x4] =	wrdreg $0xC0  }
0xab: {  	_ =	task [dreg:s6], $0x5FFFF  }
0xac: {  	[dreg:$0x1] =	wrdreg $0xFFFFFFFF  }
0xad: {  	[dreg:$0x0] =	wrdreg $0x60  }
0xae: {  	[dreg:$0x2] =	wrdreg s24  }
0xaf: {  	[dreg:$0x3] =	wrdreg $0x0  }
0xb0: {  	[dreg:$0x4] =	wrdreg $0x9  }
0xb1: {  	_ =	task.clear_ibuf [dreg:s6], $0x5FFFF;
	_ =	strace $0x90000046  }
0xb2: {  	s29 =	simm.s32 $0x9;
	_ =	strace $0x80000048  }
0xb3: {  	_ =	swait.ge [sflag:s29], $0x1  }
0xb4: {  	[sflag:s29] =	ssyncadd.s32 $0xFFFFFFFF  }
0xb5: {  	_ =	strace $0x90000048  }
0xb6: {  	_ =	sfence  }
0xb7: {  	s30 =	sld [smem:$0x0];
	_ =	sdelay $0x2  }
0xb8: {  	s31 =	sshll.u32 s1, $0xD;
	s1 =	sshrl.u32 s1, $0x2  }
0xb9: {  	s3 =	sand.u32 $0x4000, s31;
	s1 =	sadd.s32 s1, s30  }
0xba: {  	s0 =	sor.u32 s3, s0;
	s1 =	sshll.u32 s1, $0x11  }
0xbb: {  	s0 =	sor.u32 s1, s0  }
0xbc: {  	s0 =	sadd.s32 $0x8F2B, s0  }
0xbd: {  	[sflag:s0] =	ssyncadd.remote.s32 $0x1  }
0xbe: {  	_ =	sfence.sel $0xFFFF  }
0xbf: {  	[dreg:$0x0] =	wrdreg $0xFFFFFFFF;
	(pc) =	sbr.abs _section_cstart, $3  }
0xc0: {  	[dreg:$0x1] =	wrdreg $0xFFFFFFFF  }
0xc1: {  	_ =	task.clear_ibuf [dreg:s6], $0x2FFFF;
	_ =	strace $0x9FFFFFFF  }
0xc2: {  	(tm) =	ssettm $0x7FFFFFFF  }
0xc3: {  	_ =	shalt  }
tec
execute0_lowered:
.L_overlay_start_1:
0x0: {  	(tag) =	ssettag $0x1  }
0x1: {  	s0 =	rddreg [dreg:$0x0];
	s1 =	srdreg.scid  }
0x2: {  	s2 =	rddreg [dreg:$0x1];
	s9 =	stileid.u32  }
0x3: {  	s3 =	simm.s32 $0x0;
	s28 =	simm.s32 $0x1;
	s5 =	smul.u32 $0x6200, s9  }
0x4: {  	s29 =	simm.s32 $0x80;
	s30 =	simm.s32 $0xC600;
	s6 =	smul.u32 $0x31000, s9  }
0x5: {  	s1 =	sand.u32 $0x1, s1;
	[smem:$0x7FF] =	sst s3;
	s26 =	smul.u32 $0x1880, s9  }
0x6: {  	s31 =	simm.s32 $0xC480;
	s4 =	smul.u32 $0x62000, s1;
	_ =	strace $0x80000047  }
0x7: {  	s19 =	ssub.s32 $0x2, s1;
	p0 =	seq.s32 s1, $0x0;
	s1 =	simm.s32 $0x1AA00  }
0x8: {  	s7 =	sshrl.u32 s19, $0x1;
	s6 =	sshrl.u32 s6, $0x2;
	s1 =	simm.s32 @!p0 $0x33200  }
0x9: {  	s4 =	sadd.s32 s5, s4;
	s5 =	ssub.s32 s19, s7;
	s8 =	sadd.s32 s6, s2  }
0xa: {  	s6 =	simm.s32 $0x0;
	s4 =	sshrl.u32 s4, $0x3;
	s20 =	smax.u32 s5, $0x1  }
0xb: {  	s21 =	sadd.s32 $0xC40, s8;
	s22 =	sadd.s32 $0x1880, s8;
	s23 =	sadd.s32 $0x24C0, s8  }
0xc: {  	s24 =	sadd.s32 $0x3100, s8;
	s25 =	sadd.s32 $0x3D40, s8;
	s11 =	sadd.s32 $0x4980, s8  }
0xd: {  	s12 =	sadd.s32 $0x55C0, s8;
	s13 =	sadd.s32 $0x6200, s8;
	[dreg:$0x3] =	wrdreg s20  }
0xe: {  	s14 =	sadd.s32 $0x6E40, s8;
	s15 =	sadd.s32 $0x7A80, s8;
	[dreg:$0x4] =	wrdreg s21  }
0xf: {  	s16 =	sadd.s32 $0x86C0, s8;
	s17 =	sadd.s32 $0x9300, s8;
	[dreg:$0x5] =	wrdreg s22  }
0x10: {  	s18 =	sadd.s32 $0x9F40, s8;
	s19 =	sadd.s32 $0xAB80, s8;
	[dreg:$0x6] =	wrdreg s23  }
0x11: {  	s5 =	simm.s32 $0x3;
	s4 =	sadd.s32 s4, s0;
	[dreg:$0x7] =	wrdreg s24  }
0x12: {  	[dreg:$0x8] =	wrdreg s25;
	s20 =	sadd.s32 $0xB7C0, s8;
	s0 =	sadd.s32 s1, s0  }
0x13: {  	s23 =	simm.s32 $0x3;
	s24 =	simm.s32 $0xCE00;
	s25 =	simm.s32 $0x2  }
0x14: {  	s1 =	simm.s32 $0xC580;
	s21 =	sadd.s32 $0x2200, s4;
	s22 =	sadd.s32 s26, s0  }
0x15: {  	v0 =	vimm.f32 $1.000000000e+00;
	v1 =	vimm.f32 $0.0e+00;
	s23 =	simm.s32 @!p0 $0x2;
	s26 =	simm.s32 $0xC400;
	s0 =	simm.s32 $0xC500  }
.LBB2_1:
0x16: {  	s4 =	simm.s32 $0xC620  }
0x17: {  	[tilespmem:s4+$0xFFFFFFE0] =	vst v0  }
0x18: {  	[tilespmem:s4+$0x10] =	vst v0  }
0x19: {  	s9 =	simm.s32 $0x0;
	[tilespmem:s4+$0x0] =	vst v0  }
.LBB2_2:
0x1a: {  	s9 =	sadd.s32 $0x4, s9  }
0x1b: {  	[tilespmem:s4+$0xFFFFFFF0] =	vst v0;
	s4 =	sadd.s32 $0x40, s4;
	s7 =	simm.s32 $0xCE20;
	p0 =	slt.u32 s9, $0x7C  }
.Ltmp0:
0x1c: {  	[tilespmem:s4+$0xFFFFFFE0] =	vst v0;
	(pc) =	sbr.rel @p0 .LBB2_2-.Ltmp0, $3  }
0x1d: {  	_ =	sdelay $0x1  }
0x1e: {  	[tilespmem:s4+$0x10] =	vst v0  }
0x1f: {  	[tilespmem:s4+$0x0] =	vst v0  }
0x20: {  	[tilespmem:s4+$0xFFFFFFF0] =	vst v0  }
0x21: {  	[tilespmem:s7+$0xFFFFFFE0] =	vst v1  }
0x22: {  	[tilespmem:s7+$0x10] =	vst v1  }
0x23: {  	s4 =	simm.s32 $0x0;
	[tilespmem:s7+$0x0] =	vst v1  }
.LBB2_4:
0x24: {  	s4 =	sadd.s32 $0x4, s4  }
0x25: {  	[tilespmem:s7+$0xFFFFFFF0] =	vst v1;
	s7 =	sadd.s32 $0x40, s7;
	p0 =	slt.u32 s4, $0xC0  }
.Ltmp1:
0x26: {  	[tilespmem:s7+$0xFFFFFFE0] =	vst v1;
	(pc) =	sbr.rel @p0 .LBB2_4-.Ltmp1, $3  }
0x27: {  	_ =	sdelay $0x1  }
0x28: {  	[tilespmem:s7+$0x10] =	vst v1  }
0x29: {  	[tilespmem:s7+$0x0] =	vst v1  }
0x2a: {  	[tilespmem:s7+$0xFFFFFFF0] =	vst v1  }
0x2b: {  	[spmem:s8] =	stream.linear.scatter [tilespmem:s24], [sflag:$0x2], $0xC40, $0x38;
	[tilespmem:$0xDA40] =	vst v63  }
0x2c: {  	_ =	swait.ge [sflag:s25], $0xC40  }
0x2d: {  	[sflag:s25] =	ssyncset.done $0x0  }
0x2e: {  	s4 =	rddreg [dreg:$0x4];
	[sflag:s25] =	ssyncadd.s32 $0xFFFFF3C0  }
0x2f: {  	[spmem:s4] =	stream.linear.scatter [tilespmem:s24], [sflag:$0x2], $0xC40, $0x38;
	[tilespmem:$0xDA40] =	vst v63  }
0x30: {  	_ =	swait.ge [sflag:s25], $0xC40  }
0x31: {  	[sflag:s25] =	ssyncset.done $0x0  }
0x32: {  	s9 =	rddreg [dreg:$0x5];
	[sflag:s25] =	ssyncadd.s32 $0xFFFFF3C0  }
0x33: {  	[spmem:s9] =	stream.linear.scatter [tilespmem:s24], [sflag:$0x2], $0xC40, $0x38;
	[tilespmem:$0xDA40] =	vst v63  }
0x34: {  	_ =	swait.ge [sflag:s25], $0xC40  }
0x35: {  	[sflag:s25] =	ssyncset.done $0x0  }
0x36: {  	s10 =	rddreg [dreg:$0x6];
	[sflag:s25] =	ssyncadd.s32 $0xFFFFF3C0  }
0x37: {  	[spmem:s10] =	stream.linear.scatter [tilespmem:s24], [sflag:$0x2], $0xC40, $0x38;
	[tilespmem:$0xDA40] =	vst v63  }
0x38: {  	_ =	swait.ge [sflag:s25], $0xC40  }
0x39: {  	[sflag:s25] =	ssyncset.done $0x0  }
0x3a: {  	s7 =	rddreg [dreg:$0x7];
	[sflag:s25] =	ssyncadd.s32 $0xFFFFF3C0  }
0x3b: {  	[spmem:s7] =	stream.linear.scatter [tilespmem:s24], [sflag:$0x2], $0xC40, $0x38;
	[tilespmem:$0xDA40] =	vst v63  }
0x3c: {  	_ =	swait.ge [sflag:s25], $0xC40  }
0x3d: {  	[sflag:s25] =	ssyncset.done $0x0  }
0x3e: {  	s9 =	rddreg [dreg:$0x8];
	[sflag:s25] =	ssyncadd.s32 $0xFFFFF3C0  }
0x3f: {  	[spmem:s9] =	stream.linear.scatter [tilespmem:s24], [sflag:$0x2], $0xC40, $0x38;
	[tilespmem:$0xDA40] =	vst v63  }
0x40: {  	_ =	swait.ge [sflag:s25], $0xC40  }
0x41: {  	[sflag:s25] =	ssyncset.done $0x0  }
0x42: {  	[sflag:s25] =	ssyncadd.s32 $0xFFFFF3C0  }
0x43: {  	[spmem:s11] =	stream.linear.scatter [tilespmem:s24], [sflag:$0x2], $0xC40, $0x38;
	[tilespmem:$0xDA40] =	vst v63  }
0x44: {  	_ =	swait.ge [sflag:s25], $0xC40  }
0x45: {  	[sflag:s25] =	ssyncset.done $0x0  }
0x46: {  	[sflag:s25] =	ssyncadd.s32 $0xFFFFF3C0  }
0x47: {  	[spmem:s12] =	stream.linear.scatter [tilespmem:s24], [sflag:$0x2], $0xC40, $0x38;
	[tilespmem:$0xDA40] =	vst v63  }
0x48: {  	_ =	swait.ge [sflag:s25], $0xC40  }
0x49: {  	[sflag:s25] =	ssyncset.done $0x0  }
0x4a: {  	[sflag:s25] =	ssyncadd.s32 $0xFFFFF3C0  }
0x4b: {  	[spmem:s13] =	stream.linear.scatter [tilespmem:s24], [sflag:$0x2], $0xC40, $0x38;
	[tilespmem:$0xDA40] =	vst v63  }
0x4c: {  	_ =	swait.ge [sflag:s25], $0xC40  }
0x4d: {  	[sflag:s25] =	ssyncset.done $0x0  }
0x4e: {  	[sflag:s25] =	ssyncadd.s32 $0xFFFFF3C0  }
0x4f: {  	[spmem:s14] =	stream.linear.scatter [tilespmem:s24], [sflag:$0x2], $0xC40, $0x38;
	[tilespmem:$0xDA40] =	vst v63  }
0x50: {  	_ =	swait.ge [sflag:s25], $0xC40  }
0x51: {  	[sflag:s25] =	ssyncset.done $0x0  }
0x52: {  	[sflag:s25] =	ssyncadd.s32 $0xFFFFF3C0  }
0x53: {  	[spmem:s15] =	stream.linear.scatter [tilespmem:s24], [sflag:$0x2], $0xC40, $0x38;
	[tilespmem:$0xDA40] =	vst v63  }
0x54: {  	_ =	swait.ge [sflag:s25], $0xC40  }
0x55: {  	[sflag:s25] =	ssyncset.done $0x0  }
0x56: {  	[sflag:s25] =	ssyncadd.s32 $0xFFFFF3C0  }
0x57: {  	[spmem:s16] =	stream.linear.scatter [tilespmem:s24], [sflag:$0x2], $0xC40, $0x38;
	[tilespmem:$0xDA40] =	vst v63  }
0x58: {  	_ =	swait.ge [sflag:s25], $0xC40  }
0x59: {  	[sflag:s25] =	ssyncset.done $0x0  }
0x5a: {  	[sflag:s25] =	ssyncadd.s32 $0xFFFFF3C0  }
0x5b: {  	[spmem:s17] =	stream.linear.scatter [tilespmem:s24], [sflag:$0x2], $0xC40, $0x38;
	[tilespmem:$0xDA40] =	vst v63  }
0x5c: {  	_ =	swait.ge [sflag:s25], $0xC40  }
0x5d: {  	[sflag:s25] =	ssyncset.done $0x0  }
0x5e: {  	[sflag:s25] =	ssyncadd.s32 $0xFFFFF3C0  }
0x5f: {  	[spmem:s18] =	stream.linear.scatter [tilespmem:s24], [sflag:$0x2], $0xC40, $0x38;
	[tilespmem:$0xDA40] =	vst v63  }
0x60: {  	_ =	swait.ge [sflag:s25], $0xC40  }
0x61: {  	[sflag:s25] =	ssyncset.done $0x0  }
0x62: {  	[sflag:s25] =	ssyncadd.s32 $0xFFFFF3C0  }
0x63: {  	[spmem:s19] =	stream.linear.scatter [tilespmem:s24], [sflag:$0x2], $0xC40, $0x38;
	[tilespmem:$0xDA40] =	vst v63  }
0x64: {  	_ =	swait.ge [sflag:s25], $0xC40  }
0x65: {  	[sflag:s25] =	ssyncset.done $0x0  }
0x66: {  	[sflag:s25] =	ssyncadd.s32 $0xFFFFF3C0  }
0x67: {  	[spmem:s20] =	stream.linear.scatter [tilespmem:s24], [sflag:$0x2], $0xC40, $0x38;
	[tilespmem:$0xDA40] =	vst v63  }
0x68: {  	_ =	swait.ge [sflag:s25], $0xC40  }
0x69: {  	[sflag:s25] =	ssyncset.done $0x0  }
0x6a: {  	[sflag:s25] =	ssyncadd.s32 $0xFFFFF3C0  }
0x6b: {  	s10 =	sadd.s32 $0x0, s21;
	[bflag:$0x0] =	sbarrier.arrive $0xFFFF  }
0x6c: {  	[tilespmem:s26], [sflag:$0x1] =	stream.linear.gather [hbm4b:s10+s3], $0x200, $0x38;
	[tilespmem:$0xDA40] =	vst v63  }
0x6d: {  	_ =	swait.ge [sflag:s28], $0x200  }
0x6e: {  	[sflag:s28] =	ssyncset.done $0x0  }
0x6f: {  	[sflag:s28] =	ssyncadd.s32 $0xFFFFFE00  }
0x70: {  	[spmem:s2] =	stream.indirect.scatter.add.f32 [tilespmem:s30], [sflag:$0x1], $0x10, s26, s29, $0xb8;
	[tilespmem:$0xDA40] =	vst v63  }
0x71: {  	_ = 	snop  }
0x72: {  	[spmem:s2] =	stream.indirect.scatter.add.f32 [tilespmem:s30], [sflag:$0x1], $0x10, s31, s29, $0xb8;
	[tilespmem:$0xDA40] =	vst v63  }
0x73: {  	_ = 	snop  }
0x74: {  	[spmem:s2] =	stream.indirect.scatter.add.f32 [tilespmem:s30], [sflag:$0x1], $0x10, s0, s29, $0xb8;
	[tilespmem:$0xDA40] =	vst v63  }
0x75: {  	_ = 	snop  }
0x76: {  	[spmem:s2] =	stream.indirect.scatter.add.f32 [tilespmem:s30], [sflag:$0x1], $0x10, s1, s29, $0xb8;
	[tilespmem:$0xDA40] =	vst v63  }
0x77: {  	_ =	swait.ge [sflag:s28], $0x800  }
0x78: {  	[sflag:s28] =	ssyncset.done $0x0  }
0x79: {  	[sflag:s28] =	ssyncadd.s32 $0xFFFFF800  }
0x7a: {  	_ =	swait.ge [sflag:s28], $0x800  }
0x7b: {  	[sflag:s28] =	ssyncset.done $0x0  }
0x7c: {  	[sflag:s28] =	ssyncadd.s32 $0xFFFFF800  }
0x7d: {  	_ =	swait.ge [sflag:s28], $0x800  }
0x7e: {  	[sflag:s28] =	ssyncset.done $0x0  }
0x7f: {  	[sflag:s28] =	ssyncadd.s32 $0xFFFFF800  }
0x80: {  	_ =	swait.ge [sflag:s28], $0x800  }
0x81: {  	s4 =	simm.s32 $0x80;
	s7 =	simm.s32 $0x40;
	[sflag:s28] =	ssyncset.done $0x0  }
.LBB2_6:
0x82: {  	s9 =	sadd.s32 s7, s21  }
0x83: {  	[sflag:s28] =	ssyncadd.s32 $0xFFFFF800;
	s7 =	smov.u32 s4;
	s10 =	sadd.s32 $0x40, s4  }
0x84: {  	[tilespmem:s26], [sflag:$0x1] =	stream.linear.gather [hbm4b:s9+s3], $0x200, $0x38;
	[tilespmem:$0xDA40] =	vst v63  }
0x85: {  	p0 =	sne.s32 s4, $0xC00;
	_ =	swait.ge [sflag:s28], $0x200  }
0x86: {  	[sflag:s28] =	ssyncset.done $0x0  }
0x87: {  	[sflag:s28] =	ssyncadd.s32 $0xFFFFFE00  }
0x88: {  	[spmem:s2] =	stream.indirect.scatter.add.f32 [tilespmem:s30], [sflag:$0x1], $0x10, s26, s29, $0xb8;
	[tilespmem:$0xDA40] =	vst v63  }
0x89: {  	_ = 	snop  }
0x8a: {  	[spmem:s2] =	stream.indirect.scatter.add.f32 [tilespmem:s30], [sflag:$0x1], $0x10, s31, s29, $0xb8;
	[tilespmem:$0xDA40] =	vst v63  }
0x8b: {  	_ = 	snop  }
0x8c: {  	[spmem:s2] =	stream.indirect.scatter.add.f32 [tilespmem:s30], [sflag:$0x1], $0x10, s0, s29, $0xb8;
	[tilespmem:$0xDA40] =	vst v63  }
0x8d: {  	_ = 	snop  }
0x8e: {  	[spmem:s2] =	stream.indirect.scatter.add.f32 [tilespmem:s30], [sflag:$0x1], $0x10, s1, s29, $0xb8;
	[tilespmem:$0xDA40] =	vst v63  }
0x8f: {  	_ =	swait.ge [sflag:s28], $0x800  }
0x90: {  	[sflag:s28] =	ssyncset.done $0x0  }
0x91: {  	[sflag:s28] =	ssyncadd.s32 $0xFFFFF800  }
0x92: {  	_ =	swait.ge [sflag:s28], $0x800  }
0x93: {  	[sflag:s28] =	ssyncset.done $0x0  }
0x94: {  	[sflag:s28] =	ssyncadd.s32 $0xFFFFF800  }
.Ltmp2:
0x95: {  	_ =	swait.ge [sflag:s28], $0x800;
	(pc) =	sbr.rel @p0 .LBB2_6-.Ltmp2, $4  }
0x96: {  	[sflag:s28] =	ssyncset.done $0x0  }
0x97: {  	[sflag:s28] =	ssyncadd.s32 $0xFFFFF800  }
0x98: {  	_ =	swait.ge [sflag:s28], $0x800  }
0x99: {  	s4 =	smov.u32 s10;
	[sflag:s28] =	ssyncset.done $0x0  }
0x9a: {  	s4 =	sadd.s32 s7, s21;
	[sflag:s28] =	ssyncadd.s32 $0xFFFFF800  }
0x9b: {  	[tilespmem:s26], [sflag:$0x1] =	stream.linear.gather [hbm4b:s4+s3], $0x200, $0x38;
	[tilespmem:$0xDA40] =	vst v63  }
0x9c: {  	_ =	swait.ge [sflag:s28], $0x200  }
0x9d: {  	[sflag:s28] =	ssyncset.done $0x0  }
0x9e: {  	[sflag:s28] =	ssyncadd.s32 $0xFFFFFE00  }
0x9f: {  	[spmem:s2] =	stream.indirect.scatter.add.f32 [tilespmem:s30], [sflag:$0x1], $0x10, s26, s29, $0xb8;
	[tilespmem:$0xDA40] =	vst v63  }
0xa0: {  	_ = 	snop  }
0xa1: {  	[spmem:s2] =	stream.indirect.scatter.add.f32 [tilespmem:s30], [sflag:$0x1], $0x10, s31, s29, $0xb8;
	[tilespmem:$0xDA40] =	vst v63  }
0xa2: {  	_ = 	snop  }
0xa3: {  	[spmem:s2] =	stream.indirect.scatter.add.f32 [tilespmem:s30], [sflag:$0x1], $0x10, s0, s29, $0xb8;
	[tilespmem:$0xDA40] =	vst v63  }
0xa4: {  	_ = 	snop  }
0xa5: {  	[spmem:s2] =	stream.indirect.scatter.add.f32 [tilespmem:s30], [sflag:$0x1], $0x10, s1, s29, $0xb8;
	[tilespmem:$0xDA40] =	vst v63  }
0xa6: {  	_ =	swait.ge [sflag:s28], $0x800  }
0xa7: {  	[sflag:s28] =	ssyncset.done $0x0  }
0xa8: {  	[sflag:s28] =	ssyncadd.s32 $0xFFFFF800  }
0xa9: {  	_ =	swait.ge [sflag:s28], $0x800  }
0xaa: {  	[sflag:s28] =	ssyncset.done $0x0  }
0xab: {  	[sflag:s28] =	ssyncadd.s32 $0xFFFFF800  }
0xac: {  	_ =	swait.ge [sflag:s28], $0x800  }
0xad: {  	[sflag:s28] =	ssyncset.done $0x0  }
0xae: {  	[sflag:s28] =	ssyncadd.s32 $0xFFFFF800  }
0xaf: {  	_ =	swait.ge [sflag:s28], $0x800  }
0xb0: {  	[sflag:s28] =	ssyncset.done $0x0  }
0xb1: {  	[sflag:s28] =	ssyncadd.s32 $0xFFFFF800  }
0xb2: {  	[bflag:$0x0] =	sbarrier.arrive $0xFFFF  }
0xb3: {  	[tilespmem:s24], [sflag:$0x3] =	stream.linear.gather [spmem:s8], $0xC40, $0x38;
	[tilespmem:$0xDA40] =	vst v63  }
0xb4: {  	_ =	swait.ge [sflag:s5], $0xC40  }
0xb5: {  	[sflag:s5] =	ssyncset.done $0x0  }
0xb6: {  	s10 =	sadd.s32 $0x0, s22;
	[sflag:s5] =	ssyncadd.s32 $0xFFFFF3C0  }
0xb7: {  	[hbm4b:s10+s3] =	stream.linear.scatter [tilespmem:s24], [sflag:s23], $0xC40, $0x38;
	[tilespmem:$0xDA40] =	vst v63  }
0xb8: {  	_ =	swait.ge [sflag:s23], $0xC40  }
0xb9: {  	s7 =	simm.s32 $0x188;
	s4 =	smov.u32 s8;
	[sflag:s23] =	ssyncset.done $0x0  }
.LBB2_8:
0xba: {  	p0 =	sne.s32 s7, $0x16F8;
	[sflag:s23] =	ssyncadd.s32 $0xFFFFF3C0;
	s4 =	sadd.s32 $0xC40, s4  }
0xbb: {  	[tilespmem:s24], [sflag:$0x3] =	stream.linear.gather [spmem:s4], $0xC40, $0x38;
	[tilespmem:$0xDA40] =	vst v63  }
0xbc: {  	s9 =	smov.u32 s7;
	s7 =	sadd.s32 $0x188, s7;
	_ =	swait.ge [sflag:s5], $0xC40  }
.Ltmp3:
0xbd: {  	[sflag:s5] =	ssyncset.done $0x0;
	(pc) =	sbr.rel @p0 .LBB2_8-.Ltmp3, $4  }
0xbe: {  	s9 =	sadd.s32 s9, s22;
	[sflag:s5] =	ssyncadd.s32 $0xFFFFF3C0  }
0xbf: {  	[hbm4b:s9+s3] =	stream.linear.scatter [tilespmem:s24], [sflag:s23], $0xC40, $0x38;
	[tilespmem:$0xDA40] =	vst v63  }
0xc0: {  	_ =	swait.ge [sflag:s23], $0xC40  }
0xc1: {  	[sflag:s23] =	ssyncset.done $0x0  }
0xc2: {  	s6 =	sadd.s32 $0x1, s6;
	s4 =	rddreg [dreg:$0x3]  }
0xc3: {  	p0 =	sne.s32 s6, s4  }
.Ltmp4:
0xc4: {  	_ = 	snop;
	(pc) =	sbr.rel @p0 .LBB2_1-.Ltmp4, $2  }
0xc5: {  	_ =	sdelay $0x2  }
0xc6: {  	[sflag:s23] =	ssyncadd.s32 $0xFFFFF3C0  }
0xc7: {  	_ =	sfence.sel $0x180000  }
0xc8: {  	[bflag:$0x0] =	sbarrier.arrive $0xFFFF  }
0xc9: {  	_ =	strace $0x90000047  }
0xca: {  	s0 =	stileid.u32;
	[bflag:$0x2] =	sbarrier.arrive $0xFFFF  }
0xcb: {  	p0 =	sne.s32 s0, $0x0;
	s0 =	rddreg [dreg:$0x2]  }
0xcc: {  	s0 =	sadd.s32 @!p0 $0x100000, s0  }
0xcd: {  	[sflag:s0] =	ssyncadd.tile.s32 @!p0 $0x1;
	_ =	shalt  }
.Lfunc_end2:
_tile_overlayer_lowered:
.L_overlay_start_2:
0xce: {  	(tag) =	ssettag $0x2  }
0xcf: {  	s0 =	rddreg [dreg:$0x0];
	s2 =	stileid.u32  }
0xd0: {  	s1 =	rddreg [dreg:$0x1];
	p0 =	sne.s32 s2, $0x0  }
0xd1: {  	s3 =	rddreg [dreg:$0x2];
	[bflag:$0x3] =	sbarrier.arrive $0xFFFF;
	s2 =	simm.s32 @!p0 $0x1C02  }
0xd2: {  	[timem:s3], [sflag:s2] =	dma.local @!p0 [hbm:s0], s1  }
0xd3: {  	s0 =	simm.s32 @!p0 $0x2  }
0xd4: {  	_ =	swait.ge @!p0 [sflag:s0], s1  }
0xd5: {  	s1 =	ssub.s32 @!p0 $0x0, s1;
	[sflag:s0] =	ssyncset.done @!p0 $0x0  }
0xd6: {  	[sflag:s0] =	ssyncadd.s32 @!p0 s1  }
0xd7: {  	[bflag:$0x3] =	sbarrier.arrive $0xFFFF  }
0xd8: {  	_ =	shalt  }

</sc_bundles>
